<compile_context>
chip_gen: v7x
topology: tpu7x:2x2x1
jax: 0.10.2.dev20260603
libtpu: 0.0.44.dev20260713+nightly
codegen_flags: <defaults>
</compile_context>

<pallas_src>
import functools

import jax
import jax.numpy as jnp
from jax import lax
from jax.experimental import pallas as pl
from jax.experimental.pallas import tpu as pltpu
from jax.experimental.pallas import tpu_sc as plsc

_TEMP = 0.7
_K = 50
_B = 128
_V = 100000
_SEGW = 256
_NSEG = 512
_VP = 131072
_CHUNK = 32768
_NCHUNK = 4
_CHUNKA = 32768
_NCHUNKA = 4
_RB = 8
_NSEL = 64
_CAP = 256
_RPT = 4
_SEL = 64


def _k1a_body(x_ref, ymax_ref):
    c = pl.program_id(1)
    x = x_ref[...]
    last = _NCHUNKA - 1

    @pl.when(c == 0)
    def _():
        ymax_ref[...] = jnp.broadcast_to(
            jnp.max(x, axis=1, keepdims=True), (_RB, 128))

    @pl.when((c > 0) & (c < last))
    def _():
        mb = jnp.broadcast_to(jnp.max(x, axis=1, keepdims=True), (_RB, 128))
        ymax_ref[...] = jnp.maximum(ymax_ref[...], mb)

    @pl.when(c == last)
    def _():
        col = c * _CHUNKA + lax.broadcasted_iota(
            jnp.int32, (_RB, _CHUNKA), 1)
        xm = jnp.where(col < _V, x, -jnp.float32(jnp.inf))
        mb = jnp.broadcast_to(jnp.max(xm, axis=1, keepdims=True), (_RB, 128))
        ymax_ref[...] = jnp.maximum(ymax_ref[...], mb)


def _k1b_tail(c, u_out, s_part, u_ref, segmin_ref, s_ref):
    nsegs = _CHUNK // _SEGW
    u_ref[...] = u_out
    mins = [jnp.min(u_out[:, t * _SEGW:(t + 1) * _SEGW], axis=1,
                    keepdims=True) for t in range(nsegs)]
    segmin_ref[:, pl.ds(c * nsegs, nsegs)] = jnp.concatenate(mins, axis=1)
    sb = jnp.broadcast_to(s_part, (_RB, 128))

    @pl.when(c == 0)
    def _():
        s_ref[...] = sb

    @pl.when(c != 0)
    def _():
        s_ref[...] = s_ref[...] + sb


def _k1b_body(x_ref, ymax_ref, u_ref, segmin_ref, s_ref):
    c = pl.program_id(1)
    x = x_ref[...]
    ym = ymax_ref[...][:, :1] / jnp.float32(_TEMP)
    last = _NCHUNK - 1

    @pl.when(c < last)
    def _():
        u = jnp.exp(x / jnp.float32(_TEMP) - ym)
        _k1b_tail(c, u, jnp.sum(u, axis=1, keepdims=True),
                  u_ref, segmin_ref, s_ref)

    @pl.when(c == last)
    def _():
        col = c * _CHUNK + lax.broadcasted_iota(jnp.int32, (_RB, _CHUNK), 1)
        valid = col < _V
        u = jnp.exp(x / jnp.float32(_TEMP) - ym)
        u_out = jnp.where(valid, u, jnp.float32(jnp.inf))
        s_part = jnp.sum(jnp.where(valid, u, 0.0), axis=1, keepdims=True)
        _k1b_tail(c, u_out, s_part, u_ref, segmin_ref, s_ref)


def _bi(s):
    return jnp.full((16,), s, jnp.int32)


def _bf(s):
    return jnp.full((16,), s, jnp.float32)


_mesh = plsc.VectorSubcoreMesh(core_axis_name="c", subcore_axis_name="s")


@functools.partial(
    pl.kernel,
    mesh=_mesh,
    compiler_params=pltpu.CompilerParams(needs_layout_passes=False),
    out_type=[
        jax.ShapeDtypeStruct((_B, _V), jnp.float32),
        jax.ShapeDtypeStruct((_B, _SEL), jnp.int32),
        jax.ShapeDtypeStruct((_B, _SEL), jnp.float32),
    ],
    scratch_types=[
        pltpu.VMEM((_NSEG,), jnp.float32),
        pltpu.VMEM((_NSEL,), jnp.int32),
        pltpu.VMEM((_NSEL,), jnp.int32),
        pltpu.VMEM((_NSEL, _SEGW), jnp.float32),
        pltpu.VMEM((_CAP,), jnp.float32),
        pltpu.VMEM((_CAP,), jnp.int32),
        pltpu.VMEM((_SEGW,), jnp.float32),
        pltpu.VMEM((16,), jnp.float32),
        pltpu.VMEM((_V,), jnp.float32),
        pltpu.VMEM((_SEL,), jnp.int32),
        pltpu.VMEM((_SEL,), jnp.float32),
        pltpu.SemaphoreType.DMA,
    ],
)
def _sc_select(u_h, segmin_h, spre_h, masked_h, selidx_h, selval_h,
               segmin_v, segid_v, segbase_v, segbuf, cand_u, cand_i,
               prefix_v, s_v, rowbuf, selidx_v, selval_v, sem):
    wid = lax.axis_index("s") * 2 + lax.axis_index("c")
    lane = lax.broadcasted_iota(jnp.int32, (16,), 0)
    inf_v = jnp.full((16,), jnp.inf, jnp.float32)
    big_v = jnp.full((16,), 2**30, jnp.int32)
    zero_v = jnp.zeros((16,), jnp.float32)

    def zbody(i, carry):
        for t in range(8):
            rowbuf[pl.ds(i * 128 + t * 16, 16)] = zero_v
        return carry

    lax.fori_loop(0, _V // 128, zbody, 0)
    for t in range(_V // 128 * 128, _V, 16):
        rowbuf[pl.ds(t, 16)] = zero_v

    def row_body(rr, carry0):
        row = wid * _RPT + rr
        pltpu.sync_copy(segmin_h.at[row], segmin_v)
        pltpu.sync_copy(spre_h.at[row], s_v)
        pltpu.sync_copy(u_h.at[row, pl.ds(0, _SEGW)], prefix_v)

        nv = _NSEG // 16

        def ext_body(j, st):
            a0, a1, a2, a3, tau = st
            mval = inf_v
            for k in range(nv):
                mval = jnp.minimum(mval, segmin_v[pl.ds(k * 16, 16)])
            mb = _bf(jnp.min(mval))
            mid = big_v
            for k in range(nv):
                v = segmin_v[pl.ds(k * 16, 16)]
                mid = jnp.minimum(
                    mid, jnp.where(v == mb, lane + k * 16, big_v))
            sid = jnp.min(mid)
            sb = _bi(sid)
            pltpu.async_copy(
                u_h.at[row, pl.ds(sid * _SEGW, _SEGW)], segbuf.at[j], sem)
            plsc.store_scatter(segmin_v, [sb], inf_v, mask=lane == 0)
            g = j // 16
            l = j - g * 16
            le = lane == _bi(l)
            gv = _bi(g)
            a0 = jnp.where(le & (gv == 0), sb, a0)
            a1 = jnp.where(le & (gv == 1), sb, a1)
            a2 = jnp.where(le & (gv == 2), sb, a2)
            a3 = jnp.where(le & (gv == 3), sb, a3)
            tau = jnp.where(_bi(j) == _K - 1, mb, tau)
            return (a0, a1, a2, a3, tau)

        a0, a1, a2, a3, tau = lax.fori_loop(
            0, _NSEL, ext_body, (big_v, big_v, big_v, big_v, inf_v))

        avs = (a0, a1, a2, a3)
        for g in range(4):
            segbase_v[pl.ds(g * 16, 16)] = avs[g] * _SEGW
        pltpu.make_async_copy(
            u_h.at[pl.ds(0, _NSEL), pl.ds(0, _SEGW)], segbuf, sem).wait()

        for k in range(_CAP // 16):
            cand_u[pl.ds(k * 16, 16)] = inf_v
            cand_i[pl.ds(k * 16, 16)] = big_v

        def seg_body(s, cnt_v):
            base = plsc.load_gather(segbase_v, [_bi(s)])
            for o in range(_SEGW // 16):
                u_v = segbuf[s, pl.ds(o * 16, 16)]
                m = u_v <= tau
                pc = plsc.all_reduce_population_count(m)
                mi = m.astype(jnp.int32)
                pos = cnt_v + plsc.cumsum(mi) - mi
                wm = m & (pos < _CAP)
                idx_v = base + (o * 16 + lane)
                plsc.store_scatter(cand_u, [pos], u_v, mask=wm)
                plsc.store_scatter(cand_i, [pos], idx_v, mask=wm)
                cnt_v = cnt_v + pc
            return cnt_v

        lax.fori_loop(0, _NSEL, seg_body, jnp.zeros((16,), jnp.int32))

        def fin_body(j, st):
            s0, s1, s2, s3 = st
            mval = inf_v
            for k in range(_CAP // 16):
                mval = jnp.minimum(mval, cand_u[pl.ds(k * 16, 16)])
            mb = _bf(jnp.min(mval))
            mid = big_v
            for k in range(_CAP // 16):
                uv = cand_u[pl.ds(k * 16, 16)]
                iv = cand_i[pl.ds(k * 16, 16)]
                mid = jnp.minimum(mid, jnp.where(uv == mb, iv, big_v))
            ib = _bi(jnp.min(mid))
            for k in range(_CAP // 16):
                uv = cand_u[pl.ds(k * 16, 16)]
                iv = cand_i[pl.ds(k * 16, 16)]
                cand_u[pl.ds(k * 16, 16)] = jnp.where(iv == ib, inf_v, uv)
            g = j // 16
            l = j - g * 16
            le = lane == _bi(l)
            gv = _bi(g)
            s0 = jnp.where(le & (gv == 0), ib, s0)
            s1 = jnp.where(le & (gv == 1), ib, s1)
            s2 = jnp.where(le & (gv == 2), ib, s2)
            s3 = jnp.where(le & (gv == 3), ib, s3)
            return (s0, s1, s2, s3)

        sel = lax.fori_loop(0, _K, fin_body, (big_v, big_v, big_v, big_v))

        sv = s_v[pl.ds(0, 16)]
        for g in range(4):
            selidx_v[pl.ds(g * 16, 16)] = sel[g]
            selval_v[pl.ds(g * 16, 16)] = prefix_v[pl.ds(g * 16, 16)] / sv
        for g in range(4):
            valid = (sel[g] < _bi(_V)) & ((lane + g * 16) < _K)
            pv = selval_v[pl.ds(g * 16, 16)]
            plsc.store_scatter(rowbuf, [sel[g]], pv, mask=valid)
        w0 = rowbuf[pl.ds(0, 16)]
        rowbuf[pl.ds(0, 16)] = jnp.where(lane == 0, zero_v, w0)
        pltpu.sync_copy(rowbuf, masked_h.at[row])
        for g in range(4):
            valid = (sel[g] < _bi(_V)) & ((lane + g * 16) < _K)
            plsc.store_scatter(rowbuf, [sel[g]], zero_v, mask=valid)
        pltpu.sync_copy(selidx_v, selidx_h.at[row])
        pltpu.sync_copy(selval_v, selval_h.at[row])
        return carry0

    lax.fori_loop(0, _RPT, row_body, 0)


def _rotl(x, d):
    return (x << jnp.uint32(d)) | (x >> jnp.uint32(32 - d))


def _sample_body(selidx_ref, selval_ref, out_ref):
    sel = selidx_ref[...]
    val = selval_ref[...]
    col = lax.broadcasted_iota(jnp.int32, (_B, _SEL), 1)
    row = lax.broadcasted_iota(jnp.int32, (_B, _SEL), 0)
    valid = (col < _K) & (sel != 0) & (sel < _V)
    x1 = (row * _V + sel).astype(jnp.uint32)
    x0 = jnp.zeros((_B, _SEL), jnp.uint32)
    ks = (jnp.uint32(0), jnp.uint32(1),
          jnp.uint32(0x1BD11BDA) ^ jnp.uint32(0) ^ jnp.uint32(1))
    x0 = x0 + ks[0]
    x1 = x1 + ks[1]
    rotations = ((13, 15, 26, 6), (17, 29, 16, 24))
    for i in range(5):
        for r in rotations[i % 2]:
            x0 = x0 + x1
            x1 = _rotl(x1, r) ^ x0
        x0 = x0 + ks[(i + 1) % 3]
        x1 = x1 + ks[(i + 2) % 3] + jnp.uint32(i + 1)
    bits = x0 ^ x1
    fb = (bits >> jnp.uint32(9)) | jnp.uint32(0x3F800000)
    tiny = jnp.float32(jnp.finfo(jnp.float32).tiny)
    fl = lax.bitcast_convert_type(fb, jnp.float32) - 1.0
    un = jnp.maximum(tiny, fl * (jnp.float32(1.0) - tiny) + tiny)
    g = -jnp.log(-jnp.log(un))
    score = jnp.where(valid, jnp.log(jnp.maximum(val, 1e-30)) + g,
                      -jnp.float32(jnp.inf))
    best = jnp.max(score, axis=1, keepdims=True)
    samp = jnp.min(jnp.where(score == best, sel, jnp.int32(_V + 1)),
                   axis=1, keepdims=True)
    out_ref[...] = samp


def kernel(logits):
    nblk = _B // _RB
    ymax = pl.pallas_call(
        _k1a_body,
        grid=(nblk, _NCHUNKA),
        in_specs=[pl.BlockSpec((_RB, _CHUNKA), lambda i, c: (i, c))],
        out_specs=pl.BlockSpec((_RB, 128), lambda i, c: (i, 0)),
        out_shape=jax.ShapeDtypeStruct((_B, 128), jnp.float32),
    )(logits)

    u, segmin, s = pl.pallas_call(
        _k1b_body,
        grid=(nblk, _NCHUNK),
        in_specs=[
            pl.BlockSpec((_RB, _CHUNK), lambda i, c: (i, c)),
            pl.BlockSpec((_RB, 128), lambda i, c: (i, 0)),
        ],
        out_specs=[
            pl.BlockSpec((_RB, _CHUNK), lambda i, c: (i, c)),
            pl.BlockSpec((_RB, _NSEG), lambda i, c: (i, 0)),
            pl.BlockSpec((_RB, 128), lambda i, c: (i, 0)),
        ],
        out_shape=[
            jax.ShapeDtypeStruct((_B, _VP), jnp.float32),
            jax.ShapeDtypeStruct((_B, _NSEG), jnp.float32),
            jax.ShapeDtypeStruct((_B, 128), jnp.float32),
        ],
    )(logits, ymax)

    spre = s[:, :16]
    masked, selidx, selval = _sc_select(u, segmin, spre)

    sample = pl.pallas_call(
        _sample_body,
        out_shape=jax.ShapeDtypeStruct((_B, 1), jnp.int32),
    )(selidx, selval)
    return masked, sample.astype(jnp.int64)

# --- scband reference (transcript-rebuilt; emitter-appended) ---
"""Pipeline reference for scband-sampler-48790828483156 (READ-ONLY COPY).

The authoritative reference and input builder live on the scoring server;
editing this copy changes nothing except your own understanding.
"""

import jax, jax.numpy as jnp
import numpy as np

TEMP = 0.7
TOP_K = 50
BATCH = 128
VOCAB = 100000


def setup_inputs(seed: int = 0) -> dict:
    key = jax.random.key(seed)
    logits = jax.random.normal(key, (BATCH, VOCAB), dtype=jnp.float32)
    return {"logits": logits}


def reference(logits):
    # _temper: softmax(logits / temp)
    probs = jax.nn.softmax(logits / TEMP, axis=-1)
    # torch.sort default is ASCENDING; faithfully reproduce the original
    # _sample_top_k semantics: scatter(1, sorted_indices[:, :top_k], probs)
    # i.e. masked[i, sorted_indices[i, j]] = probs[i, j] for j < top_k
    sorted_indices = jnp.argsort(probs, axis=-1)
    rows = jnp.arange(probs.shape[0])[:, None]
    idx = sorted_indices[:, :TOP_K]
    src = probs[:, :TOP_K]
    masked_probs = jnp.zeros_like(probs).at[rows, idx].set(src)
    # _sample: zero out column 0 (padding idx) then multinomial(probs, 1)
    masked_probs = masked_probs.at[:, 0].set(0.0)
    logm = jnp.where(masked_probs > 0, jnp.log(jnp.clip(masked_probs, 1e-30)), -jnp.inf)
    sample = jax.random.categorical(jax.random.key(1), logm, axis=-1)[:, None].astype(jnp.int64)
    return masked_probs, sample

if __name__ == "__main__":
    import jax
    _d = setup_inputs()
    print(jax.jit(kernel)(*tuple(_d.values())))

</pallas_src>

<mosaic_0001>
#map = affine_map<(d0, d1) -> (0, 0)>
module attributes {stable_mosaic.version = 14 : i64} {
  func.func @_sc_select(%arg0: i32, %arg1: i32, %arg2: memref<128x131072xf32, #tpu.memory_space<hbm>>, %arg3: memref<128x512xf32, #tpu.memory_space<hbm>>, %arg4: memref<128x16xf32, #tpu.memory_space<hbm>>, %arg5: memref<128x100000xf32, #tpu.memory_space<hbm>>, %arg6: memref<128x64xi32, #tpu.memory_space<hbm>>, %arg7: memref<128x64xf32, #tpu.memory_space<hbm>>, %arg8: memref<512xf32, #tpu.memory_space<vmem>>, %arg9: memref<64xi32, #tpu.memory_space<vmem>>, %arg10: memref<64xi32, #tpu.memory_space<vmem>>, %arg11: memref<64x256xf32, #tpu.memory_space<vmem>>, %arg12: memref<256xf32, #tpu.memory_space<vmem>>, %arg13: memref<256xi32, #tpu.memory_space<vmem>>, %arg14: memref<256xf32, #tpu.memory_space<vmem>>, %arg15: memref<16xf32, #tpu.memory_space<vmem>>, %arg16: memref<100000xf32, #tpu.memory_space<vmem>>, %arg17: memref<64xi32, #tpu.memory_space<vmem>>, %arg18: memref<64xf32, #tpu.memory_space<vmem>>, %arg19: memref<!tpu.dma_semaphore, #tpu.memory_space<semaphore_mem>>) attributes {dimension_semantics = [#tpu.dimension_semantics<core_parallel>, #tpu.dimension_semantics<subcore_parallel>], iteration_bounds = array<i64: 2, 16>, scalar_prefetch = 0 : i64, scratch_operands = 12 : i64, tpu.core_type = #tpu.core_type<sc_vector_subcore>, window_params = [{transform_indices = #map}, {transform_indices = #map}, {transform_indices = #map}, {transform_indices = #map}, {transform_indices = #map}, {transform_indices = #map}]} {
    %mul3A = arith.constant 2 : i32
    %mul3A_0 = arith.muli %arg1, %mul3A : i32
    %add3A = arith.addi %mul3A_0, %arg0 : i32
    %iota3A = tpu.iota {dimensions = array<i32: 0>} : vector<16xi32>
    %broadcast_in_dim3A = arith.constant 0x7F800000 : f32
    %broadcast_in_dim3A_1 = vector.broadcast %broadcast_in_dim3A : f32 to vector<16xf32>
    %broadcast_in_dim3A_2 = arith.constant 1073741824 : i32
    %broadcast_in_dim3A_3 = vector.broadcast %broadcast_in_dim3A_2 : i32 to vector<16xi32>
    %broadcast_in_dim3A_4 = arith.constant 0.000000e+00 : f32
    %broadcast_in_dim3A_5 = vector.broadcast %broadcast_in_dim3A_4 : f32 to vector<16xf32>
    %scan3A = arith.constant 0 : i32
    %scan3A_6 = arith.constant 0 : i32
    %scan3A_7 = arith.constant 781 : i32
    %scan3A_8 = arith.addi %scan3A_6, %scan3A_7 : i32
    %scan3A_9 = arith.constant 1 : i32
    scf.for %scan3A_20 = %scan3A_6 to %scan3A_8 step %scan3A_9  : i32 {
      %mul3A_21 = arith.constant 128 : i32
      %mul3A_22 = arith.muli %scan3A_20, %mul3A_21 : i32
      %add3A_23 = arith.constant 0 : i32
      %add3A_24 = arith.addi %mul3A_22, %add3A_23 : i32
      %swap3A_25 = arith.index_cast %add3A_24 : i32 to index
      %swap3A_26 = tpu.vector_load %arg16[%swap3A_25] {strides = array<i32>} : memref<100000xf32, #tpu.memory_space<vmem>>, vector<16xf32>,
      tpu.vector_store %arg16[%swap3A_25], %broadcast_in_dim3A_5 {strides = array<i32>} : memref<100000xf32, #tpu.memory_space<vmem>>, vector<16xf32>,
      %mul3A_27 = arith.constant 128 : i32
      %mul3A_28 = arith.muli %scan3A_20, %mul3A_27 : i32
      %add3A_29 = arith.constant 16 : i32
      %add3A_30 = arith.addi %mul3A_28, %add3A_29 : i32
      %swap3A_31 = arith.index_cast %add3A_30 : i32 to index
      %swap3A_32 = tpu.vector_load %arg16[%swap3A_31] {strides = array<i32>} : memref<100000xf32, #tpu.memory_space<vmem>>, vector<16xf32>,
      tpu.vector_store %arg16[%swap3A_31], %broadcast_in_dim3A_5 {strides = array<i32>} : memref<100000xf32, #tpu.memory_space<vmem>>, vector<16xf32>,
      %mul3A_33 = arith.constant 128 : i32
      %mul3A_34 = arith.muli %scan3A_20, %mul3A_33 : i32
      %add3A_35 = arith.constant 32 : i32
      %add3A_36 = arith.addi %mul3A_34, %add3A_35 : i32
      %swap3A_37 = arith.index_cast %add3A_36 : i32 to index
      %swap3A_38 = tpu.vector_load %arg16[%swap3A_37] {strides = array<i32>} : memref<100000xf32, #tpu.memory_space<vmem>>, vector<16xf32>,
      tpu.vector_store %arg16[%swap3A_37], %broadcast_in_dim3A_5 {strides = array<i32>} : memref<100000xf32, #tpu.memory_space<vmem>>, vector<16xf32>,
      %mul3A_39 = arith.constant 128 : i32
      %mul3A_40 = arith.muli %scan3A_20, %mul3A_39 : i32
      %add3A_41 = arith.constant 48 : i32
      %add3A_42 = arith.addi %mul3A_40, %add3A_41 : i32
      %swap3A_43 = arith.index_cast %add3A_42 : i32 to index
      %swap3A_44 = tpu.vector_load %arg16[%swap3A_43] {strides = array<i32>} : memref<100000xf32, #tpu.memory_space<vmem>>, vector<16xf32>,
      tpu.vector_store %arg16[%swap3A_43], %broadcast_in_dim3A_5 {strides = array<i32>} : memref<100000xf32, #tpu.memory_space<vmem>>, vector<16xf32>,
      %mul3A_45 = arith.constant 128 : i32
      %mul3A_46 = arith.muli %scan3A_20, %mul3A_45 : i32
      %add3A_47 = arith.constant 64 : i32
      %add3A_48 = arith.addi %mul3A_46, %add3A_47 : i32
      %swap3A_49 = arith.index_cast %add3A_48 : i32 to index
      %swap3A_50 = tpu.vector_load %arg16[%swap3A_49] {strides = array<i32>} : memref<100000xf32, #tpu.memory_space<vmem>>, vector<16xf32>,
      tpu.vector_store %arg16[%swap3A_49], %broadcast_in_dim3A_5 {strides = array<i32>} : memref<100000xf32, #tpu.memory_space<vmem>>, vector<16xf32>,
      %mul3A_51 = arith.constant 128 : i32
      %mul3A_52 = arith.muli %scan3A_20, %mul3A_51 : i32
      %add3A_53 = arith.constant 80 : i32
      %add3A_54 = arith.addi %mul3A_52, %add3A_53 : i32
      %swap3A_55 = arith.index_cast %add3A_54 : i32 to index
      %swap3A_56 = tpu.vector_load %arg16[%swap3A_55] {strides = array<i32>} : memref<100000xf32, #tpu.memory_space<vmem>>, vector<16xf32>,
      tpu.vector_store %arg16[%swap3A_55], %broadcast_in_dim3A_5 {strides = array<i32>} : memref<100000xf32, #tpu.memory_space<vmem>>, vector<16xf32>,
      %mul3A_57 = arith.constant 128 : i32
      %mul3A_58 = arith.muli %scan3A_20, %mul3A_57 : i32
      %add3A_59 = arith.constant 96 : i32
      %add3A_60 = arith.addi %mul3A_58, %add3A_59 : i32
      %swap3A_61 = arith.index_cast %add3A_60 : i32 to index
      %swap3A_62 = tpu.vector_load %arg16[%swap3A_61] {strides = array<i32>} : memref<100000xf32, #tpu.memory_space<vmem>>, vector<16xf32>,
      tpu.vector_store %arg16[%swap3A_61], %broadcast_in_dim3A_5 {strides = array<i32>} : memref<100000xf32, #tpu.memory_space<vmem>>, vector<16xf32>,
      %mul3A_63 = arith.constant 128 : i32
      %mul3A_64 = arith.muli %scan3A_20, %mul3A_63 : i32
      %add3A_65 = arith.constant 112 : i32
      %add3A_66 = arith.addi %mul3A_64, %add3A_65 : i32
      %swap3A_67 = arith.index_cast %add3A_66 : i32 to index
      %swap3A_68 = tpu.vector_load %arg16[%swap3A_67] {strides = array<i32>} : memref<100000xf32, #tpu.memory_space<vmem>>, vector<16xf32>,
      tpu.vector_store %arg16[%swap3A_67], %broadcast_in_dim3A_5 {strides = array<i32>} : memref<100000xf32, #tpu.memory_space<vmem>>, vector<16xf32>,
    }
    %scan3A_10 = arith.constant 781 : i32
    %swap3A = arith.constant 99968 : index
    %swap3A_11 = tpu.vector_load %arg16[%swap3A] {strides = array<i32>} : memref<100000xf32, #tpu.memory_space<vmem>>, vector<16xf32>,
    tpu.vector_store %arg16[%swap3A], %broadcast_in_dim3A_5 {strides = array<i32>} : memref<100000xf32, #tpu.memory_space<vmem>>, vector<16xf32>,
    %swap3A_12 = arith.constant 99984 : index
    %swap3A_13 = tpu.vector_load %arg16[%swap3A_12] {strides = array<i32>} : memref<100000xf32, #tpu.memory_space<vmem>>, vector<16xf32>,
    tpu.vector_store %arg16[%swap3A_12], %broadcast_in_dim3A_5 {strides = array<i32>} : memref<100000xf32, #tpu.memory_space<vmem>>, vector<16xf32>,
    %scan3A_14 = arith.constant 0 : i32
    %scan3A_15 = arith.constant 0 : i32
    %scan3A_16 = arith.constant 4 : i32
    %scan3A_17 = arith.addi %scan3A_15, %scan3A_16 : i32
    %scan3A_18 = arith.constant 1 : i32
    scf.for %scan3A_20 = %scan3A_15 to %scan3A_17 step %scan3A_18  : i32 {
      %mul3A_21 = arith.constant 4 : i32
      %mul3A_22 = arith.muli %add3A, %mul3A_21 : i32
      %add3A_23 = arith.addi %mul3A_22, %scan3A_20 : i32
      "tpu.region"() ({
        %run_scoped3A = tpu.sem_alloc : memref<!tpu.dma_semaphore, #tpu.memory_space<semaphore_mem>>
        %dma_start3A = arith.constant 0 : i32
        %dma_start3A_253 = tpu.memref_slice %arg3[%add3A_23, %dma_start3A] : memref<128x512xf32, #tpu.memory_space<hbm>> -> memref<1x512xf32, #tpu.memory_space<hbm>>
        %dma_start3A_254 = tpu.memref_squeeze %dma_start3A_253 : memref<1x512xf32, #tpu.memory_space<hbm>> -> memref<512xf32, #tpu.memory_space<hbm>>
        %dma_start3A_255 = arith.constant 0 : i32
        %dma_start3A_256 = tpu.memref_slice %arg3[%add3A_23, %dma_start3A_255] : memref<128x512xf32, #tpu.memory_space<hbm>> -> memref<1x512xf32, #tpu.memory_space<hbm>>
        %dma_start3A_257 = tpu.memref_squeeze %dma_start3A_256 : memref<1x512xf32, #tpu.memory_space<hbm>> -> memref<512xf32, #tpu.memory_space<hbm>>
        tpu.enqueue_dma source(%dma_start3A_257 : memref<512xf32, #tpu.memory_space<hbm>>) target(%arg8 : memref<512xf32, #tpu.memory_space<vmem>>) target_semaphore(%run_scoped3A : memref<!tpu.dma_semaphore, #tpu.memory_space<semaphore_mem>>)
        %dma_wait3A_258 = arith.constant 0 : i32
        %dma_wait3A_259 = tpu.memref_slice %arg3[%add3A_23, %dma_wait3A_258] : memref<128x512xf32, #tpu.memory_space<hbm>> -> memref<1x512xf32, #tpu.memory_space<hbm>>
        %dma_wait3A_260 = tpu.memref_squeeze %dma_wait3A_259 : memref<1x512xf32, #tpu.memory_space<hbm>> -> memref<512xf32, #tpu.memory_space<hbm>>
        %dma_wait3A_261 = arith.constant 0 : i32
        %dma_wait3A_262 = tpu.memref_slice %arg3[%add3A_23, %dma_wait3A_261] : memref<128x512xf32, #tpu.memory_space<hbm>> -> memref<1x512xf32, #tpu.memory_space<hbm>>
        %dma_wait3A_263 = tpu.memref_squeeze %dma_wait3A_262 : memref<1x512xf32, #tpu.memory_space<hbm>> -> memref<512xf32, #tpu.memory_space<hbm>>
        tpu.wait_dma2 semaphore(%run_scoped3A : memref<!tpu.dma_semaphore, #tpu.memory_space<semaphore_mem>>) src(%dma_wait3A_263 : memref<512xf32, #tpu.memory_space<hbm>>) dst(%arg8 : memref<512xf32, #tpu.memory_space<vmem>>)
        tpu.yield
      }) : () -> ()
      "tpu.region"() ({
        %run_scoped3A = tpu.sem_alloc : memref<!tpu.dma_semaphore, #tpu.memory_space<semaphore_mem>>
        %dma_start3A = arith.constant 0 : i32
        %dma_start3A_253 = tpu.memref_slice %arg4[%add3A_23, %dma_start3A] : memref<128x16xf32, #tpu.memory_space<hbm>> -> memref<1x16xf32, #tpu.memory_space<hbm>>
        %dma_start3A_254 = tpu.memref_squeeze %dma_start3A_253 : memref<1x16xf32, #tpu.memory_space<hbm>> -> memref<16xf32, #tpu.memory_space<hbm>>
        %dma_start3A_255 = arith.constant 0 : i32
        %dma_start3A_256 = tpu.memref_slice %arg4[%add3A_23, %dma_start3A_255] : memref<128x16xf32, #tpu.memory_space<hbm>> -> memref<1x16xf32, #tpu.memory_space<hbm>>
        %dma_start3A_257 = tpu.memref_squeeze %dma_start3A_256 : memref<1x16xf32, #tpu.memory_space<hbm>> -> memref<16xf32, #tpu.memory_space<hbm>>
        tpu.enqueue_dma source(%dma_start3A_257 : memref<16xf32, #tpu.memory_space<hbm>>) target(%arg15 : memref<16xf32, #tpu.memory_space<vmem>>) target_semaphore(%run_scoped3A : memref<!tpu.dma_semaphore, #tpu.memory_space<semaphore_mem>>)
        %dma_wait3A_258 = arith.constant 0 : i32
        %dma_wait3A_259 = tpu.memref_slice %arg4[%add3A_23, %dma_wait3A_258] : memref<128x16xf32, #tpu.memory_space<hbm>> -> memref<1x16xf32, #tpu.memory_space<hbm>>
        %dma_wait3A_260 = tpu.memref_squeeze %dma_wait3A_259 : memref<1x16xf32, #tpu.memory_space<hbm>> -> memref<16xf32, #tpu.memory_space<hbm>>
        %dma_wait3A_261 = arith.constant 0 : i32
        %dma_wait3A_262 = tpu.memref_slice %arg4[%add3A_23, %dma_wait3A_261] : memref<128x16xf32, #tpu.memory_space<hbm>> -> memref<1x16xf32, #tpu.memory_space<hbm>>
        %dma_wait3A_263 = tpu.memref_squeeze %dma_wait3A_262 : memref<1x16xf32, #tpu.memory_space<hbm>> -> memref<16xf32, #tpu.memory_space<hbm>>
        tpu.wait_dma2 semaphore(%run_scoped3A : memref<!tpu.dma_semaphore, #tpu.memory_space<semaphore_mem>>) src(%dma_wait3A_263 : memref<16xf32, #tpu.memory_space<hbm>>) dst(%arg15 : memref<16xf32, #tpu.memory_space<vmem>>)
        tpu.yield
      }) : () -> ()
      "tpu.region"() ({
        %run_scoped3A = tpu.sem_alloc : memref<!tpu.dma_semaphore, #tpu.memory_space<semaphore_mem>>
        %dma_start3A = arith.constant 0 : i32
        %dma_start3A_253 = tpu.memref_slice %arg2[%add3A_23, %dma_start3A] : memref<128x131072xf32, #tpu.memory_space<hbm>> -> memref<1x256xf32, #tpu.memory_space<hbm>>
        %dma_start3A_254 = tpu.memref_squeeze %dma_start3A_253 : memref<1x256xf32, #tpu.memory_space<hbm>> -> memref<256xf32, #tpu.memory_space<hbm>>
        %dma_start3A_255 = arith.constant 0 : i32
        %dma_start3A_256 = tpu.memref_slice %arg2[%add3A_23, %dma_start3A_255] : memref<128x131072xf32, #tpu.memory_space<hbm>> -> memref<1x256xf32, #tpu.memory_space<hbm>>
        %dma_start3A_257 = tpu.memref_squeeze %dma_start3A_256 : memref<1x256xf32, #tpu.memory_space<hbm>> -> memref<256xf32, #tpu.memory_space<hbm>>
        tpu.enqueue_dma source(%dma_start3A_257 : memref<256xf32, #tpu.memory_space<hbm>>) target(%arg14 : memref<256xf32, #tpu.memory_space<vmem>>) target_semaphore(%run_scoped3A : memref<!tpu.dma_semaphore, #tpu.memory_space<semaphore_mem>>)
        %dma_wait3A_258 = arith.constant 0 : i32
        %dma_wait3A_259 = tpu.memref_slice %arg2[%add3A_23, %dma_wait3A_258] : memref<128x131072xf32, #tpu.memory_space<hbm>> -> memref<1x256xf32, #tpu.memory_space<hbm>>
        %dma_wait3A_260 = tpu.memref_squeeze %dma_wait3A_259 : memref<1x256xf32, #tpu.memory_space<hbm>> -> memref<256xf32, #tpu.memory_space<hbm>>
        %dma_wait3A_261 = arith.constant 0 : i32
        %dma_wait3A_262 = tpu.memref_slice %arg2[%add3A_23, %dma_wait3A_261] : memref<128x131072xf32, #tpu.memory_space<hbm>> -> memref<1x256xf32, #tpu.memory_space<hbm>>
        %dma_wait3A_263 = tpu.memref_squeeze %dma_wait3A_262 : memref<1x256xf32, #tpu.memory_space<hbm>> -> memref<256xf32, #tpu.memory_space<hbm>>
        tpu.wait_dma2 semaphore(%run_scoped3A : memref<!tpu.dma_semaphore, #tpu.memory_space<semaphore_mem>>) src(%dma_wait3A_263 : memref<256xf32, #tpu.memory_space<hbm>>) dst(%arg14 : memref<256xf32, #tpu.memory_space<vmem>>)
        tpu.yield
      }) : () -> ()
      %scan3A_24 = arith.constant 0 : i32
      %scan3A_25 = arith.constant 64 : i32
      %scan3A_26 = arith.addi %scan3A_24, %scan3A_25 : i32
      %scan3A_27 = arith.constant 1 : i32
      %scan3A_28:5 = scf.for %scan3A_253 = %scan3A_24 to %scan3A_26 step %scan3A_27 iter_args(%scan3A_254 = %broadcast_in_dim3A_3, %scan3A_255 = %broadcast_in_dim3A_3, %scan3A_256 = %broadcast_in_dim3A_3, %scan3A_257 = %broadcast_in_dim3A_3, %scan3A_258 = %broadcast_in_dim3A_1) -> (vector<16xi32>, vector<16xi32>, vector<16xi32>, vector<16xi32>, vector<16xf32>)  : i32 {
        %get3A_259 = arith.constant 0 : index
        %get3A_260 = tpu.vector_load %arg8[%get3A_259] {strides = array<i32>} : memref<512xf32, #tpu.memory_space<vmem>>, vector<16xf32>,
        %min3A = arith.minimumf %broadcast_in_dim3A_1, %get3A_260 : vector<16xf32>
        %get3A_261 = arith.constant 16 : index
        %get3A_262 = tpu.vector_load %arg8[%get3A_261] {strides = array<i32>} : memref<512xf32, #tpu.memory_space<vmem>>, vector<16xf32>,
        %min3A_263 = arith.minimumf %min3A, %get3A_262 : vector<16xf32>
        %get3A_264 = arith.constant 32 : index
        %get3A_265 = tpu.vector_load %arg8[%get3A_264] {strides = array<i32>} : memref<512xf32, #tpu.memory_space<vmem>>, vector<16xf32>,
        %min3A_266 = arith.minimumf %min3A_263, %get3A_265 : vector<16xf32>
        %get3A_267 = arith.constant 48 : index
        %get3A_268 = tpu.vector_load %arg8[%get3A_267] {strides = array<i32>} : memref<512xf32, #tpu.memory_space<vmem>>, vector<16xf32>,
        %min3A_269 = arith.minimumf %min3A_266, %get3A_268 : vector<16xf32>
        %get3A_270 = arith.constant 64 : index
        %get3A_271 = tpu.vector_load %arg8[%get3A_270] {strides = array<i32>} : memref<512xf32, #tpu.memory_space<vmem>>, vector<16xf32>,
        %min3A_272 = arith.minimumf %min3A_269, %get3A_271 : vector<16xf32>
        %get3A_273 = arith.constant 80 : index
        %get3A_274 = tpu.vector_load %arg8[%get3A_273] {strides = array<i32>} : memref<512xf32, #tpu.memory_space<vmem>>, vector<16xf32>,
        %min3A_275 = arith.minimumf %min3A_272, %get3A_274 : vector<16xf32>
        %get3A_276 = arith.constant 96 : index
        %get3A_277 = tpu.vector_load %arg8[%get3A_276] {strides = array<i32>} : memref<512xf32, #tpu.memory_space<vmem>>, vector<16xf32>,
        %min3A_278 = arith.minimumf %min3A_275, %get3A_277 : vector<16xf32>
        %get3A_279 = arith.constant 112 : index
        %get3A_280 = tpu.vector_load %arg8[%get3A_279] {strides = array<i32>} : memref<512xf32, #tpu.memory_space<vmem>>, vector<16xf32>,
        %min3A_281 = arith.minimumf %min3A_278, %get3A_280 : vector<16xf32>
        %get3A_282 = arith.constant 128 : index
        %get3A_283 = tpu.vector_load %arg8[%get3A_282] {strides = array<i32>} : memref<512xf32, #tpu.memory_space<vmem>>, vector<16xf32>,
        %min3A_284 = arith.minimumf %min3A_281, %get3A_283 : vector<16xf32>
        %get3A_285 = arith.constant 144 : index
        %get3A_286 = tpu.vector_load %arg8[%get3A_285] {strides = array<i32>} : memref<512xf32, #tpu.memory_space<vmem>>, vector<16xf32>,
        %min3A_287 = arith.minimumf %min3A_284, %get3A_286 : vector<16xf32>
        %get3A_288 = arith.constant 160 : index
        %get3A_289 = tpu.vector_load %arg8[%get3A_288] {strides = array<i32>} : memref<512xf32, #tpu.memory_space<vmem>>, vector<16xf32>,
        %min3A_290 = arith.minimumf %min3A_287, %get3A_289 : vector<16xf32>
        %get3A_291 = arith.constant 176 : index
        %get3A_292 = tpu.vector_load %arg8[%get3A_291] {strides = array<i32>} : memref<512xf32, #tpu.memory_space<vmem>>, vector<16xf32>,
        %min3A_293 = arith.minimumf %min3A_290, %get3A_292 : vector<16xf32>
        %get3A_294 = arith.constant 192 : index
        %get3A_295 = tpu.vector_load %arg8[%get3A_294] {strides = array<i32>} : memref<512xf32, #tpu.memory_space<vmem>>, vector<16xf32>,
        %min3A_296 = arith.minimumf %min3A_293, %get3A_295 : vector<16xf32>
        %get3A_297 = arith.constant 208 : index
        %get3A_298 = tpu.vector_load %arg8[%get3A_297] {strides = array<i32>} : memref<512xf32, #tpu.memory_space<vmem>>, vector<16xf32>,
        %min3A_299 = arith.minimumf %min3A_296, %get3A_298 : vector<16xf32>
        %get3A_300 = arith.constant 224 : index
        %get3A_301 = tpu.vector_load %arg8[%get3A_300] {strides = array<i32>} : memref<512xf32, #tpu.memory_space<vmem>>, vector<16xf32>,
        %min3A_302 = arith.minimumf %min3A_299, %get3A_301 : vector<16xf32>
        %get3A_303 = arith.constant 240 : index
        %get3A_304 = tpu.vector_load %arg8[%get3A_303] {strides = array<i32>} : memref<512xf32, #tpu.memory_space<vmem>>, vector<16xf32>,
        %min3A_305 = arith.minimumf %min3A_302, %get3A_304 : vector<16xf32>
        %get3A_306 = arith.constant 256 : index
        %get3A_307 = tpu.vector_load %arg8[%get3A_306] {strides = array<i32>} : memref<512xf32, #tpu.memory_space<vmem>>, vector<16xf32>,
        %min3A_308 = arith.minimumf %min3A_305, %get3A_307 : vector<16xf32>
        %get3A_309 = arith.constant 272 : index
        %get3A_310 = tpu.vector_load %arg8[%get3A_309] {strides = array<i32>} : memref<512xf32, #tpu.memory_space<vmem>>, vector<16xf32>,
        %min3A_311 = arith.minimumf %min3A_308, %get3A_310 : vector<16xf32>
        %get3A_312 = arith.constant 288 : index
        %get3A_313 = tpu.vector_load %arg8[%get3A_312] {strides = array<i32>} : memref<512xf32, #tpu.memory_space<vmem>>, vector<16xf32>,
        %min3A_314 = arith.minimumf %min3A_311, %get3A_313 : vector<16xf32>
        %get3A_315 = arith.constant 304 : index
        %get3A_316 = tpu.vector_load %arg8[%get3A_315] {strides = array<i32>} : memref<512xf32, #tpu.memory_space<vmem>>, vector<16xf32>,
        %min3A_317 = arith.minimumf %min3A_314, %get3A_316 : vector<16xf32>
        %get3A_318 = arith.constant 320 : index
        %get3A_319 = tpu.vector_load %arg8[%get3A_318] {strides = array<i32>} : memref<512xf32, #tpu.memory_space<vmem>>, vector<16xf32>,
        %min3A_320 = arith.minimumf %min3A_317, %get3A_319 : vector<16xf32>
        %get3A_321 = arith.constant 336 : index
        %get3A_322 = tpu.vector_load %arg8[%get3A_321] {strides = array<i32>} : memref<512xf32, #tpu.memory_space<vmem>>, vector<16xf32>,
        %min3A_323 = arith.minimumf %min3A_320, %get3A_322 : vector<16xf32>
        %get3A_324 = arith.constant 352 : index
        %get3A_325 = tpu.vector_load %arg8[%get3A_324] {strides = array<i32>} : memref<512xf32, #tpu.memory_space<vmem>>, vector<16xf32>,
        %min3A_326 = arith.minimumf %min3A_323, %get3A_325 : vector<16xf32>
        %get3A_327 = arith.constant 368 : index
        %get3A_328 = tpu.vector_load %arg8[%get3A_327] {strides = array<i32>} : memref<512xf32, #tpu.memory_space<vmem>>, vector<16xf32>,
        %min3A_329 = arith.minimumf %min3A_326, %get3A_328 : vector<16xf32>
        %get3A_330 = arith.constant 384 : index
        %get3A_331 = tpu.vector_load %arg8[%get3A_330] {strides = array<i32>} : memref<512xf32, #tpu.memory_space<vmem>>, vector<16xf32>,
        %min3A_332 = arith.minimumf %min3A_329, %get3A_331 : vector<16xf32>
        %get3A_333 = arith.constant 400 : index
        %get3A_334 = tpu.vector_load %arg8[%get3A_333] {strides = array<i32>} : memref<512xf32, #tpu.memory_space<vmem>>, vector<16xf32>,
        %min3A_335 = arith.minimumf %min3A_332, %get3A_334 : vector<16xf32>
        %get3A_336 = arith.constant 416 : index
        %get3A_337 = tpu.vector_load %arg8[%get3A_336] {strides = array<i32>} : memref<512xf32, #tpu.memory_space<vmem>>, vector<16xf32>,
        %min3A_338 = arith.minimumf %min3A_335, %get3A_337 : vector<16xf32>
        %get3A_339 = arith.constant 432 : index
        %get3A_340 = tpu.vector_load %arg8[%get3A_339] {strides = array<i32>} : memref<512xf32, #tpu.memory_space<vmem>>, vector<16xf32>,
        %min3A_341 = arith.minimumf %min3A_338, %get3A_340 : vector<16xf32>
        %get3A_342 = arith.constant 448 : index
        %get3A_343 = tpu.vector_load %arg8[%get3A_342] {strides = array<i32>} : memref<512xf32, #tpu.memory_space<vmem>>, vector<16xf32>,
        %min3A_344 = arith.minimumf %min3A_341, %get3A_343 : vector<16xf32>
        %get3A_345 = arith.constant 464 : index
        %get3A_346 = tpu.vector_load %arg8[%get3A_345] {strides = array<i32>} : memref<512xf32, #tpu.memory_space<vmem>>, vector<16xf32>,
        %min3A_347 = arith.minimumf %min3A_344, %get3A_346 : vector<16xf32>
        %get3A_348 = arith.constant 480 : index
        %get3A_349 = tpu.vector_load %arg8[%get3A_348] {strides = array<i32>} : memref<512xf32, #tpu.memory_space<vmem>>, vector<16xf32>,
        %min3A_350 = arith.minimumf %min3A_347, %get3A_349 : vector<16xf32>
        %get3A_351 = arith.constant 496 : index
        %get3A_352 = tpu.vector_load %arg8[%get3A_351] {strides = array<i32>} : memref<512xf32, #tpu.memory_space<vmem>>, vector<16xf32>,
        %min3A_353 = arith.minimumf %min3A_350, %get3A_352 : vector<16xf32>
        %reduce_min3A = arith.constant true
        %reduce_min3A_354 = vector.broadcast %reduce_min3A : i1 to vector<16xi1>
        %reduce_min3A_355 = tpu.scan <min>, %min3A_353 masked %reduce_min3A_354 : vector<16xf32>, vector<16xi1> -> vector<16xf32>
        %reduce_min3A_356 = vector.extract %reduce_min3A_355[15] : f32 from vector<16xf32>
        %broadcast_in_dim3A_357 = vector.broadcast %reduce_min3A_356 : f32 to vector<16xf32>
        %get3A_358 = arith.constant 0 : index
        %get3A_359 = tpu.vector_load %arg8[%get3A_358] {strides = array<i32>} : memref<512xf32, #tpu.memory_space<vmem>>, vector<16xf32>,
        %eq3A_360 = arith.cmpf oeq, %get3A_359, %broadcast_in_dim3A_357 : vector<16xf32>
        %add3A_361 = arith.constant 0 : i32
        %add3A_362 = vector.broadcast %add3A_361 : i32 to vector<16xi32>
        %add3A_363 = arith.addi %iota3A, %add3A_362 : vector<16xi32>
        %select_n3A_364 = arith.select %eq3A_360, %add3A_363, %broadcast_in_dim3A_3 : vector<16xi1>, vector<16xi32>
        %min3A_365 = arith.minsi %broadcast_in_dim3A_3, %select_n3A_364 : vector<16xi32>
        %get3A_366 = arith.constant 16 : index
        %get3A_367 = tpu.vector_load %arg8[%get3A_366] {strides = array<i32>} : memref<512xf32, #tpu.memory_space<vmem>>, vector<16xf32>,
        %eq3A_368 = arith.cmpf oeq, %get3A_367, %broadcast_in_dim3A_357 : vector<16xf32>
        %add3A_369 = arith.constant 16 : i32
        %add3A_370 = vector.broadcast %add3A_369 : i32 to vector<16xi32>
        %add3A_371 = arith.addi %iota3A, %add3A_370 : vector<16xi32>
        %select_n3A_372 = arith.select %eq3A_368, %add3A_371, %broadcast_in_dim3A_3 : vector<16xi1>, vector<16xi32>
        %min3A_373 = arith.minsi %min3A_365, %select_n3A_372 : vector<16xi32>
        %get3A_374 = arith.constant 32 : index
        %get3A_375 = tpu.vector_load %arg8[%get3A_374] {strides = array<i32>} : memref<512xf32, #tpu.memory_space<vmem>>, vector<16xf32>,
        %eq3A_376 = arith.cmpf oeq, %get3A_375, %broadcast_in_dim3A_357 : vector<16xf32>
        %add3A_377 = arith.constant 32 : i32
        %add3A_378 = vector.broadcast %add3A_377 : i32 to vector<16xi32>
        %add3A_379 = arith.addi %iota3A, %add3A_378 : vector<16xi32>
        %select_n3A_380 = arith.select %eq3A_376, %add3A_379, %broadcast_in_dim3A_3 : vector<16xi1>, vector<16xi32>
        %min3A_381 = arith.minsi %min3A_373, %select_n3A_380 : vector<16xi32>
        %get3A_382 = arith.constant 48 : index
        %get3A_383 = tpu.vector_load %arg8[%get3A_382] {strides = array<i32>} : memref<512xf32, #tpu.memory_space<vmem>>, vector<16xf32>,
        %eq3A_384 = arith.cmpf oeq, %get3A_383, %broadcast_in_dim3A_357 : vector<16xf32>
        %add3A_385 = arith.constant 48 : i32
        %add3A_386 = vector.broadcast %add3A_385 : i32 to vector<16xi32>
        %add3A_387 = arith.addi %iota3A, %add3A_386 : vector<16xi32>
        %select_n3A_388 = arith.select %eq3A_384, %add3A_387, %broadcast_in_dim3A_3 : vector<16xi1>, vector<16xi32>
        %min3A_389 = arith.minsi %min3A_381, %select_n3A_388 : vector<16xi32>
        %get3A_390 = arith.constant 64 : index
        %get3A_391 = tpu.vector_load %arg8[%get3A_390] {strides = array<i32>} : memref<512xf32, #tpu.memory_space<vmem>>, vector<16xf32>,
        %eq3A_392 = arith.cmpf oeq, %get3A_391, %broadcast_in_dim3A_357 : vector<16xf32>
        %add3A_393 = arith.constant 64 : i32
        %add3A_394 = vector.broadcast %add3A_393 : i32 to vector<16xi32>
        %add3A_395 = arith.addi %iota3A, %add3A_394 : vector<16xi32>
        %select_n3A_396 = arith.select %eq3A_392, %add3A_395, %broadcast_in_dim3A_3 : vector<16xi1>, vector<16xi32>
        %min3A_397 = arith.minsi %min3A_389, %select_n3A_396 : vector<16xi32>
        %get3A_398 = arith.constant 80 : index
        %get3A_399 = tpu.vector_load %arg8[%get3A_398] {strides = array<i32>} : memref<512xf32, #tpu.memory_space<vmem>>, vector<16xf32>,
        %eq3A_400 = arith.cmpf oeq, %get3A_399, %broadcast_in_dim3A_357 : vector<16xf32>
        %add3A_401 = arith.constant 80 : i32
        %add3A_402 = vector.broadcast %add3A_401 : i32 to vector<16xi32>
        %add3A_403 = arith.addi %iota3A, %add3A_402 : vector<16xi32>
        %select_n3A_404 = arith.select %eq3A_400, %add3A_403, %broadcast_in_dim3A_3 : vector<16xi1>, vector<16xi32>
        %min3A_405 = arith.minsi %min3A_397, %select_n3A_404 : vector<16xi32>
        %get3A_406 = arith.constant 96 : index
        %get3A_407 = tpu.vector_load %arg8[%get3A_406] {strides = array<i32>} : memref<512xf32, #tpu.memory_space<vmem>>, vector<16xf32>,
        %eq3A_408 = arith.cmpf oeq, %get3A_407, %broadcast_in_dim3A_357 : vector<16xf32>
        %add3A_409 = arith.constant 96 : i32
        %add3A_410 = vector.broadcast %add3A_409 : i32 to vector<16xi32>
        %add3A_411 = arith.addi %iota3A, %add3A_410 : vector<16xi32>
        %select_n3A_412 = arith.select %eq3A_408, %add3A_411, %broadcast_in_dim3A_3 : vector<16xi1>, vector<16xi32>
        %min3A_413 = arith.minsi %min3A_405, %select_n3A_412 : vector<16xi32>
        %get3A_414 = arith.constant 112 : index
        %get3A_415 = tpu.vector_load %arg8[%get3A_414] {strides = array<i32>} : memref<512xf32, #tpu.memory_space<vmem>>, vector<16xf32>,
        %eq3A_416 = arith.cmpf oeq, %get3A_415, %broadcast_in_dim3A_357 : vector<16xf32>
        %add3A_417 = arith.constant 112 : i32
        %add3A_418 = vector.broadcast %add3A_417 : i32 to vector<16xi32>
        %add3A_419 = arith.addi %iota3A, %add3A_418 : vector<16xi32>
        %select_n3A_420 = arith.select %eq3A_416, %add3A_419, %broadcast_in_dim3A_3 : vector<16xi1>, vector<16xi32>
        %min3A_421 = arith.minsi %min3A_413, %select_n3A_420 : vector<16xi32>
        %get3A_422 = arith.constant 128 : index
        %get3A_423 = tpu.vector_load %arg8[%get3A_422] {strides = array<i32>} : memref<512xf32, #tpu.memory_space<vmem>>, vector<16xf32>,
        %eq3A_424 = arith.cmpf oeq, %get3A_423, %broadcast_in_dim3A_357 : vector<16xf32>
        %add3A_425 = arith.constant 128 : i32
        %add3A_426 = vector.broadcast %add3A_425 : i32 to vector<16xi32>
        %add3A_427 = arith.addi %iota3A, %add3A_426 : vector<16xi32>
        %select_n3A_428 = arith.select %eq3A_424, %add3A_427, %broadcast_in_dim3A_3 : vector<16xi1>, vector<16xi32>
        %min3A_429 = arith.minsi %min3A_421, %select_n3A_428 : vector<16xi32>
        %get3A_430 = arith.constant 144 : index
        %get3A_431 = tpu.vector_load %arg8[%get3A_430] {strides = array<i32>} : memref<512xf32, #tpu.memory_space<vmem>>, vector<16xf32>,
        %eq3A_432 = arith.cmpf oeq, %get3A_431, %broadcast_in_dim3A_357 : vector<16xf32>
        %add3A_433 = arith.constant 144 : i32
        %add3A_434 = vector.broadcast %add3A_433 : i32 to vector<16xi32>
        %add3A_435 = arith.addi %iota3A, %add3A_434 : vector<16xi32>
        %select_n3A_436 = arith.select %eq3A_432, %add3A_435, %broadcast_in_dim3A_3 : vector<16xi1>, vector<16xi32>
        %min3A_437 = arith.minsi %min3A_429, %select_n3A_436 : vector<16xi32>
        %get3A_438 = arith.constant 160 : index
        %get3A_439 = tpu.vector_load %arg8[%get3A_438] {strides = array<i32>} : memref<512xf32, #tpu.memory_space<vmem>>, vector<16xf32>,
        %eq3A_440 = arith.cmpf oeq, %get3A_439, %broadcast_in_dim3A_357 : vector<16xf32>
        %add3A_441 = arith.constant 160 : i32
        %add3A_442 = vector.broadcast %add3A_441 : i32 to vector<16xi32>
        %add3A_443 = arith.addi %iota3A, %add3A_442 : vector<16xi32>
        %select_n3A_444 = arith.select %eq3A_440, %add3A_443, %broadcast_in_dim3A_3 : vector<16xi1>, vector<16xi32>
        %min3A_445 = arith.minsi %min3A_437, %select_n3A_444 : vector<16xi32>
        %get3A_446 = arith.constant 176 : index
        %get3A_447 = tpu.vector_load %arg8[%get3A_446] {strides = array<i32>} : memref<512xf32, #tpu.memory_space<vmem>>, vector<16xf32>,
        %eq3A_448 = arith.cmpf oeq, %get3A_447, %broadcast_in_dim3A_357 : vector<16xf32>
        %add3A_449 = arith.constant 176 : i32
        %add3A_450 = vector.broadcast %add3A_449 : i32 to vector<16xi32>
        %add3A_451 = arith.addi %iota3A, %add3A_450 : vector<16xi32>
        %select_n3A_452 = arith.select %eq3A_448, %add3A_451, %broadcast_in_dim3A_3 : vector<16xi1>, vector<16xi32>
        %min3A_453 = arith.minsi %min3A_445, %select_n3A_452 : vector<16xi32>
        %get3A_454 = arith.constant 192 : index
        %get3A_455 = tpu.vector_load %arg8[%get3A_454] {strides = array<i32>} : memref<512xf32, #tpu.memory_space<vmem>>, vector<16xf32>,
        %eq3A_456 = arith.cmpf oeq, %get3A_455, %broadcast_in_dim3A_357 : vector<16xf32>
        %add3A_457 = arith.constant 192 : i32
        %add3A_458 = vector.broadcast %add3A_457 : i32 to vector<16xi32>
        %add3A_459 = arith.addi %iota3A, %add3A_458 : vector<16xi32>
        %select_n3A_460 = arith.select %eq3A_456, %add3A_459, %broadcast_in_dim3A_3 : vector<16xi1>, vector<16xi32>
        %min3A_461 = arith.minsi %min3A_453, %select_n3A_460 : vector<16xi32>
        %get3A_462 = arith.constant 208 : index
        %get3A_463 = tpu.vector_load %arg8[%get3A_462] {strides = array<i32>} : memref<512xf32, #tpu.memory_space<vmem>>, vector<16xf32>,
        %eq3A_464 = arith.cmpf oeq, %get3A_463, %broadcast_in_dim3A_357 : vector<16xf32>
        %add3A_465 = arith.constant 208 : i32
        %add3A_466 = vector.broadcast %add3A_465 : i32 to vector<16xi32>
        %add3A_467 = arith.addi %iota3A, %add3A_466 : vector<16xi32>
        %select_n3A_468 = arith.select %eq3A_464, %add3A_467, %broadcast_in_dim3A_3 : vector<16xi1>, vector<16xi32>
        %min3A_469 = arith.minsi %min3A_461, %select_n3A_468 : vector<16xi32>
        %get3A_470 = arith.constant 224 : index
        %get3A_471 = tpu.vector_load %arg8[%get3A_470] {strides = array<i32>} : memref<512xf32, #tpu.memory_space<vmem>>, vector<16xf32>,
        %eq3A_472 = arith.cmpf oeq, %get3A_471, %broadcast_in_dim3A_357 : vector<16xf32>
        %add3A_473 = arith.constant 224 : i32
        %add3A_474 = vector.broadcast %add3A_473 : i32 to vector<16xi32>
        %add3A_475 = arith.addi %iota3A, %add3A_474 : vector<16xi32>
        %select_n3A_476 = arith.select %eq3A_472, %add3A_475, %broadcast_in_dim3A_3 : vector<16xi1>, vector<16xi32>
        %min3A_477 = arith.minsi %min3A_469, %select_n3A_476 : vector<16xi32>
        %get3A_478 = arith.constant 240 : index
        %get3A_479 = tpu.vector_load %arg8[%get3A_478] {strides = array<i32>} : memref<512xf32, #tpu.memory_space<vmem>>, vector<16xf32>,
        %eq3A_480 = arith.cmpf oeq, %get3A_479, %broadcast_in_dim3A_357 : vector<16xf32>
        %add3A_481 = arith.constant 240 : i32
        %add3A_482 = vector.broadcast %add3A_481 : i32 to vector<16xi32>
        %add3A_483 = arith.addi %iota3A, %add3A_482 : vector<16xi32>
        %select_n3A_484 = arith.select %eq3A_480, %add3A_483, %broadcast_in_dim3A_3 : vector<16xi1>, vector<16xi32>
        %min3A_485 = arith.minsi %min3A_477, %select_n3A_484 : vector<16xi32>
        %get3A_486 = arith.constant 256 : index
        %get3A_487 = tpu.vector_load %arg8[%get3A_486] {strides = array<i32>} : memref<512xf32, #tpu.memory_space<vmem>>, vector<16xf32>,
        %eq3A_488 = arith.cmpf oeq, %get3A_487, %broadcast_in_dim3A_357 : vector<16xf32>
        %add3A_489 = arith.constant 256 : i32
        %add3A_490 = vector.broadcast %add3A_489 : i32 to vector<16xi32>
        %add3A_491 = arith.addi %iota3A, %add3A_490 : vector<16xi32>
        %select_n3A_492 = arith.select %eq3A_488, %add3A_491, %broadcast_in_dim3A_3 : vector<16xi1>, vector<16xi32>
        %min3A_493 = arith.minsi %min3A_485, %select_n3A_492 : vector<16xi32>
        %get3A_494 = arith.constant 272 : index
        %get3A_495 = tpu.vector_load %arg8[%get3A_494] {strides = array<i32>} : memref<512xf32, #tpu.memory_space<vmem>>, vector<16xf32>,
        %eq3A_496 = arith.cmpf oeq, %get3A_495, %broadcast_in_dim3A_357 : vector<16xf32>
        %add3A_497 = arith.constant 272 : i32
        %add3A_498 = vector.broadcast %add3A_497 : i32 to vector<16xi32>
        %add3A_499 = arith.addi %iota3A, %add3A_498 : vector<16xi32>
        %select_n3A_500 = arith.select %eq3A_496, %add3A_499, %broadcast_in_dim3A_3 : vector<16xi1>, vector<16xi32>
        %min3A_501 = arith.minsi %min3A_493, %select_n3A_500 : vector<16xi32>
        %get3A_502 = arith.constant 288 : index
        %get3A_503 = tpu.vector_load %arg8[%get3A_502] {strides = array<i32>} : memref<512xf32, #tpu.memory_space<vmem>>, vector<16xf32>,
        %eq3A_504 = arith.cmpf oeq, %get3A_503, %broadcast_in_dim3A_357 : vector<16xf32>
        %add3A_505 = arith.constant 288 : i32
        %add3A_506 = vector.broadcast %add3A_505 : i32 to vector<16xi32>
        %add3A_507 = arith.addi %iota3A, %add3A_506 : vector<16xi32>
        %select_n3A_508 = arith.select %eq3A_504, %add3A_507, %broadcast_in_dim3A_3 : vector<16xi1>, vector<16xi32>
        %min3A_509 = arith.minsi %min3A_501, %select_n3A_508 : vector<16xi32>
        %get3A_510 = arith.constant 304 : index
        %get3A_511 = tpu.vector_load %arg8[%get3A_510] {strides = array<i32>} : memref<512xf32, #tpu.memory_space<vmem>>, vector<16xf32>,
        %eq3A_512 = arith.cmpf oeq, %get3A_511, %broadcast_in_dim3A_357 : vector<16xf32>
        %add3A_513 = arith.constant 304 : i32
        %add3A_514 = vector.broadcast %add3A_513 : i32 to vector<16xi32>
        %add3A_515 = arith.addi %iota3A, %add3A_514 : vector<16xi32>
        %select_n3A_516 = arith.select %eq3A_512, %add3A_515, %broadcast_in_dim3A_3 : vector<16xi1>, vector<16xi32>
        %min3A_517 = arith.minsi %min3A_509, %select_n3A_516 : vector<16xi32>
        %get3A_518 = arith.constant 320 : index
        %get3A_519 = tpu.vector_load %arg8[%get3A_518] {strides = array<i32>} : memref<512xf32, #tpu.memory_space<vmem>>, vector<16xf32>,
        %eq3A_520 = arith.cmpf oeq, %get3A_519, %broadcast_in_dim3A_357 : vector<16xf32>
        %add3A_521 = arith.constant 320 : i32
        %add3A_522 = vector.broadcast %add3A_521 : i32 to vector<16xi32>
        %add3A_523 = arith.addi %iota3A, %add3A_522 : vector<16xi32>
        %select_n3A_524 = arith.select %eq3A_520, %add3A_523, %broadcast_in_dim3A_3 : vector<16xi1>, vector<16xi32>
        %min3A_525 = arith.minsi %min3A_517, %select_n3A_524 : vector<16xi32>
        %get3A_526 = arith.constant 336 : index
        %get3A_527 = tpu.vector_load %arg8[%get3A_526] {strides = array<i32>} : memref<512xf32, #tpu.memory_space<vmem>>, vector<16xf32>,
        %eq3A_528 = arith.cmpf oeq, %get3A_527, %broadcast_in_dim3A_357 : vector<16xf32>
        %add3A_529 = arith.constant 336 : i32
        %add3A_530 = vector.broadcast %add3A_529 : i32 to vector<16xi32>
        %add3A_531 = arith.addi %iota3A, %add3A_530 : vector<16xi32>
        %select_n3A_532 = arith.select %eq3A_528, %add3A_531, %broadcast_in_dim3A_3 : vector<16xi1>, vector<16xi32>
        %min3A_533 = arith.minsi %min3A_525, %select_n3A_532 : vector<16xi32>
        %get3A_534 = arith.constant 352 : index
        %get3A_535 = tpu.vector_load %arg8[%get3A_534] {strides = array<i32>} : memref<512xf32, #tpu.memory_space<vmem>>, vector<16xf32>,
        %eq3A_536 = arith.cmpf oeq, %get3A_535, %broadcast_in_dim3A_357 : vector<16xf32>
        %add3A_537 = arith.constant 352 : i32
        %add3A_538 = vector.broadcast %add3A_537 : i32 to vector<16xi32>
        %add3A_539 = arith.addi %iota3A, %add3A_538 : vector<16xi32>
        %select_n3A_540 = arith.select %eq3A_536, %add3A_539, %broadcast_in_dim3A_3 : vector<16xi1>, vector<16xi32>
        %min3A_541 = arith.minsi %min3A_533, %select_n3A_540 : vector<16xi32>
        %get3A_542 = arith.constant 368 : index
        %get3A_543 = tpu.vector_load %arg8[%get3A_542] {strides = array<i32>} : memref<512xf32, #tpu.memory_space<vmem>>, vector<16xf32>,
        %eq3A_544 = arith.cmpf oeq, %get3A_543, %broadcast_in_dim3A_357 : vector<16xf32>
        %add3A_545 = arith.constant 368 : i32
        %add3A_546 = vector.broadcast %add3A_545 : i32 to vector<16xi32>
        %add3A_547 = arith.addi %iota3A, %add3A_546 : vector<16xi32>
        %select_n3A_548 = arith.select %eq3A_544, %add3A_547, %broadcast_in_dim3A_3 : vector<16xi1>, vector<16xi32>
        %min3A_549 = arith.minsi %min3A_541, %select_n3A_548 : vector<16xi32>
        %get3A_550 = arith.constant 384 : index
        %get3A_551 = tpu.vector_load %arg8[%get3A_550] {strides = array<i32>} : memref<512xf32, #tpu.memory_space<vmem>>, vector<16xf32>,
        %eq3A_552 = arith.cmpf oeq, %get3A_551, %broadcast_in_dim3A_357 : vector<16xf32>
        %add3A_553 = arith.constant 384 : i32
        %add3A_554 = vector.broadcast %add3A_553 : i32 to vector<16xi32>
        %add3A_555 = arith.addi %iota3A, %add3A_554 : vector<16xi32>
        %select_n3A_556 = arith.select %eq3A_552, %add3A_555, %broadcast_in_dim3A_3 : vector<16xi1>, vector<16xi32>
        %min3A_557 = arith.minsi %min3A_549, %select_n3A_556 : vector<16xi32>
        %get3A_558 = arith.constant 400 : index
        %get3A_559 = tpu.vector_load %arg8[%get3A_558] {strides = array<i32>} : memref<512xf32, #tpu.memory_space<vmem>>, vector<16xf32>,
        %eq3A_560 = arith.cmpf oeq, %get3A_559, %broadcast_in_dim3A_357 : vector<16xf32>
        %add3A_561 = arith.constant 400 : i32
        %add3A_562 = vector.broadcast %add3A_561 : i32 to vector<16xi32>
        %add3A_563 = arith.addi %iota3A, %add3A_562 : vector<16xi32>
        %select_n3A_564 = arith.select %eq3A_560, %add3A_563, %broadcast_in_dim3A_3 : vector<16xi1>, vector<16xi32>
        %min3A_565 = arith.minsi %min3A_557, %select_n3A_564 : vector<16xi32>
        %get3A_566 = arith.constant 416 : index
        %get3A_567 = tpu.vector_load %arg8[%get3A_566] {strides = array<i32>} : memref<512xf32, #tpu.memory_space<vmem>>, vector<16xf32>,
        %eq3A_568 = arith.cmpf oeq, %get3A_567, %broadcast_in_dim3A_357 : vector<16xf32>
        %add3A_569 = arith.constant 416 : i32
        %add3A_570 = vector.broadcast %add3A_569 : i32 to vector<16xi32>
        %add3A_571 = arith.addi %iota3A, %add3A_570 : vector<16xi32>
        %select_n3A_572 = arith.select %eq3A_568, %add3A_571, %broadcast_in_dim3A_3 : vector<16xi1>, vector<16xi32>
        %min3A_573 = arith.minsi %min3A_565, %select_n3A_572 : vector<16xi32>
        %get3A_574 = arith.constant 432 : index
        %get3A_575 = tpu.vector_load %arg8[%get3A_574] {strides = array<i32>} : memref<512xf32, #tpu.memory_space<vmem>>, vector<16xf32>,
        %eq3A_576 = arith.cmpf oeq, %get3A_575, %broadcast_in_dim3A_357 : vector<16xf32>
        %add3A_577 = arith.constant 432 : i32
        %add3A_578 = vector.broadcast %add3A_577 : i32 to vector<16xi32>
        %add3A_579 = arith.addi %iota3A, %add3A_578 : vector<16xi32>
        %select_n3A_580 = arith.select %eq3A_576, %add3A_579, %broadcast_in_dim3A_3 : vector<16xi1>, vector<16xi32>
        %min3A_581 = arith.minsi %min3A_573, %select_n3A_580 : vector<16xi32>
        %get3A_582 = arith.constant 448 : index
        %get3A_583 = tpu.vector_load %arg8[%get3A_582] {strides = array<i32>} : memref<512xf32, #tpu.memory_space<vmem>>, vector<16xf32>,
        %eq3A_584 = arith.cmpf oeq, %get3A_583, %broadcast_in_dim3A_357 : vector<16xf32>
        %add3A_585 = arith.constant 448 : i32
        %add3A_586 = vector.broadcast %add3A_585 : i32 to vector<16xi32>
        %add3A_587 = arith.addi %iota3A, %add3A_586 : vector<16xi32>
        %select_n3A_588 = arith.select %eq3A_584, %add3A_587, %broadcast_in_dim3A_3 : vector<16xi1>, vector<16xi32>
        %min3A_589 = arith.minsi %min3A_581, %select_n3A_588 : vector<16xi32>
        %get3A_590 = arith.constant 464 : index
        %get3A_591 = tpu.vector_load %arg8[%get3A_590] {strides = array<i32>} : memref<512xf32, #tpu.memory_space<vmem>>, vector<16xf32>,
        %eq3A_592 = arith.cmpf oeq, %get3A_591, %broadcast_in_dim3A_357 : vector<16xf32>
        %add3A_593 = arith.constant 464 : i32
        %add3A_594 = vector.broadcast %add3A_593 : i32 to vector<16xi32>
        %add3A_595 = arith.addi %iota3A, %add3A_594 : vector<16xi32>
        %select_n3A_596 = arith.select %eq3A_592, %add3A_595, %broadcast_in_dim3A_3 : vector<16xi1>, vector<16xi32>
        %min3A_597 = arith.minsi %min3A_589, %select_n3A_596 : vector<16xi32>
        %get3A_598 = arith.constant 480 : index
        %get3A_599 = tpu.vector_load %arg8[%get3A_598] {strides = array<i32>} : memref<512xf32, #tpu.memory_space<vmem>>, vector<16xf32>,
        %eq3A_600 = arith.cmpf oeq, %get3A_599, %broadcast_in_dim3A_357 : vector<16xf32>
        %add3A_601 = arith.constant 480 : i32
        %add3A_602 = vector.broadcast %add3A_601 : i32 to vector<16xi32>
        %add3A_603 = arith.addi %iota3A, %add3A_602 : vector<16xi32>
        %select_n3A_604 = arith.select %eq3A_600, %add3A_603, %broadcast_in_dim3A_3 : vector<16xi1>, vector<16xi32>
        %min3A_605 = arith.minsi %min3A_597, %select_n3A_604 : vector<16xi32>
        %get3A_606 = arith.constant 496 : index
        %get3A_607 = tpu.vector_load %arg8[%get3A_606] {strides = array<i32>} : memref<512xf32, #tpu.memory_space<vmem>>, vector<16xf32>,
        %eq3A_608 = arith.cmpf oeq, %get3A_607, %broadcast_in_dim3A_357 : vector<16xf32>
        %add3A_609 = arith.constant 496 : i32
        %add3A_610 = vector.broadcast %add3A_609 : i32 to vector<16xi32>
        %add3A_611 = arith.addi %iota3A, %add3A_610 : vector<16xi32>
        %select_n3A_612 = arith.select %eq3A_608, %add3A_611, %broadcast_in_dim3A_3 : vector<16xi1>, vector<16xi32>
        %min3A_613 = arith.minsi %min3A_605, %select_n3A_612 : vector<16xi32>
        %reduce_min3A_614 = arith.constant true
        %reduce_min3A_615 = vector.broadcast %reduce_min3A_614 : i1 to vector<16xi1>
        %reduce_min3A_616 = arith.constant -2147483648 : i32
        %reduce_min3A_617 = vector.broadcast %reduce_min3A_616 : i32 to vector<16xi32>
        %reduce_min3A_618 = arith.xori %min3A_613, %reduce_min3A_617 : vector<16xi32>
        %reduce_min3A_619 = tpu.scan <min>, %reduce_min3A_618 masked %reduce_min3A_615 : vector<16xi32>, vector<16xi1> -> vector<16xi32>
        %reduce_min3A_620 = arith.xori %reduce_min3A_619, %reduce_min3A_617 : vector<16xi32>
        %reduce_min3A_621 = vector.extract %reduce_min3A_620[15] : i32 from vector<16xi32>
        %broadcast_in_dim3A_622 = vector.broadcast %reduce_min3A_621 : i32 to vector<16xi32>
        %mul3A_623 = arith.constant 256 : i32
        %mul3A_624 = arith.muli %reduce_min3A_621, %mul3A_623 : i32
        %dma_start3A = arith.constant 0 : i32
        %dma_start3A_625 = tpu.memref_slice %arg11[%scan3A_253, %dma_start3A] : memref<64x256xf32, #tpu.memory_space<vmem>> -> memref<1x256xf32, #tpu.memory_space<vmem>>
        %dma_start3A_626 = tpu.memref_squeeze %dma_start3A_625 : memref<1x256xf32, #tpu.memory_space<vmem>> -> memref<256xf32, #tpu.memory_space<vmem>>
        %dma_start3A_627 = tpu.memref_slice %arg2[%add3A_23, %mul3A_624] : memref<128x131072xf32, #tpu.memory_space<hbm>> -> memref<1x256xf32, #tpu.memory_space<hbm>>
        %dma_start3A_628 = tpu.memref_squeeze %dma_start3A_627 : memref<1x256xf32, #tpu.memory_space<hbm>> -> memref<256xf32, #tpu.memory_space<hbm>>
        %dma_start3A_629 = arith.constant 0 : i32
        %dma_start3A_630 = tpu.memref_slice %arg11[%scan3A_253, %dma_start3A_629] : memref<64x256xf32, #tpu.memory_space<vmem>> -> memref<1x256xf32, #tpu.memory_space<vmem>>
        %dma_start3A_631 = tpu.memref_squeeze %dma_start3A_630 : memref<1x256xf32, #tpu.memory_space<vmem>> -> memref<256xf32, #tpu.memory_space<vmem>>
        %dma_start3A_632 = tpu.memref_slice %arg2[%add3A_23, %mul3A_624] : memref<128x131072xf32, #tpu.memory_space<hbm>> -> memref<1x256xf32, #tpu.memory_space<hbm>>
        %dma_start3A_633 = tpu.memref_squeeze %dma_start3A_632 : memref<1x256xf32, #tpu.memory_space<hbm>> -> memref<256xf32, #tpu.memory_space<hbm>>
        tpu.enqueue_dma source(%dma_start3A_633 : memref<256xf32, #tpu.memory_space<hbm>>) target(%dma_start3A_631 : memref<256xf32, #tpu.memory_space<vmem>>) target_semaphore(%arg19 : memref<!tpu.dma_semaphore, #tpu.memory_space<semaphore_mem>>)
        %eq3A_634 = arith.constant 0 : i32
        %eq3A_635 = vector.broadcast %eq3A_634 : i32 to vector<16xi32>
        %eq3A_636 = arith.cmpi eq, %iota3A, %eq3A_635 : vector<16xi32>
        tpu.vector_store_idx %arg8[%broadcast_in_dim3A_622], %broadcast_in_dim3A_1 masked %eq3A_636 : memref<512xf32, #tpu.memory_space<vmem>>[vector<16xi32>], vector<16xf32>, vector<16xi1>
        %jit3A = arith.constant 16 : i32
        %div3A_637 = arith.divsi %scan3A_253, %jit3A : i32
        %sign3A = arith.constant 0 : i32
        %sign3A_638 = arith.cmpi sgt, %scan3A_253, %sign3A : i32
        %sign3A_639 = arith.extui %sign3A_638 : i1 to i32
        %sign3A_640 = arith.constant 0 : i32
        %sign3A_641 = arith.cmpi slt, %scan3A_253, %sign3A_640 : i32
        %sign3A_642 = arith.extui %sign3A_641 : i1 to i32
        %sign3A_643 = arith.subi %sign3A_639, %sign3A_642 : i32
        %sign3A_644 = arith.constant 0 : i32
        %sign3A_645 = arith.cmpi sgt, %jit3A, %sign3A_644 : i32
        %sign3A_646 = arith.extui %sign3A_645 : i1 to i32
        %sign3A_647 = arith.constant 0 : i32
        %sign3A_648 = arith.cmpi slt, %jit3A, %sign3A_647 : i32
        %sign3A_649 = arith.extui %sign3A_648 : i1 to i32
        %sign3A_650 = arith.subi %sign3A_646, %sign3A_649 : i32
        %ne3A = arith.cmpi ne, %sign3A_643, %sign3A_650 : i32
        %rem3A = arith.remsi %scan3A_253, %jit3A : i32
        %ne3A_651 = arith.constant 0 : i32
        %ne3A_652 = arith.cmpi ne, %rem3A, %ne3A_651 : i32
        %and3A_653 = arith.andi %ne3A, %ne3A_652 : i1
        %sub3A = arith.constant 1 : i32
        %sub3A_654 = arith.subi %div3A_637, %sub3A : i32
        %select_n3A_655 = arith.select %and3A_653, %sub3A_654, %div3A_637 : i32
        %mul3A_656 = arith.constant 16 : i32
        %mul3A_657 = arith.muli %select_n3A_655, %mul3A_656 : i32
        %sub3A_658 = arith.subi %scan3A_253, %mul3A_657 : i32
        %broadcast_in_dim3A_659 = vector.broadcast %sub3A_658 : i32 to vector<16xi32>
        %eq3A_660 = arith.cmpi eq, %iota3A, %broadcast_in_dim3A_659 : vector<16xi32>
        %broadcast_in_dim3A_661 = vector.broadcast %select_n3A_655 : i32 to vector<16xi32>
        %eq3A_662 = arith.constant 0 : i32
        %eq3A_663 = vector.broadcast %eq3A_662 : i32 to vector<16xi32>
        %eq3A_664 = arith.cmpi eq, %broadcast_in_dim3A_661, %eq3A_663 : vector<16xi32>
        %and3A_665 = arith.andi %eq3A_660, %eq3A_664 : vector<16xi1>
        %select_n3A_666 = arith.select %and3A_665, %broadcast_in_dim3A_622, %scan3A_254 : vector<16xi1>, vector<16xi32>
        %eq3A_667 = arith.constant 1 : i32
        %eq3A_668 = vector.broadcast %eq3A_667 : i32 to vector<16xi32>
        %eq3A_669 = arith.cmpi eq, %broadcast_in_dim3A_661, %eq3A_668 : vector<16xi32>
        %and3A_670 = arith.andi %eq3A_660, %eq3A_669 : vector<16xi1>
        %select_n3A_671 = arith.select %and3A_670, %broadcast_in_dim3A_622, %scan3A_255 : vector<16xi1>, vector<16xi32>
        %eq3A_672 = arith.constant 2 : i32
        %eq3A_673 = vector.broadcast %eq3A_672 : i32 to vector<16xi32>
        %eq3A_674 = arith.cmpi eq, %broadcast_in_dim3A_661, %eq3A_673 : vector<16xi32>
        %and3A_675 = arith.andi %eq3A_660, %eq3A_674 : vector<16xi1>
        %select_n3A_676 = arith.select %and3A_675, %broadcast_in_dim3A_622, %scan3A_256 : vector<16xi1>, vector<16xi32>
        %eq3A_677 = arith.constant 3 : i32
        %eq3A_678 = vector.broadcast %eq3A_677 : i32 to vector<16xi32>
        %eq3A_679 = arith.cmpi eq, %broadcast_in_dim3A_661, %eq3A_678 : vector<16xi32>
        %and3A_680 = arith.andi %eq3A_660, %eq3A_679 : vector<16xi1>
        %select_n3A_681 = arith.select %and3A_680, %broadcast_in_dim3A_622, %scan3A_257 : vector<16xi1>, vector<16xi32>
        %broadcast_in_dim3A_682 = vector.broadcast %scan3A_253 : i32 to vector<16xi32>
        %eq3A_683 = arith.constant 49 : i32
        %eq3A_684 = vector.broadcast %eq3A_683 : i32 to vector<16xi32>
        %eq3A_685 = arith.cmpi eq, %broadcast_in_dim3A_682, %eq3A_684 : vector<16xi32>
        %select_n3A_686 = arith.select %eq3A_685, %broadcast_in_dim3A_357, %scan3A_258 : vector<16xi1>, vector<16xf32>
        scf.yield %select_n3A_666, %select_n3A_671, %select_n3A_676, %select_n3A_681, %select_n3A_686 : vector<16xi32>, vector<16xi32>, vector<16xi32>, vector<16xi32>, vector<16xf32>
      }
      %scan3A_29 = arith.constant 64 : i32
      %mul3A_30 = arith.constant 256 : i32
      %mul3A_31 = vector.broadcast %mul3A_30 : i32 to vector<16xi32>
      %mul3A_32 = arith.muli %scan3A_28#0, %mul3A_31 : vector<16xi32>
      %swap3A_33 = arith.constant 0 : index
      %swap3A_34 = tpu.vector_load %arg10[%swap3A_33] {strides = array<i32>} : memref<64xi32, #tpu.memory_space<vmem>>, vector<16xi32>,
      tpu.vector_store %arg10[%swap3A_33], %mul3A_32 {strides = array<i32>} : memref<64xi32, #tpu.memory_space<vmem>>, vector<16xi32>,
      %mul3A_35 = arith.constant 256 : i32
      %mul3A_36 = vector.broadcast %mul3A_35 : i32 to vector<16xi32>
      %mul3A_37 = arith.muli %scan3A_28#1, %mul3A_36 : vector<16xi32>
      %swap3A_38 = arith.constant 16 : index
      %swap3A_39 = tpu.vector_load %arg10[%swap3A_38] {strides = array<i32>} : memref<64xi32, #tpu.memory_space<vmem>>, vector<16xi32>,
      tpu.vector_store %arg10[%swap3A_38], %mul3A_37 {strides = array<i32>} : memref<64xi32, #tpu.memory_space<vmem>>, vector<16xi32>,
      %mul3A_40 = arith.constant 256 : i32
      %mul3A_41 = vector.broadcast %mul3A_40 : i32 to vector<16xi32>
      %mul3A_42 = arith.muli %scan3A_28#2, %mul3A_41 : vector<16xi32>
      %swap3A_43 = arith.constant 32 : index
      %swap3A_44 = tpu.vector_load %arg10[%swap3A_43] {strides = array<i32>} : memref<64xi32, #tpu.memory_space<vmem>>, vector<16xi32>,
      tpu.vector_store %arg10[%swap3A_43], %mul3A_42 {strides = array<i32>} : memref<64xi32, #tpu.memory_space<vmem>>, vector<16xi32>,
      %mul3A_45 = arith.constant 256 : i32
      %mul3A_46 = vector.broadcast %mul3A_45 : i32 to vector<16xi32>
      %mul3A_47 = arith.muli %scan3A_28#3, %mul3A_46 : vector<16xi32>
      %swap3A_48 = arith.constant 48 : index
      %swap3A_49 = tpu.vector_load %arg10[%swap3A_48] {strides = array<i32>} : memref<64xi32, #tpu.memory_space<vmem>>, vector<16xi32>,
      tpu.vector_store %arg10[%swap3A_48], %mul3A_47 {strides = array<i32>} : memref<64xi32, #tpu.memory_space<vmem>>, vector<16xi32>,
      %dma_wait3A = arith.constant 0 : i32
      %dma_wait3A_50 = arith.constant 0 : i32
      %dma_wait3A_51 = tpu.memref_slice %arg2[%dma_wait3A, %dma_wait3A_50] : memref<128x131072xf32, #tpu.memory_space<hbm>> -> memref<64x256xf32, #tpu.memory_space<hbm>>
      %dma_wait3A_52 = arith.constant 0 : i32
      %dma_wait3A_53 = arith.constant 0 : i32
      %dma_wait3A_54 = tpu.memref_slice %arg2[%dma_wait3A_52, %dma_wait3A_53] : memref<128x131072xf32, #tpu.memory_space<hbm>> -> memref<64x256xf32, #tpu.memory_space<hbm>>
      tpu.wait_dma2 semaphore(%arg19 : memref<!tpu.dma_semaphore, #tpu.memory_space<semaphore_mem>>) src(%dma_wait3A_54 : memref<64x256xf32, #tpu.memory_space<hbm>>) dst(%arg11 : memref<64x256xf32, #tpu.memory_space<vmem>>)
      %swap3A_55 = arith.constant 0 : index
      %swap3A_56 = tpu.vector_load %arg12[%swap3A_55] {strides = array<i32>} : memref<256xf32, #tpu.memory_space<vmem>>, vector<16xf32>,
      tpu.vector_store %arg12[%swap3A_55], %broadcast_in_dim3A_1 {strides = array<i32>} : memref<256xf32, #tpu.memory_space<vmem>>, vector<16xf32>,
      %swap3A_57 = arith.constant 0 : index
      %swap3A_58 = tpu.vector_load %arg13[%swap3A_57] {strides = array<i32>} : memref<256xi32, #tpu.memory_space<vmem>>, vector<16xi32>,
      tpu.vector_store %arg13[%swap3A_57], %broadcast_in_dim3A_3 {strides = array<i32>} : memref<256xi32, #tpu.memory_space<vmem>>, vector<16xi32>,
      %swap3A_59 = arith.constant 16 : index
      %swap3A_60 = tpu.vector_load %arg12[%swap3A_59] {strides = array<i32>} : memref<256xf32, #tpu.memory_space<vmem>>, vector<16xf32>,
      tpu.vector_store %arg12[%swap3A_59], %broadcast_in_dim3A_1 {strides = array<i32>} : memref<256xf32, #tpu.memory_space<vmem>>, vector<16xf32>,
      %swap3A_61 = arith.constant 16 : index
      %swap3A_62 = tpu.vector_load %arg13[%swap3A_61] {strides = array<i32>} : memref<256xi32, #tpu.memory_space<vmem>>, vector<16xi32>,
      tpu.vector_store %arg13[%swap3A_61], %broadcast_in_dim3A_3 {strides = array<i32>} : memref<256xi32, #tpu.memory_space<vmem>>, vector<16xi32>,
      %swap3A_63 = arith.constant 32 : index
      %swap3A_64 = tpu.vector_load %arg12[%swap3A_63] {strides = array<i32>} : memref<256xf32, #tpu.memory_space<vmem>>, vector<16xf32>,
      tpu.vector_store %arg12[%swap3A_63], %broadcast_in_dim3A_1 {strides = array<i32>} : memref<256xf32, #tpu.memory_space<vmem>>, vector<16xf32>,
      %swap3A_65 = arith.constant 32 : index
      %swap3A_66 = tpu.vector_load %arg13[%swap3A_65] {strides = array<i32>} : memref<256xi32, #tpu.memory_space<vmem>>, vector<16xi32>,
      tpu.vector_store %arg13[%swap3A_65], %broadcast_in_dim3A_3 {strides = array<i32>} : memref<256xi32, #tpu.memory_space<vmem>>, vector<16xi32>,
      %swap3A_67 = arith.constant 48 : index
      %swap3A_68 = tpu.vector_load %arg12[%swap3A_67] {strides = array<i32>} : memref<256xf32, #tpu.memory_space<vmem>>, vector<16xf32>,
      tpu.vector_store %arg12[%swap3A_67], %broadcast_in_dim3A_1 {strides = array<i32>} : memref<256xf32, #tpu.memory_space<vmem>>, vector<16xf32>,
      %swap3A_69 = arith.constant 48 : index
      %swap3A_70 = tpu.vector_load %arg13[%swap3A_69] {strides = array<i32>} : memref<256xi32, #tpu.memory_space<vmem>>, vector<16xi32>,
      tpu.vector_store %arg13[%swap3A_69], %broadcast_in_dim3A_3 {strides = array<i32>} : memref<256xi32, #tpu.memory_space<vmem>>, vector<16xi32>,
      %swap3A_71 = arith.constant 64 : index
      %swap3A_72 = tpu.vector_load %arg12[%swap3A_71] {strides = array<i32>} : memref<256xf32, #tpu.memory_space<vmem>>, vector<16xf32>,
      tpu.vector_store %arg12[%swap3A_71], %broadcast_in_dim3A_1 {strides = array<i32>} : memref<256xf32, #tpu.memory_space<vmem>>, vector<16xf32>,
      %swap3A_73 = arith.constant 64 : index
      %swap3A_74 = tpu.vector_load %arg13[%swap3A_73] {strides = array<i32>} : memref<256xi32, #tpu.memory_space<vmem>>, vector<16xi32>,
      tpu.vector_store %arg13[%swap3A_73], %broadcast_in_dim3A_3 {strides = array<i32>} : memref<256xi32, #tpu.memory_space<vmem>>, vector<16xi32>,
      %swap3A_75 = arith.constant 80 : index
      %swap3A_76 = tpu.vector_load %arg12[%swap3A_75] {strides = array<i32>} : memref<256xf32, #tpu.memory_space<vmem>>, vector<16xf32>,
      tpu.vector_store %arg12[%swap3A_75], %broadcast_in_dim3A_1 {strides = array<i32>} : memref<256xf32, #tpu.memory_space<vmem>>, vector<16xf32>,
      %swap3A_77 = arith.constant 80 : index
      %swap3A_78 = tpu.vector_load %arg13[%swap3A_77] {strides = array<i32>} : memref<256xi32, #tpu.memory_space<vmem>>, vector<16xi32>,
      tpu.vector_store %arg13[%swap3A_77], %broadcast_in_dim3A_3 {strides = array<i32>} : memref<256xi32, #tpu.memory_space<vmem>>, vector<16xi32>,
      %swap3A_79 = arith.constant 96 : index
      %swap3A_80 = tpu.vector_load %arg12[%swap3A_79] {strides = array<i32>} : memref<256xf32, #tpu.memory_space<vmem>>, vector<16xf32>,
      tpu.vector_store %arg12[%swap3A_79], %broadcast_in_dim3A_1 {strides = array<i32>} : memref<256xf32, #tpu.memory_space<vmem>>, vector<16xf32>,
      %swap3A_81 = arith.constant 96 : index
      %swap3A_82 = tpu.vector_load %arg13[%swap3A_81] {strides = array<i32>} : memref<256xi32, #tpu.memory_space<vmem>>, vector<16xi32>,
      tpu.vector_store %arg13[%swap3A_81], %broadcast_in_dim3A_3 {strides = array<i32>} : memref<256xi32, #tpu.memory_space<vmem>>, vector<16xi32>,
      %swap3A_83 = arith.constant 112 : index
      %swap3A_84 = tpu.vector_load %arg12[%swap3A_83] {strides = array<i32>} : memref<256xf32, #tpu.memory_space<vmem>>, vector<16xf32>,
      tpu.vector_store %arg12[%swap3A_83], %broadcast_in_dim3A_1 {strides = array<i32>} : memref<256xf32, #tpu.memory_space<vmem>>, vector<16xf32>,
      %swap3A_85 = arith.constant 112 : index
      %swap3A_86 = tpu.vector_load %arg13[%swap3A_85] {strides = array<i32>} : memref<256xi32, #tpu.memory_space<vmem>>, vector<16xi32>,
      tpu.vector_store %arg13[%swap3A_85], %broadcast_in_dim3A_3 {strides = array<i32>} : memref<256xi32, #tpu.memory_space<vmem>>, vector<16xi32>,
      %swap3A_87 = arith.constant 128 : index
      %swap3A_88 = tpu.vector_load %arg12[%swap3A_87] {strides = array<i32>} : memref<256xf32, #tpu.memory_space<vmem>>, vector<16xf32>,
      tpu.vector_store %arg12[%swap3A_87], %broadcast_in_dim3A_1 {strides = array<i32>} : memref<256xf32, #tpu.memory_space<vmem>>, vector<16xf32>,
      %swap3A_89 = arith.constant 128 : index
      %swap3A_90 = tpu.vector_load %arg13[%swap3A_89] {strides = array<i32>} : memref<256xi32, #tpu.memory_space<vmem>>, vector<16xi32>,
      tpu.vector_store %arg13[%swap3A_89], %broadcast_in_dim3A_3 {strides = array<i32>} : memref<256xi32, #tpu.memory_space<vmem>>, vector<16xi32>,
      %swap3A_91 = arith.constant 144 : index
      %swap3A_92 = tpu.vector_load %arg12[%swap3A_91] {strides = array<i32>} : memref<256xf32, #tpu.memory_space<vmem>>, vector<16xf32>,
      tpu.vector_store %arg12[%swap3A_91], %broadcast_in_dim3A_1 {strides = array<i32>} : memref<256xf32, #tpu.memory_space<vmem>>, vector<16xf32>,
      %swap3A_93 = arith.constant 144 : index
      %swap3A_94 = tpu.vector_load %arg13[%swap3A_93] {strides = array<i32>} : memref<256xi32, #tpu.memory_space<vmem>>, vector<16xi32>,
      tpu.vector_store %arg13[%swap3A_93], %broadcast_in_dim3A_3 {strides = array<i32>} : memref<256xi32, #tpu.memory_space<vmem>>, vector<16xi32>,
      %swap3A_95 = arith.constant 160 : index
      %swap3A_96 = tpu.vector_load %arg12[%swap3A_95] {strides = array<i32>} : memref<256xf32, #tpu.memory_space<vmem>>, vector<16xf32>,
      tpu.vector_store %arg12[%swap3A_95], %broadcast_in_dim3A_1 {strides = array<i32>} : memref<256xf32, #tpu.memory_space<vmem>>, vector<16xf32>,
      %swap3A_97 = arith.constant 160 : index
      %swap3A_98 = tpu.vector_load %arg13[%swap3A_97] {strides = array<i32>} : memref<256xi32, #tpu.memory_space<vmem>>, vector<16xi32>,
      tpu.vector_store %arg13[%swap3A_97], %broadcast_in_dim3A_3 {strides = array<i32>} : memref<256xi32, #tpu.memory_space<vmem>>, vector<16xi32>,
      %swap3A_99 = arith.constant 176 : index
      %swap3A_100 = tpu.vector_load %arg12[%swap3A_99] {strides = array<i32>} : memref<256xf32, #tpu.memory_space<vmem>>, vector<16xf32>,
      tpu.vector_store %arg12[%swap3A_99], %broadcast_in_dim3A_1 {strides = array<i32>} : memref<256xf32, #tpu.memory_space<vmem>>, vector<16xf32>,
      %swap3A_101 = arith.constant 176 : index
      %swap3A_102 = tpu.vector_load %arg13[%swap3A_101] {strides = array<i32>} : memref<256xi32, #tpu.memory_space<vmem>>, vector<16xi32>,
      tpu.vector_store %arg13[%swap3A_101], %broadcast_in_dim3A_3 {strides = array<i32>} : memref<256xi32, #tpu.memory_space<vmem>>, vector<16xi32>,
      %swap3A_103 = arith.constant 192 : index
      %swap3A_104 = tpu.vector_load %arg12[%swap3A_103] {strides = array<i32>} : memref<256xf32, #tpu.memory_space<vmem>>, vector<16xf32>,
      tpu.vector_store %arg12[%swap3A_103], %broadcast_in_dim3A_1 {strides = array<i32>} : memref<256xf32, #tpu.memory_space<vmem>>, vector<16xf32>,
      %swap3A_105 = arith.constant 192 : index
      %swap3A_106 = tpu.vector_load %arg13[%swap3A_105] {strides = array<i32>} : memref<256xi32, #tpu.memory_space<vmem>>, vector<16xi32>,
      tpu.vector_store %arg13[%swap3A_105], %broadcast_in_dim3A_3 {strides = array<i32>} : memref<256xi32, #tpu.memory_space<vmem>>, vector<16xi32>,
      %swap3A_107 = arith.constant 208 : index
      %swap3A_108 = tpu.vector_load %arg12[%swap3A_107] {strides = array<i32>} : memref<256xf32, #tpu.memory_space<vmem>>, vector<16xf32>,
      tpu.vector_store %arg12[%swap3A_107], %broadcast_in_dim3A_1 {strides = array<i32>} : memref<256xf32, #tpu.memory_space<vmem>>, vector<16xf32>,
      %swap3A_109 = arith.constant 208 : index
      %swap3A_110 = tpu.vector_load %arg13[%swap3A_109] {strides = array<i32>} : memref<256xi32, #tpu.memory_space<vmem>>, vector<16xi32>,
      tpu.vector_store %arg13[%swap3A_109], %broadcast_in_dim3A_3 {strides = array<i32>} : memref<256xi32, #tpu.memory_space<vmem>>, vector<16xi32>,
      %swap3A_111 = arith.constant 224 : index
      %swap3A_112 = tpu.vector_load %arg12[%swap3A_111] {strides = array<i32>} : memref<256xf32, #tpu.memory_space<vmem>>, vector<16xf32>,
      tpu.vector_store %arg12[%swap3A_111], %broadcast_in_dim3A_1 {strides = array<i32>} : memref<256xf32, #tpu.memory_space<vmem>>, vector<16xf32>,
      %swap3A_113 = arith.constant 224 : index
      %swap3A_114 = tpu.vector_load %arg13[%swap3A_113] {strides = array<i32>} : memref<256xi32, #tpu.memory_space<vmem>>, vector<16xi32>,
      tpu.vector_store %arg13[%swap3A_113], %broadcast_in_dim3A_3 {strides = array<i32>} : memref<256xi32, #tpu.memory_space<vmem>>, vector<16xi32>,
      %swap3A_115 = arith.constant 240 : index
      %swap3A_116 = tpu.vector_load %arg12[%swap3A_115] {strides = array<i32>} : memref<256xf32, #tpu.memory_space<vmem>>, vector<16xf32>,
      tpu.vector_store %arg12[%swap3A_115], %broadcast_in_dim3A_1 {strides = array<i32>} : memref<256xf32, #tpu.memory_space<vmem>>, vector<16xf32>,
      %swap3A_117 = arith.constant 240 : index
      %swap3A_118 = tpu.vector_load %arg13[%swap3A_117] {strides = array<i32>} : memref<256xi32, #tpu.memory_space<vmem>>, vector<16xi32>,
      tpu.vector_store %arg13[%swap3A_117], %broadcast_in_dim3A_3 {strides = array<i32>} : memref<256xi32, #tpu.memory_space<vmem>>, vector<16xi32>,
      %broadcast_in_dim3A_119 = arith.constant 0 : i32
      %broadcast_in_dim3A_120 = vector.broadcast %broadcast_in_dim3A_119 : i32 to vector<16xi32>
      %scan3A_121 = arith.constant 0 : i32
      %scan3A_122 = arith.constant 64 : i32
      %scan3A_123 = arith.addi %scan3A_121, %scan3A_122 : i32
      %scan3A_124 = arith.constant 1 : i32
      %scan3A_125 = scf.for %scan3A_253 = %scan3A_121 to %scan3A_123 step %scan3A_124 iter_args(%scan3A_254 = %broadcast_in_dim3A_120) -> (vector<16xi32>)  : i32 {
        %broadcast_in_dim3A_255 = vector.broadcast %scan3A_253 : i32 to vector<16xi32>
        %gather3A = tpu.vector_load_idx %arg10[%broadcast_in_dim3A_255] : memref<64xi32, #tpu.memory_space<vmem>>[vector<16xi32>], vector<16xi32>,
        %get3A_256 = arith.index_cast %scan3A_253 : i32 to index
        %get3A_257 = arith.constant 0 : index
        %get3A_258 = tpu.vector_load %arg11[%get3A_256, %get3A_257] {strides = array<i32>} : memref<64x256xf32, #tpu.memory_space<vmem>>, vector<16xf32>,
        %le3A = arith.cmpf ole, %get3A_258, %scan3A_28#4 : vector<16xf32>
        %all_reduce_population_count3A = tpu.all_reduce %le3A {dim = 0 : i64, kind = #tpu.reduction_kind<sum>} : vector<16xi1> -> vector<16xi32>
        %convert_element_type3A = arith.extui %le3A : vector<16xi1> to vector<16xi32>
        %broadcast_in_dim3A_259 = arith.constant true
        %broadcast_in_dim3A_260 = vector.broadcast %broadcast_in_dim3A_259 : i1 to vector<16xi1>
        %masked_cumsum3A = tpu.scan <sum>, %convert_element_type3A masked %broadcast_in_dim3A_260 : vector<16xi32>, vector<16xi1> -> vector<16xi32>
        %add3A_261 = arith.addi %scan3A_254, %masked_cumsum3A : vector<16xi32>
        %sub3A = arith.subi %add3A_261, %convert_element_type3A : vector<16xi32>
        %lt3A_262 = arith.constant 256 : i32
        %lt3A_263 = vector.broadcast %lt3A_262 : i32 to vector<16xi32>
        %lt3A_264 = arith.cmpi slt, %sub3A, %lt3A_263 : vector<16xi32>
        %and3A_265 = arith.andi %le3A, %lt3A_264 : vector<16xi1>
        %add3A_266 = arith.constant 0 : i32
        %add3A_267 = vector.broadcast %add3A_266 : i32 to vector<16xi32>
        %add3A_268 = arith.addi %add3A_267, %iota3A : vector<16xi32>
        %add3A_269 = arith.addi %gather3A, %add3A_268 : vector<16xi32>
        tpu.vector_store_idx %arg12[%sub3A], %get3A_258 masked %and3A_265 : memref<256xf32, #tpu.memory_space<vmem>>[vector<16xi32>], vector<16xf32>, vector<16xi1>
        tpu.vector_store_idx %arg13[%sub3A], %add3A_269 masked %and3A_265 : memref<256xi32, #tpu.memory_space<vmem>>[vector<16xi32>], vector<16xi32>, vector<16xi1>
        %add3A_270 = arith.addi %scan3A_254, %all_reduce_population_count3A : vector<16xi32>
        %get3A_271 = arith.index_cast %scan3A_253 : i32 to index
        %get3A_272 = arith.constant 16 : index
        %get3A_273 = tpu.vector_load %arg11[%get3A_271, %get3A_272] {strides = array<i32>} : memref<64x256xf32, #tpu.memory_space<vmem>>, vector<16xf32>,
        %le3A_274 = arith.cmpf ole, %get3A_273, %scan3A_28#4 : vector<16xf32>
        %all_reduce_population_count3A_275 = tpu.all_reduce %le3A_274 {dim = 0 : i64, kind = #tpu.reduction_kind<sum>} : vector<16xi1> -> vector<16xi32>
        %convert_element_type3A_276 = arith.extui %le3A_274 : vector<16xi1> to vector<16xi32>
        %broadcast_in_dim3A_277 = arith.constant true
        %broadcast_in_dim3A_278 = vector.broadcast %broadcast_in_dim3A_277 : i1 to vector<16xi1>
        %masked_cumsum3A_279 = tpu.scan <sum>, %convert_element_type3A_276 masked %broadcast_in_dim3A_278 : vector<16xi32>, vector<16xi1> -> vector<16xi32>
        %add3A_280 = arith.addi %add3A_270, %masked_cumsum3A_279 : vector<16xi32>
        %sub3A_281 = arith.subi %add3A_280, %convert_element_type3A_276 : vector<16xi32>
        %lt3A_282 = arith.constant 256 : i32
        %lt3A_283 = vector.broadcast %lt3A_282 : i32 to vector<16xi32>
        %lt3A_284 = arith.cmpi slt, %sub3A_281, %lt3A_283 : vector<16xi32>
        %and3A_285 = arith.andi %le3A_274, %lt3A_284 : vector<16xi1>
        %add3A_286 = arith.constant 16 : i32
        %add3A_287 = vector.broadcast %add3A_286 : i32 to vector<16xi32>
        %add3A_288 = arith.addi %add3A_287, %iota3A : vector<16xi32>
        %add3A_289 = arith.addi %gather3A, %add3A_288 : vector<16xi32>
        tpu.vector_store_idx %arg12[%sub3A_281], %get3A_273 masked %and3A_285 : memref<256xf32, #tpu.memory_space<vmem>>[vector<16xi32>], vector<16xf32>, vector<16xi1>
        tpu.vector_store_idx %arg13[%sub3A_281], %add3A_289 masked %and3A_285 : memref<256xi32, #tpu.memory_space<vmem>>[vector<16xi32>], vector<16xi32>, vector<16xi1>
        %add3A_290 = arith.addi %add3A_270, %all_reduce_population_count3A_275 : vector<16xi32>
        %get3A_291 = arith.index_cast %scan3A_253 : i32 to index
        %get3A_292 = arith.constant 32 : index
        %get3A_293 = tpu.vector_load %arg11[%get3A_291, %get3A_292] {strides = array<i32>} : memref<64x256xf32, #tpu.memory_space<vmem>>, vector<16xf32>,
        %le3A_294 = arith.cmpf ole, %get3A_293, %scan3A_28#4 : vector<16xf32>
        %all_reduce_population_count3A_295 = tpu.all_reduce %le3A_294 {dim = 0 : i64, kind = #tpu.reduction_kind<sum>} : vector<16xi1> -> vector<16xi32>
        %convert_element_type3A_296 = arith.extui %le3A_294 : vector<16xi1> to vector<16xi32>
        %broadcast_in_dim3A_297 = arith.constant true
        %broadcast_in_dim3A_298 = vector.broadcast %broadcast_in_dim3A_297 : i1 to vector<16xi1>
        %masked_cumsum3A_299 = tpu.scan <sum>, %convert_element_type3A_296 masked %broadcast_in_dim3A_298 : vector<16xi32>, vector<16xi1> -> vector<16xi32>
        %add3A_300 = arith.addi %add3A_290, %masked_cumsum3A_299 : vector<16xi32>
        %sub3A_301 = arith.subi %add3A_300, %convert_element_type3A_296 : vector<16xi32>
        %lt3A_302 = arith.constant 256 : i32
        %lt3A_303 = vector.broadcast %lt3A_302 : i32 to vector<16xi32>
        %lt3A_304 = arith.cmpi slt, %sub3A_301, %lt3A_303 : vector<16xi32>
        %and3A_305 = arith.andi %le3A_294, %lt3A_304 : vector<16xi1>
        %add3A_306 = arith.constant 32 : i32
        %add3A_307 = vector.broadcast %add3A_306 : i32 to vector<16xi32>
        %add3A_308 = arith.addi %add3A_307, %iota3A : vector<16xi32>
        %add3A_309 = arith.addi %gather3A, %add3A_308 : vector<16xi32>
        tpu.vector_store_idx %arg12[%sub3A_301], %get3A_293 masked %and3A_305 : memref<256xf32, #tpu.memory_space<vmem>>[vector<16xi32>], vector<16xf32>, vector<16xi1>
        tpu.vector_store_idx %arg13[%sub3A_301], %add3A_309 masked %and3A_305 : memref<256xi32, #tpu.memory_space<vmem>>[vector<16xi32>], vector<16xi32>, vector<16xi1>
        %add3A_310 = arith.addi %add3A_290, %all_reduce_population_count3A_295 : vector<16xi32>
        %get3A_311 = arith.index_cast %scan3A_253 : i32 to index
        %get3A_312 = arith.constant 48 : index
        %get3A_313 = tpu.vector_load %arg11[%get3A_311, %get3A_312] {strides = array<i32>} : memref<64x256xf32, #tpu.memory_space<vmem>>, vector<16xf32>,
        %le3A_314 = arith.cmpf ole, %get3A_313, %scan3A_28#4 : vector<16xf32>
        %all_reduce_population_count3A_315 = tpu.all_reduce %le3A_314 {dim = 0 : i64, kind = #tpu.reduction_kind<sum>} : vector<16xi1> -> vector<16xi32>
        %convert_element_type3A_316 = arith.extui %le3A_314 : vector<16xi1> to vector<16xi32>
        %broadcast_in_dim3A_317 = arith.constant true
        %broadcast_in_dim3A_318 = vector.broadcast %broadcast_in_dim3A_317 : i1 to vector<16xi1>
        %masked_cumsum3A_319 = tpu.scan <sum>, %convert_element_type3A_316 masked %broadcast_in_dim3A_318 : vector<16xi32>, vector<16xi1> -> vector<16xi32>
        %add3A_320 = arith.addi %add3A_310, %masked_cumsum3A_319 : vector<16xi32>
        %sub3A_321 = arith.subi %add3A_320, %convert_element_type3A_316 : vector<16xi32>
        %lt3A_322 = arith.constant 256 : i32
        %lt3A_323 = vector.broadcast %lt3A_322 : i32 to vector<16xi32>
        %lt3A_324 = arith.cmpi slt, %sub3A_321, %lt3A_323 : vector<16xi32>
        %and3A_325 = arith.andi %le3A_314, %lt3A_324 : vector<16xi1>
        %add3A_326 = arith.constant 48 : i32
        %add3A_327 = vector.broadcast %add3A_326 : i32 to vector<16xi32>
        %add3A_328 = arith.addi %add3A_327, %iota3A : vector<16xi32>
        %add3A_329 = arith.addi %gather3A, %add3A_328 : vector<16xi32>
        tpu.vector_store_idx %arg12[%sub3A_321], %get3A_313 masked %and3A_325 : memref<256xf32, #tpu.memory_space<vmem>>[vector<16xi32>], vector<16xf32>, vector<16xi1>
        tpu.vector_store_idx %arg13[%sub3A_321], %add3A_329 masked %and3A_325 : memref<256xi32, #tpu.memory_space<vmem>>[vector<16xi32>], vector<16xi32>, vector<16xi1>
        %add3A_330 = arith.addi %add3A_310, %all_reduce_population_count3A_315 : vector<16xi32>
        %get3A_331 = arith.index_cast %scan3A_253 : i32 to index
        %get3A_332 = arith.constant 64 : index
        %get3A_333 = tpu.vector_load %arg11[%get3A_331, %get3A_332] {strides = array<i32>} : memref<64x256xf32, #tpu.memory_space<vmem>>, vector<16xf32>,
        %le3A_334 = arith.cmpf ole, %get3A_333, %scan3A_28#4 : vector<16xf32>
        %all_reduce_population_count3A_335 = tpu.all_reduce %le3A_334 {dim = 0 : i64, kind = #tpu.reduction_kind<sum>} : vector<16xi1> -> vector<16xi32>
        %convert_element_type3A_336 = arith.extui %le3A_334 : vector<16xi1> to vector<16xi32>
        %broadcast_in_dim3A_337 = arith.constant true
        %broadcast_in_dim3A_338 = vector.broadcast %broadcast_in_dim3A_337 : i1 to vector<16xi1>
        %masked_cumsum3A_339 = tpu.scan <sum>, %convert_element_type3A_336 masked %broadcast_in_dim3A_338 : vector<16xi32>, vector<16xi1> -> vector<16xi32>
        %add3A_340 = arith.addi %add3A_330, %masked_cumsum3A_339 : vector<16xi32>
        %sub3A_341 = arith.subi %add3A_340, %convert_element_type3A_336 : vector<16xi32>
        %lt3A_342 = arith.constant 256 : i32
        %lt3A_343 = vector.broadcast %lt3A_342 : i32 to vector<16xi32>
        %lt3A_344 = arith.cmpi slt, %sub3A_341, %lt3A_343 : vector<16xi32>
        %and3A_345 = arith.andi %le3A_334, %lt3A_344 : vector<16xi1>
        %add3A_346 = arith.constant 64 : i32
        %add3A_347 = vector.broadcast %add3A_346 : i32 to vector<16xi32>
        %add3A_348 = arith.addi %add3A_347, %iota3A : vector<16xi32>
        %add3A_349 = arith.addi %gather3A, %add3A_348 : vector<16xi32>
        tpu.vector_store_idx %arg12[%sub3A_341], %get3A_333 masked %and3A_345 : memref<256xf32, #tpu.memory_space<vmem>>[vector<16xi32>], vector<16xf32>, vector<16xi1>
        tpu.vector_store_idx %arg13[%sub3A_341], %add3A_349 masked %and3A_345 : memref<256xi32, #tpu.memory_space<vmem>>[vector<16xi32>], vector<16xi32>, vector<16xi1>
        %add3A_350 = arith.addi %add3A_330, %all_reduce_population_count3A_335 : vector<16xi32>
        %get3A_351 = arith.index_cast %scan3A_253 : i32 to index
        %get3A_352 = arith.constant 80 : index
        %get3A_353 = tpu.vector_load %arg11[%get3A_351, %get3A_352] {strides = array<i32>} : memref<64x256xf32, #tpu.memory_space<vmem>>, vector<16xf32>,
        %le3A_354 = arith.cmpf ole, %get3A_353, %scan3A_28#4 : vector<16xf32>
        %all_reduce_population_count3A_355 = tpu.all_reduce %le3A_354 {dim = 0 : i64, kind = #tpu.reduction_kind<sum>} : vector<16xi1> -> vector<16xi32>
        %convert_element_type3A_356 = arith.extui %le3A_354 : vector<16xi1> to vector<16xi32>
        %broadcast_in_dim3A_357 = arith.constant true
        %broadcast_in_dim3A_358 = vector.broadcast %broadcast_in_dim3A_357 : i1 to vector<16xi1>
        %masked_cumsum3A_359 = tpu.scan <sum>, %convert_element_type3A_356 masked %broadcast_in_dim3A_358 : vector<16xi32>, vector<16xi1> -> vector<16xi32>
        %add3A_360 = arith.addi %add3A_350, %masked_cumsum3A_359 : vector<16xi32>
        %sub3A_361 = arith.subi %add3A_360, %convert_element_type3A_356 : vector<16xi32>
        %lt3A_362 = arith.constant 256 : i32
        %lt3A_363 = vector.broadcast %lt3A_362 : i32 to vector<16xi32>
        %lt3A_364 = arith.cmpi slt, %sub3A_361, %lt3A_363 : vector<16xi32>
        %and3A_365 = arith.andi %le3A_354, %lt3A_364 : vector<16xi1>
        %add3A_366 = arith.constant 80 : i32
        %add3A_367 = vector.broadcast %add3A_366 : i32 to vector<16xi32>
        %add3A_368 = arith.addi %add3A_367, %iota3A : vector<16xi32>
        %add3A_369 = arith.addi %gather3A, %add3A_368 : vector<16xi32>
        tpu.vector_store_idx %arg12[%sub3A_361], %get3A_353 masked %and3A_365 : memref<256xf32, #tpu.memory_space<vmem>>[vector<16xi32>], vector<16xf32>, vector<16xi1>
        tpu.vector_store_idx %arg13[%sub3A_361], %add3A_369 masked %and3A_365 : memref<256xi32, #tpu.memory_space<vmem>>[vector<16xi32>], vector<16xi32>, vector<16xi1>
        %add3A_370 = arith.addi %add3A_350, %all_reduce_population_count3A_355 : vector<16xi32>
        %get3A_371 = arith.index_cast %scan3A_253 : i32 to index
        %get3A_372 = arith.constant 96 : index
        %get3A_373 = tpu.vector_load %arg11[%get3A_371, %get3A_372] {strides = array<i32>} : memref<64x256xf32, #tpu.memory_space<vmem>>, vector<16xf32>,
        %le3A_374 = arith.cmpf ole, %get3A_373, %scan3A_28#4 : vector<16xf32>
        %all_reduce_population_count3A_375 = tpu.all_reduce %le3A_374 {dim = 0 : i64, kind = #tpu.reduction_kind<sum>} : vector<16xi1> -> vector<16xi32>
        %convert_element_type3A_376 = arith.extui %le3A_374 : vector<16xi1> to vector<16xi32>
        %broadcast_in_dim3A_377 = arith.constant true
        %broadcast_in_dim3A_378 = vector.broadcast %broadcast_in_dim3A_377 : i1 to vector<16xi1>
        %masked_cumsum3A_379 = tpu.scan <sum>, %convert_element_type3A_376 masked %broadcast_in_dim3A_378 : vector<16xi32>, vector<16xi1> -> vector<16xi32>
        %add3A_380 = arith.addi %add3A_370, %masked_cumsum3A_379 : vector<16xi32>
        %sub3A_381 = arith.subi %add3A_380, %convert_element_type3A_376 : vector<16xi32>
        %lt3A_382 = arith.constant 256 : i32
        %lt3A_383 = vector.broadcast %lt3A_382 : i32 to vector<16xi32>
        %lt3A_384 = arith.cmpi slt, %sub3A_381, %lt3A_383 : vector<16xi32>
        %and3A_385 = arith.andi %le3A_374, %lt3A_384 : vector<16xi1>
        %add3A_386 = arith.constant 96 : i32
        %add3A_387 = vector.broadcast %add3A_386 : i32 to vector<16xi32>
        %add3A_388 = arith.addi %add3A_387, %iota3A : vector<16xi32>
        %add3A_389 = arith.addi %gather3A, %add3A_388 : vector<16xi32>
        tpu.vector_store_idx %arg12[%sub3A_381], %get3A_373 masked %and3A_385 : memref<256xf32, #tpu.memory_space<vmem>>[vector<16xi32>], vector<16xf32>, vector<16xi1>
        tpu.vector_store_idx %arg13[%sub3A_381], %add3A_389 masked %and3A_385 : memref<256xi32, #tpu.memory_space<vmem>>[vector<16xi32>], vector<16xi32>, vector<16xi1>
        %add3A_390 = arith.addi %add3A_370, %all_reduce_population_count3A_375 : vector<16xi32>
        %get3A_391 = arith.index_cast %scan3A_253 : i32 to index
        %get3A_392 = arith.constant 112 : index
        %get3A_393 = tpu.vector_load %arg11[%get3A_391, %get3A_392] {strides = array<i32>} : memref<64x256xf32, #tpu.memory_space<vmem>>, vector<16xf32>,
        %le3A_394 = arith.cmpf ole, %get3A_393, %scan3A_28#4 : vector<16xf32>
        %all_reduce_population_count3A_395 = tpu.all_reduce %le3A_394 {dim = 0 : i64, kind = #tpu.reduction_kind<sum>} : vector<16xi1> -> vector<16xi32>
        %convert_element_type3A_396 = arith.extui %le3A_394 : vector<16xi1> to vector<16xi32>
        %broadcast_in_dim3A_397 = arith.constant true
        %broadcast_in_dim3A_398 = vector.broadcast %broadcast_in_dim3A_397 : i1 to vector<16xi1>
        %masked_cumsum3A_399 = tpu.scan <sum>, %convert_element_type3A_396 masked %broadcast_in_dim3A_398 : vector<16xi32>, vector<16xi1> -> vector<16xi32>
        %add3A_400 = arith.addi %add3A_390, %masked_cumsum3A_399 : vector<16xi32>
        %sub3A_401 = arith.subi %add3A_400, %convert_element_type3A_396 : vector<16xi32>
        %lt3A_402 = arith.constant 256 : i32
        %lt3A_403 = vector.broadcast %lt3A_402 : i32 to vector<16xi32>
        %lt3A_404 = arith.cmpi slt, %sub3A_401, %lt3A_403 : vector<16xi32>
        %and3A_405 = arith.andi %le3A_394, %lt3A_404 : vector<16xi1>
        %add3A_406 = arith.constant 112 : i32
        %add3A_407 = vector.broadcast %add3A_406 : i32 to vector<16xi32>
        %add3A_408 = arith.addi %add3A_407, %iota3A : vector<16xi32>
        %add3A_409 = arith.addi %gather3A, %add3A_408 : vector<16xi32>
        tpu.vector_store_idx %arg12[%sub3A_401], %get3A_393 masked %and3A_405 : memref<256xf32, #tpu.memory_space<vmem>>[vector<16xi32>], vector<16xf32>, vector<16xi1>
        tpu.vector_store_idx %arg13[%sub3A_401], %add3A_409 masked %and3A_405 : memref<256xi32, #tpu.memory_space<vmem>>[vector<16xi32>], vector<16xi32>, vector<16xi1>
        %add3A_410 = arith.addi %add3A_390, %all_reduce_population_count3A_395 : vector<16xi32>
        %get3A_411 = arith.index_cast %scan3A_253 : i32 to index
        %get3A_412 = arith.constant 128 : index
        %get3A_413 = tpu.vector_load %arg11[%get3A_411, %get3A_412] {strides = array<i32>} : memref<64x256xf32, #tpu.memory_space<vmem>>, vector<16xf32>,
        %le3A_414 = arith.cmpf ole, %get3A_413, %scan3A_28#4 : vector<16xf32>
        %all_reduce_population_count3A_415 = tpu.all_reduce %le3A_414 {dim = 0 : i64, kind = #tpu.reduction_kind<sum>} : vector<16xi1> -> vector<16xi32>
        %convert_element_type3A_416 = arith.extui %le3A_414 : vector<16xi1> to vector<16xi32>
        %broadcast_in_dim3A_417 = arith.constant true
        %broadcast_in_dim3A_418 = vector.broadcast %broadcast_in_dim3A_417 : i1 to vector<16xi1>
        %masked_cumsum3A_419 = tpu.scan <sum>, %convert_element_type3A_416 masked %broadcast_in_dim3A_418 : vector<16xi32>, vector<16xi1> -> vector<16xi32>
        %add3A_420 = arith.addi %add3A_410, %masked_cumsum3A_419 : vector<16xi32>
        %sub3A_421 = arith.subi %add3A_420, %convert_element_type3A_416 : vector<16xi32>
        %lt3A_422 = arith.constant 256 : i32
        %lt3A_423 = vector.broadcast %lt3A_422 : i32 to vector<16xi32>
        %lt3A_424 = arith.cmpi slt, %sub3A_421, %lt3A_423 : vector<16xi32>
        %and3A_425 = arith.andi %le3A_414, %lt3A_424 : vector<16xi1>
        %add3A_426 = arith.constant 128 : i32
        %add3A_427 = vector.broadcast %add3A_426 : i32 to vector<16xi32>
        %add3A_428 = arith.addi %add3A_427, %iota3A : vector<16xi32>
        %add3A_429 = arith.addi %gather3A, %add3A_428 : vector<16xi32>
        tpu.vector_store_idx %arg12[%sub3A_421], %get3A_413 masked %and3A_425 : memref<256xf32, #tpu.memory_space<vmem>>[vector<16xi32>], vector<16xf32>, vector<16xi1>
        tpu.vector_store_idx %arg13[%sub3A_421], %add3A_429 masked %and3A_425 : memref<256xi32, #tpu.memory_space<vmem>>[vector<16xi32>], vector<16xi32>, vector<16xi1>
        %add3A_430 = arith.addi %add3A_410, %all_reduce_population_count3A_415 : vector<16xi32>
        %get3A_431 = arith.index_cast %scan3A_253 : i32 to index
        %get3A_432 = arith.constant 144 : index
        %get3A_433 = tpu.vector_load %arg11[%get3A_431, %get3A_432] {strides = array<i32>} : memref<64x256xf32, #tpu.memory_space<vmem>>, vector<16xf32>,
        %le3A_434 = arith.cmpf ole, %get3A_433, %scan3A_28#4 : vector<16xf32>
        %all_reduce_population_count3A_435 = tpu.all_reduce %le3A_434 {dim = 0 : i64, kind = #tpu.reduction_kind<sum>} : vector<16xi1> -> vector<16xi32>
        %convert_element_type3A_436 = arith.extui %le3A_434 : vector<16xi1> to vector<16xi32>
        %broadcast_in_dim3A_437 = arith.constant true
        %broadcast_in_dim3A_438 = vector.broadcast %broadcast_in_dim3A_437 : i1 to vector<16xi1>
        %masked_cumsum3A_439 = tpu.scan <sum>, %convert_element_type3A_436 masked %broadcast_in_dim3A_438 : vector<16xi32>, vector<16xi1> -> vector<16xi32>
        %add3A_440 = arith.addi %add3A_430, %masked_cumsum3A_439 : vector<16xi32>
        %sub3A_441 = arith.subi %add3A_440, %convert_element_type3A_436 : vector<16xi32>
        %lt3A_442 = arith.constant 256 : i32
        %lt3A_443 = vector.broadcast %lt3A_442 : i32 to vector<16xi32>
        %lt3A_444 = arith.cmpi slt, %sub3A_441, %lt3A_443 : vector<16xi32>
        %and3A_445 = arith.andi %le3A_434, %lt3A_444 : vector<16xi1>
        %add3A_446 = arith.constant 144 : i32
        %add3A_447 = vector.broadcast %add3A_446 : i32 to vector<16xi32>
        %add3A_448 = arith.addi %add3A_447, %iota3A : vector<16xi32>
        %add3A_449 = arith.addi %gather3A, %add3A_448 : vector<16xi32>
        tpu.vector_store_idx %arg12[%sub3A_441], %get3A_433 masked %and3A_445 : memref<256xf32, #tpu.memory_space<vmem>>[vector<16xi32>], vector<16xf32>, vector<16xi1>
        tpu.vector_store_idx %arg13[%sub3A_441], %add3A_449 masked %and3A_445 : memref<256xi32, #tpu.memory_space<vmem>>[vector<16xi32>], vector<16xi32>, vector<16xi1>
        %add3A_450 = arith.addi %add3A_430, %all_reduce_population_count3A_435 : vector<16xi32>
        %get3A_451 = arith.index_cast %scan3A_253 : i32 to index
        %get3A_452 = arith.constant 160 : index
        %get3A_453 = tpu.vector_load %arg11[%get3A_451, %get3A_452] {strides = array<i32>} : memref<64x256xf32, #tpu.memory_space<vmem>>, vector<16xf32>,
        %le3A_454 = arith.cmpf ole, %get3A_453, %scan3A_28#4 : vector<16xf32>
        %all_reduce_population_count3A_455 = tpu.all_reduce %le3A_454 {dim = 0 : i64, kind = #tpu.reduction_kind<sum>} : vector<16xi1> -> vector<16xi32>
        %convert_element_type3A_456 = arith.extui %le3A_454 : vector<16xi1> to vector<16xi32>
        %broadcast_in_dim3A_457 = arith.constant true
        %broadcast_in_dim3A_458 = vector.broadcast %broadcast_in_dim3A_457 : i1 to vector<16xi1>
        %masked_cumsum3A_459 = tpu.scan <sum>, %convert_element_type3A_456 masked %broadcast_in_dim3A_458 : vector<16xi32>, vector<16xi1> -> vector<16xi32>
        %add3A_460 = arith.addi %add3A_450, %masked_cumsum3A_459 : vector<16xi32>
        %sub3A_461 = arith.subi %add3A_460, %convert_element_type3A_456 : vector<16xi32>
        %lt3A_462 = arith.constant 256 : i32
        %lt3A_463 = vector.broadcast %lt3A_462 : i32 to vector<16xi32>
        %lt3A_464 = arith.cmpi slt, %sub3A_461, %lt3A_463 : vector<16xi32>
        %and3A_465 = arith.andi %le3A_454, %lt3A_464 : vector<16xi1>
        %add3A_466 = arith.constant 160 : i32
        %add3A_467 = vector.broadcast %add3A_466 : i32 to vector<16xi32>
        %add3A_468 = arith.addi %add3A_467, %iota3A : vector<16xi32>
        %add3A_469 = arith.addi %gather3A, %add3A_468 : vector<16xi32>
        tpu.vector_store_idx %arg12[%sub3A_461], %get3A_453 masked %and3A_465 : memref<256xf32, #tpu.memory_space<vmem>>[vector<16xi32>], vector<16xf32>, vector<16xi1>
        tpu.vector_store_idx %arg13[%sub3A_461], %add3A_469 masked %and3A_465 : memref<256xi32, #tpu.memory_space<vmem>>[vector<16xi32>], vector<16xi32>, vector<16xi1>
        %add3A_470 = arith.addi %add3A_450, %all_reduce_population_count3A_455 : vector<16xi32>
        %get3A_471 = arith.index_cast %scan3A_253 : i32 to index
        %get3A_472 = arith.constant 176 : index
        %get3A_473 = tpu.vector_load %arg11[%get3A_471, %get3A_472] {strides = array<i32>} : memref<64x256xf32, #tpu.memory_space<vmem>>, vector<16xf32>,
        %le3A_474 = arith.cmpf ole, %get3A_473, %scan3A_28#4 : vector<16xf32>
        %all_reduce_population_count3A_475 = tpu.all_reduce %le3A_474 {dim = 0 : i64, kind = #tpu.reduction_kind<sum>} : vector<16xi1> -> vector<16xi32>
        %convert_element_type3A_476 = arith.extui %le3A_474 : vector<16xi1> to vector<16xi32>
        %broadcast_in_dim3A_477 = arith.constant true
        %broadcast_in_dim3A_478 = vector.broadcast %broadcast_in_dim3A_477 : i1 to vector<16xi1>
        %masked_cumsum3A_479 = tpu.scan <sum>, %convert_element_type3A_476 masked %broadcast_in_dim3A_478 : vector<16xi32>, vector<16xi1> -> vector<16xi32>
        %add3A_480 = arith.addi %add3A_470, %masked_cumsum3A_479 : vector<16xi32>
        %sub3A_481 = arith.subi %add3A_480, %convert_element_type3A_476 : vector<16xi32>
        %lt3A_482 = arith.constant 256 : i32
        %lt3A_483 = vector.broadcast %lt3A_482 : i32 to vector<16xi32>
        %lt3A_484 = arith.cmpi slt, %sub3A_481, %lt3A_483 : vector<16xi32>
        %and3A_485 = arith.andi %le3A_474, %lt3A_484 : vector<16xi1>
        %add3A_486 = arith.constant 176 : i32
        %add3A_487 = vector.broadcast %add3A_486 : i32 to vector<16xi32>
        %add3A_488 = arith.addi %add3A_487, %iota3A : vector<16xi32>
        %add3A_489 = arith.addi %gather3A, %add3A_488 : vector<16xi32>
        tpu.vector_store_idx %arg12[%sub3A_481], %get3A_473 masked %and3A_485 : memref<256xf32, #tpu.memory_space<vmem>>[vector<16xi32>], vector<16xf32>, vector<16xi1>
        tpu.vector_store_idx %arg13[%sub3A_481], %add3A_489 masked %and3A_485 : memref<256xi32, #tpu.memory_space<vmem>>[vector<16xi32>], vector<16xi32>, vector<16xi1>
        %add3A_490 = arith.addi %add3A_470, %all_reduce_population_count3A_475 : vector<16xi32>
        %get3A_491 = arith.index_cast %scan3A_253 : i32 to index
        %get3A_492 = arith.constant 192 : index
        %get3A_493 = tpu.vector_load %arg11[%get3A_491, %get3A_492] {strides = array<i32>} : memref<64x256xf32, #tpu.memory_space<vmem>>, vector<16xf32>,
        %le3A_494 = arith.cmpf ole, %get3A_493, %scan3A_28#4 : vector<16xf32>
        %all_reduce_population_count3A_495 = tpu.all_reduce %le3A_494 {dim = 0 : i64, kind = #tpu.reduction_kind<sum>} : vector<16xi1> -> vector<16xi32>
        %convert_element_type3A_496 = arith.extui %le3A_494 : vector<16xi1> to vector<16xi32>
        %broadcast_in_dim3A_497 = arith.constant true
        %broadcast_in_dim3A_498 = vector.broadcast %broadcast_in_dim3A_497 : i1 to vector<16xi1>
        %masked_cumsum3A_499 = tpu.scan <sum>, %convert_element_type3A_496 masked %broadcast_in_dim3A_498 : vector<16xi32>, vector<16xi1> -> vector<16xi32>
        %add3A_500 = arith.addi %add3A_490, %masked_cumsum3A_499 : vector<16xi32>
        %sub3A_501 = arith.subi %add3A_500, %convert_element_type3A_496 : vector<16xi32>
        %lt3A_502 = arith.constant 256 : i32
        %lt3A_503 = vector.broadcast %lt3A_502 : i32 to vector<16xi32>
        %lt3A_504 = arith.cmpi slt, %sub3A_501, %lt3A_503 : vector<16xi32>
        %and3A_505 = arith.andi %le3A_494, %lt3A_504 : vector<16xi1>
        %add3A_506 = arith.constant 192 : i32
        %add3A_507 = vector.broadcast %add3A_506 : i32 to vector<16xi32>
        %add3A_508 = arith.addi %add3A_507, %iota3A : vector<16xi32>
        %add3A_509 = arith.addi %gather3A, %add3A_508 : vector<16xi32>
        tpu.vector_store_idx %arg12[%sub3A_501], %get3A_493 masked %and3A_505 : memref<256xf32, #tpu.memory_space<vmem>>[vector<16xi32>], vector<16xf32>, vector<16xi1>
        tpu.vector_store_idx %arg13[%sub3A_501], %add3A_509 masked %and3A_505 : memref<256xi32, #tpu.memory_space<vmem>>[vector<16xi32>], vector<16xi32>, vector<16xi1>
        %add3A_510 = arith.addi %add3A_490, %all_reduce_population_count3A_495 : vector<16xi32>
        %get3A_511 = arith.index_cast %scan3A_253 : i32 to index
        %get3A_512 = arith.constant 208 : index
        %get3A_513 = tpu.vector_load %arg11[%get3A_511, %get3A_512] {strides = array<i32>} : memref<64x256xf32, #tpu.memory_space<vmem>>, vector<16xf32>,
        %le3A_514 = arith.cmpf ole, %get3A_513, %scan3A_28#4 : vector<16xf32>
        %all_reduce_population_count3A_515 = tpu.all_reduce %le3A_514 {dim = 0 : i64, kind = #tpu.reduction_kind<sum>} : vector<16xi1> -> vector<16xi32>
        %convert_element_type3A_516 = arith.extui %le3A_514 : vector<16xi1> to vector<16xi32>
        %broadcast_in_dim3A_517 = arith.constant true
        %broadcast_in_dim3A_518 = vector.broadcast %broadcast_in_dim3A_517 : i1 to vector<16xi1>
        %masked_cumsum3A_519 = tpu.scan <sum>, %convert_element_type3A_516 masked %broadcast_in_dim3A_518 : vector<16xi32>, vector<16xi1> -> vector<16xi32>
        %add3A_520 = arith.addi %add3A_510, %masked_cumsum3A_519 : vector<16xi32>
        %sub3A_521 = arith.subi %add3A_520, %convert_element_type3A_516 : vector<16xi32>
        %lt3A_522 = arith.constant 256 : i32
        %lt3A_523 = vector.broadcast %lt3A_522 : i32 to vector<16xi32>
        %lt3A_524 = arith.cmpi slt, %sub3A_521, %lt3A_523 : vector<16xi32>
        %and3A_525 = arith.andi %le3A_514, %lt3A_524 : vector<16xi1>
        %add3A_526 = arith.constant 208 : i32
        %add3A_527 = vector.broadcast %add3A_526 : i32 to vector<16xi32>
        %add3A_528 = arith.addi %add3A_527, %iota3A : vector<16xi32>
        %add3A_529 = arith.addi %gather3A, %add3A_528 : vector<16xi32>
        tpu.vector_store_idx %arg12[%sub3A_521], %get3A_513 masked %and3A_525 : memref<256xf32, #tpu.memory_space<vmem>>[vector<16xi32>], vector<16xf32>, vector<16xi1>
        tpu.vector_store_idx %arg13[%sub3A_521], %add3A_529 masked %and3A_525 : memref<256xi32, #tpu.memory_space<vmem>>[vector<16xi32>], vector<16xi32>, vector<16xi1>
        %add3A_530 = arith.addi %add3A_510, %all_reduce_population_count3A_515 : vector<16xi32>
        %get3A_531 = arith.index_cast %scan3A_253 : i32 to index
        %get3A_532 = arith.constant 224 : index
        %get3A_533 = tpu.vector_load %arg11[%get3A_531, %get3A_532] {strides = array<i32>} : memref<64x256xf32, #tpu.memory_space<vmem>>, vector<16xf32>,
        %le3A_534 = arith.cmpf ole, %get3A_533, %scan3A_28#4 : vector<16xf32>
        %all_reduce_population_count3A_535 = tpu.all_reduce %le3A_534 {dim = 0 : i64, kind = #tpu.reduction_kind<sum>} : vector<16xi1> -> vector<16xi32>
        %convert_element_type3A_536 = arith.extui %le3A_534 : vector<16xi1> to vector<16xi32>
        %broadcast_in_dim3A_537 = arith.constant true
        %broadcast_in_dim3A_538 = vector.broadcast %broadcast_in_dim3A_537 : i1 to vector<16xi1>
        %masked_cumsum3A_539 = tpu.scan <sum>, %convert_element_type3A_536 masked %broadcast_in_dim3A_538 : vector<16xi32>, vector<16xi1> -> vector<16xi32>
        %add3A_540 = arith.addi %add3A_530, %masked_cumsum3A_539 : vector<16xi32>
        %sub3A_541 = arith.subi %add3A_540, %convert_element_type3A_536 : vector<16xi32>
        %lt3A_542 = arith.constant 256 : i32
        %lt3A_543 = vector.broadcast %lt3A_542 : i32 to vector<16xi32>
        %lt3A_544 = arith.cmpi slt, %sub3A_541, %lt3A_543 : vector<16xi32>
        %and3A_545 = arith.andi %le3A_534, %lt3A_544 : vector<16xi1>
        %add3A_546 = arith.constant 224 : i32
        %add3A_547 = vector.broadcast %add3A_546 : i32 to vector<16xi32>
        %add3A_548 = arith.addi %add3A_547, %iota3A : vector<16xi32>
        %add3A_549 = arith.addi %gather3A, %add3A_548 : vector<16xi32>
        tpu.vector_store_idx %arg12[%sub3A_541], %get3A_533 masked %and3A_545 : memref<256xf32, #tpu.memory_space<vmem>>[vector<16xi32>], vector<16xf32>, vector<16xi1>
        tpu.vector_store_idx %arg13[%sub3A_541], %add3A_549 masked %and3A_545 : memref<256xi32, #tpu.memory_space<vmem>>[vector<16xi32>], vector<16xi32>, vector<16xi1>
        %add3A_550 = arith.addi %add3A_530, %all_reduce_population_count3A_535 : vector<16xi32>
        %get3A_551 = arith.index_cast %scan3A_253 : i32 to index
        %get3A_552 = arith.constant 240 : index
        %get3A_553 = tpu.vector_load %arg11[%get3A_551, %get3A_552] {strides = array<i32>} : memref<64x256xf32, #tpu.memory_space<vmem>>, vector<16xf32>,
        %le3A_554 = arith.cmpf ole, %get3A_553, %scan3A_28#4 : vector<16xf32>
        %all_reduce_population_count3A_555 = tpu.all_reduce %le3A_554 {dim = 0 : i64, kind = #tpu.reduction_kind<sum>} : vector<16xi1> -> vector<16xi32>
        %convert_element_type3A_556 = arith.extui %le3A_554 : vector<16xi1> to vector<16xi32>
        %broadcast_in_dim3A_557 = arith.constant true
        %broadcast_in_dim3A_558 = vector.broadcast %broadcast_in_dim3A_557 : i1 to vector<16xi1>
        %masked_cumsum3A_559 = tpu.scan <sum>, %convert_element_type3A_556 masked %broadcast_in_dim3A_558 : vector<16xi32>, vector<16xi1> -> vector<16xi32>
        %add3A_560 = arith.addi %add3A_550, %masked_cumsum3A_559 : vector<16xi32>
        %sub3A_561 = arith.subi %add3A_560, %convert_element_type3A_556 : vector<16xi32>
        %lt3A_562 = arith.constant 256 : i32
        %lt3A_563 = vector.broadcast %lt3A_562 : i32 to vector<16xi32>
        %lt3A_564 = arith.cmpi slt, %sub3A_561, %lt3A_563 : vector<16xi32>
        %and3A_565 = arith.andi %le3A_554, %lt3A_564 : vector<16xi1>
        %add3A_566 = arith.constant 240 : i32
        %add3A_567 = vector.broadcast %add3A_566 : i32 to vector<16xi32>
        %add3A_568 = arith.addi %add3A_567, %iota3A : vector<16xi32>
        %add3A_569 = arith.addi %gather3A, %add3A_568 : vector<16xi32>
        tpu.vector_store_idx %arg12[%sub3A_561], %get3A_553 masked %and3A_565 : memref<256xf32, #tpu.memory_space<vmem>>[vector<16xi32>], vector<16xf32>, vector<16xi1>
        tpu.vector_store_idx %arg13[%sub3A_561], %add3A_569 masked %and3A_565 : memref<256xi32, #tpu.memory_space<vmem>>[vector<16xi32>], vector<16xi32>, vector<16xi1>
        %add3A_570 = arith.addi %add3A_550, %all_reduce_population_count3A_555 : vector<16xi32>
        scf.yield %add3A_570 : vector<16xi32>
      }
      %scan3A_126 = arith.constant 64 : i32
      %scan3A_127 = arith.constant 0 : i32
      %scan3A_128 = arith.constant 50 : i32
      %scan3A_129 = arith.addi %scan3A_127, %scan3A_128 : i32
      %scan3A_130 = arith.constant 1 : i32
      %scan3A_131:4 = scf.for %scan3A_253 = %scan3A_127 to %scan3A_129 step %scan3A_130 iter_args(%scan3A_254 = %broadcast_in_dim3A_3, %scan3A_255 = %broadcast_in_dim3A_3, %scan3A_256 = %broadcast_in_dim3A_3, %scan3A_257 = %broadcast_in_dim3A_3) -> (vector<16xi32>, vector<16xi32>, vector<16xi32>, vector<16xi32>)  : i32 {
        %get3A_258 = arith.constant 0 : index
        %get3A_259 = tpu.vector_load %arg12[%get3A_258] {strides = array<i32>} : memref<256xf32, #tpu.memory_space<vmem>>, vector<16xf32>,
        %min3A = arith.minimumf %broadcast_in_dim3A_1, %get3A_259 : vector<16xf32>
        %get3A_260 = arith.constant 16 : index
        %get3A_261 = tpu.vector_load %arg12[%get3A_260] {strides = array<i32>} : memref<256xf32, #tpu.memory_space<vmem>>, vector<16xf32>,
        %min3A_262 = arith.minimumf %min3A, %get3A_261 : vector<16xf32>
        %get3A_263 = arith.constant 32 : index
        %get3A_264 = tpu.vector_load %arg12[%get3A_263] {strides = array<i32>} : memref<256xf32, #tpu.memory_space<vmem>>, vector<16xf32>,
        %min3A_265 = arith.minimumf %min3A_262, %get3A_264 : vector<16xf32>
        %get3A_266 = arith.constant 48 : index
        %get3A_267 = tpu.vector_load %arg12[%get3A_266] {strides = array<i32>} : memref<256xf32, #tpu.memory_space<vmem>>, vector<16xf32>,
        %min3A_268 = arith.minimumf %min3A_265, %get3A_267 : vector<16xf32>
        %get3A_269 = arith.constant 64 : index
        %get3A_270 = tpu.vector_load %arg12[%get3A_269] {strides = array<i32>} : memref<256xf32, #tpu.memory_space<vmem>>, vector<16xf32>,
        %min3A_271 = arith.minimumf %min3A_268, %get3A_270 : vector<16xf32>
        %get3A_272 = arith.constant 80 : index
        %get3A_273 = tpu.vector_load %arg12[%get3A_272] {strides = array<i32>} : memref<256xf32, #tpu.memory_space<vmem>>, vector<16xf32>,
        %min3A_274 = arith.minimumf %min3A_271, %get3A_273 : vector<16xf32>
        %get3A_275 = arith.constant 96 : index
        %get3A_276 = tpu.vector_load %arg12[%get3A_275] {strides = array<i32>} : memref<256xf32, #tpu.memory_space<vmem>>, vector<16xf32>,
        %min3A_277 = arith.minimumf %min3A_274, %get3A_276 : vector<16xf32>
        %get3A_278 = arith.constant 112 : index
        %get3A_279 = tpu.vector_load %arg12[%get3A_278] {strides = array<i32>} : memref<256xf32, #tpu.memory_space<vmem>>, vector<16xf32>,
        %min3A_280 = arith.minimumf %min3A_277, %get3A_279 : vector<16xf32>
        %get3A_281 = arith.constant 128 : index
        %get3A_282 = tpu.vector_load %arg12[%get3A_281] {strides = array<i32>} : memref<256xf32, #tpu.memory_space<vmem>>, vector<16xf32>,
        %min3A_283 = arith.minimumf %min3A_280, %get3A_282 : vector<16xf32>
        %get3A_284 = arith.constant 144 : index
        %get3A_285 = tpu.vector_load %arg12[%get3A_284] {strides = array<i32>} : memref<256xf32, #tpu.memory_space<vmem>>, vector<16xf32>,
        %min3A_286 = arith.minimumf %min3A_283, %get3A_285 : vector<16xf32>
        %get3A_287 = arith.constant 160 : index
        %get3A_288 = tpu.vector_load %arg12[%get3A_287] {strides = array<i32>} : memref<256xf32, #tpu.memory_space<vmem>>, vector<16xf32>,
        %min3A_289 = arith.minimumf %min3A_286, %get3A_288 : vector<16xf32>
        %get3A_290 = arith.constant 176 : index
        %get3A_291 = tpu.vector_load %arg12[%get3A_290] {strides = array<i32>} : memref<256xf32, #tpu.memory_space<vmem>>, vector<16xf32>,
        %min3A_292 = arith.minimumf %min3A_289, %get3A_291 : vector<16xf32>
        %get3A_293 = arith.constant 192 : index
        %get3A_294 = tpu.vector_load %arg12[%get3A_293] {strides = array<i32>} : memref<256xf32, #tpu.memory_space<vmem>>, vector<16xf32>,
        %min3A_295 = arith.minimumf %min3A_292, %get3A_294 : vector<16xf32>
        %get3A_296 = arith.constant 208 : index
        %get3A_297 = tpu.vector_load %arg12[%get3A_296] {strides = array<i32>} : memref<256xf32, #tpu.memory_space<vmem>>, vector<16xf32>,
        %min3A_298 = arith.minimumf %min3A_295, %get3A_297 : vector<16xf32>
        %get3A_299 = arith.constant 224 : index
        %get3A_300 = tpu.vector_load %arg12[%get3A_299] {strides = array<i32>} : memref<256xf32, #tpu.memory_space<vmem>>, vector<16xf32>,
        %min3A_301 = arith.minimumf %min3A_298, %get3A_300 : vector<16xf32>
        %get3A_302 = arith.constant 240 : index
        %get3A_303 = tpu.vector_load %arg12[%get3A_302] {strides = array<i32>} : memref<256xf32, #tpu.memory_space<vmem>>, vector<16xf32>,
        %min3A_304 = arith.minimumf %min3A_301, %get3A_303 : vector<16xf32>
        %reduce_min3A = arith.constant true
        %reduce_min3A_305 = vector.broadcast %reduce_min3A : i1 to vector<16xi1>
        %reduce_min3A_306 = tpu.scan <min>, %min3A_304 masked %reduce_min3A_305 : vector<16xf32>, vector<16xi1> -> vector<16xf32>
        %reduce_min3A_307 = vector.extract %reduce_min3A_306[15] : f32 from vector<16xf32>
        %broadcast_in_dim3A_308 = vector.broadcast %reduce_min3A_307 : f32 to vector<16xf32>
        %get3A_309 = arith.constant 0 : index
        %get3A_310 = tpu.vector_load %arg12[%get3A_309] {strides = array<i32>} : memref<256xf32, #tpu.memory_space<vmem>>, vector<16xf32>,
        %get3A_311 = arith.constant 0 : index
        %get3A_312 = tpu.vector_load %arg13[%get3A_311] {strides = array<i32>} : memref<256xi32, #tpu.memory_space<vmem>>, vector<16xi32>,
        %eq3A_313 = arith.cmpf oeq, %get3A_310, %broadcast_in_dim3A_308 : vector<16xf32>
        %select_n3A_314 = arith.select %eq3A_313, %get3A_312, %broadcast_in_dim3A_3 : vector<16xi1>, vector<16xi32>
        %min3A_315 = arith.minsi %broadcast_in_dim3A_3, %select_n3A_314 : vector<16xi32>
        %get3A_316 = arith.constant 16 : index
        %get3A_317 = tpu.vector_load %arg12[%get3A_316] {strides = array<i32>} : memref<256xf32, #tpu.memory_space<vmem>>, vector<16xf32>,
        %get3A_318 = arith.constant 16 : index
        %get3A_319 = tpu.vector_load %arg13[%get3A_318] {strides = array<i32>} : memref<256xi32, #tpu.memory_space<vmem>>, vector<16xi32>,
        %eq3A_320 = arith.cmpf oeq, %get3A_317, %broadcast_in_dim3A_308 : vector<16xf32>
        %select_n3A_321 = arith.select %eq3A_320, %get3A_319, %broadcast_in_dim3A_3 : vector<16xi1>, vector<16xi32>
        %min3A_322 = arith.minsi %min3A_315, %select_n3A_321 : vector<16xi32>
        %get3A_323 = arith.constant 32 : index
        %get3A_324 = tpu.vector_load %arg12[%get3A_323] {strides = array<i32>} : memref<256xf32, #tpu.memory_space<vmem>>, vector<16xf32>,
        %get3A_325 = arith.constant 32 : index
        %get3A_326 = tpu.vector_load %arg13[%get3A_325] {strides = array<i32>} : memref<256xi32, #tpu.memory_space<vmem>>, vector<16xi32>,
        %eq3A_327 = arith.cmpf oeq, %get3A_324, %broadcast_in_dim3A_308 : vector<16xf32>
        %select_n3A_328 = arith.select %eq3A_327, %get3A_326, %broadcast_in_dim3A_3 : vector<16xi1>, vector<16xi32>
        %min3A_329 = arith.minsi %min3A_322, %select_n3A_328 : vector<16xi32>
        %get3A_330 = arith.constant 48 : index
        %get3A_331 = tpu.vector_load %arg12[%get3A_330] {strides = array<i32>} : memref<256xf32, #tpu.memory_space<vmem>>, vector<16xf32>,
        %get3A_332 = arith.constant 48 : index
        %get3A_333 = tpu.vector_load %arg13[%get3A_332] {strides = array<i32>} : memref<256xi32, #tpu.memory_space<vmem>>, vector<16xi32>,
        %eq3A_334 = arith.cmpf oeq, %get3A_331, %broadcast_in_dim3A_308 : vector<16xf32>
        %select_n3A_335 = arith.select %eq3A_334, %get3A_333, %broadcast_in_dim3A_3 : vector<16xi1>, vector<16xi32>
        %min3A_336 = arith.minsi %min3A_329, %select_n3A_335 : vector<16xi32>
        %get3A_337 = arith.constant 64 : index
        %get3A_338 = tpu.vector_load %arg12[%get3A_337] {strides = array<i32>} : memref<256xf32, #tpu.memory_space<vmem>>, vector<16xf32>,
        %get3A_339 = arith.constant 64 : index
        %get3A_340 = tpu.vector_load %arg13[%get3A_339] {strides = array<i32>} : memref<256xi32, #tpu.memory_space<vmem>>, vector<16xi32>,
        %eq3A_341 = arith.cmpf oeq, %get3A_338, %broadcast_in_dim3A_308 : vector<16xf32>
        %select_n3A_342 = arith.select %eq3A_341, %get3A_340, %broadcast_in_dim3A_3 : vector<16xi1>, vector<16xi32>
        %min3A_343 = arith.minsi %min3A_336, %select_n3A_342 : vector<16xi32>
        %get3A_344 = arith.constant 80 : index
        %get3A_345 = tpu.vector_load %arg12[%get3A_344] {strides = array<i32>} : memref<256xf32, #tpu.memory_space<vmem>>, vector<16xf32>,
        %get3A_346 = arith.constant 80 : index
        %get3A_347 = tpu.vector_load %arg13[%get3A_346] {strides = array<i32>} : memref<256xi32, #tpu.memory_space<vmem>>, vector<16xi32>,
        %eq3A_348 = arith.cmpf oeq, %get3A_345, %broadcast_in_dim3A_308 : vector<16xf32>
        %select_n3A_349 = arith.select %eq3A_348, %get3A_347, %broadcast_in_dim3A_3 : vector<16xi1>, vector<16xi32>
        %min3A_350 = arith.minsi %min3A_343, %select_n3A_349 : vector<16xi32>
        %get3A_351 = arith.constant 96 : index
        %get3A_352 = tpu.vector_load %arg12[%get3A_351] {strides = array<i32>} : memref<256xf32, #tpu.memory_space<vmem>>, vector<16xf32>,
        %get3A_353 = arith.constant 96 : index
        %get3A_354 = tpu.vector_load %arg13[%get3A_353] {strides = array<i32>} : memref<256xi32, #tpu.memory_space<vmem>>, vector<16xi32>,
        %eq3A_355 = arith.cmpf oeq, %get3A_352, %broadcast_in_dim3A_308 : vector<16xf32>
        %select_n3A_356 = arith.select %eq3A_355, %get3A_354, %broadcast_in_dim3A_3 : vector<16xi1>, vector<16xi32>
        %min3A_357 = arith.minsi %min3A_350, %select_n3A_356 : vector<16xi32>
        %get3A_358 = arith.constant 112 : index
        %get3A_359 = tpu.vector_load %arg12[%get3A_358] {strides = array<i32>} : memref<256xf32, #tpu.memory_space<vmem>>, vector<16xf32>,
        %get3A_360 = arith.constant 112 : index
        %get3A_361 = tpu.vector_load %arg13[%get3A_360] {strides = array<i32>} : memref<256xi32, #tpu.memory_space<vmem>>, vector<16xi32>,
        %eq3A_362 = arith.cmpf oeq, %get3A_359, %broadcast_in_dim3A_308 : vector<16xf32>
        %select_n3A_363 = arith.select %eq3A_362, %get3A_361, %broadcast_in_dim3A_3 : vector<16xi1>, vector<16xi32>
        %min3A_364 = arith.minsi %min3A_357, %select_n3A_363 : vector<16xi32>
        %get3A_365 = arith.constant 128 : index
        %get3A_366 = tpu.vector_load %arg12[%get3A_365] {strides = array<i32>} : memref<256xf32, #tpu.memory_space<vmem>>, vector<16xf32>,
        %get3A_367 = arith.constant 128 : index
        %get3A_368 = tpu.vector_load %arg13[%get3A_367] {strides = array<i32>} : memref<256xi32, #tpu.memory_space<vmem>>, vector<16xi32>,
        %eq3A_369 = arith.cmpf oeq, %get3A_366, %broadcast_in_dim3A_308 : vector<16xf32>
        %select_n3A_370 = arith.select %eq3A_369, %get3A_368, %broadcast_in_dim3A_3 : vector<16xi1>, vector<16xi32>
        %min3A_371 = arith.minsi %min3A_364, %select_n3A_370 : vector<16xi32>
        %get3A_372 = arith.constant 144 : index
        %get3A_373 = tpu.vector_load %arg12[%get3A_372] {strides = array<i32>} : memref<256xf32, #tpu.memory_space<vmem>>, vector<16xf32>,
        %get3A_374 = arith.constant 144 : index
        %get3A_375 = tpu.vector_load %arg13[%get3A_374] {strides = array<i32>} : memref<256xi32, #tpu.memory_space<vmem>>, vector<16xi32>,
        %eq3A_376 = arith.cmpf oeq, %get3A_373, %broadcast_in_dim3A_308 : vector<16xf32>
        %select_n3A_377 = arith.select %eq3A_376, %get3A_375, %broadcast_in_dim3A_3 : vector<16xi1>, vector<16xi32>
        %min3A_378 = arith.minsi %min3A_371, %select_n3A_377 : vector<16xi32>
        %get3A_379 = arith.constant 160 : index
        %get3A_380 = tpu.vector_load %arg12[%get3A_379] {strides = array<i32>} : memref<256xf32, #tpu.memory_space<vmem>>, vector<16xf32>,
        %get3A_381 = arith.constant 160 : index
        %get3A_382 = tpu.vector_load %arg13[%get3A_381] {strides = array<i32>} : memref<256xi32, #tpu.memory_space<vmem>>, vector<16xi32>,
        %eq3A_383 = arith.cmpf oeq, %get3A_380, %broadcast_in_dim3A_308 : vector<16xf32>
        %select_n3A_384 = arith.select %eq3A_383, %get3A_382, %broadcast_in_dim3A_3 : vector<16xi1>, vector<16xi32>
        %min3A_385 = arith.minsi %min3A_378, %select_n3A_384 : vector<16xi32>
        %get3A_386 = arith.constant 176 : index
        %get3A_387 = tpu.vector_load %arg12[%get3A_386] {strides = array<i32>} : memref<256xf32, #tpu.memory_space<vmem>>, vector<16xf32>,
        %get3A_388 = arith.constant 176 : index
        %get3A_389 = tpu.vector_load %arg13[%get3A_388] {strides = array<i32>} : memref<256xi32, #tpu.memory_space<vmem>>, vector<16xi32>,
        %eq3A_390 = arith.cmpf oeq, %get3A_387, %broadcast_in_dim3A_308 : vector<16xf32>
        %select_n3A_391 = arith.select %eq3A_390, %get3A_389, %broadcast_in_dim3A_3 : vector<16xi1>, vector<16xi32>
        %min3A_392 = arith.minsi %min3A_385, %select_n3A_391 : vector<16xi32>
        %get3A_393 = arith.constant 192 : index
        %get3A_394 = tpu.vector_load %arg12[%get3A_393] {strides = array<i32>} : memref<256xf32, #tpu.memory_space<vmem>>, vector<16xf32>,
        %get3A_395 = arith.constant 192 : index
        %get3A_396 = tpu.vector_load %arg13[%get3A_395] {strides = array<i32>} : memref<256xi32, #tpu.memory_space<vmem>>, vector<16xi32>,
        %eq3A_397 = arith.cmpf oeq, %get3A_394, %broadcast_in_dim3A_308 : vector<16xf32>
        %select_n3A_398 = arith.select %eq3A_397, %get3A_396, %broadcast_in_dim3A_3 : vector<16xi1>, vector<16xi32>
        %min3A_399 = arith.minsi %min3A_392, %select_n3A_398 : vector<16xi32>
        %get3A_400 = arith.constant 208 : index
        %get3A_401 = tpu.vector_load %arg12[%get3A_400] {strides = array<i32>} : memref<256xf32, #tpu.memory_space<vmem>>, vector<16xf32>,
        %get3A_402 = arith.constant 208 : index
        %get3A_403 = tpu.vector_load %arg13[%get3A_402] {strides = array<i32>} : memref<256xi32, #tpu.memory_space<vmem>>, vector<16xi32>,
        %eq3A_404 = arith.cmpf oeq, %get3A_401, %broadcast_in_dim3A_308 : vector<16xf32>
        %select_n3A_405 = arith.select %eq3A_404, %get3A_403, %broadcast_in_dim3A_3 : vector<16xi1>, vector<16xi32>
        %min3A_406 = arith.minsi %min3A_399, %select_n3A_405 : vector<16xi32>
        %get3A_407 = arith.constant 224 : index
        %get3A_408 = tpu.vector_load %arg12[%get3A_407] {strides = array<i32>} : memref<256xf32, #tpu.memory_space<vmem>>, vector<16xf32>,
        %get3A_409 = arith.constant 224 : index
        %get3A_410 = tpu.vector_load %arg13[%get3A_409] {strides = array<i32>} : memref<256xi32, #tpu.memory_space<vmem>>, vector<16xi32>,
        %eq3A_411 = arith.cmpf oeq, %get3A_408, %broadcast_in_dim3A_308 : vector<16xf32>
        %select_n3A_412 = arith.select %eq3A_411, %get3A_410, %broadcast_in_dim3A_3 : vector<16xi1>, vector<16xi32>
        %min3A_413 = arith.minsi %min3A_406, %select_n3A_412 : vector<16xi32>
        %get3A_414 = arith.constant 240 : index
        %get3A_415 = tpu.vector_load %arg12[%get3A_414] {strides = array<i32>} : memref<256xf32, #tpu.memory_space<vmem>>, vector<16xf32>,
        %get3A_416 = arith.constant 240 : index
        %get3A_417 = tpu.vector_load %arg13[%get3A_416] {strides = array<i32>} : memref<256xi32, #tpu.memory_space<vmem>>, vector<16xi32>,
        %eq3A_418 = arith.cmpf oeq, %get3A_415, %broadcast_in_dim3A_308 : vector<16xf32>
        %select_n3A_419 = arith.select %eq3A_418, %get3A_417, %broadcast_in_dim3A_3 : vector<16xi1>, vector<16xi32>
        %min3A_420 = arith.minsi %min3A_413, %select_n3A_419 : vector<16xi32>
        %reduce_min3A_421 = arith.constant true
        %reduce_min3A_422 = vector.broadcast %reduce_min3A_421 : i1 to vector<16xi1>
        %reduce_min3A_423 = arith.constant -2147483648 : i32
        %reduce_min3A_424 = vector.broadcast %reduce_min3A_423 : i32 to vector<16xi32>
        %reduce_min3A_425 = arith.xori %min3A_420, %reduce_min3A_424 : vector<16xi32>
        %reduce_min3A_426 = tpu.scan <min>, %reduce_min3A_425 masked %reduce_min3A_422 : vector<16xi32>, vector<16xi1> -> vector<16xi32>
        %reduce_min3A_427 = arith.xori %reduce_min3A_426, %reduce_min3A_424 : vector<16xi32>
        %reduce_min3A_428 = vector.extract %reduce_min3A_427[15] : i32 from vector<16xi32>
        %broadcast_in_dim3A_429 = vector.broadcast %reduce_min3A_428 : i32 to vector<16xi32>
        %get3A_430 = arith.constant 0 : index
        %get3A_431 = tpu.vector_load %arg12[%get3A_430] {strides = array<i32>} : memref<256xf32, #tpu.memory_space<vmem>>, vector<16xf32>,
        %get3A_432 = arith.constant 0 : index
        %get3A_433 = tpu.vector_load %arg13[%get3A_432] {strides = array<i32>} : memref<256xi32, #tpu.memory_space<vmem>>, vector<16xi32>,
        %eq3A_434 = arith.cmpi eq, %get3A_433, %broadcast_in_dim3A_429 : vector<16xi32>
        %select_n3A_435 = arith.select %eq3A_434, %broadcast_in_dim3A_1, %get3A_431 : vector<16xi1>, vector<16xf32>
        %swap3A_436 = arith.constant 0 : index
        %swap3A_437 = tpu.vector_load %arg12[%swap3A_436] {strides = array<i32>} : memref<256xf32, #tpu.memory_space<vmem>>, vector<16xf32>,
        tpu.vector_store %arg12[%swap3A_436], %select_n3A_435 {strides = array<i32>} : memref<256xf32, #tpu.memory_space<vmem>>, vector<16xf32>,
        %get3A_438 = arith.constant 16 : index
        %get3A_439 = tpu.vector_load %arg12[%get3A_438] {strides = array<i32>} : memref<256xf32, #tpu.memory_space<vmem>>, vector<16xf32>,
        %get3A_440 = arith.constant 16 : index
        %get3A_441 = tpu.vector_load %arg13[%get3A_440] {strides = array<i32>} : memref<256xi32, #tpu.memory_space<vmem>>, vector<16xi32>,
        %eq3A_442 = arith.cmpi eq, %get3A_441, %broadcast_in_dim3A_429 : vector<16xi32>
        %select_n3A_443 = arith.select %eq3A_442, %broadcast_in_dim3A_1, %get3A_439 : vector<16xi1>, vector<16xf32>
        %swap3A_444 = arith.constant 16 : index
        %swap3A_445 = tpu.vector_load %arg12[%swap3A_444] {strides = array<i32>} : memref<256xf32, #tpu.memory_space<vmem>>, vector<16xf32>,
        tpu.vector_store %arg12[%swap3A_444], %select_n3A_443 {strides = array<i32>} : memref<256xf32, #tpu.memory_space<vmem>>, vector<16xf32>,
        %get3A_446 = arith.constant 32 : index
        %get3A_447 = tpu.vector_load %arg12[%get3A_446] {strides = array<i32>} : memref<256xf32, #tpu.memory_space<vmem>>, vector<16xf32>,
        %get3A_448 = arith.constant 32 : index
        %get3A_449 = tpu.vector_load %arg13[%get3A_448] {strides = array<i32>} : memref<256xi32, #tpu.memory_space<vmem>>, vector<16xi32>,
        %eq3A_450 = arith.cmpi eq, %get3A_449, %broadcast_in_dim3A_429 : vector<16xi32>
        %select_n3A_451 = arith.select %eq3A_450, %broadcast_in_dim3A_1, %get3A_447 : vector<16xi1>, vector<16xf32>
        %swap3A_452 = arith.constant 32 : index
        %swap3A_453 = tpu.vector_load %arg12[%swap3A_452] {strides = array<i32>} : memref<256xf32, #tpu.memory_space<vmem>>, vector<16xf32>,
        tpu.vector_store %arg12[%swap3A_452], %select_n3A_451 {strides = array<i32>} : memref<256xf32, #tpu.memory_space<vmem>>, vector<16xf32>,
        %get3A_454 = arith.constant 48 : index
        %get3A_455 = tpu.vector_load %arg12[%get3A_454] {strides = array<i32>} : memref<256xf32, #tpu.memory_space<vmem>>, vector<16xf32>,
        %get3A_456 = arith.constant 48 : index
        %get3A_457 = tpu.vector_load %arg13[%get3A_456] {strides = array<i32>} : memref<256xi32, #tpu.memory_space<vmem>>, vector<16xi32>,
        %eq3A_458 = arith.cmpi eq, %get3A_457, %broadcast_in_dim3A_429 : vector<16xi32>
        %select_n3A_459 = arith.select %eq3A_458, %broadcast_in_dim3A_1, %get3A_455 : vector<16xi1>, vector<16xf32>
        %swap3A_460 = arith.constant 48 : index
        %swap3A_461 = tpu.vector_load %arg12[%swap3A_460] {strides = array<i32>} : memref<256xf32, #tpu.memory_space<vmem>>, vector<16xf32>,
        tpu.vector_store %arg12[%swap3A_460], %select_n3A_459 {strides = array<i32>} : memref<256xf32, #tpu.memory_space<vmem>>, vector<16xf32>,
        %get3A_462 = arith.constant 64 : index
        %get3A_463 = tpu.vector_load %arg12[%get3A_462] {strides = array<i32>} : memref<256xf32, #tpu.memory_space<vmem>>, vector<16xf32>,
        %get3A_464 = arith.constant 64 : index
        %get3A_465 = tpu.vector_load %arg13[%get3A_464] {strides = array<i32>} : memref<256xi32, #tpu.memory_space<vmem>>, vector<16xi32>,
        %eq3A_466 = arith.cmpi eq, %get3A_465, %broadcast_in_dim3A_429 : vector<16xi32>
        %select_n3A_467 = arith.select %eq3A_466, %broadcast_in_dim3A_1, %get3A_463 : vector<16xi1>, vector<16xf32>
        %swap3A_468 = arith.constant 64 : index
        %swap3A_469 = tpu.vector_load %arg12[%swap3A_468] {strides = array<i32>} : memref<256xf32, #tpu.memory_space<vmem>>, vector<16xf32>,
        tpu.vector_store %arg12[%swap3A_468], %select_n3A_467 {strides = array<i32>} : memref<256xf32, #tpu.memory_space<vmem>>, vector<16xf32>,
        %get3A_470 = arith.constant 80 : index
        %get3A_471 = tpu.vector_load %arg12[%get3A_470] {strides = array<i32>} : memref<256xf32, #tpu.memory_space<vmem>>, vector<16xf32>,
        %get3A_472 = arith.constant 80 : index
        %get3A_473 = tpu.vector_load %arg13[%get3A_472] {strides = array<i32>} : memref<256xi32, #tpu.memory_space<vmem>>, vector<16xi32>,
        %eq3A_474 = arith.cmpi eq, %get3A_473, %broadcast_in_dim3A_429 : vector<16xi32>
        %select_n3A_475 = arith.select %eq3A_474, %broadcast_in_dim3A_1, %get3A_471 : vector<16xi1>, vector<16xf32>
        %swap3A_476 = arith.constant 80 : index
        %swap3A_477 = tpu.vector_load %arg12[%swap3A_476] {strides = array<i32>} : memref<256xf32, #tpu.memory_space<vmem>>, vector<16xf32>,
        tpu.vector_store %arg12[%swap3A_476], %select_n3A_475 {strides = array<i32>} : memref<256xf32, #tpu.memory_space<vmem>>, vector<16xf32>,
        %get3A_478 = arith.constant 96 : index
        %get3A_479 = tpu.vector_load %arg12[%get3A_478] {strides = array<i32>} : memref<256xf32, #tpu.memory_space<vmem>>, vector<16xf32>,
        %get3A_480 = arith.constant 96 : index
        %get3A_481 = tpu.vector_load %arg13[%get3A_480] {strides = array<i32>} : memref<256xi32, #tpu.memory_space<vmem>>, vector<16xi32>,
        %eq3A_482 = arith.cmpi eq, %get3A_481, %broadcast_in_dim3A_429 : vector<16xi32>
        %select_n3A_483 = arith.select %eq3A_482, %broadcast_in_dim3A_1, %get3A_479 : vector<16xi1>, vector<16xf32>
        %swap3A_484 = arith.constant 96 : index
        %swap3A_485 = tpu.vector_load %arg12[%swap3A_484] {strides = array<i32>} : memref<256xf32, #tpu.memory_space<vmem>>, vector<16xf32>,
        tpu.vector_store %arg12[%swap3A_484], %select_n3A_483 {strides = array<i32>} : memref<256xf32, #tpu.memory_space<vmem>>, vector<16xf32>,
        %get3A_486 = arith.constant 112 : index
        %get3A_487 = tpu.vector_load %arg12[%get3A_486] {strides = array<i32>} : memref<256xf32, #tpu.memory_space<vmem>>, vector<16xf32>,
        %get3A_488 = arith.constant 112 : index
        %get3A_489 = tpu.vector_load %arg13[%get3A_488] {strides = array<i32>} : memref<256xi32, #tpu.memory_space<vmem>>, vector<16xi32>,
        %eq3A_490 = arith.cmpi eq, %get3A_489, %broadcast_in_dim3A_429 : vector<16xi32>
        %select_n3A_491 = arith.select %eq3A_490, %broadcast_in_dim3A_1, %get3A_487 : vector<16xi1>, vector<16xf32>
        %swap3A_492 = arith.constant 112 : index
        %swap3A_493 = tpu.vector_load %arg12[%swap3A_492] {strides = array<i32>} : memref<256xf32, #tpu.memory_space<vmem>>, vector<16xf32>,
        tpu.vector_store %arg12[%swap3A_492], %select_n3A_491 {strides = array<i32>} : memref<256xf32, #tpu.memory_space<vmem>>, vector<16xf32>,
        %get3A_494 = arith.constant 128 : index
        %get3A_495 = tpu.vector_load %arg12[%get3A_494] {strides = array<i32>} : memref<256xf32, #tpu.memory_space<vmem>>, vector<16xf32>,
        %get3A_496 = arith.constant 128 : index
        %get3A_497 = tpu.vector_load %arg13[%get3A_496] {strides = array<i32>} : memref<256xi32, #tpu.memory_space<vmem>>, vector<16xi32>,
        %eq3A_498 = arith.cmpi eq, %get3A_497, %broadcast_in_dim3A_429 : vector<16xi32>
        %select_n3A_499 = arith.select %eq3A_498, %broadcast_in_dim3A_1, %get3A_495 : vector<16xi1>, vector<16xf32>
        %swap3A_500 = arith.constant 128 : index
        %swap3A_501 = tpu.vector_load %arg12[%swap3A_500] {strides = array<i32>} : memref<256xf32, #tpu.memory_space<vmem>>, vector<16xf32>,
        tpu.vector_store %arg12[%swap3A_500], %select_n3A_499 {strides = array<i32>} : memref<256xf32, #tpu.memory_space<vmem>>, vector<16xf32>,
        %get3A_502 = arith.constant 144 : index
        %get3A_503 = tpu.vector_load %arg12[%get3A_502] {strides = array<i32>} : memref<256xf32, #tpu.memory_space<vmem>>, vector<16xf32>,
        %get3A_504 = arith.constant 144 : index
        %get3A_505 = tpu.vector_load %arg13[%get3A_504] {strides = array<i32>} : memref<256xi32, #tpu.memory_space<vmem>>, vector<16xi32>,
        %eq3A_506 = arith.cmpi eq, %get3A_505, %broadcast_in_dim3A_429 : vector<16xi32>
        %select_n3A_507 = arith.select %eq3A_506, %broadcast_in_dim3A_1, %get3A_503 : vector<16xi1>, vector<16xf32>
        %swap3A_508 = arith.constant 144 : index
        %swap3A_509 = tpu.vector_load %arg12[%swap3A_508] {strides = array<i32>} : memref<256xf32, #tpu.memory_space<vmem>>, vector<16xf32>,
        tpu.vector_store %arg12[%swap3A_508], %select_n3A_507 {strides = array<i32>} : memref<256xf32, #tpu.memory_space<vmem>>, vector<16xf32>,
        %get3A_510 = arith.constant 160 : index
        %get3A_511 = tpu.vector_load %arg12[%get3A_510] {strides = array<i32>} : memref<256xf32, #tpu.memory_space<vmem>>, vector<16xf32>,
        %get3A_512 = arith.constant 160 : index
        %get3A_513 = tpu.vector_load %arg13[%get3A_512] {strides = array<i32>} : memref<256xi32, #tpu.memory_space<vmem>>, vector<16xi32>,
        %eq3A_514 = arith.cmpi eq, %get3A_513, %broadcast_in_dim3A_429 : vector<16xi32>
        %select_n3A_515 = arith.select %eq3A_514, %broadcast_in_dim3A_1, %get3A_511 : vector<16xi1>, vector<16xf32>
        %swap3A_516 = arith.constant 160 : index
        %swap3A_517 = tpu.vector_load %arg12[%swap3A_516] {strides = array<i32>} : memref<256xf32, #tpu.memory_space<vmem>>, vector<16xf32>,
        tpu.vector_store %arg12[%swap3A_516], %select_n3A_515 {strides = array<i32>} : memref<256xf32, #tpu.memory_space<vmem>>, vector<16xf32>,
        %get3A_518 = arith.constant 176 : index
        %get3A_519 = tpu.vector_load %arg12[%get3A_518] {strides = array<i32>} : memref<256xf32, #tpu.memory_space<vmem>>, vector<16xf32>,
        %get3A_520 = arith.constant 176 : index
        %get3A_521 = tpu.vector_load %arg13[%get3A_520] {strides = array<i32>} : memref<256xi32, #tpu.memory_space<vmem>>, vector<16xi32>,
        %eq3A_522 = arith.cmpi eq, %get3A_521, %broadcast_in_dim3A_429 : vector<16xi32>
        %select_n3A_523 = arith.select %eq3A_522, %broadcast_in_dim3A_1, %get3A_519 : vector<16xi1>, vector<16xf32>
        %swap3A_524 = arith.constant 176 : index
        %swap3A_525 = tpu.vector_load %arg12[%swap3A_524] {strides = array<i32>} : memref<256xf32, #tpu.memory_space<vmem>>, vector<16xf32>,
        tpu.vector_store %arg12[%swap3A_524], %select_n3A_523 {strides = array<i32>} : memref<256xf32, #tpu.memory_space<vmem>>, vector<16xf32>,
        %get3A_526 = arith.constant 192 : index
        %get3A_527 = tpu.vector_load %arg12[%get3A_526] {strides = array<i32>} : memref<256xf32, #tpu.memory_space<vmem>>, vector<16xf32>,
        %get3A_528 = arith.constant 192 : index
        %get3A_529 = tpu.vector_load %arg13[%get3A_528] {strides = array<i32>} : memref<256xi32, #tpu.memory_space<vmem>>, vector<16xi32>,
        %eq3A_530 = arith.cmpi eq, %get3A_529, %broadcast_in_dim3A_429 : vector<16xi32>
        %select_n3A_531 = arith.select %eq3A_530, %broadcast_in_dim3A_1, %get3A_527 : vector<16xi1>, vector<16xf32>
        %swap3A_532 = arith.constant 192 : index
        %swap3A_533 = tpu.vector_load %arg12[%swap3A_532] {strides = array<i32>} : memref<256xf32, #tpu.memory_space<vmem>>, vector<16xf32>,
        tpu.vector_store %arg12[%swap3A_532], %select_n3A_531 {strides = array<i32>} : memref<256xf32, #tpu.memory_space<vmem>>, vector<16xf32>,
        %get3A_534 = arith.constant 208 : index
        %get3A_535 = tpu.vector_load %arg12[%get3A_534] {strides = array<i32>} : memref<256xf32, #tpu.memory_space<vmem>>, vector<16xf32>,
        %get3A_536 = arith.constant 208 : index
        %get3A_537 = tpu.vector_load %arg13[%get3A_536] {strides = array<i32>} : memref<256xi32, #tpu.memory_space<vmem>>, vector<16xi32>,
        %eq3A_538 = arith.cmpi eq, %get3A_537, %broadcast_in_dim3A_429 : vector<16xi32>
        %select_n3A_539 = arith.select %eq3A_538, %broadcast_in_dim3A_1, %get3A_535 : vector<16xi1>, vector<16xf32>
        %swap3A_540 = arith.constant 208 : index
        %swap3A_541 = tpu.vector_load %arg12[%swap3A_540] {strides = array<i32>} : memref<256xf32, #tpu.memory_space<vmem>>, vector<16xf32>,
        tpu.vector_store %arg12[%swap3A_540], %select_n3A_539 {strides = array<i32>} : memref<256xf32, #tpu.memory_space<vmem>>, vector<16xf32>,
        %get3A_542 = arith.constant 224 : index
        %get3A_543 = tpu.vector_load %arg12[%get3A_542] {strides = array<i32>} : memref<256xf32, #tpu.memory_space<vmem>>, vector<16xf32>,
        %get3A_544 = arith.constant 224 : index
        %get3A_545 = tpu.vector_load %arg13[%get3A_544] {strides = array<i32>} : memref<256xi32, #tpu.memory_space<vmem>>, vector<16xi32>,
        %eq3A_546 = arith.cmpi eq, %get3A_545, %broadcast_in_dim3A_429 : vector<16xi32>
        %select_n3A_547 = arith.select %eq3A_546, %broadcast_in_dim3A_1, %get3A_543 : vector<16xi1>, vector<16xf32>
        %swap3A_548 = arith.constant 224 : index
        %swap3A_549 = tpu.vector_load %arg12[%swap3A_548] {strides = array<i32>} : memref<256xf32, #tpu.memory_space<vmem>>, vector<16xf32>,
        tpu.vector_store %arg12[%swap3A_548], %select_n3A_547 {strides = array<i32>} : memref<256xf32, #tpu.memory_space<vmem>>, vector<16xf32>,
        %get3A_550 = arith.constant 240 : index
        %get3A_551 = tpu.vector_load %arg12[%get3A_550] {strides = array<i32>} : memref<256xf32, #tpu.memory_space<vmem>>, vector<16xf32>,
        %get3A_552 = arith.constant 240 : index
        %get3A_553 = tpu.vector_load %arg13[%get3A_552] {strides = array<i32>} : memref<256xi32, #tpu.memory_space<vmem>>, vector<16xi32>,
        %eq3A_554 = arith.cmpi eq, %get3A_553, %broadcast_in_dim3A_429 : vector<16xi32>
        %select_n3A_555 = arith.select %eq3A_554, %broadcast_in_dim3A_1, %get3A_551 : vector<16xi1>, vector<16xf32>
        %swap3A_556 = arith.constant 240 : index
        %swap3A_557 = tpu.vector_load %arg12[%swap3A_556] {strides = array<i32>} : memref<256xf32, #tpu.memory_space<vmem>>, vector<16xf32>,
        tpu.vector_store %arg12[%swap3A_556], %select_n3A_555 {strides = array<i32>} : memref<256xf32, #tpu.memory_space<vmem>>, vector<16xf32>,
        %jit3A = arith.constant 16 : i32
        %div3A_558 = arith.divsi %scan3A_253, %jit3A : i32
        %sign3A = arith.constant 0 : i32
        %sign3A_559 = arith.cmpi sgt, %scan3A_253, %sign3A : i32
        %sign3A_560 = arith.extui %sign3A_559 : i1 to i32
        %sign3A_561 = arith.constant 0 : i32
        %sign3A_562 = arith.cmpi slt, %scan3A_253, %sign3A_561 : i32
        %sign3A_563 = arith.extui %sign3A_562 : i1 to i32
        %sign3A_564 = arith.subi %sign3A_560, %sign3A_563 : i32
        %sign3A_565 = arith.constant 0 : i32
        %sign3A_566 = arith.cmpi sgt, %jit3A, %sign3A_565 : i32
        %sign3A_567 = arith.extui %sign3A_566 : i1 to i32
        %sign3A_568 = arith.constant 0 : i32
        %sign3A_569 = arith.cmpi slt, %jit3A, %sign3A_568 : i32
        %sign3A_570 = arith.extui %sign3A_569 : i1 to i32
        %sign3A_571 = arith.subi %sign3A_567, %sign3A_570 : i32
        %ne3A = arith.cmpi ne, %sign3A_564, %sign3A_571 : i32
        %rem3A = arith.remsi %scan3A_253, %jit3A : i32
        %ne3A_572 = arith.constant 0 : i32
        %ne3A_573 = arith.cmpi ne, %rem3A, %ne3A_572 : i32
        %and3A_574 = arith.andi %ne3A, %ne3A_573 : i1
        %sub3A = arith.constant 1 : i32
        %sub3A_575 = arith.subi %div3A_558, %sub3A : i32
        %select_n3A_576 = arith.select %and3A_574, %sub3A_575, %div3A_558 : i32
        %mul3A_577 = arith.constant 16 : i32
        %mul3A_578 = arith.muli %select_n3A_576, %mul3A_577 : i32
        %sub3A_579 = arith.subi %scan3A_253, %mul3A_578 : i32
        %broadcast_in_dim3A_580 = vector.broadcast %sub3A_579 : i32 to vector<16xi32>
        %eq3A_581 = arith.cmpi eq, %iota3A, %broadcast_in_dim3A_580 : vector<16xi32>
        %broadcast_in_dim3A_582 = vector.broadcast %select_n3A_576 : i32 to vector<16xi32>
        %eq3A_583 = arith.constant 0 : i32
        %eq3A_584 = vector.broadcast %eq3A_583 : i32 to vector<16xi32>
        %eq3A_585 = arith.cmpi eq, %broadcast_in_dim3A_582, %eq3A_584 : vector<16xi32>
        %and3A_586 = arith.andi %eq3A_581, %eq3A_585 : vector<16xi1>
        %select_n3A_587 = arith.select %and3A_586, %broadcast_in_dim3A_429, %scan3A_254 : vector<16xi1>, vector<16xi32>
        %eq3A_588 = arith.constant 1 : i32
        %eq3A_589 = vector.broadcast %eq3A_588 : i32 to vector<16xi32>
        %eq3A_590 = arith.cmpi eq, %broadcast_in_dim3A_582, %eq3A_589 : vector<16xi32>
        %and3A_591 = arith.andi %eq3A_581, %eq3A_590 : vector<16xi1>
        %select_n3A_592 = arith.select %and3A_591, %broadcast_in_dim3A_429, %scan3A_255 : vector<16xi1>, vector<16xi32>
        %eq3A_593 = arith.constant 2 : i32
        %eq3A_594 = vector.broadcast %eq3A_593 : i32 to vector<16xi32>
        %eq3A_595 = arith.cmpi eq, %broadcast_in_dim3A_582, %eq3A_594 : vector<16xi32>
        %and3A_596 = arith.andi %eq3A_581, %eq3A_595 : vector<16xi1>
        %select_n3A_597 = arith.select %and3A_596, %broadcast_in_dim3A_429, %scan3A_256 : vector<16xi1>, vector<16xi32>
        %eq3A_598 = arith.constant 3 : i32
        %eq3A_599 = vector.broadcast %eq3A_598 : i32 to vector<16xi32>
        %eq3A_600 = arith.cmpi eq, %broadcast_in_dim3A_582, %eq3A_599 : vector<16xi32>
        %and3A_601 = arith.andi %eq3A_581, %eq3A_600 : vector<16xi1>
        %select_n3A_602 = arith.select %and3A_601, %broadcast_in_dim3A_429, %scan3A_257 : vector<16xi1>, vector<16xi32>
        scf.yield %select_n3A_587, %select_n3A_592, %select_n3A_597, %select_n3A_602 : vector<16xi32>, vector<16xi32>, vector<16xi32>, vector<16xi32>
      }
      %scan3A_132 = arith.constant 50 : i32
      %get3A = arith.constant 0 : index
      %get3A_133 = tpu.vector_load %arg15[%get3A] {strides = array<i32>} : memref<16xf32, #tpu.memory_space<vmem>>, vector<16xf32>,
      %swap3A_134 = arith.constant 0 : index
      %swap3A_135 = tpu.vector_load %arg17[%swap3A_134] {strides = array<i32>} : memref<64xi32, #tpu.memory_space<vmem>>, vector<16xi32>,
      tpu.vector_store %arg17[%swap3A_134], %scan3A_131#0 {strides = array<i32>} : memref<64xi32, #tpu.memory_space<vmem>>, vector<16xi32>,
      %get3A_136 = arith.constant 0 : index
      %get3A_137 = tpu.vector_load %arg14[%get3A_136] {strides = array<i32>} : memref<256xf32, #tpu.memory_space<vmem>>, vector<16xf32>,
      %div3A = arith.divf %get3A_137, %get3A_133 : vector<16xf32>
      %swap3A_138 = arith.constant 0 : index
      %swap3A_139 = tpu.vector_load %arg18[%swap3A_138] {strides = array<i32>} : memref<64xf32, #tpu.memory_space<vmem>>, vector<16xf32>,
      tpu.vector_store %arg18[%swap3A_138], %div3A {strides = array<i32>} : memref<64xf32, #tpu.memory_space<vmem>>, vector<16xf32>,
      %swap3A_140 = arith.constant 16 : index
      %swap3A_141 = tpu.vector_load %arg17[%swap3A_140] {strides = array<i32>} : memref<64xi32, #tpu.memory_space<vmem>>, vector<16xi32>,
      tpu.vector_store %arg17[%swap3A_140], %scan3A_131#1 {strides = array<i32>} : memref<64xi32, #tpu.memory_space<vmem>>, vector<16xi32>,
      %get3A_142 = arith.constant 16 : index
      %get3A_143 = tpu.vector_load %arg14[%get3A_142] {strides = array<i32>} : memref<256xf32, #tpu.memory_space<vmem>>, vector<16xf32>,
      %div3A_144 = arith.divf %get3A_143, %get3A_133 : vector<16xf32>
      %swap3A_145 = arith.constant 16 : index
      %swap3A_146 = tpu.vector_load %arg18[%swap3A_145] {strides = array<i32>} : memref<64xf32, #tpu.memory_space<vmem>>, vector<16xf32>,
      tpu.vector_store %arg18[%swap3A_145], %div3A_144 {strides = array<i32>} : memref<64xf32, #tpu.memory_space<vmem>>, vector<16xf32>,
      %swap3A_147 = arith.constant 32 : index
      %swap3A_148 = tpu.vector_load %arg17[%swap3A_147] {strides = array<i32>} : memref<64xi32, #tpu.memory_space<vmem>>, vector<16xi32>,
      tpu.vector_store %arg17[%swap3A_147], %scan3A_131#2 {strides = array<i32>} : memref<64xi32, #tpu.memory_space<vmem>>, vector<16xi32>,
      %get3A_149 = arith.constant 32 : index
      %get3A_150 = tpu.vector_load %arg14[%get3A_149] {strides = array<i32>} : memref<256xf32, #tpu.memory_space<vmem>>, vector<16xf32>,
      %div3A_151 = arith.divf %get3A_150, %get3A_133 : vector<16xf32>
      %swap3A_152 = arith.constant 32 : index
      %swap3A_153 = tpu.vector_load %arg18[%swap3A_152] {strides = array<i32>} : memref<64xf32, #tpu.memory_space<vmem>>, vector<16xf32>,
      tpu.vector_store %arg18[%swap3A_152], %div3A_151 {strides = array<i32>} : memref<64xf32, #tpu.memory_space<vmem>>, vector<16xf32>,
      %swap3A_154 = arith.constant 48 : index
      %swap3A_155 = tpu.vector_load %arg17[%swap3A_154] {strides = array<i32>} : memref<64xi32, #tpu.memory_space<vmem>>, vector<16xi32>,
      tpu.vector_store %arg17[%swap3A_154], %scan3A_131#3 {strides = array<i32>} : memref<64xi32, #tpu.memory_space<vmem>>, vector<16xi32>,
      %get3A_156 = arith.constant 48 : index
      %get3A_157 = tpu.vector_load %arg14[%get3A_156] {strides = array<i32>} : memref<256xf32, #tpu.memory_space<vmem>>, vector<16xf32>,
      %div3A_158 = arith.divf %get3A_157, %get3A_133 : vector<16xf32>
      %swap3A_159 = arith.constant 48 : index
      %swap3A_160 = tpu.vector_load %arg18[%swap3A_159] {strides = array<i32>} : memref<64xf32, #tpu.memory_space<vmem>>, vector<16xf32>,
      tpu.vector_store %arg18[%swap3A_159], %div3A_158 {strides = array<i32>} : memref<64xf32, #tpu.memory_space<vmem>>, vector<16xf32>,
      %broadcast_in_dim3A_161 = arith.constant 100000 : i32
      %broadcast_in_dim3A_162 = vector.broadcast %broadcast_in_dim3A_161 : i32 to vector<16xi32>
      %lt3A = arith.cmpi slt, %scan3A_131#0, %broadcast_in_dim3A_162 : vector<16xi32>
      %add3A_163 = arith.constant 0 : i32
      %add3A_164 = vector.broadcast %add3A_163 : i32 to vector<16xi32>
      %add3A_165 = arith.addi %iota3A, %add3A_164 : vector<16xi32>
      %lt3A_166 = arith.constant 50 : i32
      %lt3A_167 = vector.broadcast %lt3A_166 : i32 to vector<16xi32>
      %lt3A_168 = arith.cmpi slt, %add3A_165, %lt3A_167 : vector<16xi32>
      %and3A = arith.andi %lt3A, %lt3A_168 : vector<16xi1>
      %get3A_169 = arith.constant 0 : index
      %get3A_170 = tpu.vector_load %arg18[%get3A_169] {strides = array<i32>} : memref<64xf32, #tpu.memory_space<vmem>>, vector<16xf32>,
      tpu.vector_store_idx %arg16[%scan3A_131#0], %get3A_170 masked %and3A : memref<100000xf32, #tpu.memory_space<vmem>>[vector<16xi32>], vector<16xf32>, vector<16xi1>
      %broadcast_in_dim3A_171 = arith.constant 100000 : i32
      %broadcast_in_dim3A_172 = vector.broadcast %broadcast_in_dim3A_171 : i32 to vector<16xi32>
      %lt3A_173 = arith.cmpi slt, %scan3A_131#1, %broadcast_in_dim3A_172 : vector<16xi32>
      %add3A_174 = arith.constant 16 : i32
      %add3A_175 = vector.broadcast %add3A_174 : i32 to vector<16xi32>
      %add3A_176 = arith.addi %iota3A, %add3A_175 : vector<16xi32>
      %lt3A_177 = arith.constant 50 : i32
      %lt3A_178 = vector.broadcast %lt3A_177 : i32 to vector<16xi32>
      %lt3A_179 = arith.cmpi slt, %add3A_176, %lt3A_178 : vector<16xi32>
      %and3A_180 = arith.andi %lt3A_173, %lt3A_179 : vector<16xi1>
      %get3A_181 = arith.constant 16 : index
      %get3A_182 = tpu.vector_load %arg18[%get3A_181] {strides = array<i32>} : memref<64xf32, #tpu.memory_space<vmem>>, vector<16xf32>,
      tpu.vector_store_idx %arg16[%scan3A_131#1], %get3A_182 masked %and3A_180 : memref<100000xf32, #tpu.memory_space<vmem>>[vector<16xi32>], vector<16xf32>, vector<16xi1>
      %broadcast_in_dim3A_183 = arith.constant 100000 : i32
      %broadcast_in_dim3A_184 = vector.broadcast %broadcast_in_dim3A_183 : i32 to vector<16xi32>
      %lt3A_185 = arith.cmpi slt, %scan3A_131#2, %broadcast_in_dim3A_184 : vector<16xi32>
      %add3A_186 = arith.constant 32 : i32
      %add3A_187 = vector.broadcast %add3A_186 : i32 to vector<16xi32>
      %add3A_188 = arith.addi %iota3A, %add3A_187 : vector<16xi32>
      %lt3A_189 = arith.constant 50 : i32
      %lt3A_190 = vector.broadcast %lt3A_189 : i32 to vector<16xi32>
      %lt3A_191 = arith.cmpi slt, %add3A_188, %lt3A_190 : vector<16xi32>
      %and3A_192 = arith.andi %lt3A_185, %lt3A_191 : vector<16xi1>
      %get3A_193 = arith.constant 32 : index
      %get3A_194 = tpu.vector_load %arg18[%get3A_193] {strides = array<i32>} : memref<64xf32, #tpu.memory_space<vmem>>, vector<16xf32>,
      tpu.vector_store_idx %arg16[%scan3A_131#2], %get3A_194 masked %and3A_192 : memref<100000xf32, #tpu.memory_space<vmem>>[vector<16xi32>], vector<16xf32>, vector<16xi1>
      %broadcast_in_dim3A_195 = arith.constant 100000 : i32
      %broadcast_in_dim3A_196 = vector.broadcast %broadcast_in_dim3A_195 : i32 to vector<16xi32>
      %lt3A_197 = arith.cmpi slt, %scan3A_131#3, %broadcast_in_dim3A_196 : vector<16xi32>
      %add3A_198 = arith.constant 48 : i32
      %add3A_199 = vector.broadcast %add3A_198 : i32 to vector<16xi32>
      %add3A_200 = arith.addi %iota3A, %add3A_199 : vector<16xi32>
      %lt3A_201 = arith.constant 50 : i32
      %lt3A_202 = vector.broadcast %lt3A_201 : i32 to vector<16xi32>
      %lt3A_203 = arith.cmpi slt, %add3A_200, %lt3A_202 : vector<16xi32>
      %and3A_204 = arith.andi %lt3A_197, %lt3A_203 : vector<16xi1>
      %get3A_205 = arith.constant 48 : index
      %get3A_206 = tpu.vector_load %arg18[%get3A_205] {strides = array<i32>} : memref<64xf32, #tpu.memory_space<vmem>>, vector<16xf32>,
      tpu.vector_store_idx %arg16[%scan3A_131#3], %get3A_206 masked %and3A_204 : memref<100000xf32, #tpu.memory_space<vmem>>[vector<16xi32>], vector<16xf32>, vector<16xi1>
      %get3A_207 = arith.constant 0 : index
      %get3A_208 = tpu.vector_load %arg16[%get3A_207] {strides = array<i32>} : memref<100000xf32, #tpu.memory_space<vmem>>, vector<16xf32>,
      %eq3A = arith.constant 0 : i32
      %eq3A_209 = vector.broadcast %eq3A : i32 to vector<16xi32>
      %eq3A_210 = arith.cmpi eq, %iota3A, %eq3A_209 : vector<16xi32>
      %select_n3A = arith.select %eq3A_210, %broadcast_in_dim3A_5, %get3A_208 : vector<16xi1>, vector<16xf32>
      %swap3A_211 = arith.constant 0 : index
      %swap3A_212 = tpu.vector_load %arg16[%swap3A_211] {strides = array<i32>} : memref<100000xf32, #tpu.memory_space<vmem>>, vector<16xf32>,
      tpu.vector_store %arg16[%swap3A_211], %select_n3A {strides = array<i32>} : memref<100000xf32, #tpu.memory_space<vmem>>, vector<16xf32>,
      "tpu.region"() ({
        %run_scoped3A = tpu.sem_alloc : memref<!tpu.dma_semaphore, #tpu.memory_space<semaphore_mem>>
        %dma_start3A = arith.constant 0 : i32
        %dma_start3A_253 = tpu.memref_slice %arg5[%add3A_23, %dma_start3A] : memref<128x100000xf32, #tpu.memory_space<hbm>> -> memref<1x100000xf32, #tpu.memory_space<hbm>>
        %dma_start3A_254 = tpu.memref_squeeze %dma_start3A_253 : memref<1x100000xf32, #tpu.memory_space<hbm>> -> memref<100000xf32, #tpu.memory_space<hbm>>
        %dma_start3A_255 = arith.constant 0 : i32
        %dma_start3A_256 = tpu.memref_slice %arg5[%add3A_23, %dma_start3A_255] : memref<128x100000xf32, #tpu.memory_space<hbm>> -> memref<1x100000xf32, #tpu.memory_space<hbm>>
        %dma_start3A_257 = tpu.memref_squeeze %dma_start3A_256 : memref<1x100000xf32, #tpu.memory_space<hbm>> -> memref<100000xf32, #tpu.memory_space<hbm>>
        tpu.enqueue_dma source(%arg16 : memref<100000xf32, #tpu.memory_space<vmem>>) target(%dma_start3A_257 : memref<100000xf32, #tpu.memory_space<hbm>>) target_semaphore(%run_scoped3A : memref<!tpu.dma_semaphore, #tpu.memory_space<semaphore_mem>>)
        %dma_wait3A_258 = arith.constant 0 : i32
        %dma_wait3A_259 = tpu.memref_slice %arg5[%add3A_23, %dma_wait3A_258] : memref<128x100000xf32, #tpu.memory_space<hbm>> -> memref<1x100000xf32, #tpu.memory_space<hbm>>
        %dma_wait3A_260 = tpu.memref_squeeze %dma_wait3A_259 : memref<1x100000xf32, #tpu.memory_space<hbm>> -> memref<100000xf32, #tpu.memory_space<hbm>>
        %dma_wait3A_261 = arith.constant 0 : i32
        %dma_wait3A_262 = tpu.memref_slice %arg5[%add3A_23, %dma_wait3A_261] : memref<128x100000xf32, #tpu.memory_space<hbm>> -> memref<1x100000xf32, #tpu.memory_space<hbm>>
        %dma_wait3A_263 = tpu.memref_squeeze %dma_wait3A_262 : memref<1x100000xf32, #tpu.memory_space<hbm>> -> memref<100000xf32, #tpu.memory_space<hbm>>
        tpu.wait_dma2 semaphore(%run_scoped3A : memref<!tpu.dma_semaphore, #tpu.memory_space<semaphore_mem>>) src(%arg16 : memref<100000xf32, #tpu.memory_space<vmem>>) dst(%dma_wait3A_263 : memref<100000xf32, #tpu.memory_space<hbm>>)
        tpu.yield
      }) : () -> ()
      %broadcast_in_dim3A_213 = arith.constant 100000 : i32
      %broadcast_in_dim3A_214 = vector.broadcast %broadcast_in_dim3A_213 : i32 to vector<16xi32>
      %lt3A_215 = arith.cmpi slt, %scan3A_131#0, %broadcast_in_dim3A_214 : vector<16xi32>
      %add3A_216 = arith.constant 0 : i32
      %add3A_217 = vector.broadcast %add3A_216 : i32 to vector<16xi32>
      %add3A_218 = arith.addi %iota3A, %add3A_217 : vector<16xi32>
      %lt3A_219 = arith.constant 50 : i32
      %lt3A_220 = vector.broadcast %lt3A_219 : i32 to vector<16xi32>
      %lt3A_221 = arith.cmpi slt, %add3A_218, %lt3A_220 : vector<16xi32>
      %and3A_222 = arith.andi %lt3A_215, %lt3A_221 : vector<16xi1>
      tpu.vector_store_idx %arg16[%scan3A_131#0], %broadcast_in_dim3A_5 masked %and3A_222 : memref<100000xf32, #tpu.memory_space<vmem>>[vector<16xi32>], vector<16xf32>, vector<16xi1>
      %broadcast_in_dim3A_223 = arith.constant 100000 : i32
      %broadcast_in_dim3A_224 = vector.broadcast %broadcast_in_dim3A_223 : i32 to vector<16xi32>
      %lt3A_225 = arith.cmpi slt, %scan3A_131#1, %broadcast_in_dim3A_224 : vector<16xi32>
      %add3A_226 = arith.constant 16 : i32
      %add3A_227 = vector.broadcast %add3A_226 : i32 to vector<16xi32>
      %add3A_228 = arith.addi %iota3A, %add3A_227 : vector<16xi32>
      %lt3A_229 = arith.constant 50 : i32
      %lt3A_230 = vector.broadcast %lt3A_229 : i32 to vector<16xi32>
      %lt3A_231 = arith.cmpi slt, %add3A_228, %lt3A_230 : vector<16xi32>
      %and3A_232 = arith.andi %lt3A_225, %lt3A_231 : vector<16xi1>
      tpu.vector_store_idx %arg16[%scan3A_131#1], %broadcast_in_dim3A_5 masked %and3A_232 : memref<100000xf32, #tpu.memory_space<vmem>>[vector<16xi32>], vector<16xf32>, vector<16xi1>
      %broadcast_in_dim3A_233 = arith.constant 100000 : i32
      %broadcast_in_dim3A_234 = vector.broadcast %broadcast_in_dim3A_233 : i32 to vector<16xi32>
      %lt3A_235 = arith.cmpi slt, %scan3A_131#2, %broadcast_in_dim3A_234 : vector<16xi32>
      %add3A_236 = arith.constant 32 : i32
      %add3A_237 = vector.broadcast %add3A_236 : i32 to vector<16xi32>
      %add3A_238 = arith.addi %iota3A, %add3A_237 : vector<16xi32>
      %lt3A_239 = arith.constant 50 : i32
      %lt3A_240 = vector.broadcast %lt3A_239 : i32 to vector<16xi32>
      %lt3A_241 = arith.cmpi slt, %add3A_238, %lt3A_240 : vector<16xi32>
      %and3A_242 = arith.andi %lt3A_235, %lt3A_241 : vector<16xi1>
      tpu.vector_store_idx %arg16[%scan3A_131#2], %broadcast_in_dim3A_5 masked %and3A_242 : memref<100000xf32, #tpu.memory_space<vmem>>[vector<16xi32>], vector<16xf32>, vector<16xi1>
      %broadcast_in_dim3A_243 = arith.constant 100000 : i32
      %broadcast_in_dim3A_244 = vector.broadcast %broadcast_in_dim3A_243 : i32 to vector<16xi32>
      %lt3A_245 = arith.cmpi slt, %scan3A_131#3, %broadcast_in_dim3A_244 : vector<16xi32>
      %add3A_246 = arith.constant 48 : i32
      %add3A_247 = vector.broadcast %add3A_246 : i32 to vector<16xi32>
      %add3A_248 = arith.addi %iota3A, %add3A_247 : vector<16xi32>
      %lt3A_249 = arith.constant 50 : i32
      %lt3A_250 = vector.broadcast %lt3A_249 : i32 to vector<16xi32>
      %lt3A_251 = arith.cmpi slt, %add3A_248, %lt3A_250 : vector<16xi32>
      %and3A_252 = arith.andi %lt3A_245, %lt3A_251 : vector<16xi1>
      tpu.vector_store_idx %arg16[%scan3A_131#3], %broadcast_in_dim3A_5 masked %and3A_252 : memref<100000xf32, #tpu.memory_space<vmem>>[vector<16xi32>], vector<16xf32>, vector<16xi1>
      "tpu.region"() ({
        %run_scoped3A = tpu.sem_alloc : memref<!tpu.dma_semaphore, #tpu.memory_space<semaphore_mem>>
        %dma_start3A = arith.constant 0 : i32
        %dma_start3A_253 = tpu.memref_slice %arg6[%add3A_23, %dma_start3A] : memref<128x64xi32, #tpu.memory_space<hbm>> -> memref<1x64xi32, #tpu.memory_space<hbm>>
        %dma_start3A_254 = tpu.memref_squeeze %dma_start3A_253 : memref<1x64xi32, #tpu.memory_space<hbm>> -> memref<64xi32, #tpu.memory_space<hbm>>
        %dma_start3A_255 = arith.constant 0 : i32
        %dma_start3A_256 = tpu.memref_slice %arg6[%add3A_23, %dma_start3A_255] : memref<128x64xi32, #tpu.memory_space<hbm>> -> memref<1x64xi32, #tpu.memory_space<hbm>>
        %dma_start3A_257 = tpu.memref_squeeze %dma_start3A_256 : memref<1x64xi32, #tpu.memory_space<hbm>> -> memref<64xi32, #tpu.memory_space<hbm>>
        tpu.enqueue_dma source(%arg17 : memref<64xi32, #tpu.memory_space<vmem>>) target(%dma_start3A_257 : memref<64xi32, #tpu.memory_space<hbm>>) target_semaphore(%run_scoped3A : memref<!tpu.dma_semaphore, #tpu.memory_space<semaphore_mem>>)
        %dma_wait3A_258 = arith.constant 0 : i32
        %dma_wait3A_259 = tpu.memref_slice %arg6[%add3A_23, %dma_wait3A_258] : memref<128x64xi32, #tpu.memory_space<hbm>> -> memref<1x64xi32, #tpu.memory_space<hbm>>
        %dma_wait3A_260 = tpu.memref_squeeze %dma_wait3A_259 : memref<1x64xi32, #tpu.memory_space<hbm>> -> memref<64xi32, #tpu.memory_space<hbm>>
        %dma_wait3A_261 = arith.constant 0 : i32
        %dma_wait3A_262 = tpu.memref_slice %arg6[%add3A_23, %dma_wait3A_261] : memref<128x64xi32, #tpu.memory_space<hbm>> -> memref<1x64xi32, #tpu.memory_space<hbm>>
        %dma_wait3A_263 = tpu.memref_squeeze %dma_wait3A_262 : memref<1x64xi32, #tpu.memory_space<hbm>> -> memref<64xi32, #tpu.memory_space<hbm>>
        tpu.wait_dma2 semaphore(%run_scoped3A : memref<!tpu.dma_semaphore, #tpu.memory_space<semaphore_mem>>) src(%arg17 : memref<64xi32, #tpu.memory_space<vmem>>) dst(%dma_wait3A_263 : memref<64xi32, #tpu.memory_space<hbm>>)
        tpu.yield
      }) : () -> ()
      "tpu.region"() ({
        %run_scoped3A = tpu.sem_alloc : memref<!tpu.dma_semaphore, #tpu.memory_space<semaphore_mem>>
        %dma_start3A = arith.constant 0 : i32
        %dma_start3A_253 = tpu.memref_slice %arg7[%add3A_23, %dma_start3A] : memref<128x64xf32, #tpu.memory_space<hbm>> -> memref<1x64xf32, #tpu.memory_space<hbm>>
        %dma_start3A_254 = tpu.memref_squeeze %dma_start3A_253 : memref<1x64xf32, #tpu.memory_space<hbm>> -> memref<64xf32, #tpu.memory_space<hbm>>
        %dma_start3A_255 = arith.constant 0 : i32
        %dma_start3A_256 = tpu.memref_slice %arg7[%add3A_23, %dma_start3A_255] : memref<128x64xf32, #tpu.memory_space<hbm>> -> memref<1x64xf32, #tpu.memory_space<hbm>>
        %dma_start3A_257 = tpu.memref_squeeze %dma_start3A_256 : memref<1x64xf32, #tpu.memory_space<hbm>> -> memref<64xf32, #tpu.memory_space<hbm>>
        tpu.enqueue_dma source(%arg18 : memref<64xf32, #tpu.memory_space<vmem>>) target(%dma_start3A_257 : memref<64xf32, #tpu.memory_space<hbm>>) target_semaphore(%run_scoped3A : memref<!tpu.dma_semaphore, #tpu.memory_space<semaphore_mem>>)
        %dma_wait3A_258 = arith.constant 0 : i32
        %dma_wait3A_259 = tpu.memref_slice %arg7[%add3A_23, %dma_wait3A_258] : memref<128x64xf32, #tpu.memory_space<hbm>> -> memref<1x64xf32, #tpu.memory_space<hbm>>
        %dma_wait3A_260 = tpu.memref_squeeze %dma_wait3A_259 : memref<1x64xf32, #tpu.memory_space<hbm>> -> memref<64xf32, #tpu.memory_space<hbm>>
        %dma_wait3A_261 = arith.constant 0 : i32
        %dma_wait3A_262 = tpu.memref_slice %arg7[%add3A_23, %dma_wait3A_261] : memref<128x64xf32, #tpu.memory_space<hbm>> -> memref<1x64xf32, #tpu.memory_space<hbm>>
        %dma_wait3A_263 = tpu.memref_squeeze %dma_wait3A_262 : memref<1x64xf32, #tpu.memory_space<hbm>> -> memref<64xf32, #tpu.memory_space<hbm>>
        tpu.wait_dma2 semaphore(%run_scoped3A : memref<!tpu.dma_semaphore, #tpu.memory_space<semaphore_mem>>) src(%arg18 : memref<64xf32, #tpu.memory_space<vmem>>) dst(%dma_wait3A_263 : memref<64xf32, #tpu.memory_space<hbm>>)
        tpu.yield
      }) : () -> ()
    }
    %scan3A_19 = arith.constant 4 : i32
    return
  }
}

module attributes {stable_mosaic.version = 14 : i64} {
  func.func @_k1a_body(%arg0: i32, %arg1: i32, %arg2: memref<8x32768xf32, #tpu.memory_space<vmem>>, %arg3: memref<8x128xf32, #tpu.memory_space<vmem>>) attributes {dimension_semantics = [#tpu.dimension_semantics<arbitrary>, #tpu.dimension_semantics<arbitrary>], iteration_bounds = array<i64: 16, 4>, scalar_prefetch = 0 : i64, scratch_operands = 0 : i64, tpu.core_type = #tpu.core_type<tc>, window_params = [{transform_indices = @transform_0, window_bounds = array<i64: 8, 32768>}, {transform_indices = @transform_1, window_bounds = array<i64: 8, 128>}]} {
    %get3A = arith.constant 0 : index
    %get3A_0 = arith.constant 0 : index
    %get3A_1 = vector.load %arg2[%get3A, %get3A_0] : memref<8x32768xf32, #tpu.memory_space<vmem>>, vector<8x32768xf32>
    %eq3A = arith.constant 0 : i32
    %eq3A_2 = arith.cmpi eq, %arg1, %eq3A : i32
    %convert_element_type3A = arith.extui %eq3A_2 : i1 to i32
    %cond3A = arith.constant 0 : i32
    %cond3A_3 = arith.cmpi ne, %convert_element_type3A, %cond3A : i32
    scf.if %cond3A_3 {
      %reduce_max3A = arith.constant dense<0xFF800000> : vector<8xf32>
      %reduce_max3A_14 = vector.multi_reduction <maximumf>, %get3A_1, %reduce_max3A [1] : vector<8x32768xf32> to vector<8xf32>
      %broadcast_in_dim3A = vector.shape_cast %reduce_max3A_14 : vector<8xf32> to vector<8x1xf32>
      %broadcast_in_dim3A_15 = vector.shape_cast %broadcast_in_dim3A : vector<8x1xf32> to vector<8x1xf32>
      %broadcast_in_dim3A_16 = vector.broadcast %broadcast_in_dim3A_15 : vector<8x1xf32> to vector<8x128xf32>
      %swap3A = arith.constant 0 : index
      %swap3A_17 = arith.constant 0 : index
      %swap3A_18 = vector.load %arg3[%swap3A, %swap3A_17] : memref<8x128xf32, #tpu.memory_space<vmem>>, vector<8x128xf32>
      tpu.vector_store %arg3[%swap3A, %swap3A_17], %broadcast_in_dim3A_16 {strides = array<i32>} : memref<8x128xf32, #tpu.memory_space<vmem>>, vector<8x128xf32>,
    } else {
    }
    %gt3A = arith.constant 0 : i32
    %gt3A_4 = arith.cmpi sgt, %arg1, %gt3A : i32
    %lt3A = arith.constant 3 : i32
    %lt3A_5 = arith.cmpi slt, %arg1, %lt3A : i32
    %and3A = arith.andi %gt3A_4, %lt3A_5 : i1
    %convert_element_type3A_6 = arith.extui %and3A : i1 to i32
    %cond3A_7 = arith.constant 0 : i32
    %cond3A_8 = arith.cmpi ne, %convert_element_type3A_6, %cond3A_7 : i32
    scf.if %cond3A_8 {
      %reduce_max3A = arith.constant dense<0xFF800000> : vector<8xf32>
      %reduce_max3A_14 = vector.multi_reduction <maximumf>, %get3A_1, %reduce_max3A [1] : vector<8x32768xf32> to vector<8xf32>
      %broadcast_in_dim3A = vector.shape_cast %reduce_max3A_14 : vector<8xf32> to vector<8x1xf32>
      %broadcast_in_dim3A_15 = vector.shape_cast %broadcast_in_dim3A : vector<8x1xf32> to vector<8x1xf32>
      %broadcast_in_dim3A_16 = vector.broadcast %broadcast_in_dim3A_15 : vector<8x1xf32> to vector<8x128xf32>
      %get3A_17 = arith.constant 0 : index
      %get3A_18 = arith.constant 0 : index
      %get3A_19 = vector.load %arg3[%get3A_17, %get3A_18] : memref<8x128xf32, #tpu.memory_space<vmem>>, vector<8x128xf32>
      %max3A = arith.maximumf %get3A_19, %broadcast_in_dim3A_16 : vector<8x128xf32>
      %swap3A = arith.constant 0 : index
      %swap3A_20 = arith.constant 0 : index
      %swap3A_21 = vector.load %arg3[%swap3A, %swap3A_20] : memref<8x128xf32, #tpu.memory_space<vmem>>, vector<8x128xf32>
      tpu.vector_store %arg3[%swap3A, %swap3A_20], %max3A {strides = array<i32>} : memref<8x128xf32, #tpu.memory_space<vmem>>, vector<8x128xf32>,
    } else {
    }
    %eq3A_9 = arith.constant 3 : i32
    %eq3A_10 = arith.cmpi eq, %arg1, %eq3A_9 : i32
    %convert_element_type3A_11 = arith.extui %eq3A_10 : i1 to i32
    %cond3A_12 = arith.constant 0 : i32
    %cond3A_13 = arith.cmpi ne, %convert_element_type3A_11, %cond3A_12 : i32
    scf.if %cond3A_13 {
      %mul3A = arith.constant 32768 : i32
      %mul3A_14 = arith.muli %arg1, %mul3A : i32
      %iota3A = tpu.iota {dimensions = array<i32: 1>} : vector<8x32768xi32>
      %add3A = vector.broadcast %mul3A_14 : i32 to vector<8x32768xi32>
      %add3A_15 = arith.addi %add3A, %iota3A : vector<8x32768xi32>
      %lt3A_16 = arith.constant 100000 : i32
      %lt3A_17 = vector.broadcast %lt3A_16 : i32 to vector<8x32768xi32>
      %lt3A_18 = arith.cmpi slt, %add3A_15, %lt3A_17 : vector<8x32768xi32>
      %neg3A = arith.constant 0.000000e+00 : f32
      %neg3A_19 = arith.constant 0x7F800000 : f32
      %neg3A_20 = arith.subf %neg3A, %neg3A_19 : f32
      %broadcast_in_dim3A = vector.broadcast %neg3A_20 : f32 to vector<8x32768xf32>
      %select_n3A = arith.select %lt3A_18, %get3A_1, %broadcast_in_dim3A : vector<8x32768xi1>, vector<8x32768xf32>
      %reduce_max3A = arith.constant dense<0xFF800000> : vector<8xf32>
      %reduce_max3A_21 = vector.multi_reduction <maximumf>, %select_n3A, %reduce_max3A [1] : vector<8x32768xf32> to vector<8xf32>
      %broadcast_in_dim3A_22 = vector.shape_cast %reduce_max3A_21 : vector<8xf32> to vector<8x1xf32>
      %broadcast_in_dim3A_23 = vector.shape_cast %broadcast_in_dim3A_22 : vector<8x1xf32> to vector<8x1xf32>
      %broadcast_in_dim3A_24 = vector.broadcast %broadcast_in_dim3A_23 : vector<8x1xf32> to vector<8x128xf32>
      %get3A_25 = arith.constant 0 : index
      %get3A_26 = arith.constant 0 : index
      %get3A_27 = vector.load %arg3[%get3A_25, %get3A_26] : memref<8x128xf32, #tpu.memory_space<vmem>>, vector<8x128xf32>
      %max3A = arith.maximumf %get3A_27, %broadcast_in_dim3A_24 : vector<8x128xf32>
      %swap3A = arith.constant 0 : index
      %swap3A_28 = arith.constant 0 : index
      %swap3A_29 = vector.load %arg3[%swap3A, %swap3A_28] : memref<8x128xf32, #tpu.memory_space<vmem>>, vector<8x128xf32>
      tpu.vector_store %arg3[%swap3A, %swap3A_28], %max3A {strides = array<i32>} : memref<8x128xf32, #tpu.memory_space<vmem>>, vector<8x128xf32>,
    } else {
    }
    return
  }
  func.func @transform_0(%arg0: i32, %arg1: i32) -> (i32, i32) {
    %c0_i32 = arith.constant 0 : i32
    return %arg0, %arg1 : i32, i32
  }
  func.func @transform_1(%arg0: i32, %arg1: i32) -> (i32, i32) {
    %c0_i32 = arith.constant 0 : i32
    %c0_i32_0 = arith.constant 0 : i32
    return %arg0, %c0_i32 : i32, i32
  }
}

module attributes {stable_mosaic.version = 14 : i64} {
  func.func @_k1b_body(%arg0: i32, %arg1: i32, %arg2: memref<8x32768xf32, #tpu.memory_space<vmem>>, %arg3: memref<8x128xf32, #tpu.memory_space<vmem>>, %arg4: memref<8x32768xf32, #tpu.memory_space<vmem>>, %arg5: memref<8x512xf32, #tpu.memory_space<vmem>>, %arg6: memref<8x128xf32, #tpu.memory_space<vmem>>) attributes {dimension_semantics = [#tpu.dimension_semantics<arbitrary>, #tpu.dimension_semantics<arbitrary>], iteration_bounds = array<i64: 16, 4>, scalar_prefetch = 0 : i64, scratch_operands = 0 : i64, tpu.core_type = #tpu.core_type<tc>, window_params = [{transform_indices = @transform_0, window_bounds = array<i64: 8, 32768>}, {transform_indices = @transform_1, window_bounds = array<i64: 8, 128>}, {transform_indices = @transform_2, window_bounds = array<i64: 8, 32768>}, {transform_indices = @transform_3, window_bounds = array<i64: 8, 512>}, {transform_indices = @transform_4, window_bounds = array<i64: 8, 128>}]} {
    %get3A = arith.constant 0 : index
    %get3A_0 = arith.constant 0 : index
    %get3A_1 = vector.load %arg2[%get3A, %get3A_0] : memref<8x32768xf32, #tpu.memory_space<vmem>>, vector<8x32768xf32>
    %get3A_2 = arith.constant 0 : index
    %get3A_3 = arith.constant 0 : index
    %get3A_4 = vector.load %arg3[%get3A_2, %get3A_3] : memref<8x128xf32, #tpu.memory_space<vmem>>, vector<8x128xf32>
    %slice3A = vector.extract_strided_slice %get3A_4 {offsets = [0, 0], sizes = [8, 1], strides = [1, 1]} : vector<8x128xf32> to vector<8x1xf32>
    %div3A = arith.constant 0.699999988 : f32
    %div3A_5 = vector.broadcast %div3A : f32 to vector<8x1xf32>
    %div3A_6 = arith.divf %slice3A, %div3A_5 : vector<8x1xf32>
    %lt3A = arith.constant 3 : i32
    %lt3A_7 = arith.cmpi slt, %arg1, %lt3A : i32
    %convert_element_type3A = arith.extui %lt3A_7 : i1 to i32
    %cond3A = arith.constant 0 : i32
    %cond3A_8 = arith.cmpi ne, %convert_element_type3A, %cond3A : i32
    scf.if %cond3A_8 {
      %div3A_13 = arith.constant 0.699999988 : f32
      %div3A_14 = vector.broadcast %div3A_13 : f32 to vector<8x32768xf32>
      %div3A_15 = arith.divf %get3A_1, %div3A_14 : vector<8x32768xf32>
      %sub3A = vector.broadcast %div3A_6 : vector<8x1xf32> to vector<8x32768xf32>
      %sub3A_16 = arith.subf %div3A_15, %sub3A : vector<8x32768xf32>
      %exp3A = math.exp %sub3A_16 : vector<8x32768xf32>
      %reduce_sum3A = arith.constant dense<0.000000e+00> : vector<8xf32>
      %reduce_sum3A_17 = vector.multi_reduction <add>, %exp3A, %reduce_sum3A [1] : vector<8x32768xf32> to vector<8xf32>
      %broadcast_in_dim3A = vector.shape_cast %reduce_sum3A_17 : vector<8xf32> to vector<8x1xf32>
      %swap3A = arith.constant 0 : index
      %swap3A_18 = arith.constant 0 : index
      %swap3A_19 = vector.load %arg4[%swap3A, %swap3A_18] : memref<8x32768xf32, #tpu.memory_space<vmem>>, vector<8x32768xf32>
      tpu.vector_store %arg4[%swap3A, %swap3A_18], %exp3A {strides = array<i32>} : memref<8x32768xf32, #tpu.memory_space<vmem>>, vector<8x32768xf32>,
      %slice3A_20 = vector.extract_strided_slice %exp3A {offsets = [0, 0], sizes = [8, 256], strides = [1, 1]} : vector<8x32768xf32> to vector<8x256xf32>
      %reduce_min3A = arith.constant dense<0x7F800000> : vector<8xf32>
      %reduce_min3A_21 = vector.multi_reduction <minimumf>, %slice3A_20, %reduce_min3A [1] : vector<8x256xf32> to vector<8xf32>
      %broadcast_in_dim3A_22 = vector.shape_cast %reduce_min3A_21 : vector<8xf32> to vector<8x1xf32>
      %slice3A_23 = vector.extract_strided_slice %exp3A {offsets = [0, 256], sizes = [8, 256], strides = [1, 1]} : vector<8x32768xf32> to vector<8x256xf32>
      %reduce_min3A_24 = arith.constant dense<0x7F800000> : vector<8xf32>
      %reduce_min3A_25 = vector.multi_reduction <minimumf>, %slice3A_23, %reduce_min3A_24 [1] : vector<8x256xf32> to vector<8xf32>
      %broadcast_in_dim3A_26 = vector.shape_cast %reduce_min3A_25 : vector<8xf32> to vector<8x1xf32>
      %slice3A_27 = vector.extract_strided_slice %exp3A {offsets = [0, 512], sizes = [8, 256], strides = [1, 1]} : vector<8x32768xf32> to vector<8x256xf32>
      %reduce_min3A_28 = arith.constant dense<0x7F800000> : vector<8xf32>
      %reduce_min3A_29 = vector.multi_reduction <minimumf>, %slice3A_27, %reduce_min3A_28 [1] : vector<8x256xf32> to vector<8xf32>
      %broadcast_in_dim3A_30 = vector.shape_cast %reduce_min3A_29 : vector<8xf32> to vector<8x1xf32>
      %slice3A_31 = vector.extract_strided_slice %exp3A {offsets = [0, 768], sizes = [8, 256], strides = [1, 1]} : vector<8x32768xf32> to vector<8x256xf32>
      %reduce_min3A_32 = arith.constant dense<0x7F800000> : vector<8xf32>
      %reduce_min3A_33 = vector.multi_reduction <minimumf>, %slice3A_31, %reduce_min3A_32 [1] : vector<8x256xf32> to vector<8xf32>
      %broadcast_in_dim3A_34 = vector.shape_cast %reduce_min3A_33 : vector<8xf32> to vector<8x1xf32>
      %slice3A_35 = vector.extract_strided_slice %exp3A {offsets = [0, 1024], sizes = [8, 256], strides = [1, 1]} : vector<8x32768xf32> to vector<8x256xf32>
      %reduce_min3A_36 = arith.constant dense<0x7F800000> : vector<8xf32>
      %reduce_min3A_37 = vector.multi_reduction <minimumf>, %slice3A_35, %reduce_min3A_36 [1] : vector<8x256xf32> to vector<8xf32>
      %broadcast_in_dim3A_38 = vector.shape_cast %reduce_min3A_37 : vector<8xf32> to vector<8x1xf32>
      %slice3A_39 = vector.extract_strided_slice %exp3A {offsets = [0, 1280], sizes = [8, 256], strides = [1, 1]} : vector<8x32768xf32> to vector<8x256xf32>
      %reduce_min3A_40 = arith.constant dense<0x7F800000> : vector<8xf32>
      %reduce_min3A_41 = vector.multi_reduction <minimumf>, %slice3A_39, %reduce_min3A_40 [1] : vector<8x256xf32> to vector<8xf32>
      %broadcast_in_dim3A_42 = vector.shape_cast %reduce_min3A_41 : vector<8xf32> to vector<8x1xf32>
      %slice3A_43 = vector.extract_strided_slice %exp3A {offsets = [0, 1536], sizes = [8, 256], strides = [1, 1]} : vector<8x32768xf32> to vector<8x256xf32>
      %reduce_min3A_44 = arith.constant dense<0x7F800000> : vector<8xf32>
      %reduce_min3A_45 = vector.multi_reduction <minimumf>, %slice3A_43, %reduce_min3A_44 [1] : vector<8x256xf32> to vector<8xf32>
      %broadcast_in_dim3A_46 = vector.shape_cast %reduce_min3A_45 : vector<8xf32> to vector<8x1xf32>
      %slice3A_47 = vector.extract_strided_slice %exp3A {offsets = [0, 1792], sizes = [8, 256], strides = [1, 1]} : vector<8x32768xf32> to vector<8x256xf32>
      %reduce_min3A_48 = arith.constant dense<0x7F800000> : vector<8xf32>
      %reduce_min3A_49 = vector.multi_reduction <minimumf>, %slice3A_47, %reduce_min3A_48 [1] : vector<8x256xf32> to vector<8xf32>
      %broadcast_in_dim3A_50 = vector.shape_cast %reduce_min3A_49 : vector<8xf32> to vector<8x1xf32>
      %slice3A_51 = vector.extract_strided_slice %exp3A {offsets = [0, 2048], sizes = [8, 256], strides = [1, 1]} : vector<8x32768xf32> to vector<8x256xf32>
      %reduce_min3A_52 = arith.constant dense<0x7F800000> : vector<8xf32>
      %reduce_min3A_53 = vector.multi_reduction <minimumf>, %slice3A_51, %reduce_min3A_52 [1] : vector<8x256xf32> to vector<8xf32>
      %broadcast_in_dim3A_54 = vector.shape_cast %reduce_min3A_53 : vector<8xf32> to vector<8x1xf32>
      %slice3A_55 = vector.extract_strided_slice %exp3A {offsets = [0, 2304], sizes = [8, 256], strides = [1, 1]} : vector<8x32768xf32> to vector<8x256xf32>
      %reduce_min3A_56 = arith.constant dense<0x7F800000> : vector<8xf32>
      %reduce_min3A_57 = vector.multi_reduction <minimumf>, %slice3A_55, %reduce_min3A_56 [1] : vector<8x256xf32> to vector<8xf32>
      %broadcast_in_dim3A_58 = vector.shape_cast %reduce_min3A_57 : vector<8xf32> to vector<8x1xf32>
      %slice3A_59 = vector.extract_strided_slice %exp3A {offsets = [0, 2560], sizes = [8, 256], strides = [1, 1]} : vector<8x32768xf32> to vector<8x256xf32>
      %reduce_min3A_60 = arith.constant dense<0x7F800000> : vector<8xf32>
      %reduce_min3A_61 = vector.multi_reduction <minimumf>, %slice3A_59, %reduce_min3A_60 [1] : vector<8x256xf32> to vector<8xf32>
      %broadcast_in_dim3A_62 = vector.shape_cast %reduce_min3A_61 : vector<8xf32> to vector<8x1xf32>
      %slice3A_63 = vector.extract_strided_slice %exp3A {offsets = [0, 2816], sizes = [8, 256], strides = [1, 1]} : vector<8x32768xf32> to vector<8x256xf32>
      %reduce_min3A_64 = arith.constant dense<0x7F800000> : vector<8xf32>
      %reduce_min3A_65 = vector.multi_reduction <minimumf>, %slice3A_63, %reduce_min3A_64 [1] : vector<8x256xf32> to vector<8xf32>
      %broadcast_in_dim3A_66 = vector.shape_cast %reduce_min3A_65 : vector<8xf32> to vector<8x1xf32>
      %slice3A_67 = vector.extract_strided_slice %exp3A {offsets = [0, 3072], sizes = [8, 256], strides = [1, 1]} : vector<8x32768xf32> to vector<8x256xf32>
      %reduce_min3A_68 = arith.constant dense<0x7F800000> : vector<8xf32>
      %reduce_min3A_69 = vector.multi_reduction <minimumf>, %slice3A_67, %reduce_min3A_68 [1] : vector<8x256xf32> to vector<8xf32>
      %broadcast_in_dim3A_70 = vector.shape_cast %reduce_min3A_69 : vector<8xf32> to vector<8x1xf32>
      %slice3A_71 = vector.extract_strided_slice %exp3A {offsets = [0, 3328], sizes = [8, 256], strides = [1, 1]} : vector<8x32768xf32> to vector<8x256xf32>
      %reduce_min3A_72 = arith.constant dense<0x7F800000> : vector<8xf32>
      %reduce_min3A_73 = vector.multi_reduction <minimumf>, %slice3A_71, %reduce_min3A_72 [1] : vector<8x256xf32> to vector<8xf32>
      %broadcast_in_dim3A_74 = vector.shape_cast %reduce_min3A_73 : vector<8xf32> to vector<8x1xf32>
      %slice3A_75 = vector.extract_strided_slice %exp3A {offsets = [0, 3584], sizes = [8, 256], strides = [1, 1]} : vector<8x32768xf32> to vector<8x256xf32>
      %reduce_min3A_76 = arith.constant dense<0x7F800000> : vector<8xf32>
      %reduce_min3A_77 = vector.multi_reduction <minimumf>, %slice3A_75, %reduce_min3A_76 [1] : vector<8x256xf32> to vector<8xf32>
      %broadcast_in_dim3A_78 = vector.shape_cast %reduce_min3A_77 : vector<8xf32> to vector<8x1xf32>
      %slice3A_79 = vector.extract_strided_slice %exp3A {offsets = [0, 3840], sizes = [8, 256], strides = [1, 1]} : vector<8x32768xf32> to vector<8x256xf32>
      %reduce_min3A_80 = arith.constant dense<0x7F800000> : vector<8xf32>
      %reduce_min3A_81 = vector.multi_reduction <minimumf>, %slice3A_79, %reduce_min3A_80 [1] : vector<8x256xf32> to vector<8xf32>
      %broadcast_in_dim3A_82 = vector.shape_cast %reduce_min3A_81 : vector<8xf32> to vector<8x1xf32>
      %slice3A_83 = vector.extract_strided_slice %exp3A {offsets = [0, 4096], sizes = [8, 256], strides = [1, 1]} : vector<8x32768xf32> to vector<8x256xf32>
      %reduce_min3A_84 = arith.constant dense<0x7F800000> : vector<8xf32>
      %reduce_min3A_85 = vector.multi_reduction <minimumf>, %slice3A_83, %reduce_min3A_84 [1] : vector<8x256xf32> to vector<8xf32>
      %broadcast_in_dim3A_86 = vector.shape_cast %reduce_min3A_85 : vector<8xf32> to vector<8x1xf32>
      %slice3A_87 = vector.extract_strided_slice %exp3A {offsets = [0, 4352], sizes = [8, 256], strides = [1, 1]} : vector<8x32768xf32> to vector<8x256xf32>
      %reduce_min3A_88 = arith.constant dense<0x7F800000> : vector<8xf32>
      %reduce_min3A_89 = vector.multi_reduction <minimumf>, %slice3A_87, %reduce_min3A_88 [1] : vector<8x256xf32> to vector<8xf32>
      %broadcast_in_dim3A_90 = vector.shape_cast %reduce_min3A_89 : vector<8xf32> to vector<8x1xf32>
      %slice3A_91 = vector.extract_strided_slice %exp3A {offsets = [0, 4608], sizes = [8, 256], strides = [1, 1]} : vector<8x32768xf32> to vector<8x256xf32>
      %reduce_min3A_92 = arith.constant dense<0x7F800000> : vector<8xf32>
      %reduce_min3A_93 = vector.multi_reduction <minimumf>, %slice3A_91, %reduce_min3A_92 [1] : vector<8x256xf32> to vector<8xf32>
      %broadcast_in_dim3A_94 = vector.shape_cast %reduce_min3A_93 : vector<8xf32> to vector<8x1xf32>
      %slice3A_95 = vector.extract_strided_slice %exp3A {offsets = [0, 4864], sizes = [8, 256], strides = [1, 1]} : vector<8x32768xf32> to vector<8x256xf32>
      %reduce_min3A_96 = arith.constant dense<0x7F800000> : vector<8xf32>
      %reduce_min3A_97 = vector.multi_reduction <minimumf>, %slice3A_95, %reduce_min3A_96 [1] : vector<8x256xf32> to vector<8xf32>
      %broadcast_in_dim3A_98 = vector.shape_cast %reduce_min3A_97 : vector<8xf32> to vector<8x1xf32>
      %slice3A_99 = vector.extract_strided_slice %exp3A {offsets = [0, 5120], sizes = [8, 256], strides = [1, 1]} : vector<8x32768xf32> to vector<8x256xf32>
      %reduce_min3A_100 = arith.constant dense<0x7F800000> : vector<8xf32>
      %reduce_min3A_101 = vector.multi_reduction <minimumf>, %slice3A_99, %reduce_min3A_100 [1] : vector<8x256xf32> to vector<8xf32>
      %broadcast_in_dim3A_102 = vector.shape_cast %reduce_min3A_101 : vector<8xf32> to vector<8x1xf32>
      %slice3A_103 = vector.extract_strided_slice %exp3A {offsets = [0, 5376], sizes = [8, 256], strides = [1, 1]} : vector<8x32768xf32> to vector<8x256xf32>
      %reduce_min3A_104 = arith.constant dense<0x7F800000> : vector<8xf32>
      %reduce_min3A_105 = vector.multi_reduction <minimumf>, %slice3A_103, %reduce_min3A_104 [1] : vector<8x256xf32> to vector<8xf32>
      %broadcast_in_dim3A_106 = vector.shape_cast %reduce_min3A_105 : vector<8xf32> to vector<8x1xf32>
      %slice3A_107 = vector.extract_strided_slice %exp3A {offsets = [0, 5632], sizes = [8, 256], strides = [1, 1]} : vector<8x32768xf32> to vector<8x256xf32>
      %reduce_min3A_108 = arith.constant dense<0x7F800000> : vector<8xf32>
      %reduce_min3A_109 = vector.multi_reduction <minimumf>, %slice3A_107, %reduce_min3A_108 [1] : vector<8x256xf32> to vector<8xf32>
      %broadcast_in_dim3A_110 = vector.shape_cast %reduce_min3A_109 : vector<8xf32> to vector<8x1xf32>
      %slice3A_111 = vector.extract_strided_slice %exp3A {offsets = [0, 5888], sizes = [8, 256], strides = [1, 1]} : vector<8x32768xf32> to vector<8x256xf32>
      %reduce_min3A_112 = arith.constant dense<0x7F800000> : vector<8xf32>
      %reduce_min3A_113 = vector.multi_reduction <minimumf>, %slice3A_111, %reduce_min3A_112 [1] : vector<8x256xf32> to vector<8xf32>
      %broadcast_in_dim3A_114 = vector.shape_cast %reduce_min3A_113 : vector<8xf32> to vector<8x1xf32>
      %slice3A_115 = vector.extract_strided_slice %exp3A {offsets = [0, 6144], sizes = [8, 256], strides = [1, 1]} : vector<8x32768xf32> to vector<8x256xf32>
      %reduce_min3A_116 = arith.constant dense<0x7F800000> : vector<8xf32>
      %reduce_min3A_117 = vector.multi_reduction <minimumf>, %slice3A_115, %reduce_min3A_116 [1] : vector<8x256xf32> to vector<8xf32>
      %broadcast_in_dim3A_118 = vector.shape_cast %reduce_min3A_117 : vector<8xf32> to vector<8x1xf32>
      %slice3A_119 = vector.extract_strided_slice %exp3A {offsets = [0, 6400], sizes = [8, 256], strides = [1, 1]} : vector<8x32768xf32> to vector<8x256xf32>
      %reduce_min3A_120 = arith.constant dense<0x7F800000> : vector<8xf32>
      %reduce_min3A_121 = vector.multi_reduction <minimumf>, %slice3A_119, %reduce_min3A_120 [1] : vector<8x256xf32> to vector<8xf32>
      %broadcast_in_dim3A_122 = vector.shape_cast %reduce_min3A_121 : vector<8xf32> to vector<8x1xf32>
      %slice3A_123 = vector.extract_strided_slice %exp3A {offsets = [0, 6656], sizes = [8, 256], strides = [1, 1]} : vector<8x32768xf32> to vector<8x256xf32>
      %reduce_min3A_124 = arith.constant dense<0x7F800000> : vector<8xf32>
      %reduce_min3A_125 = vector.multi_reduction <minimumf>, %slice3A_123, %reduce_min3A_124 [1] : vector<8x256xf32> to vector<8xf32>
      %broadcast_in_dim3A_126 = vector.shape_cast %reduce_min3A_125 : vector<8xf32> to vector<8x1xf32>
      %slice3A_127 = vector.extract_strided_slice %exp3A {offsets = [0, 6912], sizes = [8, 256], strides = [1, 1]} : vector<8x32768xf32> to vector<8x256xf32>
      %reduce_min3A_128 = arith.constant dense<0x7F800000> : vector<8xf32>
      %reduce_min3A_129 = vector.multi_reduction <minimumf>, %slice3A_127, %reduce_min3A_128 [1] : vector<8x256xf32> to vector<8xf32>
      %broadcast_in_dim3A_130 = vector.shape_cast %reduce_min3A_129 : vector<8xf32> to vector<8x1xf32>
      %slice3A_131 = vector.extract_strided_slice %exp3A {offsets = [0, 7168], sizes = [8, 256], strides = [1, 1]} : vector<8x32768xf32> to vector<8x256xf32>
      %reduce_min3A_132 = arith.constant dense<0x7F800000> : vector<8xf32>
      %reduce_min3A_133 = vector.multi_reduction <minimumf>, %slice3A_131, %reduce_min3A_132 [1] : vector<8x256xf32> to vector<8xf32>
      %broadcast_in_dim3A_134 = vector.shape_cast %reduce_min3A_133 : vector<8xf32> to vector<8x1xf32>
      %slice3A_135 = vector.extract_strided_slice %exp3A {offsets = [0, 7424], sizes = [8, 256], strides = [1, 1]} : vector<8x32768xf32> to vector<8x256xf32>
      %reduce_min3A_136 = arith.constant dense<0x7F800000> : vector<8xf32>
      %reduce_min3A_137 = vector.multi_reduction <minimumf>, %slice3A_135, %reduce_min3A_136 [1] : vector<8x256xf32> to vector<8xf32>
      %broadcast_in_dim3A_138 = vector.shape_cast %reduce_min3A_137 : vector<8xf32> to vector<8x1xf32>
      %slice3A_139 = vector.extract_strided_slice %exp3A {offsets = [0, 7680], sizes = [8, 256], strides = [1, 1]} : vector<8x32768xf32> to vector<8x256xf32>
      %reduce_min3A_140 = arith.constant dense<0x7F800000> : vector<8xf32>
      %reduce_min3A_141 = vector.multi_reduction <minimumf>, %slice3A_139, %reduce_min3A_140 [1] : vector<8x256xf32> to vector<8xf32>
      %broadcast_in_dim3A_142 = vector.shape_cast %reduce_min3A_141 : vector<8xf32> to vector<8x1xf32>
      %slice3A_143 = vector.extract_strided_slice %exp3A {offsets = [0, 7936], sizes = [8, 256], strides = [1, 1]} : vector<8x32768xf32> to vector<8x256xf32>
      %reduce_min3A_144 = arith.constant dense<0x7F800000> : vector<8xf32>
      %reduce_min3A_145 = vector.multi_reduction <minimumf>, %slice3A_143, %reduce_min3A_144 [1] : vector<8x256xf32> to vector<8xf32>
      %broadcast_in_dim3A_146 = vector.shape_cast %reduce_min3A_145 : vector<8xf32> to vector<8x1xf32>
      %slice3A_147 = vector.extract_strided_slice %exp3A {offsets = [0, 8192], sizes = [8, 256], strides = [1, 1]} : vector<8x32768xf32> to vector<8x256xf32>
      %reduce_min3A_148 = arith.constant dense<0x7F800000> : vector<8xf32>
      %reduce_min3A_149 = vector.multi_reduction <minimumf>, %slice3A_147, %reduce_min3A_148 [1] : vector<8x256xf32> to vector<8xf32>
      %broadcast_in_dim3A_150 = vector.shape_cast %reduce_min3A_149 : vector<8xf32> to vector<8x1xf32>
      %slice3A_151 = vector.extract_strided_slice %exp3A {offsets = [0, 8448], sizes = [8, 256], strides = [1, 1]} : vector<8x32768xf32> to vector<8x256xf32>
      %reduce_min3A_152 = arith.constant dense<0x7F800000> : vector<8xf32>
      %reduce_min3A_153 = vector.multi_reduction <minimumf>, %slice3A_151, %reduce_min3A_152 [1] : vector<8x256xf32> to vector<8xf32>
      %broadcast_in_dim3A_154 = vector.shape_cast %reduce_min3A_153 : vector<8xf32> to vector<8x1xf32>
      %slice3A_155 = vector.extract_strided_slice %exp3A {offsets = [0, 8704], sizes = [8, 256], strides = [1, 1]} : vector<8x32768xf32> to vector<8x256xf32>
      %reduce_min3A_156 = arith.constant dense<0x7F800000> : vector<8xf32>
      %reduce_min3A_157 = vector.multi_reduction <minimumf>, %slice3A_155, %reduce_min3A_156 [1] : vector<8x256xf32> to vector<8xf32>
      %broadcast_in_dim3A_158 = vector.shape_cast %reduce_min3A_157 : vector<8xf32> to vector<8x1xf32>
      %slice3A_159 = vector.extract_strided_slice %exp3A {offsets = [0, 8960], sizes = [8, 256], strides = [1, 1]} : vector<8x32768xf32> to vector<8x256xf32>
      %reduce_min3A_160 = arith.constant dense<0x7F800000> : vector<8xf32>
      %reduce_min3A_161 = vector.multi_reduction <minimumf>, %slice3A_159, %reduce_min3A_160 [1] : vector<8x256xf32> to vector<8xf32>
      %broadcast_in_dim3A_162 = vector.shape_cast %reduce_min3A_161 : vector<8xf32> to vector<8x1xf32>
      %slice3A_163 = vector.extract_strided_slice %exp3A {offsets = [0, 9216], sizes = [8, 256], strides = [1, 1]} : vector<8x32768xf32> to vector<8x256xf32>
      %reduce_min3A_164 = arith.constant dense<0x7F800000> : vector<8xf32>
      %reduce_min3A_165 = vector.multi_reduction <minimumf>, %slice3A_163, %reduce_min3A_164 [1] : vector<8x256xf32> to vector<8xf32>
      %broadcast_in_dim3A_166 = vector.shape_cast %reduce_min3A_165 : vector<8xf32> to vector<8x1xf32>
      %slice3A_167 = vector.extract_strided_slice %exp3A {offsets = [0, 9472], sizes = [8, 256], strides = [1, 1]} : vector<8x32768xf32> to vector<8x256xf32>
      %reduce_min3A_168 = arith.constant dense<0x7F800000> : vector<8xf32>
      %reduce_min3A_169 = vector.multi_reduction <minimumf>, %slice3A_167, %reduce_min3A_168 [1] : vector<8x256xf32> to vector<8xf32>
      %broadcast_in_dim3A_170 = vector.shape_cast %reduce_min3A_169 : vector<8xf32> to vector<8x1xf32>
      %slice3A_171 = vector.extract_strided_slice %exp3A {offsets = [0, 9728], sizes = [8, 256], strides = [1, 1]} : vector<8x32768xf32> to vector<8x256xf32>
      %reduce_min3A_172 = arith.constant dense<0x7F800000> : vector<8xf32>
      %reduce_min3A_173 = vector.multi_reduction <minimumf>, %slice3A_171, %reduce_min3A_172 [1] : vector<8x256xf32> to vector<8xf32>
      %broadcast_in_dim3A_174 = vector.shape_cast %reduce_min3A_173 : vector<8xf32> to vector<8x1xf32>
      %slice3A_175 = vector.extract_strided_slice %exp3A {offsets = [0, 9984], sizes = [8, 256], strides = [1, 1]} : vector<8x32768xf32> to vector<8x256xf32>
      %reduce_min3A_176 = arith.constant dense<0x7F800000> : vector<8xf32>
      %reduce_min3A_177 = vector.multi_reduction <minimumf>, %slice3A_175, %reduce_min3A_176 [1] : vector<8x256xf32> to vector<8xf32>
      %broadcast_in_dim3A_178 = vector.shape_cast %reduce_min3A_177 : vector<8xf32> to vector<8x1xf32>
      %slice3A_179 = vector.extract_strided_slice %exp3A {offsets = [0, 10240], sizes = [8, 256], strides = [1, 1]} : vector<8x32768xf32> to vector<8x256xf32>
      %reduce_min3A_180 = arith.constant dense<0x7F800000> : vector<8xf32>
      %reduce_min3A_181 = vector.multi_reduction <minimumf>, %slice3A_179, %reduce_min3A_180 [1] : vector<8x256xf32> to vector<8xf32>
      %broadcast_in_dim3A_182 = vector.shape_cast %reduce_min3A_181 : vector<8xf32> to vector<8x1xf32>
      %slice3A_183 = vector.extract_strided_slice %exp3A {offsets = [0, 10496], sizes = [8, 256], strides = [1, 1]} : vector<8x32768xf32> to vector<8x256xf32>
      %reduce_min3A_184 = arith.constant dense<0x7F800000> : vector<8xf32>
      %reduce_min3A_185 = vector.multi_reduction <minimumf>, %slice3A_183, %reduce_min3A_184 [1] : vector<8x256xf32> to vector<8xf32>
      %broadcast_in_dim3A_186 = vector.shape_cast %reduce_min3A_185 : vector<8xf32> to vector<8x1xf32>
      %slice3A_187 = vector.extract_strided_slice %exp3A {offsets = [0, 10752], sizes = [8, 256], strides = [1, 1]} : vector<8x32768xf32> to vector<8x256xf32>
      %reduce_min3A_188 = arith.constant dense<0x7F800000> : vector<8xf32>
      %reduce_min3A_189 = vector.multi_reduction <minimumf>, %slice3A_187, %reduce_min3A_188 [1] : vector<8x256xf32> to vector<8xf32>
      %broadcast_in_dim3A_190 = vector.shape_cast %reduce_min3A_189 : vector<8xf32> to vector<8x1xf32>
      %slice3A_191 = vector.extract_strided_slice %exp3A {offsets = [0, 11008], sizes = [8, 256], strides = [1, 1]} : vector<8x32768xf32> to vector<8x256xf32>
      %reduce_min3A_192 = arith.constant dense<0x7F800000> : vector<8xf32>
      %reduce_min3A_193 = vector.multi_reduction <minimumf>, %slice3A_191, %reduce_min3A_192 [1] : vector<8x256xf32> to vector<8xf32>
      %broadcast_in_dim3A_194 = vector.shape_cast %reduce_min3A_193 : vector<8xf32> to vector<8x1xf32>
      %slice3A_195 = vector.extract_strided_slice %exp3A {offsets = [0, 11264], sizes = [8, 256], strides = [1, 1]} : vector<8x32768xf32> to vector<8x256xf32>
      %reduce_min3A_196 = arith.constant dense<0x7F800000> : vector<8xf32>
      %reduce_min3A_197 = vector.multi_reduction <minimumf>, %slice3A_195, %reduce_min3A_196 [1] : vector<8x256xf32> to vector<8xf32>
      %broadcast_in_dim3A_198 = vector.shape_cast %reduce_min3A_197 : vector<8xf32> to vector<8x1xf32>
      %slice3A_199 = vector.extract_strided_slice %exp3A {offsets = [0, 11520], sizes = [8, 256], strides = [1, 1]} : vector<8x32768xf32> to vector<8x256xf32>
      %reduce_min3A_200 = arith.constant dense<0x7F800000> : vector<8xf32>
      %reduce_min3A_201 = vector.multi_reduction <minimumf>, %slice3A_199, %reduce_min3A_200 [1] : vector<8x256xf32> to vector<8xf32>
      %broadcast_in_dim3A_202 = vector.shape_cast %reduce_min3A_201 : vector<8xf32> to vector<8x1xf32>
      %slice3A_203 = vector.extract_strided_slice %exp3A {offsets = [0, 11776], sizes = [8, 256], strides = [1, 1]} : vector<8x32768xf32> to vector<8x256xf32>
      %reduce_min3A_204 = arith.constant dense<0x7F800000> : vector<8xf32>
      %reduce_min3A_205 = vector.multi_reduction <minimumf>, %slice3A_203, %reduce_min3A_204 [1] : vector<8x256xf32> to vector<8xf32>
      %broadcast_in_dim3A_206 = vector.shape_cast %reduce_min3A_205 : vector<8xf32> to vector<8x1xf32>
      %slice3A_207 = vector.extract_strided_slice %exp3A {offsets = [0, 12032], sizes = [8, 256], strides = [1, 1]} : vector<8x32768xf32> to vector<8x256xf32>
      %reduce_min3A_208 = arith.constant dense<0x7F800000> : vector<8xf32>
      %reduce_min3A_209 = vector.multi_reduction <minimumf>, %slice3A_207, %reduce_min3A_208 [1] : vector<8x256xf32> to vector<8xf32>
      %broadcast_in_dim3A_210 = vector.shape_cast %reduce_min3A_209 : vector<8xf32> to vector<8x1xf32>
      %slice3A_211 = vector.extract_strided_slice %exp3A {offsets = [0, 12288], sizes = [8, 256], strides = [1, 1]} : vector<8x32768xf32> to vector<8x256xf32>
      %reduce_min3A_212 = arith.constant dense<0x7F800000> : vector<8xf32>
      %reduce_min3A_213 = vector.multi_reduction <minimumf>, %slice3A_211, %reduce_min3A_212 [1] : vector<8x256xf32> to vector<8xf32>
      %broadcast_in_dim3A_214 = vector.shape_cast %reduce_min3A_213 : vector<8xf32> to vector<8x1xf32>
      %slice3A_215 = vector.extract_strided_slice %exp3A {offsets = [0, 12544], sizes = [8, 256], strides = [1, 1]} : vector<8x32768xf32> to vector<8x256xf32>
      %reduce_min3A_216 = arith.constant dense<0x7F800000> : vector<8xf32>
      %reduce_min3A_217 = vector.multi_reduction <minimumf>, %slice3A_215, %reduce_min3A_216 [1] : vector<8x256xf32> to vector<8xf32>
      %broadcast_in_dim3A_218 = vector.shape_cast %reduce_min3A_217 : vector<8xf32> to vector<8x1xf32>
      %slice3A_219 = vector.extract_strided_slice %exp3A {offsets = [0, 12800], sizes = [8, 256], strides = [1, 1]} : vector<8x32768xf32> to vector<8x256xf32>
      %reduce_min3A_220 = arith.constant dense<0x7F800000> : vector<8xf32>
      %reduce_min3A_221 = vector.multi_reduction <minimumf>, %slice3A_219, %reduce_min3A_220 [1] : vector<8x256xf32> to vector<8xf32>
      %broadcast_in_dim3A_222 = vector.shape_cast %reduce_min3A_221 : vector<8xf32> to vector<8x1xf32>
      %slice3A_223 = vector.extract_strided_slice %exp3A {offsets = [0, 13056], sizes = [8, 256], strides = [1, 1]} : vector<8x32768xf32> to vector<8x256xf32>
      %reduce_min3A_224 = arith.constant dense<0x7F800000> : vector<8xf32>
      %reduce_min3A_225 = vector.multi_reduction <minimumf>, %slice3A_223, %reduce_min3A_224 [1] : vector<8x256xf32> to vector<8xf32>
      %broadcast_in_dim3A_226 = vector.shape_cast %reduce_min3A_225 : vector<8xf32> to vector<8x1xf32>
      %slice3A_227 = vector.extract_strided_slice %exp3A {offsets = [0, 13312], sizes = [8, 256], strides = [1, 1]} : vector<8x32768xf32> to vector<8x256xf32>
      %reduce_min3A_228 = arith.constant dense<0x7F800000> : vector<8xf32>
      %reduce_min3A_229 = vector.multi_reduction <minimumf>, %slice3A_227, %reduce_min3A_228 [1] : vector<8x256xf32> to vector<8xf32>
      %broadcast_in_dim3A_230 = vector.shape_cast %reduce_min3A_229 : vector<8xf32> to vector<8x1xf32>
      %slice3A_231 = vector.extract_strided_slice %exp3A {offsets = [0, 13568], sizes = [8, 256], strides = [1, 1]} : vector<8x32768xf32> to vector<8x256xf32>
      %reduce_min3A_232 = arith.constant dense<0x7F800000> : vector<8xf32>
      %reduce_min3A_233 = vector.multi_reduction <minimumf>, %slice3A_231, %reduce_min3A_232 [1] : vector<8x256xf32> to vector<8xf32>
      %broadcast_in_dim3A_234 = vector.shape_cast %reduce_min3A_233 : vector<8xf32> to vector<8x1xf32>
      %slice3A_235 = vector.extract_strided_slice %exp3A {offsets = [0, 13824], sizes = [8, 256], strides = [1, 1]} : vector<8x32768xf32> to vector<8x256xf32>
      %reduce_min3A_236 = arith.constant dense<0x7F800000> : vector<8xf32>
      %reduce_min3A_237 = vector.multi_reduction <minimumf>, %slice3A_235, %reduce_min3A_236 [1] : vector<8x256xf32> to vector<8xf32>
      %broadcast_in_dim3A_238 = vector.shape_cast %reduce_min3A_237 : vector<8xf32> to vector<8x1xf32>
      %slice3A_239 = vector.extract_strided_slice %exp3A {offsets = [0, 14080], sizes = [8, 256], strides = [1, 1]} : vector<8x32768xf32> to vector<8x256xf32>
      %reduce_min3A_240 = arith.constant dense<0x7F800000> : vector<8xf32>
      %reduce_min3A_241 = vector.multi_reduction <minimumf>, %slice3A_239, %reduce_min3A_240 [1] : vector<8x256xf32> to vector<8xf32>
      %broadcast_in_dim3A_242 = vector.shape_cast %reduce_min3A_241 : vector<8xf32> to vector<8x1xf32>
      %slice3A_243 = vector.extract_strided_slice %exp3A {offsets = [0, 14336], sizes = [8, 256], strides = [1, 1]} : vector<8x32768xf32> to vector<8x256xf32>
      %reduce_min3A_244 = arith.constant dense<0x7F800000> : vector<8xf32>
      %reduce_min3A_245 = vector.multi_reduction <minimumf>, %slice3A_243, %reduce_min3A_244 [1] : vector<8x256xf32> to vector<8xf32>
      %broadcast_in_dim3A_246 = vector.shape_cast %reduce_min3A_245 : vector<8xf32> to vector<8x1xf32>
      %slice3A_247 = vector.extract_strided_slice %exp3A {offsets = [0, 14592], sizes = [8, 256], strides = [1, 1]} : vector<8x32768xf32> to vector<8x256xf32>
      %reduce_min3A_248 = arith.constant dense<0x7F800000> : vector<8xf32>
      %reduce_min3A_249 = vector.multi_reduction <minimumf>, %slice3A_247, %reduce_min3A_248 [1] : vector<8x256xf32> to vector<8xf32>
      %broadcast_in_dim3A_250 = vector.shape_cast %reduce_min3A_249 : vector<8xf32> to vector<8x1xf32>
      %slice3A_251 = vector.extract_strided_slice %exp3A {offsets = [0, 14848], sizes = [8, 256], strides = [1, 1]} : vector<8x32768xf32> to vector<8x256xf32>
      %reduce_min3A_252 = arith.constant dense<0x7F800000> : vector<8xf32>
      %reduce_min3A_253 = vector.multi_reduction <minimumf>, %slice3A_251, %reduce_min3A_252 [1] : vector<8x256xf32> to vector<8xf32>
      %broadcast_in_dim3A_254 = vector.shape_cast %reduce_min3A_253 : vector<8xf32> to vector<8x1xf32>
      %slice3A_255 = vector.extract_strided_slice %exp3A {offsets = [0, 15104], sizes = [8, 256], strides = [1, 1]} : vector<8x32768xf32> to vector<8x256xf32>
      %reduce_min3A_256 = arith.constant dense<0x7F800000> : vector<8xf32>
      %reduce_min3A_257 = vector.multi_reduction <minimumf>, %slice3A_255, %reduce_min3A_256 [1] : vector<8x256xf32> to vector<8xf32>
      %broadcast_in_dim3A_258 = vector.shape_cast %reduce_min3A_257 : vector<8xf32> to vector<8x1xf32>
      %slice3A_259 = vector.extract_strided_slice %exp3A {offsets = [0, 15360], sizes = [8, 256], strides = [1, 1]} : vector<8x32768xf32> to vector<8x256xf32>
      %reduce_min3A_260 = arith.constant dense<0x7F800000> : vector<8xf32>
      %reduce_min3A_261 = vector.multi_reduction <minimumf>, %slice3A_259, %reduce_min3A_260 [1] : vector<8x256xf32> to vector<8xf32>
      %broadcast_in_dim3A_262 = vector.shape_cast %reduce_min3A_261 : vector<8xf32> to vector<8x1xf32>
      %slice3A_263 = vector.extract_strided_slice %exp3A {offsets = [0, 15616], sizes = [8, 256], strides = [1, 1]} : vector<8x32768xf32> to vector<8x256xf32>
      %reduce_min3A_264 = arith.constant dense<0x7F800000> : vector<8xf32>
      %reduce_min3A_265 = vector.multi_reduction <minimumf>, %slice3A_263, %reduce_min3A_264 [1] : vector<8x256xf32> to vector<8xf32>
      %broadcast_in_dim3A_266 = vector.shape_cast %reduce_min3A_265 : vector<8xf32> to vector<8x1xf32>
      %slice3A_267 = vector.extract_strided_slice %exp3A {offsets = [0, 15872], sizes = [8, 256], strides = [1, 1]} : vector<8x32768xf32> to vector<8x256xf32>
      %reduce_min3A_268 = arith.constant dense<0x7F800000> : vector<8xf32>
      %reduce_min3A_269 = vector.multi_reduction <minimumf>, %slice3A_267, %reduce_min3A_268 [1] : vector<8x256xf32> to vector<8xf32>
      %broadcast_in_dim3A_270 = vector.shape_cast %reduce_min3A_269 : vector<8xf32> to vector<8x1xf32>
      %slice3A_271 = vector.extract_strided_slice %exp3A {offsets = [0, 16128], sizes = [8, 256], strides = [1, 1]} : vector<8x32768xf32> to vector<8x256xf32>
      %reduce_min3A_272 = arith.constant dense<0x7F800000> : vector<8xf32>
      %reduce_min3A_273 = vector.multi_reduction <minimumf>, %slice3A_271, %reduce_min3A_272 [1] : vector<8x256xf32> to vector<8xf32>
      %broadcast_in_dim3A_274 = vector.shape_cast %reduce_min3A_273 : vector<8xf32> to vector<8x1xf32>
      %slice3A_275 = vector.extract_strided_slice %exp3A {offsets = [0, 16384], sizes = [8, 256], strides = [1, 1]} : vector<8x32768xf32> to vector<8x256xf32>
      %reduce_min3A_276 = arith.constant dense<0x7F800000> : vector<8xf32>
      %reduce_min3A_277 = vector.multi_reduction <minimumf>, %slice3A_275, %reduce_min3A_276 [1] : vector<8x256xf32> to vector<8xf32>
      %broadcast_in_dim3A_278 = vector.shape_cast %reduce_min3A_277 : vector<8xf32> to vector<8x1xf32>
      %slice3A_279 = vector.extract_strided_slice %exp3A {offsets = [0, 16640], sizes = [8, 256], strides = [1, 1]} : vector<8x32768xf32> to vector<8x256xf32>
      %reduce_min3A_280 = arith.constant dense<0x7F800000> : vector<8xf32>
      %reduce_min3A_281 = vector.multi_reduction <minimumf>, %slice3A_279, %reduce_min3A_280 [1] : vector<8x256xf32> to vector<8xf32>
      %broadcast_in_dim3A_282 = vector.shape_cast %reduce_min3A_281 : vector<8xf32> to vector<8x1xf32>
      %slice3A_283 = vector.extract_strided_slice %exp3A {offsets = [0, 16896], sizes = [8, 256], strides = [1, 1]} : vector<8x32768xf32> to vector<8x256xf32>
      %reduce_min3A_284 = arith.constant dense<0x7F800000> : vector<8xf32>
      %reduce_min3A_285 = vector.multi_reduction <minimumf>, %slice3A_283, %reduce_min3A_284 [1] : vector<8x256xf32> to vector<8xf32>
      %broadcast_in_dim3A_286 = vector.shape_cast %reduce_min3A_285 : vector<8xf32> to vector<8x1xf32>
      %slice3A_287 = vector.extract_strided_slice %exp3A {offsets = [0, 17152], sizes = [8, 256], strides = [1, 1]} : vector<8x32768xf32> to vector<8x256xf32>
      %reduce_min3A_288 = arith.constant dense<0x7F800000> : vector<8xf32>
      %reduce_min3A_289 = vector.multi_reduction <minimumf>, %slice3A_287, %reduce_min3A_288 [1] : vector<8x256xf32> to vector<8xf32>
      %broadcast_in_dim3A_290 = vector.shape_cast %reduce_min3A_289 : vector<8xf32> to vector<8x1xf32>
      %slice3A_291 = vector.extract_strided_slice %exp3A {offsets = [0, 17408], sizes = [8, 256], strides = [1, 1]} : vector<8x32768xf32> to vector<8x256xf32>
      %reduce_min3A_292 = arith.constant dense<0x7F800000> : vector<8xf32>
      %reduce_min3A_293 = vector.multi_reduction <minimumf>, %slice3A_291, %reduce_min3A_292 [1] : vector<8x256xf32> to vector<8xf32>
      %broadcast_in_dim3A_294 = vector.shape_cast %reduce_min3A_293 : vector<8xf32> to vector<8x1xf32>
      %slice3A_295 = vector.extract_strided_slice %exp3A {offsets = [0, 17664], sizes = [8, 256], strides = [1, 1]} : vector<8x32768xf32> to vector<8x256xf32>
      %reduce_min3A_296 = arith.constant dense<0x7F800000> : vector<8xf32>
      %reduce_min3A_297 = vector.multi_reduction <minimumf>, %slice3A_295, %reduce_min3A_296 [1] : vector<8x256xf32> to vector<8xf32>
      %broadcast_in_dim3A_298 = vector.shape_cast %reduce_min3A_297 : vector<8xf32> to vector<8x1xf32>
      %slice3A_299 = vector.extract_strided_slice %exp3A {offsets = [0, 17920], sizes = [8, 256], strides = [1, 1]} : vector<8x32768xf32> to vector<8x256xf32>
      %reduce_min3A_300 = arith.constant dense<0x7F800000> : vector<8xf32>
      %reduce_min3A_301 = vector.multi_reduction <minimumf>, %slice3A_299, %reduce_min3A_300 [1] : vector<8x256xf32> to vector<8xf32>
      %broadcast_in_dim3A_302 = vector.shape_cast %reduce_min3A_301 : vector<8xf32> to vector<8x1xf32>
      %slice3A_303 = vector.extract_strided_slice %exp3A {offsets = [0, 18176], sizes = [8, 256], strides = [1, 1]} : vector<8x32768xf32> to vector<8x256xf32>
      %reduce_min3A_304 = arith.constant dense<0x7F800000> : vector<8xf32>
      %reduce_min3A_305 = vector.multi_reduction <minimumf>, %slice3A_303, %reduce_min3A_304 [1] : vector<8x256xf32> to vector<8xf32>
      %broadcast_in_dim3A_306 = vector.shape_cast %reduce_min3A_305 : vector<8xf32> to vector<8x1xf32>
      %slice3A_307 = vector.extract_strided_slice %exp3A {offsets = [0, 18432], sizes = [8, 256], strides = [1, 1]} : vector<8x32768xf32> to vector<8x256xf32>
      %reduce_min3A_308 = arith.constant dense<0x7F800000> : vector<8xf32>
      %reduce_min3A_309 = vector.multi_reduction <minimumf>, %slice3A_307, %reduce_min3A_308 [1] : vector<8x256xf32> to vector<8xf32>
      %broadcast_in_dim3A_310 = vector.shape_cast %reduce_min3A_309 : vector<8xf32> to vector<8x1xf32>
      %slice3A_311 = vector.extract_strided_slice %exp3A {offsets = [0, 18688], sizes = [8, 256], strides = [1, 1]} : vector<8x32768xf32> to vector<8x256xf32>
      %reduce_min3A_312 = arith.constant dense<0x7F800000> : vector<8xf32>
      %reduce_min3A_313 = vector.multi_reduction <minimumf>, %slice3A_311, %reduce_min3A_312 [1] : vector<8x256xf32> to vector<8xf32>
      %broadcast_in_dim3A_314 = vector.shape_cast %reduce_min3A_313 : vector<8xf32> to vector<8x1xf32>
      %slice3A_315 = vector.extract_strided_slice %exp3A {offsets = [0, 18944], sizes = [8, 256], strides = [1, 1]} : vector<8x32768xf32> to vector<8x256xf32>
      %reduce_min3A_316 = arith.constant dense<0x7F800000> : vector<8xf32>
      %reduce_min3A_317 = vector.multi_reduction <minimumf>, %slice3A_315, %reduce_min3A_316 [1] : vector<8x256xf32> to vector<8xf32>
      %broadcast_in_dim3A_318 = vector.shape_cast %reduce_min3A_317 : vector<8xf32> to vector<8x1xf32>
      %slice3A_319 = vector.extract_strided_slice %exp3A {offsets = [0, 19200], sizes = [8, 256], strides = [1, 1]} : vector<8x32768xf32> to vector<8x256xf32>
      %reduce_min3A_320 = arith.constant dense<0x7F800000> : vector<8xf32>
      %reduce_min3A_321 = vector.multi_reduction <minimumf>, %slice3A_319, %reduce_min3A_320 [1] : vector<8x256xf32> to vector<8xf32>
      %broadcast_in_dim3A_322 = vector.shape_cast %reduce_min3A_321 : vector<8xf32> to vector<8x1xf32>
      %slice3A_323 = vector.extract_strided_slice %exp3A {offsets = [0, 19456], sizes = [8, 256], strides = [1, 1]} : vector<8x32768xf32> to vector<8x256xf32>
      %reduce_min3A_324 = arith.constant dense<0x7F800000> : vector<8xf32>
      %reduce_min3A_325 = vector.multi_reduction <minimumf>, %slice3A_323, %reduce_min3A_324 [1] : vector<8x256xf32> to vector<8xf32>
      %broadcast_in_dim3A_326 = vector.shape_cast %reduce_min3A_325 : vector<8xf32> to vector<8x1xf32>
      %slice3A_327 = vector.extract_strided_slice %exp3A {offsets = [0, 19712], sizes = [8, 256], strides = [1, 1]} : vector<8x32768xf32> to vector<8x256xf32>
      %reduce_min3A_328 = arith.constant dense<0x7F800000> : vector<8xf32>
      %reduce_min3A_329 = vector.multi_reduction <minimumf>, %slice3A_327, %reduce_min3A_328 [1] : vector<8x256xf32> to vector<8xf32>
      %broadcast_in_dim3A_330 = vector.shape_cast %reduce_min3A_329 : vector<8xf32> to vector<8x1xf32>
      %slice3A_331 = vector.extract_strided_slice %exp3A {offsets = [0, 19968], sizes = [8, 256], strides = [1, 1]} : vector<8x32768xf32> to vector<8x256xf32>
      %reduce_min3A_332 = arith.constant dense<0x7F800000> : vector<8xf32>
      %reduce_min3A_333 = vector.multi_reduction <minimumf>, %slice3A_331, %reduce_min3A_332 [1] : vector<8x256xf32> to vector<8xf32>
      %broadcast_in_dim3A_334 = vector.shape_cast %reduce_min3A_333 : vector<8xf32> to vector<8x1xf32>
      %slice3A_335 = vector.extract_strided_slice %exp3A {offsets = [0, 20224], sizes = [8, 256], strides = [1, 1]} : vector<8x32768xf32> to vector<8x256xf32>
      %reduce_min3A_336 = arith.constant dense<0x7F800000> : vector<8xf32>
      %reduce_min3A_337 = vector.multi_reduction <minimumf>, %slice3A_335, %reduce_min3A_336 [1] : vector<8x256xf32> to vector<8xf32>
      %broadcast_in_dim3A_338 = vector.shape_cast %reduce_min3A_337 : vector<8xf32> to vector<8x1xf32>
      %slice3A_339 = vector.extract_strided_slice %exp3A {offsets = [0, 20480], sizes = [8, 256], strides = [1, 1]} : vector<8x32768xf32> to vector<8x256xf32>
      %reduce_min3A_340 = arith.constant dense<0x7F800000> : vector<8xf32>
      %reduce_min3A_341 = vector.multi_reduction <minimumf>, %slice3A_339, %reduce_min3A_340 [1] : vector<8x256xf32> to vector<8xf32>
      %broadcast_in_dim3A_342 = vector.shape_cast %reduce_min3A_341 : vector<8xf32> to vector<8x1xf32>
      %slice3A_343 = vector.extract_strided_slice %exp3A {offsets = [0, 20736], sizes = [8, 256], strides = [1, 1]} : vector<8x32768xf32> to vector<8x256xf32>
      %reduce_min3A_344 = arith.constant dense<0x7F800000> : vector<8xf32>
      %reduce_min3A_345 = vector.multi_reduction <minimumf>, %slice3A_343, %reduce_min3A_344 [1] : vector<8x256xf32> to vector<8xf32>
      %broadcast_in_dim3A_346 = vector.shape_cast %reduce_min3A_345 : vector<8xf32> to vector<8x1xf32>
      %slice3A_347 = vector.extract_strided_slice %exp3A {offsets = [0, 20992], sizes = [8, 256], strides = [1, 1]} : vector<8x32768xf32> to vector<8x256xf32>
      %reduce_min3A_348 = arith.constant dense<0x7F800000> : vector<8xf32>
      %reduce_min3A_349 = vector.multi_reduction <minimumf>, %slice3A_347, %reduce_min3A_348 [1] : vector<8x256xf32> to vector<8xf32>
      %broadcast_in_dim3A_350 = vector.shape_cast %reduce_min3A_349 : vector<8xf32> to vector<8x1xf32>
      %slice3A_351 = vector.extract_strided_slice %exp3A {offsets = [0, 21248], sizes = [8, 256], strides = [1, 1]} : vector<8x32768xf32> to vector<8x256xf32>
      %reduce_min3A_352 = arith.constant dense<0x7F800000> : vector<8xf32>
      %reduce_min3A_353 = vector.multi_reduction <minimumf>, %slice3A_351, %reduce_min3A_352 [1] : vector<8x256xf32> to vector<8xf32>
      %broadcast_in_dim3A_354 = vector.shape_cast %reduce_min3A_353 : vector<8xf32> to vector<8x1xf32>
      %slice3A_355 = vector.extract_strided_slice %exp3A {offsets = [0, 21504], sizes = [8, 256], strides = [1, 1]} : vector<8x32768xf32> to vector<8x256xf32>
      %reduce_min3A_356 = arith.constant dense<0x7F800000> : vector<8xf32>
      %reduce_min3A_357 = vector.multi_reduction <minimumf>, %slice3A_355, %reduce_min3A_356 [1] : vector<8x256xf32> to vector<8xf32>
      %broadcast_in_dim3A_358 = vector.shape_cast %reduce_min3A_357 : vector<8xf32> to vector<8x1xf32>
      %slice3A_359 = vector.extract_strided_slice %exp3A {offsets = [0, 21760], sizes = [8, 256], strides = [1, 1]} : vector<8x32768xf32> to vector<8x256xf32>
      %reduce_min3A_360 = arith.constant dense<0x7F800000> : vector<8xf32>
      %reduce_min3A_361 = vector.multi_reduction <minimumf>, %slice3A_359, %reduce_min3A_360 [1] : vector<8x256xf32> to vector<8xf32>
      %broadcast_in_dim3A_362 = vector.shape_cast %reduce_min3A_361 : vector<8xf32> to vector<8x1xf32>
      %slice3A_363 = vector.extract_strided_slice %exp3A {offsets = [0, 22016], sizes = [8, 256], strides = [1, 1]} : vector<8x32768xf32> to vector<8x256xf32>
      %reduce_min3A_364 = arith.constant dense<0x7F800000> : vector<8xf32>
      %reduce_min3A_365 = vector.multi_reduction <minimumf>, %slice3A_363, %reduce_min3A_364 [1] : vector<8x256xf32> to vector<8xf32>
      %broadcast_in_dim3A_366 = vector.shape_cast %reduce_min3A_365 : vector<8xf32> to vector<8x1xf32>
      %slice3A_367 = vector.extract_strided_slice %exp3A {offsets = [0, 22272], sizes = [8, 256], strides = [1, 1]} : vector<8x32768xf32> to vector<8x256xf32>
      %reduce_min3A_368 = arith.constant dense<0x7F800000> : vector<8xf32>
      %reduce_min3A_369 = vector.multi_reduction <minimumf>, %slice3A_367, %reduce_min3A_368 [1] : vector<8x256xf32> to vector<8xf32>
      %broadcast_in_dim3A_370 = vector.shape_cast %reduce_min3A_369 : vector<8xf32> to vector<8x1xf32>
      %slice3A_371 = vector.extract_strided_slice %exp3A {offsets = [0, 22528], sizes = [8, 256], strides = [1, 1]} : vector<8x32768xf32> to vector<8x256xf32>
      %reduce_min3A_372 = arith.constant dense<0x7F800000> : vector<8xf32>
      %reduce_min3A_373 = vector.multi_reduction <minimumf>, %slice3A_371, %reduce_min3A_372 [1] : vector<8x256xf32> to vector<8xf32>
      %broadcast_in_dim3A_374 = vector.shape_cast %reduce_min3A_373 : vector<8xf32> to vector<8x1xf32>
      %slice3A_375 = vector.extract_strided_slice %exp3A {offsets = [0, 22784], sizes = [8, 256], strides = [1, 1]} : vector<8x32768xf32> to vector<8x256xf32>
      %reduce_min3A_376 = arith.constant dense<0x7F800000> : vector<8xf32>
      %reduce_min3A_377 = vector.multi_reduction <minimumf>, %slice3A_375, %reduce_min3A_376 [1] : vector<8x256xf32> to vector<8xf32>
      %broadcast_in_dim3A_378 = vector.shape_cast %reduce_min3A_377 : vector<8xf32> to vector<8x1xf32>
      %slice3A_379 = vector.extract_strided_slice %exp3A {offsets = [0, 23040], sizes = [8, 256], strides = [1, 1]} : vector<8x32768xf32> to vector<8x256xf32>
      %reduce_min3A_380 = arith.constant dense<0x7F800000> : vector<8xf32>
      %reduce_min3A_381 = vector.multi_reduction <minimumf>, %slice3A_379, %reduce_min3A_380 [1] : vector<8x256xf32> to vector<8xf32>
      %broadcast_in_dim3A_382 = vector.shape_cast %reduce_min3A_381 : vector<8xf32> to vector<8x1xf32>
      %slice3A_383 = vector.extract_strided_slice %exp3A {offsets = [0, 23296], sizes = [8, 256], strides = [1, 1]} : vector<8x32768xf32> to vector<8x256xf32>
      %reduce_min3A_384 = arith.constant dense<0x7F800000> : vector<8xf32>
      %reduce_min3A_385 = vector.multi_reduction <minimumf>, %slice3A_383, %reduce_min3A_384 [1] : vector<8x256xf32> to vector<8xf32>
      %broadcast_in_dim3A_386 = vector.shape_cast %reduce_min3A_385 : vector<8xf32> to vector<8x1xf32>
      %slice3A_387 = vector.extract_strided_slice %exp3A {offsets = [0, 23552], sizes = [8, 256], strides = [1, 1]} : vector<8x32768xf32> to vector<8x256xf32>
      %reduce_min3A_388 = arith.constant dense<0x7F800000> : vector<8xf32>
      %reduce_min3A_389 = vector.multi_reduction <minimumf>, %slice3A_387, %reduce_min3A_388 [1] : vector<8x256xf32> to vector<8xf32>
      %broadcast_in_dim3A_390 = vector.shape_cast %reduce_min3A_389 : vector<8xf32> to vector<8x1xf32>
      %slice3A_391 = vector.extract_strided_slice %exp3A {offsets = [0, 23808], sizes = [8, 256], strides = [1, 1]} : vector<8x32768xf32> to vector<8x256xf32>
      %reduce_min3A_392 = arith.constant dense<0x7F800000> : vector<8xf32>
      %reduce_min3A_393 = vector.multi_reduction <minimumf>, %slice3A_391, %reduce_min3A_392 [1] : vector<8x256xf32> to vector<8xf32>
      %broadcast_in_dim3A_394 = vector.shape_cast %reduce_min3A_393 : vector<8xf32> to vector<8x1xf32>
      %slice3A_395 = vector.extract_strided_slice %exp3A {offsets = [0, 24064], sizes = [8, 256], strides = [1, 1]} : vector<8x32768xf32> to vector<8x256xf32>
      %reduce_min3A_396 = arith.constant dense<0x7F800000> : vector<8xf32>
      %reduce_min3A_397 = vector.multi_reduction <minimumf>, %slice3A_395, %reduce_min3A_396 [1] : vector<8x256xf32> to vector<8xf32>
      %broadcast_in_dim3A_398 = vector.shape_cast %reduce_min3A_397 : vector<8xf32> to vector<8x1xf32>
      %slice3A_399 = vector.extract_strided_slice %exp3A {offsets = [0, 24320], sizes = [8, 256], strides = [1, 1]} : vector<8x32768xf32> to vector<8x256xf32>
      %reduce_min3A_400 = arith.constant dense<0x7F800000> : vector<8xf32>
      %reduce_min3A_401 = vector.multi_reduction <minimumf>, %slice3A_399, %reduce_min3A_400 [1] : vector<8x256xf32> to vector<8xf32>
      %broadcast_in_dim3A_402 = vector.shape_cast %reduce_min3A_401 : vector<8xf32> to vector<8x1xf32>
      %slice3A_403 = vector.extract_strided_slice %exp3A {offsets = [0, 24576], sizes = [8, 256], strides = [1, 1]} : vector<8x32768xf32> to vector<8x256xf32>
      %reduce_min3A_404 = arith.constant dense<0x7F800000> : vector<8xf32>
      %reduce_min3A_405 = vector.multi_reduction <minimumf>, %slice3A_403, %reduce_min3A_404 [1] : vector<8x256xf32> to vector<8xf32>
      %broadcast_in_dim3A_406 = vector.shape_cast %reduce_min3A_405 : vector<8xf32> to vector<8x1xf32>
      %slice3A_407 = vector.extract_strided_slice %exp3A {offsets = [0, 24832], sizes = [8, 256], strides = [1, 1]} : vector<8x32768xf32> to vector<8x256xf32>
      %reduce_min3A_408 = arith.constant dense<0x7F800000> : vector<8xf32>
      %reduce_min3A_409 = vector.multi_reduction <minimumf>, %slice3A_407, %reduce_min3A_408 [1] : vector<8x256xf32> to vector<8xf32>
      %broadcast_in_dim3A_410 = vector.shape_cast %reduce_min3A_409 : vector<8xf32> to vector<8x1xf32>
      %slice3A_411 = vector.extract_strided_slice %exp3A {offsets = [0, 25088], sizes = [8, 256], strides = [1, 1]} : vector<8x32768xf32> to vector<8x256xf32>
      %reduce_min3A_412 = arith.constant dense<0x7F800000> : vector<8xf32>
      %reduce_min3A_413 = vector.multi_reduction <minimumf>, %slice3A_411, %reduce_min3A_412 [1] : vector<8x256xf32> to vector<8xf32>
      %broadcast_in_dim3A_414 = vector.shape_cast %reduce_min3A_413 : vector<8xf32> to vector<8x1xf32>
      %slice3A_415 = vector.extract_strided_slice %exp3A {offsets = [0, 25344], sizes = [8, 256], strides = [1, 1]} : vector<8x32768xf32> to vector<8x256xf32>
      %reduce_min3A_416 = arith.constant dense<0x7F800000> : vector<8xf32>
      %reduce_min3A_417 = vector.multi_reduction <minimumf>, %slice3A_415, %reduce_min3A_416 [1] : vector<8x256xf32> to vector<8xf32>
      %broadcast_in_dim3A_418 = vector.shape_cast %reduce_min3A_417 : vector<8xf32> to vector<8x1xf32>
      %slice3A_419 = vector.extract_strided_slice %exp3A {offsets = [0, 25600], sizes = [8, 256], strides = [1, 1]} : vector<8x32768xf32> to vector<8x256xf32>
      %reduce_min3A_420 = arith.constant dense<0x7F800000> : vector<8xf32>
      %reduce_min3A_421 = vector.multi_reduction <minimumf>, %slice3A_419, %reduce_min3A_420 [1] : vector<8x256xf32> to vector<8xf32>
      %broadcast_in_dim3A_422 = vector.shape_cast %reduce_min3A_421 : vector<8xf32> to vector<8x1xf32>
      %slice3A_423 = vector.extract_strided_slice %exp3A {offsets = [0, 25856], sizes = [8, 256], strides = [1, 1]} : vector<8x32768xf32> to vector<8x256xf32>
      %reduce_min3A_424 = arith.constant dense<0x7F800000> : vector<8xf32>
      %reduce_min3A_425 = vector.multi_reduction <minimumf>, %slice3A_423, %reduce_min3A_424 [1] : vector<8x256xf32> to vector<8xf32>
      %broadcast_in_dim3A_426 = vector.shape_cast %reduce_min3A_425 : vector<8xf32> to vector<8x1xf32>
      %slice3A_427 = vector.extract_strided_slice %exp3A {offsets = [0, 26112], sizes = [8, 256], strides = [1, 1]} : vector<8x32768xf32> to vector<8x256xf32>
      %reduce_min3A_428 = arith.constant dense<0x7F800000> : vector<8xf32>
      %reduce_min3A_429 = vector.multi_reduction <minimumf>, %slice3A_427, %reduce_min3A_428 [1] : vector<8x256xf32> to vector<8xf32>
      %broadcast_in_dim3A_430 = vector.shape_cast %reduce_min3A_429 : vector<8xf32> to vector<8x1xf32>
      %slice3A_431 = vector.extract_strided_slice %exp3A {offsets = [0, 26368], sizes = [8, 256], strides = [1, 1]} : vector<8x32768xf32> to vector<8x256xf32>
      %reduce_min3A_432 = arith.constant dense<0x7F800000> : vector<8xf32>
      %reduce_min3A_433 = vector.multi_reduction <minimumf>, %slice3A_431, %reduce_min3A_432 [1] : vector<8x256xf32> to vector<8xf32>
      %broadcast_in_dim3A_434 = vector.shape_cast %reduce_min3A_433 : vector<8xf32> to vector<8x1xf32>
      %slice3A_435 = vector.extract_strided_slice %exp3A {offsets = [0, 26624], sizes = [8, 256], strides = [1, 1]} : vector<8x32768xf32> to vector<8x256xf32>
      %reduce_min3A_436 = arith.constant dense<0x7F800000> : vector<8xf32>
      %reduce_min3A_437 = vector.multi_reduction <minimumf>, %slice3A_435, %reduce_min3A_436 [1] : vector<8x256xf32> to vector<8xf32>
      %broadcast_in_dim3A_438 = vector.shape_cast %reduce_min3A_437 : vector<8xf32> to vector<8x1xf32>
      %slice3A_439 = vector.extract_strided_slice %exp3A {offsets = [0, 26880], sizes = [8, 256], strides = [1, 1]} : vector<8x32768xf32> to vector<8x256xf32>
      %reduce_min3A_440 = arith.constant dense<0x7F800000> : vector<8xf32>
      %reduce_min3A_441 = vector.multi_reduction <minimumf>, %slice3A_439, %reduce_min3A_440 [1] : vector<8x256xf32> to vector<8xf32>
      %broadcast_in_dim3A_442 = vector.shape_cast %reduce_min3A_441 : vector<8xf32> to vector<8x1xf32>
      %slice3A_443 = vector.extract_strided_slice %exp3A {offsets = [0, 27136], sizes = [8, 256], strides = [1, 1]} : vector<8x32768xf32> to vector<8x256xf32>
      %reduce_min3A_444 = arith.constant dense<0x7F800000> : vector<8xf32>
      %reduce_min3A_445 = vector.multi_reduction <minimumf>, %slice3A_443, %reduce_min3A_444 [1] : vector<8x256xf32> to vector<8xf32>
      %broadcast_in_dim3A_446 = vector.shape_cast %reduce_min3A_445 : vector<8xf32> to vector<8x1xf32>
      %slice3A_447 = vector.extract_strided_slice %exp3A {offsets = [0, 27392], sizes = [8, 256], strides = [1, 1]} : vector<8x32768xf32> to vector<8x256xf32>
      %reduce_min3A_448 = arith.constant dense<0x7F800000> : vector<8xf32>
      %reduce_min3A_449 = vector.multi_reduction <minimumf>, %slice3A_447, %reduce_min3A_448 [1] : vector<8x256xf32> to vector<8xf32>
      %broadcast_in_dim3A_450 = vector.shape_cast %reduce_min3A_449 : vector<8xf32> to vector<8x1xf32>
      %slice3A_451 = vector.extract_strided_slice %exp3A {offsets = [0, 27648], sizes = [8, 256], strides = [1, 1]} : vector<8x32768xf32> to vector<8x256xf32>
      %reduce_min3A_452 = arith.constant dense<0x7F800000> : vector<8xf32>
      %reduce_min3A_453 = vector.multi_reduction <minimumf>, %slice3A_451, %reduce_min3A_452 [1] : vector<8x256xf32> to vector<8xf32>
      %broadcast_in_dim3A_454 = vector.shape_cast %reduce_min3A_453 : vector<8xf32> to vector<8x1xf32>
      %slice3A_455 = vector.extract_strided_slice %exp3A {offsets = [0, 27904], sizes = [8, 256], strides = [1, 1]} : vector<8x32768xf32> to vector<8x256xf32>
      %reduce_min3A_456 = arith.constant dense<0x7F800000> : vector<8xf32>
      %reduce_min3A_457 = vector.multi_reduction <minimumf>, %slice3A_455, %reduce_min3A_456 [1] : vector<8x256xf32> to vector<8xf32>
      %broadcast_in_dim3A_458 = vector.shape_cast %reduce_min3A_457 : vector<8xf32> to vector<8x1xf32>
      %slice3A_459 = vector.extract_strided_slice %exp3A {offsets = [0, 28160], sizes = [8, 256], strides = [1, 1]} : vector<8x32768xf32> to vector<8x256xf32>
      %reduce_min3A_460 = arith.constant dense<0x7F800000> : vector<8xf32>
      %reduce_min3A_461 = vector.multi_reduction <minimumf>, %slice3A_459, %reduce_min3A_460 [1] : vector<8x256xf32> to vector<8xf32>
      %broadcast_in_dim3A_462 = vector.shape_cast %reduce_min3A_461 : vector<8xf32> to vector<8x1xf32>
      %slice3A_463 = vector.extract_strided_slice %exp3A {offsets = [0, 28416], sizes = [8, 256], strides = [1, 1]} : vector<8x32768xf32> to vector<8x256xf32>
      %reduce_min3A_464 = arith.constant dense<0x7F800000> : vector<8xf32>
      %reduce_min3A_465 = vector.multi_reduction <minimumf>, %slice3A_463, %reduce_min3A_464 [1] : vector<8x256xf32> to vector<8xf32>
      %broadcast_in_dim3A_466 = vector.shape_cast %reduce_min3A_465 : vector<8xf32> to vector<8x1xf32>
      %slice3A_467 = vector.extract_strided_slice %exp3A {offsets = [0, 28672], sizes = [8, 256], strides = [1, 1]} : vector<8x32768xf32> to vector<8x256xf32>
      %reduce_min3A_468 = arith.constant dense<0x7F800000> : vector<8xf32>
      %reduce_min3A_469 = vector.multi_reduction <minimumf>, %slice3A_467, %reduce_min3A_468 [1] : vector<8x256xf32> to vector<8xf32>
      %broadcast_in_dim3A_470 = vector.shape_cast %reduce_min3A_469 : vector<8xf32> to vector<8x1xf32>
      %slice3A_471 = vector.extract_strided_slice %exp3A {offsets = [0, 28928], sizes = [8, 256], strides = [1, 1]} : vector<8x32768xf32> to vector<8x256xf32>
      %reduce_min3A_472 = arith.constant dense<0x7F800000> : vector<8xf32>
      %reduce_min3A_473 = vector.multi_reduction <minimumf>, %slice3A_471, %reduce_min3A_472 [1] : vector<8x256xf32> to vector<8xf32>
      %broadcast_in_dim3A_474 = vector.shape_cast %reduce_min3A_473 : vector<8xf32> to vector<8x1xf32>
      %slice3A_475 = vector.extract_strided_slice %exp3A {offsets = [0, 29184], sizes = [8, 256], strides = [1, 1]} : vector<8x32768xf32> to vector<8x256xf32>
      %reduce_min3A_476 = arith.constant dense<0x7F800000> : vector<8xf32>
      %reduce_min3A_477 = vector.multi_reduction <minimumf>, %slice3A_475, %reduce_min3A_476 [1] : vector<8x256xf32> to vector<8xf32>
      %broadcast_in_dim3A_478 = vector.shape_cast %reduce_min3A_477 : vector<8xf32> to vector<8x1xf32>
      %slice3A_479 = vector.extract_strided_slice %exp3A {offsets = [0, 29440], sizes = [8, 256], strides = [1, 1]} : vector<8x32768xf32> to vector<8x256xf32>
      %reduce_min3A_480 = arith.constant dense<0x7F800000> : vector<8xf32>
      %reduce_min3A_481 = vector.multi_reduction <minimumf>, %slice3A_479, %reduce_min3A_480 [1] : vector<8x256xf32> to vector<8xf32>
      %broadcast_in_dim3A_482 = vector.shape_cast %reduce_min3A_481 : vector<8xf32> to vector<8x1xf32>
      %slice3A_483 = vector.extract_strided_slice %exp3A {offsets = [0, 29696], sizes = [8, 256], strides = [1, 1]} : vector<8x32768xf32> to vector<8x256xf32>
      %reduce_min3A_484 = arith.constant dense<0x7F800000> : vector<8xf32>
      %reduce_min3A_485 = vector.multi_reduction <minimumf>, %slice3A_483, %reduce_min3A_484 [1] : vector<8x256xf32> to vector<8xf32>
      %broadcast_in_dim3A_486 = vector.shape_cast %reduce_min3A_485 : vector<8xf32> to vector<8x1xf32>
      %slice3A_487 = vector.extract_strided_slice %exp3A {offsets = [0, 29952], sizes = [8, 256], strides = [1, 1]} : vector<8x32768xf32> to vector<8x256xf32>
      %reduce_min3A_488 = arith.constant dense<0x7F800000> : vector<8xf32>
      %reduce_min3A_489 = vector.multi_reduction <minimumf>, %slice3A_487, %reduce_min3A_488 [1] : vector<8x256xf32> to vector<8xf32>
      %broadcast_in_dim3A_490 = vector.shape_cast %reduce_min3A_489 : vector<8xf32> to vector<8x1xf32>
      %slice3A_491 = vector.extract_strided_slice %exp3A {offsets = [0, 30208], sizes = [8, 256], strides = [1, 1]} : vector<8x32768xf32> to vector<8x256xf32>
      %reduce_min3A_492 = arith.constant dense<0x7F800000> : vector<8xf32>
      %reduce_min3A_493 = vector.multi_reduction <minimumf>, %slice3A_491, %reduce_min3A_492 [1] : vector<8x256xf32> to vector<8xf32>
      %broadcast_in_dim3A_494 = vector.shape_cast %reduce_min3A_493 : vector<8xf32> to vector<8x1xf32>
      %slice3A_495 = vector.extract_strided_slice %exp3A {offsets = [0, 30464], sizes = [8, 256], strides = [1, 1]} : vector<8x32768xf32> to vector<8x256xf32>
      %reduce_min3A_496 = arith.constant dense<0x7F800000> : vector<8xf32>
      %reduce_min3A_497 = vector.multi_reduction <minimumf>, %slice3A_495, %reduce_min3A_496 [1] : vector<8x256xf32> to vector<8xf32>
      %broadcast_in_dim3A_498 = vector.shape_cast %reduce_min3A_497 : vector<8xf32> to vector<8x1xf32>
      %slice3A_499 = vector.extract_strided_slice %exp3A {offsets = [0, 30720], sizes = [8, 256], strides = [1, 1]} : vector<8x32768xf32> to vector<8x256xf32>
      %reduce_min3A_500 = arith.constant dense<0x7F800000> : vector<8xf32>
      %reduce_min3A_501 = vector.multi_reduction <minimumf>, %slice3A_499, %reduce_min3A_500 [1] : vector<8x256xf32> to vector<8xf32>
      %broadcast_in_dim3A_502 = vector.shape_cast %reduce_min3A_501 : vector<8xf32> to vector<8x1xf32>
      %slice3A_503 = vector.extract_strided_slice %exp3A {offsets = [0, 30976], sizes = [8, 256], strides = [1, 1]} : vector<8x32768xf32> to vector<8x256xf32>
      %reduce_min3A_504 = arith.constant dense<0x7F800000> : vector<8xf32>
      %reduce_min3A_505 = vector.multi_reduction <minimumf>, %slice3A_503, %reduce_min3A_504 [1] : vector<8x256xf32> to vector<8xf32>
      %broadcast_in_dim3A_506 = vector.shape_cast %reduce_min3A_505 : vector<8xf32> to vector<8x1xf32>
      %slice3A_507 = vector.extract_strided_slice %exp3A {offsets = [0, 31232], sizes = [8, 256], strides = [1, 1]} : vector<8x32768xf32> to vector<8x256xf32>
      %reduce_min3A_508 = arith.constant dense<0x7F800000> : vector<8xf32>
      %reduce_min3A_509 = vector.multi_reduction <minimumf>, %slice3A_507, %reduce_min3A_508 [1] : vector<8x256xf32> to vector<8xf32>
      %broadcast_in_dim3A_510 = vector.shape_cast %reduce_min3A_509 : vector<8xf32> to vector<8x1xf32>
      %slice3A_511 = vector.extract_strided_slice %exp3A {offsets = [0, 31488], sizes = [8, 256], strides = [1, 1]} : vector<8x32768xf32> to vector<8x256xf32>
      %reduce_min3A_512 = arith.constant dense<0x7F800000> : vector<8xf32>
      %reduce_min3A_513 = vector.multi_reduction <minimumf>, %slice3A_511, %reduce_min3A_512 [1] : vector<8x256xf32> to vector<8xf32>
      %broadcast_in_dim3A_514 = vector.shape_cast %reduce_min3A_513 : vector<8xf32> to vector<8x1xf32>
      %slice3A_515 = vector.extract_strided_slice %exp3A {offsets = [0, 31744], sizes = [8, 256], strides = [1, 1]} : vector<8x32768xf32> to vector<8x256xf32>
      %reduce_min3A_516 = arith.constant dense<0x7F800000> : vector<8xf32>
      %reduce_min3A_517 = vector.multi_reduction <minimumf>, %slice3A_515, %reduce_min3A_516 [1] : vector<8x256xf32> to vector<8xf32>
      %broadcast_in_dim3A_518 = vector.shape_cast %reduce_min3A_517 : vector<8xf32> to vector<8x1xf32>
      %slice3A_519 = vector.extract_strided_slice %exp3A {offsets = [0, 32000], sizes = [8, 256], strides = [1, 1]} : vector<8x32768xf32> to vector<8x256xf32>
      %reduce_min3A_520 = arith.constant dense<0x7F800000> : vector<8xf32>
      %reduce_min3A_521 = vector.multi_reduction <minimumf>, %slice3A_519, %reduce_min3A_520 [1] : vector<8x256xf32> to vector<8xf32>
      %broadcast_in_dim3A_522 = vector.shape_cast %reduce_min3A_521 : vector<8xf32> to vector<8x1xf32>
      %slice3A_523 = vector.extract_strided_slice %exp3A {offsets = [0, 32256], sizes = [8, 256], strides = [1, 1]} : vector<8x32768xf32> to vector<8x256xf32>
      %reduce_min3A_524 = arith.constant dense<0x7F800000> : vector<8xf32>
      %reduce_min3A_525 = vector.multi_reduction <minimumf>, %slice3A_523, %reduce_min3A_524 [1] : vector<8x256xf32> to vector<8xf32>
      %broadcast_in_dim3A_526 = vector.shape_cast %reduce_min3A_525 : vector<8xf32> to vector<8x1xf32>
      %slice3A_527 = vector.extract_strided_slice %exp3A {offsets = [0, 32512], sizes = [8, 256], strides = [1, 1]} : vector<8x32768xf32> to vector<8x256xf32>
      %reduce_min3A_528 = arith.constant dense<0x7F800000> : vector<8xf32>
      %reduce_min3A_529 = vector.multi_reduction <minimumf>, %slice3A_527, %reduce_min3A_528 [1] : vector<8x256xf32> to vector<8xf32>
      %broadcast_in_dim3A_530 = vector.shape_cast %reduce_min3A_529 : vector<8xf32> to vector<8x1xf32>
      %concatenate3A = tpu.concatenate %broadcast_in_dim3A_22, %broadcast_in_dim3A_26, %broadcast_in_dim3A_30, %broadcast_in_dim3A_34, %broadcast_in_dim3A_38, %broadcast_in_dim3A_42, %broadcast_in_dim3A_46, %broadcast_in_dim3A_50, %broadcast_in_dim3A_54, %broadcast_in_dim3A_58, %broadcast_in_dim3A_62, %broadcast_in_dim3A_66, %broadcast_in_dim3A_70, %broadcast_in_dim3A_74, %broadcast_in_dim3A_78, %broadcast_in_dim3A_82, %broadcast_in_dim3A_86, %broadcast_in_dim3A_90, %broadcast_in_dim3A_94, %broadcast_in_dim3A_98, %broadcast_in_dim3A_102, %broadcast_in_dim3A_106, %broadcast_in_dim3A_110, %broadcast_in_dim3A_114, %broadcast_in_dim3A_118, %broadcast_in_dim3A_122, %broadcast_in_dim3A_126, %broadcast_in_dim3A_130, %broadcast_in_dim3A_134, %broadcast_in_dim3A_138, %broadcast_in_dim3A_142, %broadcast_in_dim3A_146, %broadcast_in_dim3A_150, %broadcast_in_dim3A_154, %broadcast_in_dim3A_158, %broadcast_in_dim3A_162, %broadcast_in_dim3A_166, %broadcast_in_dim3A_170, %broadcast_in_dim3A_174, %broadcast_in_dim3A_178, %broadcast_in_dim3A_182, %broadcast_in_dim3A_186, %broadcast_in_dim3A_190, %broadcast_in_dim3A_194, %broadcast_in_dim3A_198, %broadcast_in_dim3A_202, %broadcast_in_dim3A_206, %broadcast_in_dim3A_210, %broadcast_in_dim3A_214, %broadcast_in_dim3A_218, %broadcast_in_dim3A_222, %broadcast_in_dim3A_226, %broadcast_in_dim3A_230, %broadcast_in_dim3A_234, %broadcast_in_dim3A_238, %broadcast_in_dim3A_242, %broadcast_in_dim3A_246, %broadcast_in_dim3A_250, %broadcast_in_dim3A_254, %broadcast_in_dim3A_258, %broadcast_in_dim3A_262, %broadcast_in_dim3A_266, %broadcast_in_dim3A_270, %broadcast_in_dim3A_274, %broadcast_in_dim3A_278, %broadcast_in_dim3A_282, %broadcast_in_dim3A_286, %broadcast_in_dim3A_290, %broadcast_in_dim3A_294, %broadcast_in_dim3A_298, %broadcast_in_dim3A_302, %broadcast_in_dim3A_306, %broadcast_in_dim3A_310, %broadcast_in_dim3A_314, %broadcast_in_dim3A_318, %broadcast_in_dim3A_322, %broadcast_in_dim3A_326, %broadcast_in_dim3A_330, %broadcast_in_dim3A_334, %broadcast_in_dim3A_338, %broadcast_in_dim3A_342, %broadcast_in_dim3A_346, %broadcast_in_dim3A_350, %broadcast_in_dim3A_354, %broadcast_in_dim3A_358, %broadcast_in_dim3A_362, %broadcast_in_dim3A_366, %broadcast_in_dim3A_370, %broadcast_in_dim3A_374, %broadcast_in_dim3A_378, %broadcast_in_dim3A_382, %broadcast_in_dim3A_386, %broadcast_in_dim3A_390, %broadcast_in_dim3A_394, %broadcast_in_dim3A_398, %broadcast_in_dim3A_402, %broadcast_in_dim3A_406, %broadcast_in_dim3A_410, %broadcast_in_dim3A_414, %broadcast_in_dim3A_418, %broadcast_in_dim3A_422, %broadcast_in_dim3A_426, %broadcast_in_dim3A_430, %broadcast_in_dim3A_434, %broadcast_in_dim3A_438, %broadcast_in_dim3A_442, %broadcast_in_dim3A_446, %broadcast_in_dim3A_450, %broadcast_in_dim3A_454, %broadcast_in_dim3A_458, %broadcast_in_dim3A_462, %broadcast_in_dim3A_466, %broadcast_in_dim3A_470, %broadcast_in_dim3A_474, %broadcast_in_dim3A_478, %broadcast_in_dim3A_482, %broadcast_in_dim3A_486, %broadcast_in_dim3A_490, %broadcast_in_dim3A_494, %broadcast_in_dim3A_498, %broadcast_in_dim3A_502, %broadcast_in_dim3A_506, %broadcast_in_dim3A_510, %broadcast_in_dim3A_514, %broadcast_in_dim3A_518, %broadcast_in_dim3A_522, %broadcast_in_dim3A_526, %broadcast_in_dim3A_530 in 1 : vector<8x1xf32>, vector<8x1xf32>, vector<8x1xf32>, vector<8x1xf32>, vector<8x1xf32>, vector<8x1xf32>, vector<8x1xf32>, vector<8x1xf32>, vector<8x1xf32>, vector<8x1xf32>, vector<8x1xf32>, vector<8x1xf32>, vector<8x1xf32>, vector<8x1xf32>, vector<8x1xf32>, vector<8x1xf32>, vector<8x1xf32>, vector<8x1xf32>, vector<8x1xf32>, vector<8x1xf32>, vector<8x1xf32>, vector<8x1xf32>, vector<8x1xf32>, vector<8x1xf32>, vector<8x1xf32>, vector<8x1xf32>, vector<8x1xf32>, vector<8x1xf32>, vector<8x1xf32>, vector<8x1xf32>, vector<8x1xf32>, vector<8x1xf32>, vector<8x1xf32>, vector<8x1xf32>, vector<8x1xf32>, vector<8x1xf32>, vector<8x1xf32>, vector<8x1xf32>, vector<8x1xf32>, vector<8x1xf32>, vector<8x1xf32>, vector<8x1xf32>, vector<8x1xf32>, vector<8x1xf32>, vector<8x1xf32>, vector<8x1xf32>, vector<8x1xf32>, vector<8x1xf32>, vector<8x1xf32>, vector<8x1xf32>, vector<8x1xf32>, vector<8x1xf32>, vector<8x1xf32>, vector<8x1xf32>, vector<8x1xf32>, vector<8x1xf32>, vector<8x1xf32>, vector<8x1xf32>, vector<8x1xf32>, vector<8x1xf32>, vector<8x1xf32>, vector<8x1xf32>, vector<8x1xf32>, vector<8x1xf32>, vector<8x1xf32>, vector<8x1xf32>, vector<8x1xf32>, vector<8x1xf32>, vector<8x1xf32>, vector<8x1xf32>, vector<8x1xf32>, vector<8x1xf32>, vector<8x1xf32>, vector<8x1xf32>, vector<8x1xf32>, vector<8x1xf32>, vector<8x1xf32>, vector<8x1xf32>, vector<8x1xf32>, vector<8x1xf32>, vector<8x1xf32>, vector<8x1xf32>, vector<8x1xf32>, vector<8x1xf32>, vector<8x1xf32>, vector<8x1xf32>, vector<8x1xf32>, vector<8x1xf32>, vector<8x1xf32>, vector<8x1xf32>, vector<8x1xf32>, vector<8x1xf32>, vector<8x1xf32>, vector<8x1xf32>, vector<8x1xf32>, vector<8x1xf32>, vector<8x1xf32>, vector<8x1xf32>, vector<8x1xf32>, vector<8x1xf32>, vector<8x1xf32>, vector<8x1xf32>, vector<8x1xf32>, vector<8x1xf32>, vector<8x1xf32>, vector<8x1xf32>, vector<8x1xf32>, vector<8x1xf32>, vector<8x1xf32>, vector<8x1xf32>, vector<8x1xf32>, vector<8x1xf32>, vector<8x1xf32>, vector<8x1xf32>, vector<8x1xf32>, vector<8x1xf32>, vector<8x1xf32>, vector<8x1xf32>, vector<8x1xf32>, vector<8x1xf32>, vector<8x1xf32>, vector<8x1xf32>, vector<8x1xf32>, vector<8x1xf32>, vector<8x1xf32>, vector<8x1xf32>, vector<8x1xf32>, vector<8x1xf32> -> vector<8x128xf32>
      %mul3A = arith.constant 128 : i32
      %mul3A_531 = arith.muli %arg1, %mul3A : i32
      %swap3A_532 = arith.constant 0 : index
      %swap3A_533 = arith.index_cast %mul3A_531 : i32 to index
      %swap3A_534 = vector.load %arg5[%swap3A_532, %swap3A_533] : memref<8x512xf32, #tpu.memory_space<vmem>>, vector<8x128xf32>
      tpu.vector_store %arg5[%swap3A_532, %swap3A_533], %concatenate3A {strides = array<i32>} : memref<8x512xf32, #tpu.memory_space<vmem>>, vector<8x128xf32>,
      %broadcast_in_dim3A_535 = vector.shape_cast %broadcast_in_dim3A : vector<8x1xf32> to vector<8x1xf32>
      %broadcast_in_dim3A_536 = vector.broadcast %broadcast_in_dim3A_535 : vector<8x1xf32> to vector<8x128xf32>
      %eq3A_537 = arith.constant 0 : i32
      %eq3A_538 = arith.cmpi eq, %arg1, %eq3A_537 : i32
      %convert_element_type3A_539 = arith.extui %eq3A_538 : i1 to i32
      %cond3A_540 = arith.constant 0 : i32
      %cond3A_541 = arith.cmpi ne, %convert_element_type3A_539, %cond3A_540 : i32
      scf.if %cond3A_541 {
        %swap3A_546 = arith.constant 0 : index
        %swap3A_547 = arith.constant 0 : index
        %swap3A_548 = vector.load %arg6[%swap3A_546, %swap3A_547] : memref<8x128xf32, #tpu.memory_space<vmem>>, vector<8x128xf32>
        tpu.vector_store %arg6[%swap3A_546, %swap3A_547], %broadcast_in_dim3A_536 {strides = array<i32>} : memref<8x128xf32, #tpu.memory_space<vmem>>, vector<8x128xf32>,
      } else {
      }
      %ne3A = arith.constant 0 : i32
      %ne3A_542 = arith.cmpi ne, %arg1, %ne3A : i32
      %convert_element_type3A_543 = arith.extui %ne3A_542 : i1 to i32
      %cond3A_544 = arith.constant 0 : i32
      %cond3A_545 = arith.cmpi ne, %convert_element_type3A_543, %cond3A_544 : i32
      scf.if %cond3A_545 {
        %get3A_546 = arith.constant 0 : index
        %get3A_547 = arith.constant 0 : index
        %get3A_548 = vector.load %arg6[%get3A_546, %get3A_547] : memref<8x128xf32, #tpu.memory_space<vmem>>, vector<8x128xf32>
        %add3A = arith.addf %get3A_548, %broadcast_in_dim3A_536 : vector<8x128xf32>
        %swap3A_549 = arith.constant 0 : index
        %swap3A_550 = arith.constant 0 : index
        %swap3A_551 = vector.load %arg6[%swap3A_549, %swap3A_550] : memref<8x128xf32, #tpu.memory_space<vmem>>, vector<8x128xf32>
        tpu.vector_store %arg6[%swap3A_549, %swap3A_550], %add3A {strides = array<i32>} : memref<8x128xf32, #tpu.memory_space<vmem>>, vector<8x128xf32>,
      } else {
      }
    } else {
    }
    %eq3A = arith.constant 3 : i32
    %eq3A_9 = arith.cmpi eq, %arg1, %eq3A : i32
    %convert_element_type3A_10 = arith.extui %eq3A_9 : i1 to i32
    %cond3A_11 = arith.constant 0 : i32
    %cond3A_12 = arith.cmpi ne, %convert_element_type3A_10, %cond3A_11 : i32
    scf.if %cond3A_12 {
      %mul3A = arith.constant 32768 : i32
      %mul3A_13 = arith.muli %arg1, %mul3A : i32
      %iota3A = tpu.iota {dimensions = array<i32: 1>} : vector<8x32768xi32>
      %add3A = vector.broadcast %mul3A_13 : i32 to vector<8x32768xi32>
      %add3A_14 = arith.addi %add3A, %iota3A : vector<8x32768xi32>
      %lt3A_15 = arith.constant 100000 : i32
      %lt3A_16 = vector.broadcast %lt3A_15 : i32 to vector<8x32768xi32>
      %lt3A_17 = arith.cmpi slt, %add3A_14, %lt3A_16 : vector<8x32768xi32>
      %div3A_18 = arith.constant 0.699999988 : f32
      %div3A_19 = vector.broadcast %div3A_18 : f32 to vector<8x32768xf32>
      %div3A_20 = arith.divf %get3A_1, %div3A_19 : vector<8x32768xf32>
      %sub3A = vector.broadcast %div3A_6 : vector<8x1xf32> to vector<8x32768xf32>
      %sub3A_21 = arith.subf %div3A_20, %sub3A : vector<8x32768xf32>
      %exp3A = math.exp %sub3A_21 : vector<8x32768xf32>
      %jit3A = arith.constant 0x7F800000 : f32
      %broadcast_in_dim3A = vector.broadcast %jit3A : f32 to vector<8x32768xf32>
      %select_n3A = arith.select %lt3A_17, %exp3A, %broadcast_in_dim3A : vector<8x32768xi1>, vector<8x32768xf32>
      %jit3A_22 = arith.constant 0.000000e+00 : f32
      %broadcast_in_dim3A_23 = vector.broadcast %jit3A_22 : f32 to vector<8x32768xf32>
      %select_n3A_24 = arith.select %lt3A_17, %exp3A, %broadcast_in_dim3A_23 : vector<8x32768xi1>, vector<8x32768xf32>
      %reduce_sum3A = arith.constant dense<0.000000e+00> : vector<8xf32>
      %reduce_sum3A_25 = vector.multi_reduction <add>, %select_n3A_24, %reduce_sum3A [1] : vector<8x32768xf32> to vector<8xf32>
      %broadcast_in_dim3A_26 = vector.shape_cast %reduce_sum3A_25 : vector<8xf32> to vector<8x1xf32>
      %swap3A = arith.constant 0 : index
      %swap3A_27 = arith.constant 0 : index
      %swap3A_28 = vector.load %arg4[%swap3A, %swap3A_27] : memref<8x32768xf32, #tpu.memory_space<vmem>>, vector<8x32768xf32>
      tpu.vector_store %arg4[%swap3A, %swap3A_27], %select_n3A {strides = array<i32>} : memref<8x32768xf32, #tpu.memory_space<vmem>>, vector<8x32768xf32>,
      %slice3A_29 = vector.extract_strided_slice %select_n3A {offsets = [0, 0], sizes = [8, 256], strides = [1, 1]} : vector<8x32768xf32> to vector<8x256xf32>
      %reduce_min3A = arith.constant dense<0x7F800000> : vector<8xf32>
      %reduce_min3A_30 = vector.multi_reduction <minimumf>, %slice3A_29, %reduce_min3A [1] : vector<8x256xf32> to vector<8xf32>
      %broadcast_in_dim3A_31 = vector.shape_cast %reduce_min3A_30 : vector<8xf32> to vector<8x1xf32>
      %slice3A_32 = vector.extract_strided_slice %select_n3A {offsets = [0, 256], sizes = [8, 256], strides = [1, 1]} : vector<8x32768xf32> to vector<8x256xf32>
      %reduce_min3A_33 = arith.constant dense<0x7F800000> : vector<8xf32>
      %reduce_min3A_34 = vector.multi_reduction <minimumf>, %slice3A_32, %reduce_min3A_33 [1] : vector<8x256xf32> to vector<8xf32>
      %broadcast_in_dim3A_35 = vector.shape_cast %reduce_min3A_34 : vector<8xf32> to vector<8x1xf32>
      %slice3A_36 = vector.extract_strided_slice %select_n3A {offsets = [0, 512], sizes = [8, 256], strides = [1, 1]} : vector<8x32768xf32> to vector<8x256xf32>
      %reduce_min3A_37 = arith.constant dense<0x7F800000> : vector<8xf32>
      %reduce_min3A_38 = vector.multi_reduction <minimumf>, %slice3A_36, %reduce_min3A_37 [1] : vector<8x256xf32> to vector<8xf32>
      %broadcast_in_dim3A_39 = vector.shape_cast %reduce_min3A_38 : vector<8xf32> to vector<8x1xf32>
      %slice3A_40 = vector.extract_strided_slice %select_n3A {offsets = [0, 768], sizes = [8, 256], strides = [1, 1]} : vector<8x32768xf32> to vector<8x256xf32>
      %reduce_min3A_41 = arith.constant dense<0x7F800000> : vector<8xf32>
      %reduce_min3A_42 = vector.multi_reduction <minimumf>, %slice3A_40, %reduce_min3A_41 [1] : vector<8x256xf32> to vector<8xf32>
      %broadcast_in_dim3A_43 = vector.shape_cast %reduce_min3A_42 : vector<8xf32> to vector<8x1xf32>
      %slice3A_44 = vector.extract_strided_slice %select_n3A {offsets = [0, 1024], sizes = [8, 256], strides = [1, 1]} : vector<8x32768xf32> to vector<8x256xf32>
      %reduce_min3A_45 = arith.constant dense<0x7F800000> : vector<8xf32>
      %reduce_min3A_46 = vector.multi_reduction <minimumf>, %slice3A_44, %reduce_min3A_45 [1] : vector<8x256xf32> to vector<8xf32>
      %broadcast_in_dim3A_47 = vector.shape_cast %reduce_min3A_46 : vector<8xf32> to vector<8x1xf32>
      %slice3A_48 = vector.extract_strided_slice %select_n3A {offsets = [0, 1280], sizes = [8, 256], strides = [1, 1]} : vector<8x32768xf32> to vector<8x256xf32>
      %reduce_min3A_49 = arith.constant dense<0x7F800000> : vector<8xf32>
      %reduce_min3A_50 = vector.multi_reduction <minimumf>, %slice3A_48, %reduce_min3A_49 [1] : vector<8x256xf32> to vector<8xf32>
      %broadcast_in_dim3A_51 = vector.shape_cast %reduce_min3A_50 : vector<8xf32> to vector<8x1xf32>
      %slice3A_52 = vector.extract_strided_slice %select_n3A {offsets = [0, 1536], sizes = [8, 256], strides = [1, 1]} : vector<8x32768xf32> to vector<8x256xf32>
      %reduce_min3A_53 = arith.constant dense<0x7F800000> : vector<8xf32>
      %reduce_min3A_54 = vector.multi_reduction <minimumf>, %slice3A_52, %reduce_min3A_53 [1] : vector<8x256xf32> to vector<8xf32>
      %broadcast_in_dim3A_55 = vector.shape_cast %reduce_min3A_54 : vector<8xf32> to vector<8x1xf32>
      %slice3A_56 = vector.extract_strided_slice %select_n3A {offsets = [0, 1792], sizes = [8, 256], strides = [1, 1]} : vector<8x32768xf32> to vector<8x256xf32>
      %reduce_min3A_57 = arith.constant dense<0x7F800000> : vector<8xf32>
      %reduce_min3A_58 = vector.multi_reduction <minimumf>, %slice3A_56, %reduce_min3A_57 [1] : vector<8x256xf32> to vector<8xf32>
      %broadcast_in_dim3A_59 = vector.shape_cast %reduce_min3A_58 : vector<8xf32> to vector<8x1xf32>
      %slice3A_60 = vector.extract_strided_slice %select_n3A {offsets = [0, 2048], sizes = [8, 256], strides = [1, 1]} : vector<8x32768xf32> to vector<8x256xf32>
      %reduce_min3A_61 = arith.constant dense<0x7F800000> : vector<8xf32>
      %reduce_min3A_62 = vector.multi_reduction <minimumf>, %slice3A_60, %reduce_min3A_61 [1] : vector<8x256xf32> to vector<8xf32>
      %broadcast_in_dim3A_63 = vector.shape_cast %reduce_min3A_62 : vector<8xf32> to vector<8x1xf32>
      %slice3A_64 = vector.extract_strided_slice %select_n3A {offsets = [0, 2304], sizes = [8, 256], strides = [1, 1]} : vector<8x32768xf32> to vector<8x256xf32>
      %reduce_min3A_65 = arith.constant dense<0x7F800000> : vector<8xf32>
      %reduce_min3A_66 = vector.multi_reduction <minimumf>, %slice3A_64, %reduce_min3A_65 [1] : vector<8x256xf32> to vector<8xf32>
      %broadcast_in_dim3A_67 = vector.shape_cast %reduce_min3A_66 : vector<8xf32> to vector<8x1xf32>
      %slice3A_68 = vector.extract_strided_slice %select_n3A {offsets = [0, 2560], sizes = [8, 256], strides = [1, 1]} : vector<8x32768xf32> to vector<8x256xf32>
      %reduce_min3A_69 = arith.constant dense<0x7F800000> : vector<8xf32>
      %reduce_min3A_70 = vector.multi_reduction <minimumf>, %slice3A_68, %reduce_min3A_69 [1] : vector<8x256xf32> to vector<8xf32>
      %broadcast_in_dim3A_71 = vector.shape_cast %reduce_min3A_70 : vector<8xf32> to vector<8x1xf32>
      %slice3A_72 = vector.extract_strided_slice %select_n3A {offsets = [0, 2816], sizes = [8, 256], strides = [1, 1]} : vector<8x32768xf32> to vector<8x256xf32>
      %reduce_min3A_73 = arith.constant dense<0x7F800000> : vector<8xf32>
      %reduce_min3A_74 = vector.multi_reduction <minimumf>, %slice3A_72, %reduce_min3A_73 [1] : vector<8x256xf32> to vector<8xf32>
      %broadcast_in_dim3A_75 = vector.shape_cast %reduce_min3A_74 : vector<8xf32> to vector<8x1xf32>
      %slice3A_76 = vector.extract_strided_slice %select_n3A {offsets = [0, 3072], sizes = [8, 256], strides = [1, 1]} : vector<8x32768xf32> to vector<8x256xf32>
      %reduce_min3A_77 = arith.constant dense<0x7F800000> : vector<8xf32>
      %reduce_min3A_78 = vector.multi_reduction <minimumf>, %slice3A_76, %reduce_min3A_77 [1] : vector<8x256xf32> to vector<8xf32>
      %broadcast_in_dim3A_79 = vector.shape_cast %reduce_min3A_78 : vector<8xf32> to vector<8x1xf32>
      %slice3A_80 = vector.extract_strided_slice %select_n3A {offsets = [0, 3328], sizes = [8, 256], strides = [1, 1]} : vector<8x32768xf32> to vector<8x256xf32>
      %reduce_min3A_81 = arith.constant dense<0x7F800000> : vector<8xf32>
      %reduce_min3A_82 = vector.multi_reduction <minimumf>, %slice3A_80, %reduce_min3A_81 [1] : vector<8x256xf32> to vector<8xf32>
      %broadcast_in_dim3A_83 = vector.shape_cast %reduce_min3A_82 : vector<8xf32> to vector<8x1xf32>
      %slice3A_84 = vector.extract_strided_slice %select_n3A {offsets = [0, 3584], sizes = [8, 256], strides = [1, 1]} : vector<8x32768xf32> to vector<8x256xf32>
      %reduce_min3A_85 = arith.constant dense<0x7F800000> : vector<8xf32>
      %reduce_min3A_86 = vector.multi_reduction <minimumf>, %slice3A_84, %reduce_min3A_85 [1] : vector<8x256xf32> to vector<8xf32>
      %broadcast_in_dim3A_87 = vector.shape_cast %reduce_min3A_86 : vector<8xf32> to vector<8x1xf32>
      %slice3A_88 = vector.extract_strided_slice %select_n3A {offsets = [0, 3840], sizes = [8, 256], strides = [1, 1]} : vector<8x32768xf32> to vector<8x256xf32>
      %reduce_min3A_89 = arith.constant dense<0x7F800000> : vector<8xf32>
      %reduce_min3A_90 = vector.multi_reduction <minimumf>, %slice3A_88, %reduce_min3A_89 [1] : vector<8x256xf32> to vector<8xf32>
      %broadcast_in_dim3A_91 = vector.shape_cast %reduce_min3A_90 : vector<8xf32> to vector<8x1xf32>
      %slice3A_92 = vector.extract_strided_slice %select_n3A {offsets = [0, 4096], sizes = [8, 256], strides = [1, 1]} : vector<8x32768xf32> to vector<8x256xf32>
      %reduce_min3A_93 = arith.constant dense<0x7F800000> : vector<8xf32>
      %reduce_min3A_94 = vector.multi_reduction <minimumf>, %slice3A_92, %reduce_min3A_93 [1] : vector<8x256xf32> to vector<8xf32>
      %broadcast_in_dim3A_95 = vector.shape_cast %reduce_min3A_94 : vector<8xf32> to vector<8x1xf32>
      %slice3A_96 = vector.extract_strided_slice %select_n3A {offsets = [0, 4352], sizes = [8, 256], strides = [1, 1]} : vector<8x32768xf32> to vector<8x256xf32>
      %reduce_min3A_97 = arith.constant dense<0x7F800000> : vector<8xf32>
      %reduce_min3A_98 = vector.multi_reduction <minimumf>, %slice3A_96, %reduce_min3A_97 [1] : vector<8x256xf32> to vector<8xf32>
      %broadcast_in_dim3A_99 = vector.shape_cast %reduce_min3A_98 : vector<8xf32> to vector<8x1xf32>
      %slice3A_100 = vector.extract_strided_slice %select_n3A {offsets = [0, 4608], sizes = [8, 256], strides = [1, 1]} : vector<8x32768xf32> to vector<8x256xf32>
      %reduce_min3A_101 = arith.constant dense<0x7F800000> : vector<8xf32>
      %reduce_min3A_102 = vector.multi_reduction <minimumf>, %slice3A_100, %reduce_min3A_101 [1] : vector<8x256xf32> to vector<8xf32>
      %broadcast_in_dim3A_103 = vector.shape_cast %reduce_min3A_102 : vector<8xf32> to vector<8x1xf32>
      %slice3A_104 = vector.extract_strided_slice %select_n3A {offsets = [0, 4864], sizes = [8, 256], strides = [1, 1]} : vector<8x32768xf32> to vector<8x256xf32>
      %reduce_min3A_105 = arith.constant dense<0x7F800000> : vector<8xf32>
      %reduce_min3A_106 = vector.multi_reduction <minimumf>, %slice3A_104, %reduce_min3A_105 [1] : vector<8x256xf32> to vector<8xf32>
      %broadcast_in_dim3A_107 = vector.shape_cast %reduce_min3A_106 : vector<8xf32> to vector<8x1xf32>
      %slice3A_108 = vector.extract_strided_slice %select_n3A {offsets = [0, 5120], sizes = [8, 256], strides = [1, 1]} : vector<8x32768xf32> to vector<8x256xf32>
      %reduce_min3A_109 = arith.constant dense<0x7F800000> : vector<8xf32>
      %reduce_min3A_110 = vector.multi_reduction <minimumf>, %slice3A_108, %reduce_min3A_109 [1] : vector<8x256xf32> to vector<8xf32>
      %broadcast_in_dim3A_111 = vector.shape_cast %reduce_min3A_110 : vector<8xf32> to vector<8x1xf32>
      %slice3A_112 = vector.extract_strided_slice %select_n3A {offsets = [0, 5376], sizes = [8, 256], strides = [1, 1]} : vector<8x32768xf32> to vector<8x256xf32>
      %reduce_min3A_113 = arith.constant dense<0x7F800000> : vector<8xf32>
      %reduce_min3A_114 = vector.multi_reduction <minimumf>, %slice3A_112, %reduce_min3A_113 [1] : vector<8x256xf32> to vector<8xf32>
      %broadcast_in_dim3A_115 = vector.shape_cast %reduce_min3A_114 : vector<8xf32> to vector<8x1xf32>
      %slice3A_116 = vector.extract_strided_slice %select_n3A {offsets = [0, 5632], sizes = [8, 256], strides = [1, 1]} : vector<8x32768xf32> to vector<8x256xf32>
      %reduce_min3A_117 = arith.constant dense<0x7F800000> : vector<8xf32>
      %reduce_min3A_118 = vector.multi_reduction <minimumf>, %slice3A_116, %reduce_min3A_117 [1] : vector<8x256xf32> to vector<8xf32>
      %broadcast_in_dim3A_119 = vector.shape_cast %reduce_min3A_118 : vector<8xf32> to vector<8x1xf32>
      %slice3A_120 = vector.extract_strided_slice %select_n3A {offsets = [0, 5888], sizes = [8, 256], strides = [1, 1]} : vector<8x32768xf32> to vector<8x256xf32>
      %reduce_min3A_121 = arith.constant dense<0x7F800000> : vector<8xf32>
      %reduce_min3A_122 = vector.multi_reduction <minimumf>, %slice3A_120, %reduce_min3A_121 [1] : vector<8x256xf32> to vector<8xf32>
      %broadcast_in_dim3A_123 = vector.shape_cast %reduce_min3A_122 : vector<8xf32> to vector<8x1xf32>
      %slice3A_124 = vector.extract_strided_slice %select_n3A {offsets = [0, 6144], sizes = [8, 256], strides = [1, 1]} : vector<8x32768xf32> to vector<8x256xf32>
      %reduce_min3A_125 = arith.constant dense<0x7F800000> : vector<8xf32>
      %reduce_min3A_126 = vector.multi_reduction <minimumf>, %slice3A_124, %reduce_min3A_125 [1] : vector<8x256xf32> to vector<8xf32>
      %broadcast_in_dim3A_127 = vector.shape_cast %reduce_min3A_126 : vector<8xf32> to vector<8x1xf32>
      %slice3A_128 = vector.extract_strided_slice %select_n3A {offsets = [0, 6400], sizes = [8, 256], strides = [1, 1]} : vector<8x32768xf32> to vector<8x256xf32>
      %reduce_min3A_129 = arith.constant dense<0x7F800000> : vector<8xf32>
      %reduce_min3A_130 = vector.multi_reduction <minimumf>, %slice3A_128, %reduce_min3A_129 [1] : vector<8x256xf32> to vector<8xf32>
      %broadcast_in_dim3A_131 = vector.shape_cast %reduce_min3A_130 : vector<8xf32> to vector<8x1xf32>
      %slice3A_132 = vector.extract_strided_slice %select_n3A {offsets = [0, 6656], sizes = [8, 256], strides = [1, 1]} : vector<8x32768xf32> to vector<8x256xf32>
      %reduce_min3A_133 = arith.constant dense<0x7F800000> : vector<8xf32>
      %reduce_min3A_134 = vector.multi_reduction <minimumf>, %slice3A_132, %reduce_min3A_133 [1] : vector<8x256xf32> to vector<8xf32>
      %broadcast_in_dim3A_135 = vector.shape_cast %reduce_min3A_134 : vector<8xf32> to vector<8x1xf32>
      %slice3A_136 = vector.extract_strided_slice %select_n3A {offsets = [0, 6912], sizes = [8, 256], strides = [1, 1]} : vector<8x32768xf32> to vector<8x256xf32>
      %reduce_min3A_137 = arith.constant dense<0x7F800000> : vector<8xf32>
      %reduce_min3A_138 = vector.multi_reduction <minimumf>, %slice3A_136, %reduce_min3A_137 [1] : vector<8x256xf32> to vector<8xf32>
      %broadcast_in_dim3A_139 = vector.shape_cast %reduce_min3A_138 : vector<8xf32> to vector<8x1xf32>
      %slice3A_140 = vector.extract_strided_slice %select_n3A {offsets = [0, 7168], sizes = [8, 256], strides = [1, 1]} : vector<8x32768xf32> to vector<8x256xf32>
      %reduce_min3A_141 = arith.constant dense<0x7F800000> : vector<8xf32>
      %reduce_min3A_142 = vector.multi_reduction <minimumf>, %slice3A_140, %reduce_min3A_141 [1] : vector<8x256xf32> to vector<8xf32>
      %broadcast_in_dim3A_143 = vector.shape_cast %reduce_min3A_142 : vector<8xf32> to vector<8x1xf32>
      %slice3A_144 = vector.extract_strided_slice %select_n3A {offsets = [0, 7424], sizes = [8, 256], strides = [1, 1]} : vector<8x32768xf32> to vector<8x256xf32>
      %reduce_min3A_145 = arith.constant dense<0x7F800000> : vector<8xf32>
      %reduce_min3A_146 = vector.multi_reduction <minimumf>, %slice3A_144, %reduce_min3A_145 [1] : vector<8x256xf32> to vector<8xf32>
      %broadcast_in_dim3A_147 = vector.shape_cast %reduce_min3A_146 : vector<8xf32> to vector<8x1xf32>
      %slice3A_148 = vector.extract_strided_slice %select_n3A {offsets = [0, 7680], sizes = [8, 256], strides = [1, 1]} : vector<8x32768xf32> to vector<8x256xf32>
      %reduce_min3A_149 = arith.constant dense<0x7F800000> : vector<8xf32>
      %reduce_min3A_150 = vector.multi_reduction <minimumf>, %slice3A_148, %reduce_min3A_149 [1] : vector<8x256xf32> to vector<8xf32>
      %broadcast_in_dim3A_151 = vector.shape_cast %reduce_min3A_150 : vector<8xf32> to vector<8x1xf32>
      %slice3A_152 = vector.extract_strided_slice %select_n3A {offsets = [0, 7936], sizes = [8, 256], strides = [1, 1]} : vector<8x32768xf32> to vector<8x256xf32>
      %reduce_min3A_153 = arith.constant dense<0x7F800000> : vector<8xf32>
      %reduce_min3A_154 = vector.multi_reduction <minimumf>, %slice3A_152, %reduce_min3A_153 [1] : vector<8x256xf32> to vector<8xf32>
      %broadcast_in_dim3A_155 = vector.shape_cast %reduce_min3A_154 : vector<8xf32> to vector<8x1xf32>
      %slice3A_156 = vector.extract_strided_slice %select_n3A {offsets = [0, 8192], sizes = [8, 256], strides = [1, 1]} : vector<8x32768xf32> to vector<8x256xf32>
      %reduce_min3A_157 = arith.constant dense<0x7F800000> : vector<8xf32>
      %reduce_min3A_158 = vector.multi_reduction <minimumf>, %slice3A_156, %reduce_min3A_157 [1] : vector<8x256xf32> to vector<8xf32>
      %broadcast_in_dim3A_159 = vector.shape_cast %reduce_min3A_158 : vector<8xf32> to vector<8x1xf32>
      %slice3A_160 = vector.extract_strided_slice %select_n3A {offsets = [0, 8448], sizes = [8, 256], strides = [1, 1]} : vector<8x32768xf32> to vector<8x256xf32>
      %reduce_min3A_161 = arith.constant dense<0x7F800000> : vector<8xf32>
      %reduce_min3A_162 = vector.multi_reduction <minimumf>, %slice3A_160, %reduce_min3A_161 [1] : vector<8x256xf32> to vector<8xf32>
      %broadcast_in_dim3A_163 = vector.shape_cast %reduce_min3A_162 : vector<8xf32> to vector<8x1xf32>
      %slice3A_164 = vector.extract_strided_slice %select_n3A {offsets = [0, 8704], sizes = [8, 256], strides = [1, 1]} : vector<8x32768xf32> to vector<8x256xf32>
      %reduce_min3A_165 = arith.constant dense<0x7F800000> : vector<8xf32>
      %reduce_min3A_166 = vector.multi_reduction <minimumf>, %slice3A_164, %reduce_min3A_165 [1] : vector<8x256xf32> to vector<8xf32>
      %broadcast_in_dim3A_167 = vector.shape_cast %reduce_min3A_166 : vector<8xf32> to vector<8x1xf32>
      %slice3A_168 = vector.extract_strided_slice %select_n3A {offsets = [0, 8960], sizes = [8, 256], strides = [1, 1]} : vector<8x32768xf32> to vector<8x256xf32>
      %reduce_min3A_169 = arith.constant dense<0x7F800000> : vector<8xf32>
      %reduce_min3A_170 = vector.multi_reduction <minimumf>, %slice3A_168, %reduce_min3A_169 [1] : vector<8x256xf32> to vector<8xf32>
      %broadcast_in_dim3A_171 = vector.shape_cast %reduce_min3A_170 : vector<8xf32> to vector<8x1xf32>
      %slice3A_172 = vector.extract_strided_slice %select_n3A {offsets = [0, 9216], sizes = [8, 256], strides = [1, 1]} : vector<8x32768xf32> to vector<8x256xf32>
      %reduce_min3A_173 = arith.constant dense<0x7F800000> : vector<8xf32>
      %reduce_min3A_174 = vector.multi_reduction <minimumf>, %slice3A_172, %reduce_min3A_173 [1] : vector<8x256xf32> to vector<8xf32>
      %broadcast_in_dim3A_175 = vector.shape_cast %reduce_min3A_174 : vector<8xf32> to vector<8x1xf32>
      %slice3A_176 = vector.extract_strided_slice %select_n3A {offsets = [0, 9472], sizes = [8, 256], strides = [1, 1]} : vector<8x32768xf32> to vector<8x256xf32>
      %reduce_min3A_177 = arith.constant dense<0x7F800000> : vector<8xf32>
      %reduce_min3A_178 = vector.multi_reduction <minimumf>, %slice3A_176, %reduce_min3A_177 [1] : vector<8x256xf32> to vector<8xf32>
      %broadcast_in_dim3A_179 = vector.shape_cast %reduce_min3A_178 : vector<8xf32> to vector<8x1xf32>
      %slice3A_180 = vector.extract_strided_slice %select_n3A {offsets = [0, 9728], sizes = [8, 256], strides = [1, 1]} : vector<8x32768xf32> to vector<8x256xf32>
      %reduce_min3A_181 = arith.constant dense<0x7F800000> : vector<8xf32>
      %reduce_min3A_182 = vector.multi_reduction <minimumf>, %slice3A_180, %reduce_min3A_181 [1] : vector<8x256xf32> to vector<8xf32>
      %broadcast_in_dim3A_183 = vector.shape_cast %reduce_min3A_182 : vector<8xf32> to vector<8x1xf32>
      %slice3A_184 = vector.extract_strided_slice %select_n3A {offsets = [0, 9984], sizes = [8, 256], strides = [1, 1]} : vector<8x32768xf32> to vector<8x256xf32>
      %reduce_min3A_185 = arith.constant dense<0x7F800000> : vector<8xf32>
      %reduce_min3A_186 = vector.multi_reduction <minimumf>, %slice3A_184, %reduce_min3A_185 [1] : vector<8x256xf32> to vector<8xf32>
      %broadcast_in_dim3A_187 = vector.shape_cast %reduce_min3A_186 : vector<8xf32> to vector<8x1xf32>
      %slice3A_188 = vector.extract_strided_slice %select_n3A {offsets = [0, 10240], sizes = [8, 256], strides = [1, 1]} : vector<8x32768xf32> to vector<8x256xf32>
      %reduce_min3A_189 = arith.constant dense<0x7F800000> : vector<8xf32>
      %reduce_min3A_190 = vector.multi_reduction <minimumf>, %slice3A_188, %reduce_min3A_189 [1] : vector<8x256xf32> to vector<8xf32>
      %broadcast_in_dim3A_191 = vector.shape_cast %reduce_min3A_190 : vector<8xf32> to vector<8x1xf32>
      %slice3A_192 = vector.extract_strided_slice %select_n3A {offsets = [0, 10496], sizes = [8, 256], strides = [1, 1]} : vector<8x32768xf32> to vector<8x256xf32>
      %reduce_min3A_193 = arith.constant dense<0x7F800000> : vector<8xf32>
      %reduce_min3A_194 = vector.multi_reduction <minimumf>, %slice3A_192, %reduce_min3A_193 [1] : vector<8x256xf32> to vector<8xf32>
      %broadcast_in_dim3A_195 = vector.shape_cast %reduce_min3A_194 : vector<8xf32> to vector<8x1xf32>
      %slice3A_196 = vector.extract_strided_slice %select_n3A {offsets = [0, 10752], sizes = [8, 256], strides = [1, 1]} : vector<8x32768xf32> to vector<8x256xf32>
      %reduce_min3A_197 = arith.constant dense<0x7F800000> : vector<8xf32>
      %reduce_min3A_198 = vector.multi_reduction <minimumf>, %slice3A_196, %reduce_min3A_197 [1] : vector<8x256xf32> to vector<8xf32>
      %broadcast_in_dim3A_199 = vector.shape_cast %reduce_min3A_198 : vector<8xf32> to vector<8x1xf32>
      %slice3A_200 = vector.extract_strided_slice %select_n3A {offsets = [0, 11008], sizes = [8, 256], strides = [1, 1]} : vector<8x32768xf32> to vector<8x256xf32>
      %reduce_min3A_201 = arith.constant dense<0x7F800000> : vector<8xf32>
      %reduce_min3A_202 = vector.multi_reduction <minimumf>, %slice3A_200, %reduce_min3A_201 [1] : vector<8x256xf32> to vector<8xf32>
      %broadcast_in_dim3A_203 = vector.shape_cast %reduce_min3A_202 : vector<8xf32> to vector<8x1xf32>
      %slice3A_204 = vector.extract_strided_slice %select_n3A {offsets = [0, 11264], sizes = [8, 256], strides = [1, 1]} : vector<8x32768xf32> to vector<8x256xf32>
      %reduce_min3A_205 = arith.constant dense<0x7F800000> : vector<8xf32>
      %reduce_min3A_206 = vector.multi_reduction <minimumf>, %slice3A_204, %reduce_min3A_205 [1] : vector<8x256xf32> to vector<8xf32>
      %broadcast_in_dim3A_207 = vector.shape_cast %reduce_min3A_206 : vector<8xf32> to vector<8x1xf32>
      %slice3A_208 = vector.extract_strided_slice %select_n3A {offsets = [0, 11520], sizes = [8, 256], strides = [1, 1]} : vector<8x32768xf32> to vector<8x256xf32>
      %reduce_min3A_209 = arith.constant dense<0x7F800000> : vector<8xf32>
      %reduce_min3A_210 = vector.multi_reduction <minimumf>, %slice3A_208, %reduce_min3A_209 [1] : vector<8x256xf32> to vector<8xf32>
      %broadcast_in_dim3A_211 = vector.shape_cast %reduce_min3A_210 : vector<8xf32> to vector<8x1xf32>
      %slice3A_212 = vector.extract_strided_slice %select_n3A {offsets = [0, 11776], sizes = [8, 256], strides = [1, 1]} : vector<8x32768xf32> to vector<8x256xf32>
      %reduce_min3A_213 = arith.constant dense<0x7F800000> : vector<8xf32>
      %reduce_min3A_214 = vector.multi_reduction <minimumf>, %slice3A_212, %reduce_min3A_213 [1] : vector<8x256xf32> to vector<8xf32>
      %broadcast_in_dim3A_215 = vector.shape_cast %reduce_min3A_214 : vector<8xf32> to vector<8x1xf32>
      %slice3A_216 = vector.extract_strided_slice %select_n3A {offsets = [0, 12032], sizes = [8, 256], strides = [1, 1]} : vector<8x32768xf32> to vector<8x256xf32>
      %reduce_min3A_217 = arith.constant dense<0x7F800000> : vector<8xf32>
      %reduce_min3A_218 = vector.multi_reduction <minimumf>, %slice3A_216, %reduce_min3A_217 [1] : vector<8x256xf32> to vector<8xf32>
      %broadcast_in_dim3A_219 = vector.shape_cast %reduce_min3A_218 : vector<8xf32> to vector<8x1xf32>
      %slice3A_220 = vector.extract_strided_slice %select_n3A {offsets = [0, 12288], sizes = [8, 256], strides = [1, 1]} : vector<8x32768xf32> to vector<8x256xf32>
      %reduce_min3A_221 = arith.constant dense<0x7F800000> : vector<8xf32>
      %reduce_min3A_222 = vector.multi_reduction <minimumf>, %slice3A_220, %reduce_min3A_221 [1] : vector<8x256xf32> to vector<8xf32>
      %broadcast_in_dim3A_223 = vector.shape_cast %reduce_min3A_222 : vector<8xf32> to vector<8x1xf32>
      %slice3A_224 = vector.extract_strided_slice %select_n3A {offsets = [0, 12544], sizes = [8, 256], strides = [1, 1]} : vector<8x32768xf32> to vector<8x256xf32>
      %reduce_min3A_225 = arith.constant dense<0x7F800000> : vector<8xf32>
      %reduce_min3A_226 = vector.multi_reduction <minimumf>, %slice3A_224, %reduce_min3A_225 [1] : vector<8x256xf32> to vector<8xf32>
      %broadcast_in_dim3A_227 = vector.shape_cast %reduce_min3A_226 : vector<8xf32> to vector<8x1xf32>
      %slice3A_228 = vector.extract_strided_slice %select_n3A {offsets = [0, 12800], sizes = [8, 256], strides = [1, 1]} : vector<8x32768xf32> to vector<8x256xf32>
      %reduce_min3A_229 = arith.constant dense<0x7F800000> : vector<8xf32>
      %reduce_min3A_230 = vector.multi_reduction <minimumf>, %slice3A_228, %reduce_min3A_229 [1] : vector<8x256xf32> to vector<8xf32>
      %broadcast_in_dim3A_231 = vector.shape_cast %reduce_min3A_230 : vector<8xf32> to vector<8x1xf32>
      %slice3A_232 = vector.extract_strided_slice %select_n3A {offsets = [0, 13056], sizes = [8, 256], strides = [1, 1]} : vector<8x32768xf32> to vector<8x256xf32>
      %reduce_min3A_233 = arith.constant dense<0x7F800000> : vector<8xf32>
      %reduce_min3A_234 = vector.multi_reduction <minimumf>, %slice3A_232, %reduce_min3A_233 [1] : vector<8x256xf32> to vector<8xf32>
      %broadcast_in_dim3A_235 = vector.shape_cast %reduce_min3A_234 : vector<8xf32> to vector<8x1xf32>
      %slice3A_236 = vector.extract_strided_slice %select_n3A {offsets = [0, 13312], sizes = [8, 256], strides = [1, 1]} : vector<8x32768xf32> to vector<8x256xf32>
      %reduce_min3A_237 = arith.constant dense<0x7F800000> : vector<8xf32>
      %reduce_min3A_238 = vector.multi_reduction <minimumf>, %slice3A_236, %reduce_min3A_237 [1] : vector<8x256xf32> to vector<8xf32>
      %broadcast_in_dim3A_239 = vector.shape_cast %reduce_min3A_238 : vector<8xf32> to vector<8x1xf32>
      %slice3A_240 = vector.extract_strided_slice %select_n3A {offsets = [0, 13568], sizes = [8, 256], strides = [1, 1]} : vector<8x32768xf32> to vector<8x256xf32>
      %reduce_min3A_241 = arith.constant dense<0x7F800000> : vector<8xf32>
      %reduce_min3A_242 = vector.multi_reduction <minimumf>, %slice3A_240, %reduce_min3A_241 [1] : vector<8x256xf32> to vector<8xf32>
      %broadcast_in_dim3A_243 = vector.shape_cast %reduce_min3A_242 : vector<8xf32> to vector<8x1xf32>
      %slice3A_244 = vector.extract_strided_slice %select_n3A {offsets = [0, 13824], sizes = [8, 256], strides = [1, 1]} : vector<8x32768xf32> to vector<8x256xf32>
      %reduce_min3A_245 = arith.constant dense<0x7F800000> : vector<8xf32>
      %reduce_min3A_246 = vector.multi_reduction <minimumf>, %slice3A_244, %reduce_min3A_245 [1] : vector<8x256xf32> to vector<8xf32>
      %broadcast_in_dim3A_247 = vector.shape_cast %reduce_min3A_246 : vector<8xf32> to vector<8x1xf32>
      %slice3A_248 = vector.extract_strided_slice %select_n3A {offsets = [0, 14080], sizes = [8, 256], strides = [1, 1]} : vector<8x32768xf32> to vector<8x256xf32>
      %reduce_min3A_249 = arith.constant dense<0x7F800000> : vector<8xf32>
      %reduce_min3A_250 = vector.multi_reduction <minimumf>, %slice3A_248, %reduce_min3A_249 [1] : vector<8x256xf32> to vector<8xf32>
      %broadcast_in_dim3A_251 = vector.shape_cast %reduce_min3A_250 : vector<8xf32> to vector<8x1xf32>
      %slice3A_252 = vector.extract_strided_slice %select_n3A {offsets = [0, 14336], sizes = [8, 256], strides = [1, 1]} : vector<8x32768xf32> to vector<8x256xf32>
      %reduce_min3A_253 = arith.constant dense<0x7F800000> : vector<8xf32>
      %reduce_min3A_254 = vector.multi_reduction <minimumf>, %slice3A_252, %reduce_min3A_253 [1] : vector<8x256xf32> to vector<8xf32>
      %broadcast_in_dim3A_255 = vector.shape_cast %reduce_min3A_254 : vector<8xf32> to vector<8x1xf32>
      %slice3A_256 = vector.extract_strided_slice %select_n3A {offsets = [0, 14592], sizes = [8, 256], strides = [1, 1]} : vector<8x32768xf32> to vector<8x256xf32>
      %reduce_min3A_257 = arith.constant dense<0x7F800000> : vector<8xf32>
      %reduce_min3A_258 = vector.multi_reduction <minimumf>, %slice3A_256, %reduce_min3A_257 [1] : vector<8x256xf32> to vector<8xf32>
      %broadcast_in_dim3A_259 = vector.shape_cast %reduce_min3A_258 : vector<8xf32> to vector<8x1xf32>
      %slice3A_260 = vector.extract_strided_slice %select_n3A {offsets = [0, 14848], sizes = [8, 256], strides = [1, 1]} : vector<8x32768xf32> to vector<8x256xf32>
      %reduce_min3A_261 = arith.constant dense<0x7F800000> : vector<8xf32>
      %reduce_min3A_262 = vector.multi_reduction <minimumf>, %slice3A_260, %reduce_min3A_261 [1] : vector<8x256xf32> to vector<8xf32>
      %broadcast_in_dim3A_263 = vector.shape_cast %reduce_min3A_262 : vector<8xf32> to vector<8x1xf32>
      %slice3A_264 = vector.extract_strided_slice %select_n3A {offsets = [0, 15104], sizes = [8, 256], strides = [1, 1]} : vector<8x32768xf32> to vector<8x256xf32>
      %reduce_min3A_265 = arith.constant dense<0x7F800000> : vector<8xf32>
      %reduce_min3A_266 = vector.multi_reduction <minimumf>, %slice3A_264, %reduce_min3A_265 [1] : vector<8x256xf32> to vector<8xf32>
      %broadcast_in_dim3A_267 = vector.shape_cast %reduce_min3A_266 : vector<8xf32> to vector<8x1xf32>
      %slice3A_268 = vector.extract_strided_slice %select_n3A {offsets = [0, 15360], sizes = [8, 256], strides = [1, 1]} : vector<8x32768xf32> to vector<8x256xf32>
      %reduce_min3A_269 = arith.constant dense<0x7F800000> : vector<8xf32>
      %reduce_min3A_270 = vector.multi_reduction <minimumf>, %slice3A_268, %reduce_min3A_269 [1] : vector<8x256xf32> to vector<8xf32>
      %broadcast_in_dim3A_271 = vector.shape_cast %reduce_min3A_270 : vector<8xf32> to vector<8x1xf32>
      %slice3A_272 = vector.extract_strided_slice %select_n3A {offsets = [0, 15616], sizes = [8, 256], strides = [1, 1]} : vector<8x32768xf32> to vector<8x256xf32>
      %reduce_min3A_273 = arith.constant dense<0x7F800000> : vector<8xf32>
      %reduce_min3A_274 = vector.multi_reduction <minimumf>, %slice3A_272, %reduce_min3A_273 [1] : vector<8x256xf32> to vector<8xf32>
      %broadcast_in_dim3A_275 = vector.shape_cast %reduce_min3A_274 : vector<8xf32> to vector<8x1xf32>
      %slice3A_276 = vector.extract_strided_slice %select_n3A {offsets = [0, 15872], sizes = [8, 256], strides = [1, 1]} : vector<8x32768xf32> to vector<8x256xf32>
      %reduce_min3A_277 = arith.constant dense<0x7F800000> : vector<8xf32>
      %reduce_min3A_278 = vector.multi_reduction <minimumf>, %slice3A_276, %reduce_min3A_277 [1] : vector<8x256xf32> to vector<8xf32>
      %broadcast_in_dim3A_279 = vector.shape_cast %reduce_min3A_278 : vector<8xf32> to vector<8x1xf32>
      %slice3A_280 = vector.extract_strided_slice %select_n3A {offsets = [0, 16128], sizes = [8, 256], strides = [1, 1]} : vector<8x32768xf32> to vector<8x256xf32>
      %reduce_min3A_281 = arith.constant dense<0x7F800000> : vector<8xf32>
      %reduce_min3A_282 = vector.multi_reduction <minimumf>, %slice3A_280, %reduce_min3A_281 [1] : vector<8x256xf32> to vector<8xf32>
      %broadcast_in_dim3A_283 = vector.shape_cast %reduce_min3A_282 : vector<8xf32> to vector<8x1xf32>
      %slice3A_284 = vector.extract_strided_slice %select_n3A {offsets = [0, 16384], sizes = [8, 256], strides = [1, 1]} : vector<8x32768xf32> to vector<8x256xf32>
      %reduce_min3A_285 = arith.constant dense<0x7F800000> : vector<8xf32>
      %reduce_min3A_286 = vector.multi_reduction <minimumf>, %slice3A_284, %reduce_min3A_285 [1] : vector<8x256xf32> to vector<8xf32>
      %broadcast_in_dim3A_287 = vector.shape_cast %reduce_min3A_286 : vector<8xf32> to vector<8x1xf32>
      %slice3A_288 = vector.extract_strided_slice %select_n3A {offsets = [0, 16640], sizes = [8, 256], strides = [1, 1]} : vector<8x32768xf32> to vector<8x256xf32>
      %reduce_min3A_289 = arith.constant dense<0x7F800000> : vector<8xf32>
      %reduce_min3A_290 = vector.multi_reduction <minimumf>, %slice3A_288, %reduce_min3A_289 [1] : vector<8x256xf32> to vector<8xf32>
      %broadcast_in_dim3A_291 = vector.shape_cast %reduce_min3A_290 : vector<8xf32> to vector<8x1xf32>
      %slice3A_292 = vector.extract_strided_slice %select_n3A {offsets = [0, 16896], sizes = [8, 256], strides = [1, 1]} : vector<8x32768xf32> to vector<8x256xf32>
      %reduce_min3A_293 = arith.constant dense<0x7F800000> : vector<8xf32>
      %reduce_min3A_294 = vector.multi_reduction <minimumf>, %slice3A_292, %reduce_min3A_293 [1] : vector<8x256xf32> to vector<8xf32>
      %broadcast_in_dim3A_295 = vector.shape_cast %reduce_min3A_294 : vector<8xf32> to vector<8x1xf32>
      %slice3A_296 = vector.extract_strided_slice %select_n3A {offsets = [0, 17152], sizes = [8, 256], strides = [1, 1]} : vector<8x32768xf32> to vector<8x256xf32>
      %reduce_min3A_297 = arith.constant dense<0x7F800000> : vector<8xf32>
      %reduce_min3A_298 = vector.multi_reduction <minimumf>, %slice3A_296, %reduce_min3A_297 [1] : vector<8x256xf32> to vector<8xf32>
      %broadcast_in_dim3A_299 = vector.shape_cast %reduce_min3A_298 : vector<8xf32> to vector<8x1xf32>
      %slice3A_300 = vector.extract_strided_slice %select_n3A {offsets = [0, 17408], sizes = [8, 256], strides = [1, 1]} : vector<8x32768xf32> to vector<8x256xf32>
      %reduce_min3A_301 = arith.constant dense<0x7F800000> : vector<8xf32>
      %reduce_min3A_302 = vector.multi_reduction <minimumf>, %slice3A_300, %reduce_min3A_301 [1] : vector<8x256xf32> to vector<8xf32>
      %broadcast_in_dim3A_303 = vector.shape_cast %reduce_min3A_302 : vector<8xf32> to vector<8x1xf32>
      %slice3A_304 = vector.extract_strided_slice %select_n3A {offsets = [0, 17664], sizes = [8, 256], strides = [1, 1]} : vector<8x32768xf32> to vector<8x256xf32>
      %reduce_min3A_305 = arith.constant dense<0x7F800000> : vector<8xf32>
      %reduce_min3A_306 = vector.multi_reduction <minimumf>, %slice3A_304, %reduce_min3A_305 [1] : vector<8x256xf32> to vector<8xf32>
      %broadcast_in_dim3A_307 = vector.shape_cast %reduce_min3A_306 : vector<8xf32> to vector<8x1xf32>
      %slice3A_308 = vector.extract_strided_slice %select_n3A {offsets = [0, 17920], sizes = [8, 256], strides = [1, 1]} : vector<8x32768xf32> to vector<8x256xf32>
      %reduce_min3A_309 = arith.constant dense<0x7F800000> : vector<8xf32>
      %reduce_min3A_310 = vector.multi_reduction <minimumf>, %slice3A_308, %reduce_min3A_309 [1] : vector<8x256xf32> to vector<8xf32>
      %broadcast_in_dim3A_311 = vector.shape_cast %reduce_min3A_310 : vector<8xf32> to vector<8x1xf32>
      %slice3A_312 = vector.extract_strided_slice %select_n3A {offsets = [0, 18176], sizes = [8, 256], strides = [1, 1]} : vector<8x32768xf32> to vector<8x256xf32>
      %reduce_min3A_313 = arith.constant dense<0x7F800000> : vector<8xf32>
      %reduce_min3A_314 = vector.multi_reduction <minimumf>, %slice3A_312, %reduce_min3A_313 [1] : vector<8x256xf32> to vector<8xf32>
      %broadcast_in_dim3A_315 = vector.shape_cast %reduce_min3A_314 : vector<8xf32> to vector<8x1xf32>
      %slice3A_316 = vector.extract_strided_slice %select_n3A {offsets = [0, 18432], sizes = [8, 256], strides = [1, 1]} : vector<8x32768xf32> to vector<8x256xf32>
      %reduce_min3A_317 = arith.constant dense<0x7F800000> : vector<8xf32>
      %reduce_min3A_318 = vector.multi_reduction <minimumf>, %slice3A_316, %reduce_min3A_317 [1] : vector<8x256xf32> to vector<8xf32>
      %broadcast_in_dim3A_319 = vector.shape_cast %reduce_min3A_318 : vector<8xf32> to vector<8x1xf32>
      %slice3A_320 = vector.extract_strided_slice %select_n3A {offsets = [0, 18688], sizes = [8, 256], strides = [1, 1]} : vector<8x32768xf32> to vector<8x256xf32>
      %reduce_min3A_321 = arith.constant dense<0x7F800000> : vector<8xf32>
      %reduce_min3A_322 = vector.multi_reduction <minimumf>, %slice3A_320, %reduce_min3A_321 [1] : vector<8x256xf32> to vector<8xf32>
      %broadcast_in_dim3A_323 = vector.shape_cast %reduce_min3A_322 : vector<8xf32> to vector<8x1xf32>
      %slice3A_324 = vector.extract_strided_slice %select_n3A {offsets = [0, 18944], sizes = [8, 256], strides = [1, 1]} : vector<8x32768xf32> to vector<8x256xf32>
      %reduce_min3A_325 = arith.constant dense<0x7F800000> : vector<8xf32>
      %reduce_min3A_326 = vector.multi_reduction <minimumf>, %slice3A_324, %reduce_min3A_325 [1] : vector<8x256xf32> to vector<8xf32>
      %broadcast_in_dim3A_327 = vector.shape_cast %reduce_min3A_326 : vector<8xf32> to vector<8x1xf32>
      %slice3A_328 = vector.extract_strided_slice %select_n3A {offsets = [0, 19200], sizes = [8, 256], strides = [1, 1]} : vector<8x32768xf32> to vector<8x256xf32>
      %reduce_min3A_329 = arith.constant dense<0x7F800000> : vector<8xf32>
      %reduce_min3A_330 = vector.multi_reduction <minimumf>, %slice3A_328, %reduce_min3A_329 [1] : vector<8x256xf32> to vector<8xf32>
      %broadcast_in_dim3A_331 = vector.shape_cast %reduce_min3A_330 : vector<8xf32> to vector<8x1xf32>
      %slice3A_332 = vector.extract_strided_slice %select_n3A {offsets = [0, 19456], sizes = [8, 256], strides = [1, 1]} : vector<8x32768xf32> to vector<8x256xf32>
      %reduce_min3A_333 = arith.constant dense<0x7F800000> : vector<8xf32>
      %reduce_min3A_334 = vector.multi_reduction <minimumf>, %slice3A_332, %reduce_min3A_333 [1] : vector<8x256xf32> to vector<8xf32>
      %broadcast_in_dim3A_335 = vector.shape_cast %reduce_min3A_334 : vector<8xf32> to vector<8x1xf32>
      %slice3A_336 = vector.extract_strided_slice %select_n3A {offsets = [0, 19712], sizes = [8, 256], strides = [1, 1]} : vector<8x32768xf32> to vector<8x256xf32>
      %reduce_min3A_337 = arith.constant dense<0x7F800000> : vector<8xf32>
      %reduce_min3A_338 = vector.multi_reduction <minimumf>, %slice3A_336, %reduce_min3A_337 [1] : vector<8x256xf32> to vector<8xf32>
      %broadcast_in_dim3A_339 = vector.shape_cast %reduce_min3A_338 : vector<8xf32> to vector<8x1xf32>
      %slice3A_340 = vector.extract_strided_slice %select_n3A {offsets = [0, 19968], sizes = [8, 256], strides = [1, 1]} : vector<8x32768xf32> to vector<8x256xf32>
      %reduce_min3A_341 = arith.constant dense<0x7F800000> : vector<8xf32>
      %reduce_min3A_342 = vector.multi_reduction <minimumf>, %slice3A_340, %reduce_min3A_341 [1] : vector<8x256xf32> to vector<8xf32>
      %broadcast_in_dim3A_343 = vector.shape_cast %reduce_min3A_342 : vector<8xf32> to vector<8x1xf32>
      %slice3A_344 = vector.extract_strided_slice %select_n3A {offsets = [0, 20224], sizes = [8, 256], strides = [1, 1]} : vector<8x32768xf32> to vector<8x256xf32>
      %reduce_min3A_345 = arith.constant dense<0x7F800000> : vector<8xf32>
      %reduce_min3A_346 = vector.multi_reduction <minimumf>, %slice3A_344, %reduce_min3A_345 [1] : vector<8x256xf32> to vector<8xf32>
      %broadcast_in_dim3A_347 = vector.shape_cast %reduce_min3A_346 : vector<8xf32> to vector<8x1xf32>
      %slice3A_348 = vector.extract_strided_slice %select_n3A {offsets = [0, 20480], sizes = [8, 256], strides = [1, 1]} : vector<8x32768xf32> to vector<8x256xf32>
      %reduce_min3A_349 = arith.constant dense<0x7F800000> : vector<8xf32>
      %reduce_min3A_350 = vector.multi_reduction <minimumf>, %slice3A_348, %reduce_min3A_349 [1] : vector<8x256xf32> to vector<8xf32>
      %broadcast_in_dim3A_351 = vector.shape_cast %reduce_min3A_350 : vector<8xf32> to vector<8x1xf32>
      %slice3A_352 = vector.extract_strided_slice %select_n3A {offsets = [0, 20736], sizes = [8, 256], strides = [1, 1]} : vector<8x32768xf32> to vector<8x256xf32>
      %reduce_min3A_353 = arith.constant dense<0x7F800000> : vector<8xf32>
      %reduce_min3A_354 = vector.multi_reduction <minimumf>, %slice3A_352, %reduce_min3A_353 [1] : vector<8x256xf32> to vector<8xf32>
      %broadcast_in_dim3A_355 = vector.shape_cast %reduce_min3A_354 : vector<8xf32> to vector<8x1xf32>
      %slice3A_356 = vector.extract_strided_slice %select_n3A {offsets = [0, 20992], sizes = [8, 256], strides = [1, 1]} : vector<8x32768xf32> to vector<8x256xf32>
      %reduce_min3A_357 = arith.constant dense<0x7F800000> : vector<8xf32>
      %reduce_min3A_358 = vector.multi_reduction <minimumf>, %slice3A_356, %reduce_min3A_357 [1] : vector<8x256xf32> to vector<8xf32>
      %broadcast_in_dim3A_359 = vector.shape_cast %reduce_min3A_358 : vector<8xf32> to vector<8x1xf32>
      %slice3A_360 = vector.extract_strided_slice %select_n3A {offsets = [0, 21248], sizes = [8, 256], strides = [1, 1]} : vector<8x32768xf32> to vector<8x256xf32>
      %reduce_min3A_361 = arith.constant dense<0x7F800000> : vector<8xf32>
      %reduce_min3A_362 = vector.multi_reduction <minimumf>, %slice3A_360, %reduce_min3A_361 [1] : vector<8x256xf32> to vector<8xf32>
      %broadcast_in_dim3A_363 = vector.shape_cast %reduce_min3A_362 : vector<8xf32> to vector<8x1xf32>
      %slice3A_364 = vector.extract_strided_slice %select_n3A {offsets = [0, 21504], sizes = [8, 256], strides = [1, 1]} : vector<8x32768xf32> to vector<8x256xf32>
      %reduce_min3A_365 = arith.constant dense<0x7F800000> : vector<8xf32>
      %reduce_min3A_366 = vector.multi_reduction <minimumf>, %slice3A_364, %reduce_min3A_365 [1] : vector<8x256xf32> to vector<8xf32>
      %broadcast_in_dim3A_367 = vector.shape_cast %reduce_min3A_366 : vector<8xf32> to vector<8x1xf32>
      %slice3A_368 = vector.extract_strided_slice %select_n3A {offsets = [0, 21760], sizes = [8, 256], strides = [1, 1]} : vector<8x32768xf32> to vector<8x256xf32>
      %reduce_min3A_369 = arith.constant dense<0x7F800000> : vector<8xf32>
      %reduce_min3A_370 = vector.multi_reduction <minimumf>, %slice3A_368, %reduce_min3A_369 [1] : vector<8x256xf32> to vector<8xf32>
      %broadcast_in_dim3A_371 = vector.shape_cast %reduce_min3A_370 : vector<8xf32> to vector<8x1xf32>
      %slice3A_372 = vector.extract_strided_slice %select_n3A {offsets = [0, 22016], sizes = [8, 256], strides = [1, 1]} : vector<8x32768xf32> to vector<8x256xf32>
      %reduce_min3A_373 = arith.constant dense<0x7F800000> : vector<8xf32>
      %reduce_min3A_374 = vector.multi_reduction <minimumf>, %slice3A_372, %reduce_min3A_373 [1] : vector<8x256xf32> to vector<8xf32>
      %broadcast_in_dim3A_375 = vector.shape_cast %reduce_min3A_374 : vector<8xf32> to vector<8x1xf32>
      %slice3A_376 = vector.extract_strided_slice %select_n3A {offsets = [0, 22272], sizes = [8, 256], strides = [1, 1]} : vector<8x32768xf32> to vector<8x256xf32>
      %reduce_min3A_377 = arith.constant dense<0x7F800000> : vector<8xf32>
      %reduce_min3A_378 = vector.multi_reduction <minimumf>, %slice3A_376, %reduce_min3A_377 [1] : vector<8x256xf32> to vector<8xf32>
      %broadcast_in_dim3A_379 = vector.shape_cast %reduce_min3A_378 : vector<8xf32> to vector<8x1xf32>
      %slice3A_380 = vector.extract_strided_slice %select_n3A {offsets = [0, 22528], sizes = [8, 256], strides = [1, 1]} : vector<8x32768xf32> to vector<8x256xf32>
      %reduce_min3A_381 = arith.constant dense<0x7F800000> : vector<8xf32>
      %reduce_min3A_382 = vector.multi_reduction <minimumf>, %slice3A_380, %reduce_min3A_381 [1] : vector<8x256xf32> to vector<8xf32>
      %broadcast_in_dim3A_383 = vector.shape_cast %reduce_min3A_382 : vector<8xf32> to vector<8x1xf32>
      %slice3A_384 = vector.extract_strided_slice %select_n3A {offsets = [0, 22784], sizes = [8, 256], strides = [1, 1]} : vector<8x32768xf32> to vector<8x256xf32>
      %reduce_min3A_385 = arith.constant dense<0x7F800000> : vector<8xf32>
      %reduce_min3A_386 = vector.multi_reduction <minimumf>, %slice3A_384, %reduce_min3A_385 [1] : vector<8x256xf32> to vector<8xf32>
      %broadcast_in_dim3A_387 = vector.shape_cast %reduce_min3A_386 : vector<8xf32> to vector<8x1xf32>
      %slice3A_388 = vector.extract_strided_slice %select_n3A {offsets = [0, 23040], sizes = [8, 256], strides = [1, 1]} : vector<8x32768xf32> to vector<8x256xf32>
      %reduce_min3A_389 = arith.constant dense<0x7F800000> : vector<8xf32>
      %reduce_min3A_390 = vector.multi_reduction <minimumf>, %slice3A_388, %reduce_min3A_389 [1] : vector<8x256xf32> to vector<8xf32>
      %broadcast_in_dim3A_391 = vector.shape_cast %reduce_min3A_390 : vector<8xf32> to vector<8x1xf32>
      %slice3A_392 = vector.extract_strided_slice %select_n3A {offsets = [0, 23296], sizes = [8, 256], strides = [1, 1]} : vector<8x32768xf32> to vector<8x256xf32>
      %reduce_min3A_393 = arith.constant dense<0x7F800000> : vector<8xf32>
      %reduce_min3A_394 = vector.multi_reduction <minimumf>, %slice3A_392, %reduce_min3A_393 [1] : vector<8x256xf32> to vector<8xf32>
      %broadcast_in_dim3A_395 = vector.shape_cast %reduce_min3A_394 : vector<8xf32> to vector<8x1xf32>
      %slice3A_396 = vector.extract_strided_slice %select_n3A {offsets = [0, 23552], sizes = [8, 256], strides = [1, 1]} : vector<8x32768xf32> to vector<8x256xf32>
      %reduce_min3A_397 = arith.constant dense<0x7F800000> : vector<8xf32>
      %reduce_min3A_398 = vector.multi_reduction <minimumf>, %slice3A_396, %reduce_min3A_397 [1] : vector<8x256xf32> to vector<8xf32>
      %broadcast_in_dim3A_399 = vector.shape_cast %reduce_min3A_398 : vector<8xf32> to vector<8x1xf32>
      %slice3A_400 = vector.extract_strided_slice %select_n3A {offsets = [0, 23808], sizes = [8, 256], strides = [1, 1]} : vector<8x32768xf32> to vector<8x256xf32>
      %reduce_min3A_401 = arith.constant dense<0x7F800000> : vector<8xf32>
      %reduce_min3A_402 = vector.multi_reduction <minimumf>, %slice3A_400, %reduce_min3A_401 [1] : vector<8x256xf32> to vector<8xf32>
      %broadcast_in_dim3A_403 = vector.shape_cast %reduce_min3A_402 : vector<8xf32> to vector<8x1xf32>
      %slice3A_404 = vector.extract_strided_slice %select_n3A {offsets = [0, 24064], sizes = [8, 256], strides = [1, 1]} : vector<8x32768xf32> to vector<8x256xf32>
      %reduce_min3A_405 = arith.constant dense<0x7F800000> : vector<8xf32>
      %reduce_min3A_406 = vector.multi_reduction <minimumf>, %slice3A_404, %reduce_min3A_405 [1] : vector<8x256xf32> to vector<8xf32>
      %broadcast_in_dim3A_407 = vector.shape_cast %reduce_min3A_406 : vector<8xf32> to vector<8x1xf32>
      %slice3A_408 = vector.extract_strided_slice %select_n3A {offsets = [0, 24320], sizes = [8, 256], strides = [1, 1]} : vector<8x32768xf32> to vector<8x256xf32>
      %reduce_min3A_409 = arith.constant dense<0x7F800000> : vector<8xf32>
      %reduce_min3A_410 = vector.multi_reduction <minimumf>, %slice3A_408, %reduce_min3A_409 [1] : vector<8x256xf32> to vector<8xf32>
      %broadcast_in_dim3A_411 = vector.shape_cast %reduce_min3A_410 : vector<8xf32> to vector<8x1xf32>
      %slice3A_412 = vector.extract_strided_slice %select_n3A {offsets = [0, 24576], sizes = [8, 256], strides = [1, 1]} : vector<8x32768xf32> to vector<8x256xf32>
      %reduce_min3A_413 = arith.constant dense<0x7F800000> : vector<8xf32>
      %reduce_min3A_414 = vector.multi_reduction <minimumf>, %slice3A_412, %reduce_min3A_413 [1] : vector<8x256xf32> to vector<8xf32>
      %broadcast_in_dim3A_415 = vector.shape_cast %reduce_min3A_414 : vector<8xf32> to vector<8x1xf32>
      %slice3A_416 = vector.extract_strided_slice %select_n3A {offsets = [0, 24832], sizes = [8, 256], strides = [1, 1]} : vector<8x32768xf32> to vector<8x256xf32>
      %reduce_min3A_417 = arith.constant dense<0x7F800000> : vector<8xf32>
      %reduce_min3A_418 = vector.multi_reduction <minimumf>, %slice3A_416, %reduce_min3A_417 [1] : vector<8x256xf32> to vector<8xf32>
      %broadcast_in_dim3A_419 = vector.shape_cast %reduce_min3A_418 : vector<8xf32> to vector<8x1xf32>
      %slice3A_420 = vector.extract_strided_slice %select_n3A {offsets = [0, 25088], sizes = [8, 256], strides = [1, 1]} : vector<8x32768xf32> to vector<8x256xf32>
      %reduce_min3A_421 = arith.constant dense<0x7F800000> : vector<8xf32>
      %reduce_min3A_422 = vector.multi_reduction <minimumf>, %slice3A_420, %reduce_min3A_421 [1] : vector<8x256xf32> to vector<8xf32>
      %broadcast_in_dim3A_423 = vector.shape_cast %reduce_min3A_422 : vector<8xf32> to vector<8x1xf32>
      %slice3A_424 = vector.extract_strided_slice %select_n3A {offsets = [0, 25344], sizes = [8, 256], strides = [1, 1]} : vector<8x32768xf32> to vector<8x256xf32>
      %reduce_min3A_425 = arith.constant dense<0x7F800000> : vector<8xf32>
      %reduce_min3A_426 = vector.multi_reduction <minimumf>, %slice3A_424, %reduce_min3A_425 [1] : vector<8x256xf32> to vector<8xf32>
      %broadcast_in_dim3A_427 = vector.shape_cast %reduce_min3A_426 : vector<8xf32> to vector<8x1xf32>
      %slice3A_428 = vector.extract_strided_slice %select_n3A {offsets = [0, 25600], sizes = [8, 256], strides = [1, 1]} : vector<8x32768xf32> to vector<8x256xf32>
      %reduce_min3A_429 = arith.constant dense<0x7F800000> : vector<8xf32>
      %reduce_min3A_430 = vector.multi_reduction <minimumf>, %slice3A_428, %reduce_min3A_429 [1] : vector<8x256xf32> to vector<8xf32>
      %broadcast_in_dim3A_431 = vector.shape_cast %reduce_min3A_430 : vector<8xf32> to vector<8x1xf32>
      %slice3A_432 = vector.extract_strided_slice %select_n3A {offsets = [0, 25856], sizes = [8, 256], strides = [1, 1]} : vector<8x32768xf32> to vector<8x256xf32>
      %reduce_min3A_433 = arith.constant dense<0x7F800000> : vector<8xf32>
      %reduce_min3A_434 = vector.multi_reduction <minimumf>, %slice3A_432, %reduce_min3A_433 [1] : vector<8x256xf32> to vector<8xf32>
      %broadcast_in_dim3A_435 = vector.shape_cast %reduce_min3A_434 : vector<8xf32> to vector<8x1xf32>
      %slice3A_436 = vector.extract_strided_slice %select_n3A {offsets = [0, 26112], sizes = [8, 256], strides = [1, 1]} : vector<8x32768xf32> to vector<8x256xf32>
      %reduce_min3A_437 = arith.constant dense<0x7F800000> : vector<8xf32>
      %reduce_min3A_438 = vector.multi_reduction <minimumf>, %slice3A_436, %reduce_min3A_437 [1] : vector<8x256xf32> to vector<8xf32>
      %broadcast_in_dim3A_439 = vector.shape_cast %reduce_min3A_438 : vector<8xf32> to vector<8x1xf32>
      %slice3A_440 = vector.extract_strided_slice %select_n3A {offsets = [0, 26368], sizes = [8, 256], strides = [1, 1]} : vector<8x32768xf32> to vector<8x256xf32>
      %reduce_min3A_441 = arith.constant dense<0x7F800000> : vector<8xf32>
      %reduce_min3A_442 = vector.multi_reduction <minimumf>, %slice3A_440, %reduce_min3A_441 [1] : vector<8x256xf32> to vector<8xf32>
      %broadcast_in_dim3A_443 = vector.shape_cast %reduce_min3A_442 : vector<8xf32> to vector<8x1xf32>
      %slice3A_444 = vector.extract_strided_slice %select_n3A {offsets = [0, 26624], sizes = [8, 256], strides = [1, 1]} : vector<8x32768xf32> to vector<8x256xf32>
      %reduce_min3A_445 = arith.constant dense<0x7F800000> : vector<8xf32>
      %reduce_min3A_446 = vector.multi_reduction <minimumf>, %slice3A_444, %reduce_min3A_445 [1] : vector<8x256xf32> to vector<8xf32>
      %broadcast_in_dim3A_447 = vector.shape_cast %reduce_min3A_446 : vector<8xf32> to vector<8x1xf32>
      %slice3A_448 = vector.extract_strided_slice %select_n3A {offsets = [0, 26880], sizes = [8, 256], strides = [1, 1]} : vector<8x32768xf32> to vector<8x256xf32>
      %reduce_min3A_449 = arith.constant dense<0x7F800000> : vector<8xf32>
      %reduce_min3A_450 = vector.multi_reduction <minimumf>, %slice3A_448, %reduce_min3A_449 [1] : vector<8x256xf32> to vector<8xf32>
      %broadcast_in_dim3A_451 = vector.shape_cast %reduce_min3A_450 : vector<8xf32> to vector<8x1xf32>
      %slice3A_452 = vector.extract_strided_slice %select_n3A {offsets = [0, 27136], sizes = [8, 256], strides = [1, 1]} : vector<8x32768xf32> to vector<8x256xf32>
      %reduce_min3A_453 = arith.constant dense<0x7F800000> : vector<8xf32>
      %reduce_min3A_454 = vector.multi_reduction <minimumf>, %slice3A_452, %reduce_min3A_453 [1] : vector<8x256xf32> to vector<8xf32>
      %broadcast_in_dim3A_455 = vector.shape_cast %reduce_min3A_454 : vector<8xf32> to vector<8x1xf32>
      %slice3A_456 = vector.extract_strided_slice %select_n3A {offsets = [0, 27392], sizes = [8, 256], strides = [1, 1]} : vector<8x32768xf32> to vector<8x256xf32>
      %reduce_min3A_457 = arith.constant dense<0x7F800000> : vector<8xf32>
      %reduce_min3A_458 = vector.multi_reduction <minimumf>, %slice3A_456, %reduce_min3A_457 [1] : vector<8x256xf32> to vector<8xf32>
      %broadcast_in_dim3A_459 = vector.shape_cast %reduce_min3A_458 : vector<8xf32> to vector<8x1xf32>
      %slice3A_460 = vector.extract_strided_slice %select_n3A {offsets = [0, 27648], sizes = [8, 256], strides = [1, 1]} : vector<8x32768xf32> to vector<8x256xf32>
      %reduce_min3A_461 = arith.constant dense<0x7F800000> : vector<8xf32>
      %reduce_min3A_462 = vector.multi_reduction <minimumf>, %slice3A_460, %reduce_min3A_461 [1] : vector<8x256xf32> to vector<8xf32>
      %broadcast_in_dim3A_463 = vector.shape_cast %reduce_min3A_462 : vector<8xf32> to vector<8x1xf32>
      %slice3A_464 = vector.extract_strided_slice %select_n3A {offsets = [0, 27904], sizes = [8, 256], strides = [1, 1]} : vector<8x32768xf32> to vector<8x256xf32>
      %reduce_min3A_465 = arith.constant dense<0x7F800000> : vector<8xf32>
      %reduce_min3A_466 = vector.multi_reduction <minimumf>, %slice3A_464, %reduce_min3A_465 [1] : vector<8x256xf32> to vector<8xf32>
      %broadcast_in_dim3A_467 = vector.shape_cast %reduce_min3A_466 : vector<8xf32> to vector<8x1xf32>
      %slice3A_468 = vector.extract_strided_slice %select_n3A {offsets = [0, 28160], sizes = [8, 256], strides = [1, 1]} : vector<8x32768xf32> to vector<8x256xf32>
      %reduce_min3A_469 = arith.constant dense<0x7F800000> : vector<8xf32>
      %reduce_min3A_470 = vector.multi_reduction <minimumf>, %slice3A_468, %reduce_min3A_469 [1] : vector<8x256xf32> to vector<8xf32>
      %broadcast_in_dim3A_471 = vector.shape_cast %reduce_min3A_470 : vector<8xf32> to vector<8x1xf32>
      %slice3A_472 = vector.extract_strided_slice %select_n3A {offsets = [0, 28416], sizes = [8, 256], strides = [1, 1]} : vector<8x32768xf32> to vector<8x256xf32>
      %reduce_min3A_473 = arith.constant dense<0x7F800000> : vector<8xf32>
      %reduce_min3A_474 = vector.multi_reduction <minimumf>, %slice3A_472, %reduce_min3A_473 [1] : vector<8x256xf32> to vector<8xf32>
      %broadcast_in_dim3A_475 = vector.shape_cast %reduce_min3A_474 : vector<8xf32> to vector<8x1xf32>
      %slice3A_476 = vector.extract_strided_slice %select_n3A {offsets = [0, 28672], sizes = [8, 256], strides = [1, 1]} : vector<8x32768xf32> to vector<8x256xf32>
      %reduce_min3A_477 = arith.constant dense<0x7F800000> : vector<8xf32>
      %reduce_min3A_478 = vector.multi_reduction <minimumf>, %slice3A_476, %reduce_min3A_477 [1] : vector<8x256xf32> to vector<8xf32>
      %broadcast_in_dim3A_479 = vector.shape_cast %reduce_min3A_478 : vector<8xf32> to vector<8x1xf32>
      %slice3A_480 = vector.extract_strided_slice %select_n3A {offsets = [0, 28928], sizes = [8, 256], strides = [1, 1]} : vector<8x32768xf32> to vector<8x256xf32>
      %reduce_min3A_481 = arith.constant dense<0x7F800000> : vector<8xf32>
      %reduce_min3A_482 = vector.multi_reduction <minimumf>, %slice3A_480, %reduce_min3A_481 [1] : vector<8x256xf32> to vector<8xf32>
      %broadcast_in_dim3A_483 = vector.shape_cast %reduce_min3A_482 : vector<8xf32> to vector<8x1xf32>
      %slice3A_484 = vector.extract_strided_slice %select_n3A {offsets = [0, 29184], sizes = [8, 256], strides = [1, 1]} : vector<8x32768xf32> to vector<8x256xf32>
      %reduce_min3A_485 = arith.constant dense<0x7F800000> : vector<8xf32>
      %reduce_min3A_486 = vector.multi_reduction <minimumf>, %slice3A_484, %reduce_min3A_485 [1] : vector<8x256xf32> to vector<8xf32>
      %broadcast_in_dim3A_487 = vector.shape_cast %reduce_min3A_486 : vector<8xf32> to vector<8x1xf32>
      %slice3A_488 = vector.extract_strided_slice %select_n3A {offsets = [0, 29440], sizes = [8, 256], strides = [1, 1]} : vector<8x32768xf32> to vector<8x256xf32>
      %reduce_min3A_489 = arith.constant dense<0x7F800000> : vector<8xf32>
      %reduce_min3A_490 = vector.multi_reduction <minimumf>, %slice3A_488, %reduce_min3A_489 [1] : vector<8x256xf32> to vector<8xf32>
      %broadcast_in_dim3A_491 = vector.shape_cast %reduce_min3A_490 : vector<8xf32> to vector<8x1xf32>
      %slice3A_492 = vector.extract_strided_slice %select_n3A {offsets = [0, 29696], sizes = [8, 256], strides = [1, 1]} : vector<8x32768xf32> to vector<8x256xf32>
      %reduce_min3A_493 = arith.constant dense<0x7F800000> : vector<8xf32>
      %reduce_min3A_494 = vector.multi_reduction <minimumf>, %slice3A_492, %reduce_min3A_493 [1] : vector<8x256xf32> to vector<8xf32>
      %broadcast_in_dim3A_495 = vector.shape_cast %reduce_min3A_494 : vector<8xf32> to vector<8x1xf32>
      %slice3A_496 = vector.extract_strided_slice %select_n3A {offsets = [0, 29952], sizes = [8, 256], strides = [1, 1]} : vector<8x32768xf32> to vector<8x256xf32>
      %reduce_min3A_497 = arith.constant dense<0x7F800000> : vector<8xf32>
      %reduce_min3A_498 = vector.multi_reduction <minimumf>, %slice3A_496, %reduce_min3A_497 [1] : vector<8x256xf32> to vector<8xf32>
      %broadcast_in_dim3A_499 = vector.shape_cast %reduce_min3A_498 : vector<8xf32> to vector<8x1xf32>
      %slice3A_500 = vector.extract_strided_slice %select_n3A {offsets = [0, 30208], sizes = [8, 256], strides = [1, 1]} : vector<8x32768xf32> to vector<8x256xf32>
      %reduce_min3A_501 = arith.constant dense<0x7F800000> : vector<8xf32>
      %reduce_min3A_502 = vector.multi_reduction <minimumf>, %slice3A_500, %reduce_min3A_501 [1] : vector<8x256xf32> to vector<8xf32>
      %broadcast_in_dim3A_503 = vector.shape_cast %reduce_min3A_502 : vector<8xf32> to vector<8x1xf32>
      %slice3A_504 = vector.extract_strided_slice %select_n3A {offsets = [0, 30464], sizes = [8, 256], strides = [1, 1]} : vector<8x32768xf32> to vector<8x256xf32>
      %reduce_min3A_505 = arith.constant dense<0x7F800000> : vector<8xf32>
      %reduce_min3A_506 = vector.multi_reduction <minimumf>, %slice3A_504, %reduce_min3A_505 [1] : vector<8x256xf32> to vector<8xf32>
      %broadcast_in_dim3A_507 = vector.shape_cast %reduce_min3A_506 : vector<8xf32> to vector<8x1xf32>
      %slice3A_508 = vector.extract_strided_slice %select_n3A {offsets = [0, 30720], sizes = [8, 256], strides = [1, 1]} : vector<8x32768xf32> to vector<8x256xf32>
      %reduce_min3A_509 = arith.constant dense<0x7F800000> : vector<8xf32>
      %reduce_min3A_510 = vector.multi_reduction <minimumf>, %slice3A_508, %reduce_min3A_509 [1] : vector<8x256xf32> to vector<8xf32>
      %broadcast_in_dim3A_511 = vector.shape_cast %reduce_min3A_510 : vector<8xf32> to vector<8x1xf32>
      %slice3A_512 = vector.extract_strided_slice %select_n3A {offsets = [0, 30976], sizes = [8, 256], strides = [1, 1]} : vector<8x32768xf32> to vector<8x256xf32>
      %reduce_min3A_513 = arith.constant dense<0x7F800000> : vector<8xf32>
      %reduce_min3A_514 = vector.multi_reduction <minimumf>, %slice3A_512, %reduce_min3A_513 [1] : vector<8x256xf32> to vector<8xf32>
      %broadcast_in_dim3A_515 = vector.shape_cast %reduce_min3A_514 : vector<8xf32> to vector<8x1xf32>
      %slice3A_516 = vector.extract_strided_slice %select_n3A {offsets = [0, 31232], sizes = [8, 256], strides = [1, 1]} : vector<8x32768xf32> to vector<8x256xf32>
      %reduce_min3A_517 = arith.constant dense<0x7F800000> : vector<8xf32>
      %reduce_min3A_518 = vector.multi_reduction <minimumf>, %slice3A_516, %reduce_min3A_517 [1] : vector<8x256xf32> to vector<8xf32>
      %broadcast_in_dim3A_519 = vector.shape_cast %reduce_min3A_518 : vector<8xf32> to vector<8x1xf32>
      %slice3A_520 = vector.extract_strided_slice %select_n3A {offsets = [0, 31488], sizes = [8, 256], strides = [1, 1]} : vector<8x32768xf32> to vector<8x256xf32>
      %reduce_min3A_521 = arith.constant dense<0x7F800000> : vector<8xf32>
      %reduce_min3A_522 = vector.multi_reduction <minimumf>, %slice3A_520, %reduce_min3A_521 [1] : vector<8x256xf32> to vector<8xf32>
      %broadcast_in_dim3A_523 = vector.shape_cast %reduce_min3A_522 : vector<8xf32> to vector<8x1xf32>
      %slice3A_524 = vector.extract_strided_slice %select_n3A {offsets = [0, 31744], sizes = [8, 256], strides = [1, 1]} : vector<8x32768xf32> to vector<8x256xf32>
      %reduce_min3A_525 = arith.constant dense<0x7F800000> : vector<8xf32>
      %reduce_min3A_526 = vector.multi_reduction <minimumf>, %slice3A_524, %reduce_min3A_525 [1] : vector<8x256xf32> to vector<8xf32>
      %broadcast_in_dim3A_527 = vector.shape_cast %reduce_min3A_526 : vector<8xf32> to vector<8x1xf32>
      %slice3A_528 = vector.extract_strided_slice %select_n3A {offsets = [0, 32000], sizes = [8, 256], strides = [1, 1]} : vector<8x32768xf32> to vector<8x256xf32>
      %reduce_min3A_529 = arith.constant dense<0x7F800000> : vector<8xf32>
      %reduce_min3A_530 = vector.multi_reduction <minimumf>, %slice3A_528, %reduce_min3A_529 [1] : vector<8x256xf32> to vector<8xf32>
      %broadcast_in_dim3A_531 = vector.shape_cast %reduce_min3A_530 : vector<8xf32> to vector<8x1xf32>
      %slice3A_532 = vector.extract_strided_slice %select_n3A {offsets = [0, 32256], sizes = [8, 256], strides = [1, 1]} : vector<8x32768xf32> to vector<8x256xf32>
      %reduce_min3A_533 = arith.constant dense<0x7F800000> : vector<8xf32>
      %reduce_min3A_534 = vector.multi_reduction <minimumf>, %slice3A_532, %reduce_min3A_533 [1] : vector<8x256xf32> to vector<8xf32>
      %broadcast_in_dim3A_535 = vector.shape_cast %reduce_min3A_534 : vector<8xf32> to vector<8x1xf32>
      %slice3A_536 = vector.extract_strided_slice %select_n3A {offsets = [0, 32512], sizes = [8, 256], strides = [1, 1]} : vector<8x32768xf32> to vector<8x256xf32>
      %reduce_min3A_537 = arith.constant dense<0x7F800000> : vector<8xf32>
      %reduce_min3A_538 = vector.multi_reduction <minimumf>, %slice3A_536, %reduce_min3A_537 [1] : vector<8x256xf32> to vector<8xf32>
      %broadcast_in_dim3A_539 = vector.shape_cast %reduce_min3A_538 : vector<8xf32> to vector<8x1xf32>
      %concatenate3A = tpu.concatenate %broadcast_in_dim3A_31, %broadcast_in_dim3A_35, %broadcast_in_dim3A_39, %broadcast_in_dim3A_43, %broadcast_in_dim3A_47, %broadcast_in_dim3A_51, %broadcast_in_dim3A_55, %broadcast_in_dim3A_59, %broadcast_in_dim3A_63, %broadcast_in_dim3A_67, %broadcast_in_dim3A_71, %broadcast_in_dim3A_75, %broadcast_in_dim3A_79, %broadcast_in_dim3A_83, %broadcast_in_dim3A_87, %broadcast_in_dim3A_91, %broadcast_in_dim3A_95, %broadcast_in_dim3A_99, %broadcast_in_dim3A_103, %broadcast_in_dim3A_107, %broadcast_in_dim3A_111, %broadcast_in_dim3A_115, %broadcast_in_dim3A_119, %broadcast_in_dim3A_123, %broadcast_in_dim3A_127, %broadcast_in_dim3A_131, %broadcast_in_dim3A_135, %broadcast_in_dim3A_139, %broadcast_in_dim3A_143, %broadcast_in_dim3A_147, %broadcast_in_dim3A_151, %broadcast_in_dim3A_155, %broadcast_in_dim3A_159, %broadcast_in_dim3A_163, %broadcast_in_dim3A_167, %broadcast_in_dim3A_171, %broadcast_in_dim3A_175, %broadcast_in_dim3A_179, %broadcast_in_dim3A_183, %broadcast_in_dim3A_187, %broadcast_in_dim3A_191, %broadcast_in_dim3A_195, %broadcast_in_dim3A_199, %broadcast_in_dim3A_203, %broadcast_in_dim3A_207, %broadcast_in_dim3A_211, %broadcast_in_dim3A_215, %broadcast_in_dim3A_219, %broadcast_in_dim3A_223, %broadcast_in_dim3A_227, %broadcast_in_dim3A_231, %broadcast_in_dim3A_235, %broadcast_in_dim3A_239, %broadcast_in_dim3A_243, %broadcast_in_dim3A_247, %broadcast_in_dim3A_251, %broadcast_in_dim3A_255, %broadcast_in_dim3A_259, %broadcast_in_dim3A_263, %broadcast_in_dim3A_267, %broadcast_in_dim3A_271, %broadcast_in_dim3A_275, %broadcast_in_dim3A_279, %broadcast_in_dim3A_283, %broadcast_in_dim3A_287, %broadcast_in_dim3A_291, %broadcast_in_dim3A_295, %broadcast_in_dim3A_299, %broadcast_in_dim3A_303, %broadcast_in_dim3A_307, %broadcast_in_dim3A_311, %broadcast_in_dim3A_315, %broadcast_in_dim3A_319, %broadcast_in_dim3A_323, %broadcast_in_dim3A_327, %broadcast_in_dim3A_331, %broadcast_in_dim3A_335, %broadcast_in_dim3A_339, %broadcast_in_dim3A_343, %broadcast_in_dim3A_347, %broadcast_in_dim3A_351, %broadcast_in_dim3A_355, %broadcast_in_dim3A_359, %broadcast_in_dim3A_363, %broadcast_in_dim3A_367, %broadcast_in_dim3A_371, %broadcast_in_dim3A_375, %broadcast_in_dim3A_379, %broadcast_in_dim3A_383, %broadcast_in_dim3A_387, %broadcast_in_dim3A_391, %broadcast_in_dim3A_395, %broadcast_in_dim3A_399, %broadcast_in_dim3A_403, %broadcast_in_dim3A_407, %broadcast_in_dim3A_411, %broadcast_in_dim3A_415, %broadcast_in_dim3A_419, %broadcast_in_dim3A_423, %broadcast_in_dim3A_427, %broadcast_in_dim3A_431, %broadcast_in_dim3A_435, %broadcast_in_dim3A_439, %broadcast_in_dim3A_443, %broadcast_in_dim3A_447, %broadcast_in_dim3A_451, %broadcast_in_dim3A_455, %broadcast_in_dim3A_459, %broadcast_in_dim3A_463, %broadcast_in_dim3A_467, %broadcast_in_dim3A_471, %broadcast_in_dim3A_475, %broadcast_in_dim3A_479, %broadcast_in_dim3A_483, %broadcast_in_dim3A_487, %broadcast_in_dim3A_491, %broadcast_in_dim3A_495, %broadcast_in_dim3A_499, %broadcast_in_dim3A_503, %broadcast_in_dim3A_507, %broadcast_in_dim3A_511, %broadcast_in_dim3A_515, %broadcast_in_dim3A_519, %broadcast_in_dim3A_523, %broadcast_in_dim3A_527, %broadcast_in_dim3A_531, %broadcast_in_dim3A_535, %broadcast_in_dim3A_539 in 1 : vector<8x1xf32>, vector<8x1xf32>, vector<8x1xf32>, vector<8x1xf32>, vector<8x1xf32>, vector<8x1xf32>, vector<8x1xf32>, vector<8x1xf32>, vector<8x1xf32>, vector<8x1xf32>, vector<8x1xf32>, vector<8x1xf32>, vector<8x1xf32>, vector<8x1xf32>, vector<8x1xf32>, vector<8x1xf32>, vector<8x1xf32>, vector<8x1xf32>, vector<8x1xf32>, vector<8x1xf32>, vector<8x1xf32>, vector<8x1xf32>, vector<8x1xf32>, vector<8x1xf32>, vector<8x1xf32>, vector<8x1xf32>, vector<8x1xf32>, vector<8x1xf32>, vector<8x1xf32>, vector<8x1xf32>, vector<8x1xf32>, vector<8x1xf32>, vector<8x1xf32>, vector<8x1xf32>, vector<8x1xf32>, vector<8x1xf32>, vector<8x1xf32>, vector<8x1xf32>, vector<8x1xf32>, vector<8x1xf32>, vector<8x1xf32>, vector<8x1xf32>, vector<8x1xf32>, vector<8x1xf32>, vector<8x1xf32>, vector<8x1xf32>, vector<8x1xf32>, vector<8x1xf32>, vector<8x1xf32>, vector<8x1xf32>, vector<8x1xf32>, vector<8x1xf32>, vector<8x1xf32>, vector<8x1xf32>, vector<8x1xf32>, vector<8x1xf32>, vector<8x1xf32>, vector<8x1xf32>, vector<8x1xf32>, vector<8x1xf32>, vector<8x1xf32>, vector<8x1xf32>, vector<8x1xf32>, vector<8x1xf32>, vector<8x1xf32>, vector<8x1xf32>, vector<8x1xf32>, vector<8x1xf32>, vector<8x1xf32>, vector<8x1xf32>, vector<8x1xf32>, vector<8x1xf32>, vector<8x1xf32>, vector<8x1xf32>, vector<8x1xf32>, vector<8x1xf32>, vector<8x1xf32>, vector<8x1xf32>, vector<8x1xf32>, vector<8x1xf32>, vector<8x1xf32>, vector<8x1xf32>, vector<8x1xf32>, vector<8x1xf32>, vector<8x1xf32>, vector<8x1xf32>, vector<8x1xf32>, vector<8x1xf32>, vector<8x1xf32>, vector<8x1xf32>, vector<8x1xf32>, vector<8x1xf32>, vector<8x1xf32>, vector<8x1xf32>, vector<8x1xf32>, vector<8x1xf32>, vector<8x1xf32>, vector<8x1xf32>, vector<8x1xf32>, vector<8x1xf32>, vector<8x1xf32>, vector<8x1xf32>, vector<8x1xf32>, vector<8x1xf32>, vector<8x1xf32>, vector<8x1xf32>, vector<8x1xf32>, vector<8x1xf32>, vector<8x1xf32>, vector<8x1xf32>, vector<8x1xf32>, vector<8x1xf32>, vector<8x1xf32>, vector<8x1xf32>, vector<8x1xf32>, vector<8x1xf32>, vector<8x1xf32>, vector<8x1xf32>, vector<8x1xf32>, vector<8x1xf32>, vector<8x1xf32>, vector<8x1xf32>, vector<8x1xf32>, vector<8x1xf32>, vector<8x1xf32>, vector<8x1xf32>, vector<8x1xf32>, vector<8x1xf32> -> vector<8x128xf32>
      %mul3A_540 = arith.constant 128 : i32
      %mul3A_541 = arith.muli %arg1, %mul3A_540 : i32
      %swap3A_542 = arith.constant 0 : index
      %swap3A_543 = arith.index_cast %mul3A_541 : i32 to index
      %swap3A_544 = vector.load %arg5[%swap3A_542, %swap3A_543] : memref<8x512xf32, #tpu.memory_space<vmem>>, vector<8x128xf32>
      tpu.vector_store %arg5[%swap3A_542, %swap3A_543], %concatenate3A {strides = array<i32>} : memref<8x512xf32, #tpu.memory_space<vmem>>, vector<8x128xf32>,
      %broadcast_in_dim3A_545 = vector.shape_cast %broadcast_in_dim3A_26 : vector<8x1xf32> to vector<8x1xf32>
      %broadcast_in_dim3A_546 = vector.broadcast %broadcast_in_dim3A_545 : vector<8x1xf32> to vector<8x128xf32>
      %eq3A_547 = arith.constant 0 : i32
      %eq3A_548 = arith.cmpi eq, %arg1, %eq3A_547 : i32
      %convert_element_type3A_549 = arith.extui %eq3A_548 : i1 to i32
      %cond3A_550 = arith.constant 0 : i32
      %cond3A_551 = arith.cmpi ne, %convert_element_type3A_549, %cond3A_550 : i32
      scf.if %cond3A_551 {
        %swap3A_556 = arith.constant 0 : index
        %swap3A_557 = arith.constant 0 : index
        %swap3A_558 = vector.load %arg6[%swap3A_556, %swap3A_557] : memref<8x128xf32, #tpu.memory_space<vmem>>, vector<8x128xf32>
        tpu.vector_store %arg6[%swap3A_556, %swap3A_557], %broadcast_in_dim3A_546 {strides = array<i32>} : memref<8x128xf32, #tpu.memory_space<vmem>>, vector<8x128xf32>,
      } else {
      }
      %ne3A = arith.constant 0 : i32
      %ne3A_552 = arith.cmpi ne, %arg1, %ne3A : i32
      %convert_element_type3A_553 = arith.extui %ne3A_552 : i1 to i32
      %cond3A_554 = arith.constant 0 : i32
      %cond3A_555 = arith.cmpi ne, %convert_element_type3A_553, %cond3A_554 : i32
      scf.if %cond3A_555 {
        %get3A_556 = arith.constant 0 : index
        %get3A_557 = arith.constant 0 : index
        %get3A_558 = vector.load %arg6[%get3A_556, %get3A_557] : memref<8x128xf32, #tpu.memory_space<vmem>>, vector<8x128xf32>
        %add3A_559 = arith.addf %get3A_558, %broadcast_in_dim3A_546 : vector<8x128xf32>
        %swap3A_560 = arith.constant 0 : index
        %swap3A_561 = arith.constant 0 : index
        %swap3A_562 = vector.load %arg6[%swap3A_560, %swap3A_561] : memref<8x128xf32, #tpu.memory_space<vmem>>, vector<8x128xf32>
        tpu.vector_store %arg6[%swap3A_560, %swap3A_561], %add3A_559 {strides = array<i32>} : memref<8x128xf32, #tpu.memory_space<vmem>>, vector<8x128xf32>,
      } else {
      }
    } else {
    }
    return
  }
  func.func @transform_0(%arg0: i32, %arg1: i32) -> (i32, i32) {
    %c0_i32 = arith.constant 0 : i32
    return %arg0, %arg1 : i32, i32
  }
  func.func @transform_1(%arg0: i32, %arg1: i32) -> (i32, i32) {
    %c0_i32 = arith.constant 0 : i32
    %c0_i32_0 = arith.constant 0 : i32
    return %arg0, %c0_i32 : i32, i32
  }
  func.func @transform_2(%arg0: i32, %arg1: i32) -> (i32, i32) {
    %c0_i32 = arith.constant 0 : i32
    return %arg0, %arg1 : i32, i32
  }
  func.func @transform_3(%arg0: i32, %arg1: i32) -> (i32, i32) {
    %c0_i32 = arith.constant 0 : i32
    %c0_i32_0 = arith.constant 0 : i32
    return %arg0, %c0_i32 : i32, i32
  }
  func.func @transform_4(%arg0: i32, %arg1: i32) -> (i32, i32) {
    %c0_i32 = arith.constant 0 : i32
    %c0_i32_0 = arith.constant 0 : i32
    return %arg0, %c0_i32 : i32, i32
  }
}

module attributes {stable_mosaic.version = 14 : i64} {
  func.func @_sample_body(%arg0: memref<128x64xi32, #tpu.memory_space<vmem>>, %arg1: memref<128x64xf32, #tpu.memory_space<vmem>>, %arg2: memref<128x1xi32, #tpu.memory_space<vmem>>) attributes {dimension_semantics = [], scalar_prefetch = 0 : i64, scratch_operands = 0 : i64, tpu.core_type = #tpu.core_type<tc>} {
    %get3A = arith.constant 0 : index
    %get3A_0 = arith.constant 0 : index
    %get3A_1 = vector.load %arg0[%get3A, %get3A_0] : memref<128x64xi32, #tpu.memory_space<vmem>>, vector<128x64xi32>
    %get3A_2 = arith.constant 0 : index
    %get3A_3 = arith.constant 0 : index
    %get3A_4 = vector.load %arg1[%get3A_2, %get3A_3] : memref<128x64xf32, #tpu.memory_space<vmem>>, vector<128x64xf32>
    %iota3A = tpu.iota {dimensions = array<i32: 1>} : vector<128x64xi32>
    %iota3A_5 = tpu.iota {dimensions = array<i32: 0>} : vector<128x64xi32>
    %lt3A = arith.constant 50 : i32
    %lt3A_6 = vector.broadcast %lt3A : i32 to vector<128x64xi32>
    %lt3A_7 = arith.cmpi slt, %iota3A, %lt3A_6 : vector<128x64xi32>
    %ne3A = arith.constant 0 : i32
    %ne3A_8 = vector.broadcast %ne3A : i32 to vector<128x64xi32>
    %ne3A_9 = arith.cmpi ne, %get3A_1, %ne3A_8 : vector<128x64xi32>
    %and3A = arith.andi %lt3A_7, %ne3A_9 : vector<128x64xi1>
    %lt3A_10 = arith.constant 100000 : i32
    %lt3A_11 = vector.broadcast %lt3A_10 : i32 to vector<128x64xi32>
    %lt3A_12 = arith.cmpi slt, %get3A_1, %lt3A_11 : vector<128x64xi32>
    %and3A_13 = arith.andi %and3A, %lt3A_12 : vector<128x64xi1>
    %mul3A = arith.constant 100000 : i32
    %mul3A_14 = vector.broadcast %mul3A : i32 to vector<128x64xi32>
    %mul3A_15 = arith.muli %iota3A_5, %mul3A_14 : vector<128x64xi32>
    %add3A = arith.addi %mul3A_15, %get3A_1 : vector<128x64xi32>
    %broadcast_in_dim3A = arith.constant 0 : i32
    %broadcast_in_dim3A_16 = vector.broadcast %broadcast_in_dim3A : i32 to vector<128x64xi32>
    %xor3A = arith.constant 466688986 : i32
    %xor3A_17 = arith.constant 0 : i32
    %xor3A_18 = arith.xori %xor3A, %xor3A_17 : i32
    %xor3A_19 = arith.constant 1 : i32
    %xor3A_20 = arith.xori %xor3A_18, %xor3A_19 : i32
    %add3A_21 = arith.constant 0 : i32
    %add3A_22 = vector.broadcast %add3A_21 : i32 to vector<128x64xi32>
    %add3A_23 = arith.addi %broadcast_in_dim3A_16, %add3A_22 : vector<128x64xi32>
    %add3A_24 = arith.constant 1 : i32
    %add3A_25 = vector.broadcast %add3A_24 : i32 to vector<128x64xi32>
    %add3A_26 = arith.addi %add3A, %add3A_25 : vector<128x64xi32>
    %add3A_27 = arith.addi %add3A_23, %add3A_26 : vector<128x64xi32>
    %shift_left3A = arith.constant 13 : i32
    %shift_left3A_28 = vector.broadcast %shift_left3A : i32 to vector<128x64xi32>
    %shift_left3A_29 = arith.shli %add3A_26, %shift_left3A_28 : vector<128x64xi32>
    %shift_right_logical3A = arith.constant 19 : i32
    %shift_right_logical3A_30 = vector.broadcast %shift_right_logical3A : i32 to vector<128x64xi32>
    %shift_right_logical3A_31 = arith.shrui %add3A_26, %shift_right_logical3A_30 : vector<128x64xi32>
    %or3A = arith.ori %shift_left3A_29, %shift_right_logical3A_31 : vector<128x64xi32>
    %xor3A_32 = arith.xori %or3A, %add3A_27 : vector<128x64xi32>
    %add3A_33 = arith.addi %add3A_27, %xor3A_32 : vector<128x64xi32>
    %shift_left3A_34 = arith.constant 15 : i32
    %shift_left3A_35 = vector.broadcast %shift_left3A_34 : i32 to vector<128x64xi32>
    %shift_left3A_36 = arith.shli %xor3A_32, %shift_left3A_35 : vector<128x64xi32>
    %shift_right_logical3A_37 = arith.constant 17 : i32
    %shift_right_logical3A_38 = vector.broadcast %shift_right_logical3A_37 : i32 to vector<128x64xi32>
    %shift_right_logical3A_39 = arith.shrui %xor3A_32, %shift_right_logical3A_38 : vector<128x64xi32>
    %or3A_40 = arith.ori %shift_left3A_36, %shift_right_logical3A_39 : vector<128x64xi32>
    %xor3A_41 = arith.xori %or3A_40, %add3A_33 : vector<128x64xi32>
    %add3A_42 = arith.addi %add3A_33, %xor3A_41 : vector<128x64xi32>
    %shift_left3A_43 = arith.constant 26 : i32
    %shift_left3A_44 = vector.broadcast %shift_left3A_43 : i32 to vector<128x64xi32>
    %shift_left3A_45 = arith.shli %xor3A_41, %shift_left3A_44 : vector<128x64xi32>
    %shift_right_logical3A_46 = arith.constant 6 : i32
    %shift_right_logical3A_47 = vector.broadcast %shift_right_logical3A_46 : i32 to vector<128x64xi32>
    %shift_right_logical3A_48 = arith.shrui %xor3A_41, %shift_right_logical3A_47 : vector<128x64xi32>
    %or3A_49 = arith.ori %shift_left3A_45, %shift_right_logical3A_48 : vector<128x64xi32>
    %xor3A_50 = arith.xori %or3A_49, %add3A_42 : vector<128x64xi32>
    %add3A_51 = arith.addi %add3A_42, %xor3A_50 : vector<128x64xi32>
    %shift_left3A_52 = arith.constant 6 : i32
    %shift_left3A_53 = vector.broadcast %shift_left3A_52 : i32 to vector<128x64xi32>
    %shift_left3A_54 = arith.shli %xor3A_50, %shift_left3A_53 : vector<128x64xi32>
    %shift_right_logical3A_55 = arith.constant 26 : i32
    %shift_right_logical3A_56 = vector.broadcast %shift_right_logical3A_55 : i32 to vector<128x64xi32>
    %shift_right_logical3A_57 = arith.shrui %xor3A_50, %shift_right_logical3A_56 : vector<128x64xi32>
    %or3A_58 = arith.ori %shift_left3A_54, %shift_right_logical3A_57 : vector<128x64xi32>
    %xor3A_59 = arith.xori %or3A_58, %add3A_51 : vector<128x64xi32>
    %add3A_60 = arith.constant 1 : i32
    %add3A_61 = vector.broadcast %add3A_60 : i32 to vector<128x64xi32>
    %add3A_62 = arith.addi %add3A_51, %add3A_61 : vector<128x64xi32>
    %add3A_63 = vector.broadcast %xor3A_20 : i32 to vector<128x64xi32>
    %add3A_64 = arith.addi %xor3A_59, %add3A_63 : vector<128x64xi32>
    %add3A_65 = arith.constant 1 : i32
    %add3A_66 = vector.broadcast %add3A_65 : i32 to vector<128x64xi32>
    %add3A_67 = arith.addi %add3A_64, %add3A_66 : vector<128x64xi32>
    %add3A_68 = arith.addi %add3A_62, %add3A_67 : vector<128x64xi32>
    %shift_left3A_69 = arith.constant 17 : i32
    %shift_left3A_70 = vector.broadcast %shift_left3A_69 : i32 to vector<128x64xi32>
    %shift_left3A_71 = arith.shli %add3A_67, %shift_left3A_70 : vector<128x64xi32>
    %shift_right_logical3A_72 = arith.constant 15 : i32
    %shift_right_logical3A_73 = vector.broadcast %shift_right_logical3A_72 : i32 to vector<128x64xi32>
    %shift_right_logical3A_74 = arith.shrui %add3A_67, %shift_right_logical3A_73 : vector<128x64xi32>
    %or3A_75 = arith.ori %shift_left3A_71, %shift_right_logical3A_74 : vector<128x64xi32>
    %xor3A_76 = arith.xori %or3A_75, %add3A_68 : vector<128x64xi32>
    %add3A_77 = arith.addi %add3A_68, %xor3A_76 : vector<128x64xi32>
    %shift_left3A_78 = arith.constant 29 : i32
    %shift_left3A_79 = vector.broadcast %shift_left3A_78 : i32 to vector<128x64xi32>
    %shift_left3A_80 = arith.shli %xor3A_76, %shift_left3A_79 : vector<128x64xi32>
    %shift_right_logical3A_81 = arith.constant 3 : i32
    %shift_right_logical3A_82 = vector.broadcast %shift_right_logical3A_81 : i32 to vector<128x64xi32>
    %shift_right_logical3A_83 = arith.shrui %xor3A_76, %shift_right_logical3A_82 : vector<128x64xi32>
    %or3A_84 = arith.ori %shift_left3A_80, %shift_right_logical3A_83 : vector<128x64xi32>
    %xor3A_85 = arith.xori %or3A_84, %add3A_77 : vector<128x64xi32>
    %add3A_86 = arith.addi %add3A_77, %xor3A_85 : vector<128x64xi32>
    %shift_left3A_87 = arith.constant 16 : i32
    %shift_left3A_88 = vector.broadcast %shift_left3A_87 : i32 to vector<128x64xi32>
    %shift_left3A_89 = arith.shli %xor3A_85, %shift_left3A_88 : vector<128x64xi32>
    %shift_right_logical3A_90 = arith.constant 16 : i32
    %shift_right_logical3A_91 = vector.broadcast %shift_right_logical3A_90 : i32 to vector<128x64xi32>
    %shift_right_logical3A_92 = arith.shrui %xor3A_85, %shift_right_logical3A_91 : vector<128x64xi32>
    %or3A_93 = arith.ori %shift_left3A_89, %shift_right_logical3A_92 : vector<128x64xi32>
    %xor3A_94 = arith.xori %or3A_93, %add3A_86 : vector<128x64xi32>
    %add3A_95 = arith.addi %add3A_86, %xor3A_94 : vector<128x64xi32>
    %shift_left3A_96 = arith.constant 24 : i32
    %shift_left3A_97 = vector.broadcast %shift_left3A_96 : i32 to vector<128x64xi32>
    %shift_left3A_98 = arith.shli %xor3A_94, %shift_left3A_97 : vector<128x64xi32>
    %shift_right_logical3A_99 = arith.constant 8 : i32
    %shift_right_logical3A_100 = vector.broadcast %shift_right_logical3A_99 : i32 to vector<128x64xi32>
    %shift_right_logical3A_101 = arith.shrui %xor3A_94, %shift_right_logical3A_100 : vector<128x64xi32>
    %or3A_102 = arith.ori %shift_left3A_98, %shift_right_logical3A_101 : vector<128x64xi32>
    %xor3A_103 = arith.xori %or3A_102, %add3A_95 : vector<128x64xi32>
    %add3A_104 = vector.broadcast %xor3A_20 : i32 to vector<128x64xi32>
    %add3A_105 = arith.addi %add3A_95, %add3A_104 : vector<128x64xi32>
    %add3A_106 = arith.constant 0 : i32
    %add3A_107 = vector.broadcast %add3A_106 : i32 to vector<128x64xi32>
    %add3A_108 = arith.addi %xor3A_103, %add3A_107 : vector<128x64xi32>
    %add3A_109 = arith.constant 2 : i32
    %add3A_110 = vector.broadcast %add3A_109 : i32 to vector<128x64xi32>
    %add3A_111 = arith.addi %add3A_108, %add3A_110 : vector<128x64xi32>
    %add3A_112 = arith.addi %add3A_105, %add3A_111 : vector<128x64xi32>
    %shift_left3A_113 = arith.constant 13 : i32
    %shift_left3A_114 = vector.broadcast %shift_left3A_113 : i32 to vector<128x64xi32>
    %shift_left3A_115 = arith.shli %add3A_111, %shift_left3A_114 : vector<128x64xi32>
    %shift_right_logical3A_116 = arith.constant 19 : i32
    %shift_right_logical3A_117 = vector.broadcast %shift_right_logical3A_116 : i32 to vector<128x64xi32>
    %shift_right_logical3A_118 = arith.shrui %add3A_111, %shift_right_logical3A_117 : vector<128x64xi32>
    %or3A_119 = arith.ori %shift_left3A_115, %shift_right_logical3A_118 : vector<128x64xi32>
    %xor3A_120 = arith.xori %or3A_119, %add3A_112 : vector<128x64xi32>
    %add3A_121 = arith.addi %add3A_112, %xor3A_120 : vector<128x64xi32>
    %shift_left3A_122 = arith.constant 15 : i32
    %shift_left3A_123 = vector.broadcast %shift_left3A_122 : i32 to vector<128x64xi32>
    %shift_left3A_124 = arith.shli %xor3A_120, %shift_left3A_123 : vector<128x64xi32>
    %shift_right_logical3A_125 = arith.constant 17 : i32
    %shift_right_logical3A_126 = vector.broadcast %shift_right_logical3A_125 : i32 to vector<128x64xi32>
    %shift_right_logical3A_127 = arith.shrui %xor3A_120, %shift_right_logical3A_126 : vector<128x64xi32>
    %or3A_128 = arith.ori %shift_left3A_124, %shift_right_logical3A_127 : vector<128x64xi32>
    %xor3A_129 = arith.xori %or3A_128, %add3A_121 : vector<128x64xi32>
    %add3A_130 = arith.addi %add3A_121, %xor3A_129 : vector<128x64xi32>
    %shift_left3A_131 = arith.constant 26 : i32
    %shift_left3A_132 = vector.broadcast %shift_left3A_131 : i32 to vector<128x64xi32>
    %shift_left3A_133 = arith.shli %xor3A_129, %shift_left3A_132 : vector<128x64xi32>
    %shift_right_logical3A_134 = arith.constant 6 : i32
    %shift_right_logical3A_135 = vector.broadcast %shift_right_logical3A_134 : i32 to vector<128x64xi32>
    %shift_right_logical3A_136 = arith.shrui %xor3A_129, %shift_right_logical3A_135 : vector<128x64xi32>
    %or3A_137 = arith.ori %shift_left3A_133, %shift_right_logical3A_136 : vector<128x64xi32>
    %xor3A_138 = arith.xori %or3A_137, %add3A_130 : vector<128x64xi32>
    %add3A_139 = arith.addi %add3A_130, %xor3A_138 : vector<128x64xi32>
    %shift_left3A_140 = arith.constant 6 : i32
    %shift_left3A_141 = vector.broadcast %shift_left3A_140 : i32 to vector<128x64xi32>
    %shift_left3A_142 = arith.shli %xor3A_138, %shift_left3A_141 : vector<128x64xi32>
    %shift_right_logical3A_143 = arith.constant 26 : i32
    %shift_right_logical3A_144 = vector.broadcast %shift_right_logical3A_143 : i32 to vector<128x64xi32>
    %shift_right_logical3A_145 = arith.shrui %xor3A_138, %shift_right_logical3A_144 : vector<128x64xi32>
    %or3A_146 = arith.ori %shift_left3A_142, %shift_right_logical3A_145 : vector<128x64xi32>
    %xor3A_147 = arith.xori %or3A_146, %add3A_139 : vector<128x64xi32>
    %add3A_148 = arith.constant 0 : i32
    %add3A_149 = vector.broadcast %add3A_148 : i32 to vector<128x64xi32>
    %add3A_150 = arith.addi %add3A_139, %add3A_149 : vector<128x64xi32>
    %add3A_151 = arith.constant 1 : i32
    %add3A_152 = vector.broadcast %add3A_151 : i32 to vector<128x64xi32>
    %add3A_153 = arith.addi %xor3A_147, %add3A_152 : vector<128x64xi32>
    %add3A_154 = arith.constant 3 : i32
    %add3A_155 = vector.broadcast %add3A_154 : i32 to vector<128x64xi32>
    %add3A_156 = arith.addi %add3A_153, %add3A_155 : vector<128x64xi32>
    %add3A_157 = arith.addi %add3A_150, %add3A_156 : vector<128x64xi32>
    %shift_left3A_158 = arith.constant 17 : i32
    %shift_left3A_159 = vector.broadcast %shift_left3A_158 : i32 to vector<128x64xi32>
    %shift_left3A_160 = arith.shli %add3A_156, %shift_left3A_159 : vector<128x64xi32>
    %shift_right_logical3A_161 = arith.constant 15 : i32
    %shift_right_logical3A_162 = vector.broadcast %shift_right_logical3A_161 : i32 to vector<128x64xi32>
    %shift_right_logical3A_163 = arith.shrui %add3A_156, %shift_right_logical3A_162 : vector<128x64xi32>
    %or3A_164 = arith.ori %shift_left3A_160, %shift_right_logical3A_163 : vector<128x64xi32>
    %xor3A_165 = arith.xori %or3A_164, %add3A_157 : vector<128x64xi32>
    %add3A_166 = arith.addi %add3A_157, %xor3A_165 : vector<128x64xi32>
    %shift_left3A_167 = arith.constant 29 : i32
    %shift_left3A_168 = vector.broadcast %shift_left3A_167 : i32 to vector<128x64xi32>
    %shift_left3A_169 = arith.shli %xor3A_165, %shift_left3A_168 : vector<128x64xi32>
    %shift_right_logical3A_170 = arith.constant 3 : i32
    %shift_right_logical3A_171 = vector.broadcast %shift_right_logical3A_170 : i32 to vector<128x64xi32>
    %shift_right_logical3A_172 = arith.shrui %xor3A_165, %shift_right_logical3A_171 : vector<128x64xi32>
    %or3A_173 = arith.ori %shift_left3A_169, %shift_right_logical3A_172 : vector<128x64xi32>
    %xor3A_174 = arith.xori %or3A_173, %add3A_166 : vector<128x64xi32>
    %add3A_175 = arith.addi %add3A_166, %xor3A_174 : vector<128x64xi32>
    %shift_left3A_176 = arith.constant 16 : i32
    %shift_left3A_177 = vector.broadcast %shift_left3A_176 : i32 to vector<128x64xi32>
    %shift_left3A_178 = arith.shli %xor3A_174, %shift_left3A_177 : vector<128x64xi32>
    %shift_right_logical3A_179 = arith.constant 16 : i32
    %shift_right_logical3A_180 = vector.broadcast %shift_right_logical3A_179 : i32 to vector<128x64xi32>
    %shift_right_logical3A_181 = arith.shrui %xor3A_174, %shift_right_logical3A_180 : vector<128x64xi32>
    %or3A_182 = arith.ori %shift_left3A_178, %shift_right_logical3A_181 : vector<128x64xi32>
    %xor3A_183 = arith.xori %or3A_182, %add3A_175 : vector<128x64xi32>
    %add3A_184 = arith.addi %add3A_175, %xor3A_183 : vector<128x64xi32>
    %shift_left3A_185 = arith.constant 24 : i32
    %shift_left3A_186 = vector.broadcast %shift_left3A_185 : i32 to vector<128x64xi32>
    %shift_left3A_187 = arith.shli %xor3A_183, %shift_left3A_186 : vector<128x64xi32>
    %shift_right_logical3A_188 = arith.constant 8 : i32
    %shift_right_logical3A_189 = vector.broadcast %shift_right_logical3A_188 : i32 to vector<128x64xi32>
    %shift_right_logical3A_190 = arith.shrui %xor3A_183, %shift_right_logical3A_189 : vector<128x64xi32>
    %or3A_191 = arith.ori %shift_left3A_187, %shift_right_logical3A_190 : vector<128x64xi32>
    %xor3A_192 = arith.xori %or3A_191, %add3A_184 : vector<128x64xi32>
    %add3A_193 = arith.constant 1 : i32
    %add3A_194 = vector.broadcast %add3A_193 : i32 to vector<128x64xi32>
    %add3A_195 = arith.addi %add3A_184, %add3A_194 : vector<128x64xi32>
    %add3A_196 = vector.broadcast %xor3A_20 : i32 to vector<128x64xi32>
    %add3A_197 = arith.addi %xor3A_192, %add3A_196 : vector<128x64xi32>
    %add3A_198 = arith.constant 4 : i32
    %add3A_199 = vector.broadcast %add3A_198 : i32 to vector<128x64xi32>
    %add3A_200 = arith.addi %add3A_197, %add3A_199 : vector<128x64xi32>
    %add3A_201 = arith.addi %add3A_195, %add3A_200 : vector<128x64xi32>
    %shift_left3A_202 = arith.constant 13 : i32
    %shift_left3A_203 = vector.broadcast %shift_left3A_202 : i32 to vector<128x64xi32>
    %shift_left3A_204 = arith.shli %add3A_200, %shift_left3A_203 : vector<128x64xi32>
    %shift_right_logical3A_205 = arith.constant 19 : i32
    %shift_right_logical3A_206 = vector.broadcast %shift_right_logical3A_205 : i32 to vector<128x64xi32>
    %shift_right_logical3A_207 = arith.shrui %add3A_200, %shift_right_logical3A_206 : vector<128x64xi32>
    %or3A_208 = arith.ori %shift_left3A_204, %shift_right_logical3A_207 : vector<128x64xi32>
    %xor3A_209 = arith.xori %or3A_208, %add3A_201 : vector<128x64xi32>
    %add3A_210 = arith.addi %add3A_201, %xor3A_209 : vector<128x64xi32>
    %shift_left3A_211 = arith.constant 15 : i32
    %shift_left3A_212 = vector.broadcast %shift_left3A_211 : i32 to vector<128x64xi32>
    %shift_left3A_213 = arith.shli %xor3A_209, %shift_left3A_212 : vector<128x64xi32>
    %shift_right_logical3A_214 = arith.constant 17 : i32
    %shift_right_logical3A_215 = vector.broadcast %shift_right_logical3A_214 : i32 to vector<128x64xi32>
    %shift_right_logical3A_216 = arith.shrui %xor3A_209, %shift_right_logical3A_215 : vector<128x64xi32>
    %or3A_217 = arith.ori %shift_left3A_213, %shift_right_logical3A_216 : vector<128x64xi32>
    %xor3A_218 = arith.xori %or3A_217, %add3A_210 : vector<128x64xi32>
    %add3A_219 = arith.addi %add3A_210, %xor3A_218 : vector<128x64xi32>
    %shift_left3A_220 = arith.constant 26 : i32
    %shift_left3A_221 = vector.broadcast %shift_left3A_220 : i32 to vector<128x64xi32>
    %shift_left3A_222 = arith.shli %xor3A_218, %shift_left3A_221 : vector<128x64xi32>
    %shift_right_logical3A_223 = arith.constant 6 : i32
    %shift_right_logical3A_224 = vector.broadcast %shift_right_logical3A_223 : i32 to vector<128x64xi32>
    %shift_right_logical3A_225 = arith.shrui %xor3A_218, %shift_right_logical3A_224 : vector<128x64xi32>
    %or3A_226 = arith.ori %shift_left3A_222, %shift_right_logical3A_225 : vector<128x64xi32>
    %xor3A_227 = arith.xori %or3A_226, %add3A_219 : vector<128x64xi32>
    %add3A_228 = arith.addi %add3A_219, %xor3A_227 : vector<128x64xi32>
    %shift_left3A_229 = arith.constant 6 : i32
    %shift_left3A_230 = vector.broadcast %shift_left3A_229 : i32 to vector<128x64xi32>
    %shift_left3A_231 = arith.shli %xor3A_227, %shift_left3A_230 : vector<128x64xi32>
    %shift_right_logical3A_232 = arith.constant 26 : i32
    %shift_right_logical3A_233 = vector.broadcast %shift_right_logical3A_232 : i32 to vector<128x64xi32>
    %shift_right_logical3A_234 = arith.shrui %xor3A_227, %shift_right_logical3A_233 : vector<128x64xi32>
    %or3A_235 = arith.ori %shift_left3A_231, %shift_right_logical3A_234 : vector<128x64xi32>
    %xor3A_236 = arith.xori %or3A_235, %add3A_228 : vector<128x64xi32>
    %add3A_237 = vector.broadcast %xor3A_20 : i32 to vector<128x64xi32>
    %add3A_238 = arith.addi %add3A_228, %add3A_237 : vector<128x64xi32>
    %add3A_239 = arith.constant 0 : i32
    %add3A_240 = vector.broadcast %add3A_239 : i32 to vector<128x64xi32>
    %add3A_241 = arith.addi %xor3A_236, %add3A_240 : vector<128x64xi32>
    %add3A_242 = arith.constant 5 : i32
    %add3A_243 = vector.broadcast %add3A_242 : i32 to vector<128x64xi32>
    %add3A_244 = arith.addi %add3A_241, %add3A_243 : vector<128x64xi32>
    %xor3A_245 = arith.xori %add3A_238, %add3A_244 : vector<128x64xi32>
    %shift_right_logical3A_246 = arith.constant 9 : i32
    %shift_right_logical3A_247 = vector.broadcast %shift_right_logical3A_246 : i32 to vector<128x64xi32>
    %shift_right_logical3A_248 = arith.shrui %xor3A_245, %shift_right_logical3A_247 : vector<128x64xi32>
    %or3A_249 = arith.constant 1065353216 : i32
    %or3A_250 = vector.broadcast %or3A_249 : i32 to vector<128x64xi32>
    %or3A_251 = arith.ori %shift_right_logical3A_248, %or3A_250 : vector<128x64xi32>
    %bitcast_convert_type3A = tpu.bitcast %or3A_251 : vector<128x64xi32> -> vector<128x64xf32>
    %sub3A = arith.constant 1.000000e+00 : f32
    %sub3A_252 = vector.broadcast %sub3A : f32 to vector<128x64xf32>
    %sub3A_253 = arith.subf %bitcast_convert_type3A, %sub3A_252 : vector<128x64xf32>
    %sub3A_254 = arith.constant 1.000000e+00 : f32
    %sub3A_255 = arith.constant 1.17549435E-38 : f32
    %sub3A_256 = arith.subf %sub3A_254, %sub3A_255 : f32
    %mul3A_257 = vector.broadcast %sub3A_256 : f32 to vector<128x64xf32>
    %mul3A_258 = arith.mulf %sub3A_253, %mul3A_257 : vector<128x64xf32>
    %add3A_259 = arith.constant 1.17549435E-38 : f32
    %add3A_260 = vector.broadcast %add3A_259 : f32 to vector<128x64xf32>
    %add3A_261 = arith.addf %mul3A_258, %add3A_260 : vector<128x64xf32>
    %max3A = arith.constant 1.17549435E-38 : f32
    %max3A_262 = vector.broadcast %max3A : f32 to vector<128x64xf32>
    %max3A_263 = arith.maximumf %max3A_262, %add3A_261 : vector<128x64xf32>
    %log3A = math.log %max3A_263 : vector<128x64xf32>
    %neg3A = arith.constant 0.000000e+00 : f32
    %neg3A_264 = vector.broadcast %neg3A : f32 to vector<128x64xf32>
    %neg3A_265 = arith.subf %neg3A_264, %log3A : vector<128x64xf32>
    %log3A_266 = math.log %neg3A_265 : vector<128x64xf32>
    %neg3A_267 = arith.constant 0.000000e+00 : f32
    %neg3A_268 = vector.broadcast %neg3A_267 : f32 to vector<128x64xf32>
    %neg3A_269 = arith.subf %neg3A_268, %log3A_266 : vector<128x64xf32>
    %max3A_270 = arith.constant 1.000000e-30 : f32
    %max3A_271 = vector.broadcast %max3A_270 : f32 to vector<128x64xf32>
    %max3A_272 = arith.maximumf %get3A_4, %max3A_271 : vector<128x64xf32>
    %log3A_273 = math.log %max3A_272 : vector<128x64xf32>
    %add3A_274 = arith.addf %log3A_273, %neg3A_269 : vector<128x64xf32>
    %neg3A_275 = arith.constant 0.000000e+00 : f32
    %neg3A_276 = arith.constant 0x7F800000 : f32
    %neg3A_277 = arith.subf %neg3A_275, %neg3A_276 : f32
    %broadcast_in_dim3A_278 = vector.broadcast %neg3A_277 : f32 to vector<128x64xf32>
    %select_n3A = arith.select %and3A_13, %add3A_274, %broadcast_in_dim3A_278 : vector<128x64xi1>, vector<128x64xf32>
    %reduce_max3A = arith.constant dense<0xFF800000> : vector<128xf32>
    %reduce_max3A_279 = vector.multi_reduction <maximumf>, %select_n3A, %reduce_max3A [1] : vector<128x64xf32> to vector<128xf32>
    %broadcast_in_dim3A_280 = vector.shape_cast %reduce_max3A_279 : vector<128xf32> to vector<128x1xf32>
    %eq3A = vector.broadcast %broadcast_in_dim3A_280 : vector<128x1xf32> to vector<128x64xf32>
    %eq3A_281 = arith.cmpf oeq, %select_n3A, %eq3A : vector<128x64xf32>
    %jit3A = arith.constant 100001 : i32
    %broadcast_in_dim3A_282 = vector.broadcast %jit3A : i32 to vector<128x64xi32>
    %select_n3A_283 = arith.select %eq3A_281, %get3A_1, %broadcast_in_dim3A_282 : vector<128x64xi1>, vector<128x64xi32>
    %reduce_min3A = arith.constant dense<2147483647> : vector<128xi32>
    %reduce_min3A_284 = vector.multi_reduction <minsi>, %select_n3A_283, %reduce_min3A [1] : vector<128x64xi32> to vector<128xi32>
    %broadcast_in_dim3A_285 = vector.shape_cast %reduce_min3A_284 : vector<128xi32> to vector<128x1xi32>
    %swap3A = arith.constant 0 : index
    %swap3A_286 = arith.constant 0 : index
    %swap3A_287 = vector.load %arg2[%swap3A, %swap3A_286] : memref<128x1xi32, #tpu.memory_space<vmem>>, vector<128x1xi32>
    tpu.vector_store %arg2[%swap3A, %swap3A_286], %broadcast_in_dim3A_285 {strides = array<i32>} : memref<128x1xi32, #tpu.memory_space<vmem>>, vector<128x1xi32>,
    return
  }
}

</mosaic_0001>

<sc_bundles>
// kernel: kernel.6.cloned.1.call-start
scs
__scs_entry_jumppad:
0x0: {  	(pc) =	sbr.rel $0x88, $3  }
0x1: {  	(tag) =	ssettag $0x0;
	lr =	simm.s32 $0x1  }
0x2: {  	[smem:$0x3FA0] =	sst lr;
	_ =	strace $0xD0000000  }
0x3: {  	_ = 	snop  }
0x4: {  	_ = 	snop  }
0x5: {  	_ = 	snop  }
0x6: {  	_ = 	snop  }
0x7: {  	_ = 	snop  }
__scs_overlays_trampoline_lowered:
0x8: {  	[smem:$0x3FAF] =	sst s0  }
0x9: {  	[smem:$0x3FB0] =	sst s1  }
0xa: {  	[smem:$0x3FB1] =	sst s2  }
0xb: {  	[smem:$0x3FB2] =	sst s3  }
0xc: {  	[smem:$0x3FB3] =	sst s4  }
0xd: {  	[smem:$0x3FB4] =	sst s5  }
0xe: {  	[smem:$0x3FB5] =	sst s6  }
0xf: {  	[smem:$0x3FB6] =	sst s7  }
0x10: {  	[smem:$0x3FB7] =	sst s8  }
0x11: {  	[smem:$0x3FB8] =	sst s9;
	s0 =	simm.s32 @!p0 $0x0  }
0x12: {  	s1 =	sld [smem:$0x3F9E];
	s0 =	simm.s32 @p0 $0x1  }
0x13: {  	[smem:$0x3FB9] =	sst s0;
	s0 =	simm.s32 @!p1 $0x0  }
0x14: {  	s2 =	sld [smem:$0x3F9D];
	s0 =	simm.s32 @p1 $0x1  }
0x15: {  	[smem:$0x3FBA] =	sst s0;
	s0 =	simm.s32 @!p2 $0x0  }
0x16: {  	s3 =	sld [smem:$0x3FDB];
	s0 =	simm.s32 @p2 $0x1  }
0x17: {  	s4 =	simm.s32 $0x1BF5;
	[smem:$0x3FBC] =	sst s0  }
0x18: {  	s0 =	sld [smem:$0x3F9F];
	_ =	swait.ge [sflag:s4], $0x0  }
0x19: {  	s7 =	sld [smem:$0x3FA0]  }
0x1a: {  	s8 =	sadd.s32 $0xFFFFE003, lr  }
0x1b: {  	s9 =	sadd.s32 $0xFFFFFEF7, lr;
	s5 =	simm.s32 $0xFFFFFFFF;
	p2 =	slt.u32 s8, $0xFFFFF086  }
0x1c: {  	p1 =	slt.u32 s9, $0xF7A;
	s5 =	simm.s32 @!p2 $0x0  }
0x1d: {  	s5 =	simm.s32 @p1 $0x1;
	p0 =	seq.s32 s7, s2  }
0x1e: {  	s7 =	smul.u32 @!p0 $0xF7A, s2;
	p2 =	seq.s32 @!p0 s5, $0x0  }
0x1f: {  	s9 =	smul.u32 $0xF7A, s1;
	s8 =	simm.s32 @!p0 $0x1BF5;
	p2 =	por !p2, p0  }
0x20: {  	[sflag:s8] =	ssyncset.s32 @!p0 $0xFFFFF086;
	s6 =	sadd.s32 @!p0 s3, s7;
	s7 =	simm.s32 @!p0 $0x108  }
0x21: {  	s3 =	sadd.s32 s3, s9;
	s6 =	sadd.s32 @!p0 $0x88, s6;
	s7 =	simm.s32 @p2 $0x1082  }
0x22: {  	[simem:s7], [sflag:s8] =	dma.local @!p0 [hbm:s6], $0xF7A  }
0x23: {  	s9 =	sor.u32 $0xD0000000, s2;
	s6 =	simm.s32 $0x108;
	_ =	swait.ge @!p0 [sflag:s8], $0x0  }
0x24: {  	s3 =	sadd.s32 $0x88, s3;
	s6 =	simm.s32 @!p1 $0x1082;
	[sflag:s4] =	ssyncset.s32 $0xFFFFF086  }
0x25: {  	[simem:s6], [sflag:s4] =	dma.local [hbm:s3], $0xF7A  }
0x26: {  	[smem:$0x3FA0] =	sst s1;
	(tag) =	ssettag s2;
	_ =	strace s9  }
0x27: {  	s1 =	sld [smem:$0x3FB0]  }
0x28: {  	s2 =	sld [smem:$0x3FB1]  }
0x29: {  	s4 =	sld [smem:$0x3FB3]  }
0x2a: {  	p0 =	seq.s32 s5, $0x0;
	s5 =	sld [smem:$0x3FB4]  }
0x2b: {  	s6 =	sld [smem:$0x3FB5]  }
0x2c: {  	s7 =	sld [smem:$0x3FB6]  }
0x2d: {  	s3 =	simm.s32 $0x108;
	s8 =	sld [smem:$0x3FB7]  }
0x2e: {  	s3 =	simm.s32 @!p0 $0x1082;
	s9 =	sld [smem:$0x3FB8]  }
0x2f: {  	lr =	sadd.s32 s0, s3;
	s0 =	sld [smem:$0x3FAF]  }
0x30: {  	s3 =	sld [smem:$0x3FB2]  }
0x31: {  	[smem:$0x3FBB] =	sst s10  }
0x32: {  	s10 =	sld [smem:$0x3FB9];
	_ =	sdelay $0x3  }
0x33: {  	p0 =	seq.s32 s10, $0x1;
	s10 =	sld [smem:$0x3FBB];
	_ =	sdelay $0x3  }
0x34: {  	[smem:$0x3FBB] =	sst s10  }
0x35: {  	s10 =	sld [smem:$0x3FBA];
	_ =	sdelay $0x3  }
0x36: {  	p1 =	seq.s32 s10, $0x1;
	s10 =	sld [smem:$0x3FBB];
	_ =	sdelay $0x3  }
0x37: {  	[smem:$0x3FBB] =	sst s10  }
0x38: {  	s10 =	sld [smem:$0x3FBC]  }
0x39: {  	_ = 	snop;
	(pc) =	sbr.ind lr, $3  }
0x3a: {  	_ = 	snop  }
0x3b: {  	_ = 	snop  }
0x3c: {  	p2 =	seq.s32 s10, $0x1;
	s10 =	sld [smem:$0x3FBB]  }
0x3d: {  	_ =	shalt  }
0x3e: {  	_ =	shalt  }
0x3f: {  	_ =	shalt  }
0x40: {  	_ =	shalt  }
0x41: {  	_ =	shalt  }
0x42: {  	_ =	shalt  }
0x43: {  	_ =	shalt  }
0x44: {  	_ =	shalt  }
0x45: {  	_ =	shalt  }
0x46: {  	_ =	shalt  }
0x47: {  	_ =	shalt  }
0x48: {  	_ =	shalt  }
0x49: {  	_ =	shalt  }
0x4a: {  	_ =	shalt  }
0x4b: {  	_ =	shalt  }
0x4c: {  	_ =	shalt  }
0x4d: {  	_ =	shalt  }
0x4e: {  	_ =	shalt  }
0x4f: {  	_ =	shalt  }
0x50: {  	_ =	shalt  }
0x51: {  	_ =	shalt  }
0x52: {  	_ =	shalt  }
0x53: {  	_ =	shalt  }
0x54: {  	_ =	shalt  }
0x55: {  	_ =	shalt  }
0x56: {  	_ =	shalt  }
0x57: {  	_ =	shalt  }
0x58: {  	_ =	shalt  }
0x59: {  	_ =	shalt  }
0x5a: {  	_ =	shalt  }
0x5b: {  	_ =	shalt  }
0x5c: {  	_ =	shalt  }
0x5d: {  	_ =	shalt  }
0x5e: {  	_ =	shalt  }
0x5f: {  	_ =	shalt  }
0x60: {  	_ =	shalt  }
0x61: {  	_ =	shalt  }
0x62: {  	_ =	shalt  }
0x63: {  	_ =	shalt  }
0x64: {  	_ =	shalt  }
0x65: {  	_ =	shalt  }
0x66: {  	_ =	shalt  }
0x67: {  	_ =	shalt  }
0x68: {  	_ =	shalt  }
0x69: {  	_ =	shalt  }
0x6a: {  	_ =	shalt  }
0x6b: {  	_ =	shalt  }
0x6c: {  	_ =	shalt  }
0x6d: {  	_ =	shalt  }
0x6e: {  	_ =	shalt  }
0x6f: {  	_ =	shalt  }
0x70: {  	_ =	shalt  }
0x71: {  	_ =	shalt  }
0x72: {  	_ =	shalt  }
0x73: {  	_ =	shalt  }
0x74: {  	_ =	shalt  }
0x75: {  	_ =	shalt  }
0x76: {  	_ =	shalt  }
0x77: {  	_ =	shalt  }
0x78: {  	_ =	shalt  }
0x79: {  	_ =	shalt  }
0x7a: {  	_ =	shalt  }
0x7b: {  	_ =	shalt  }
0x7c: {  	_ =	shalt  }
0x7d: {  	_ =	shalt  }
0x7e: {  	_ =	shalt  }
0x7f: {  	_ =	shalt  }
0x80: {  	_ =	shalt  }
0x81: {  	_ =	shalt  }
0x82: {  	_ =	shalt  }
0x83: {  	_ =	shalt  }
0x84: {  	_ =	shalt  }
0x85: {  	_ =	shalt  }
0x86: {  	_ =	shalt  }
0x87: {  	_ =	shalt  }
.Lfunc_end0:
.L_simem_size_0:
called_computation_lowered:
.L_overlay_start_0:
0x88: {  	s2 =	sld [smem:$0x3FD9]  }
0x89: {  	s3 =	sld [smem:$0x3FFE];
	_ =	sdelay $0x1  }
0x8a: {  	s1 =	srdreg.scid  }
0x8b: {  	s0 =	sand.u32 $0x1, s1  }
0x8c: {  	s14 =	sshll.u32 s0, $0xA;
	s2 =	sadd.s32 s3, s2  }
0x8d: {  	s2 =	sadd.s32 s2, s14  }
0x8e: {  	[smem:$0x3FC7] =	sst s2  }
0x8f: {  	_ = 	snop  }
0x90: {  	s2 =	sld [smem:$0x3FD0];
	_ =	sdelay $0x2  }
0x91: {  	s15 =	simm.s32 $0xA;
	s4 =	simm.s32 $0x10  }
0x92: {  	[smem:s4], [sflag:s15] =	dma.local [hbm:s2], $0x1  }
0x93: {  	_ =	swait.eq [sflag:s15], $0x1  }
0x94: {  	[sflag:s15] =	ssyncset.done $0x0  }
0x95: {  	[sflag:s15] =	ssyncadd.s32 $0xFFFFFFFF  }
0x96: {  	s16 =	sld [smem:$0x10];
	(tm) =	ssettm $0x1  }
0x97: {  	s17 =	sld [smem:$0x3FFB];
	_ =	sdelay $0x3  }
0x98: {  	_ =	strace s17  }
0x99: {  	s3 =	sld [smem:$0x3FFC];
	_ =	sdelay $0x3  }
0x9a: {  	_ =	strace s3  }
0x9b: {  	s3 =	sld [smem:$0x3FFD];
	_ =	sdelay $0x3  }
0x9c: {  	_ =	strace s3  }
0x9d: {  	_ =	strace $0x8FFFFFFF  }
0x9e: {  	s18 =	sld [smem:$0x3FDB];
	_ =	sdelay $0x1  }
0x9f: {  	s19 =	simm.s32 $_scs_section_size  }
0xa0: {  	s5 =	simm.s32 $_size__tile_overlayer_lowered;
	s6 =	simm.s32 $_tile_overlayer_lowered  }
0xa1: {  	s22 =	simm.s32 $0x1BFF;
	s21 =	sshll.u32 s6, $0x1;
	s3 =	sadd.s32 s19, s18  }
0xa2: {  	s7 =	simm.s32 $0x0;
	s20 =	sshll.u32 s5, $0x1;
	s5 =	sadd.s32 s21, s3  }
0xa3: {  	[timem:s7], [sflag:s22] =	dma.local [hbm:s5], s20  }
0xa4: {  	_ =	swait.ge [sflag:s22], s20  }
0xa5: {  	s4 =	ssub.s32 $0x0, s20;
	[sflag:s22] =	ssyncset.done $0x0  }
0xa6: {  	[sflag:s22] =	ssyncadd.s32 s4;
	_ =	sdelay $0x1  }
0xa7: {  	s23 =	simm.s32 $0x1B8B  }
0xa8: {  	_ =	swait.ge [sflag:s23], $0x1  }
0xa9: {  	[sflag:s23] =	ssyncset.done $0x0  }
0xaa: {  	s25 =	simm.s32 $0x1B8E;
	s24 =	sld [smem:$0x3FFE];
	[sflag:s23] =	ssyncadd.s32 $0xFFFFFFFF  }
0xab: {  	s26 =	simm.s32 $execute0_lowered;
	[smem:$0x3FD2] =	sst s25  }
0xac: {  	s5 =	sshll.u32 s26, $0x1;
	_ =	strace $0x80000046;
	[dreg:$0x1] =	wrdreg $0xFFFFFFFF  }
0xad: {  	s28 =	simm.s32 $_size_execute0_lowered;
	s3 =	sadd.s32 s3, s5;
	[dreg:$0x0] =	wrdreg $0x0  }
0xae: {  	s5 =	sshll.u32 s28, $0x1;
	[dreg:$0x2] =	wrdreg s3  }
0xaf: {  	[dreg:$0x3] =	wrdreg s5  }
0xb0: {  	[dreg:$0x4] =	wrdreg $0xC0  }
0xb1: {  	_ =	task [dreg:s7], $0x5FFFF  }
0xb2: {  	[dreg:$0x1] =	wrdreg $0xFFFFFFFF  }
0xb3: {  	[dreg:$0x0] =	wrdreg $0x60  }
0xb4: {  	[dreg:$0x2] =	wrdreg s24  }
0xb5: {  	[dreg:$0x3] =	wrdreg s16  }
0xb6: {  	[dreg:$0x4] =	wrdreg $0x9  }
0xb7: {  	_ =	task.clear_ibuf [dreg:s7], $0x5FFFF;
	_ =	strace $0x90000046  }
0xb8: {  	s29 =	simm.s32 $0x9;
	_ =	strace $0x80000048  }
0xb9: {  	_ =	swait.ge [sflag:s29], $0x1  }
0xba: {  	[sflag:s29] =	ssyncadd.s32 $0xFFFFFFFF  }
0xbb: {  	_ =	strace $0x90000048  }
0xbc: {  	_ =	sfence  }
0xbd: {  	s30 =	sld [smem:$0x0];
	_ =	sdelay $0x2  }
0xbe: {  	s31 =	sshll.u32 s1, $0xD;
	s1 =	sshrl.u32 s1, $0x2  }
0xbf: {  	s3 =	sand.u32 $0x4000, s31;
	s1 =	sadd.s32 s1, s30  }
0xc0: {  	s0 =	sor.u32 s3, s0;
	s1 =	sshll.u32 s1, $0x11  }
0xc1: {  	s0 =	sor.u32 s1, s0  }
0xc2: {  	s0 =	sadd.s32 $0x8F2B, s0  }
0xc3: {  	[sflag:s0] =	ssyncadd.remote.s32 $0x1  }
0xc4: {  	_ =	sfence.sel $0xFFFF  }
0xc5: {  	[dreg:$0x0] =	wrdreg $0xFFFFFFFF;
	(pc) =	sbr.abs _section_cstart, $3  }
0xc6: {  	[dreg:$0x1] =	wrdreg $0xFFFFFFFF  }
0xc7: {  	_ =	task.clear_ibuf [dreg:s7], $0x2FFFF;
	_ =	strace $0x9FFFFFFF  }
0xc8: {  	(tm) =	ssettm $0x7FFFFFFF  }
0xc9: {  	_ =	shalt  }
tec
execute0_lowered:
.L_overlay_start_1:
0x0: {  	(tag) =	ssettag $0x1  }
0x1: {  	s2 =	simm.s32 $0x0;
	v0 =	vlaneseq.u32  }
0x2: {  	[smem:$0x7FF] =	sst s2;
	v9 =	vor.u32 $0x80000170, v0  }
0x3: {  	s0 =	rddreg [dreg:$0x0];
	v30 =	vor.u32 $0x10, v0;
	_ =	strace $0x80000047;
	[tilespmem:$0x1FD90] =	vst v9  }
0x4: {  	v2 =	vor.u32 $0x800001F0, v0;
	[tilespmem:$0x1FDB0] =	vst v30  }
0x5: {  	v3 =	vor.u32 $0x800001E0, v0;
	[tilespmem:$0x1FEA0] =	vst v2  }
0x6: {  	v4 =	vor.u32 $0x800001D0, v0;
	[tilespmem:$0x1FEB0] =	vst v3  }
0x7: {  	v5 =	vor.u32 $0x800001C0, v0;
	[tilespmem:$0x1FEC0] =	vst v4  }
0x8: {  	v33 =	vor.u32 $0x80000180, v0;
	[tilespmem:$0x1FED0] =	vst v5  }
0x9: {  	v12 =	vor.u32 $0x80000150, v0;
	[tilespmem:$0x1FEE0] =	vst v33  }
0xa: {  	v13 =	vor.u32 $0x80000140, v0;
	[tilespmem:$0x1FEF0] =	vst v12  }
0xb: {  	v14 =	vor.u32 $0x80000130, v0;
	[tilespmem:$0x1FF00] =	vst v13  }
0xc: {  	v15 =	vor.u32 $0x80000120, v0;
	[tilespmem:$0x1FF10] =	vst v14  }
0xd: {  	v32 =	vor.u32 $0x80000110, v0;
	[tilespmem:$0x1FF20] =	vst v15  }
0xe: {  	v17 =	vor.u32 $0x80000100, v0;
	[tilespmem:$0x1FF30] =	vst v32  }
0xf: {  	v18 =	vor.u32 $0x800000F0, v0;
	[tilespmem:$0x1FF40] =	vst v17  }
0x10: {  	v19 =	vor.u32 $0x800000E0, v0;
	[tilespmem:$0x1FF50] =	vst v18  }
0x11: {  	v28 =	vor.u32 $0x80000050, v0;
	[tilespmem:$0x1FF60] =	vst v19  }
0x12: {  	v6 =	vor.u32 $0x800001B0, v0;
	[tilespmem:$0x1FF70] =	vst v28  }
0x13: {  	v21 =	vor.u32 $0x80000040, v0;
	[tilespmem:$0x1FF80] =	vst v6  }
0x14: {  	v7 =	vor.u32 $0x800001A0, v0;
	[tilespmem:$0x1FF90] =	vst v21  }
0x15: {  	v20 =	vor.u32 $0x80000030, v0;
	[tilespmem:$0x1FFA0] =	vst v7  }
0x16: {  	v8 =	vor.u32 $0x80000190, v0;
	[tilespmem:$0x1FFB0] =	vst v20  }
0x17: {  	v16 =	vor.u32 $0x80000010, v0;
	[tilespmem:$0x1FFC0] =	vst v8  }
0x18: {  	v23 =	vor.u32 $0x80000000, v0;
	[tilespmem:$0x1FFE0] =	vst v16  }
0x19: {  	v9 =	vor.u32 $0x80000160, v0;
	[tilespmem:$0x1FFF0] =	vst v23  }
0x1a: {  	v30 =	vor.u32 $0x20, v0;
	[tilespmem:$0x1FDA0] =	vst v9  }
0x1b: {  	[tilespmem:$0x1FDC0] =	vst v30;
	v30 =	vor.u32 $0x30, v0  }
0x1c: {  	v9 =	vor.u32 $0x80000020, v0;
	[tilespmem:$0x1FDD0] =	vst v30  }
0x1d: {  	v30 =	vor.u32 $0x40, v0;
	[tilespmem:$0x1FFD0] =	vst v9  }
0x1e: {  	[tilespmem:$0x1FDE0] =	vst v30;
	v30 =	vor.u32 $0x50, v0  }
0x1f: {  	[tilespmem:$0x1FDF0] =	vst v30;
	v30 =	vor.u32 $0x60, v0  }
0x20: {  	s1 =	srdreg.scid;
	[tilespmem:$0x1FE00] =	vst v30;
	v30 =	vor.u32 $0x70, v0  }
0x21: {  	s9 =	stileid.u32;
	s16 =	simm.s32 $0x400;
	s21 =	simm.s32 $0x200;
	[tilespmem:$0x1FE10] =	vst v30;
	v30 =	vor.u32 $0x80, v0  }
0x22: {  	s22 =	simm.s32 $0x4280;
	s23 =	simm.s32 $0x4380;
	s3 =	sadd.s32 $0x188200, s0;
	[tilespmem:$0x1FE20] =	vst v30;
	v30 =	vor.u32 $0x90, v0  }
0x23: {  	s24 =	simm.s32 $0x4600;
	s4 =	sadd.s32 $0x1200, s0;
	s5 =	sadd.s32 $0x388200, s0;
	[tilespmem:$0x1FE30] =	vst v30;
	v30 =	vor.u32 $0xA0, v0  }
0x24: {  	s15 =	simm.s32 $0x80;
	s17 =	simm.s32 $0x2;
	s1 =	sand.u32 $0x1, s1;
	v36 =	vor.u32 $0x800000D0, v0;
	v34 =	vor.u32 $0x800000C0, v0;
	[tilespmem:$0x1FE40] =	vst v30;
	v30 =	vor.u32 $0xB0, v0  }
0x25: {  	s20 =	simm.s32 $0x1;
	s29 =	simm.s32 $0x0;
	v22 =	vor.u32 $0x800000B0, v0;
	v29 =	vor.u32 $0x800000A0, v0;
	s31 =	ssub.s32 $0x2, s1;
	[tilespmem:$0x1FE50] =	vst v30;
	v30 =	vor.u32 $0xC0, v0  }
0x26: {  	s6 =	sadd.s32 $0x1A00, s0;
	v24 =	vor.u32 $0x80000090, v0;
	s8 =	sshll.u32 s1, $0x9;
	s1 =	sshrl.u32 s31, $0x1;
	[tilespmem:$0x1FE60] =	vst v30;
	v30 =	vor.u32 $0xD0, v0  }
0x27: {  	s7 =	sadd.s32 $0x2200, s0;
	v25 =	vor.u32 $0x80000080, v0;
	s10 =	sshll.u32 s9, $0xC;
	s0 =	ssub.s32 s31, s1;
	[tilespmem:$0x1FE70] =	vst v30;
	v30 =	vor.u32 $0xE0, v0  }
0x28: {  	v26 =	vor.u32 $0x80000070, v0;
	s11 =	sshll.u32 s9, $0xA;
	s12 =	sshll.u32 s9, $0x14;
	s0 =	smax.u32 s0, $0x1;
	[tilespmem:$0x1FE80] =	vst v30;
	v30 =	vor.u32 $0xF0, v0  }
0x29: {  	v1 =	vimm.f32 $0.0e+00;
	v27 =	vor.u32 $0x80000060, v0;
	s13 =	smul.u32 $0xC3800, s9;
	s1 =	simm.s32 $0x0;
	[dreg:$0x3] =	wrdreg s0;
	[tilespmem:$0x1FE90] =	vst v30  }
.LBB2_1:
0x2a: {  	[dreg:$0x4] =	wrdreg s1;
	s0 =	simm.s32 $0x0;
	s1 =	simm.s32 $0x200  }
.LBB2_2:
0x2b: {  	p0 =	sne.s32 s1, $0x61800;
	[tilespmem:s0+$0x4670] =	vst v1  }
0x2c: {  	[tilespmem:s0+$0x4600] =	vst v1  }
0x2d: {  	[tilespmem:s0+$0x4610] =	vst v1  }
.Ltmp0:
0x2e: {  	[tilespmem:s0+$0x4620] =	vst v1;
	(pc) =	sbr.rel @p0 .LBB2_2-.Ltmp0, $4  }
0x2f: {  	[tilespmem:s0+$0x4630] =	vst v1  }
0x30: {  	[tilespmem:s0+$0x4640] =	vst v1  }
0x31: {  	[tilespmem:s0+$0x4650] =	vst v1  }
0x32: {  	[tilespmem:s0+$0x4660] =	vst v1;
	s0 =	sshra.s32 s1, $0x2;
	s1 =	sadd.s32 $0x200, s1  }
0x33: {  	[tilespmem:s0+$0x4670] =	vst v1  }
0x34: {  	[tilespmem:s0+$0x4600] =	vst v1  }
0x35: {  	[tilespmem:s0+$0x4610] =	vst v1  }
0x36: {  	[tilespmem:s0+$0x4620] =	vst v1  }
0x37: {  	[tilespmem:s0+$0x4630] =	vst v1  }
0x38: {  	[tilespmem:s0+$0x4640] =	vst v1  }
0x39: {  	[tilespmem:s0+$0x4650] =	vst v1  }
0x3a: {  	[tilespmem:s0+$0x4660] =	vst v1  }
0x3b: {  	[tilespmem:$0x1CC80] =	vst v1  }
0x3c: {  	s30 =	simm.s32 $0x0;
	[tilespmem:$0x1CC90] =	vst v1  }
.LBB2_4:
0x3d: {  	s0 =	sshll.u32 s30, $0x7  }
0x3e: {  	s0 =	sadd.s32 s8, s0  }
0x3f: {  	s1 =	sadd.s32 s10, s0  }
0x40: {  	s9 =	rddreg [dreg:$0x1];
	s1 =	sshrl.u32 s1, $0x3  }
0x41: {  	s1 =	sadd.s32 s9, s1  }
0x42: {  	[tilespmem:s29], [sflag:$0x2] =	stream.strided.gather [hbm4b:s1+s15], $0x200, s16, s15, $0x38;
	[tilespmem:$0x1CE00] =	vst v63  }
0x43: {  	s9 =	sadd.s32 s11, s0;
	_ =	swait.ge [sflag:s17], $0x200  }
0x44: {  	s31 =	sshrl.u32 s9, $0x3;
	[sflag:s17] =	ssyncset.done $0x0  }
0x45: {  	s14 =	simm.s32 $0x4580;
	s1 =	sadd.s32 s4, s31;
	[sflag:s17] =	ssyncadd.s32 $0xFFFFFE00  }
0x46: {  	[tilespmem:s14], [sflag:$0x2] =	stream.linear.gather [hbm4b:s1+s29], $0x80, $0x38;
	[tilespmem:$0x1CE00] =	vst v63  }
0x47: {  	s18 =	sor.u32 s12, s0;
	_ =	swait.ge [sflag:s17], $0x80  }
0x48: {  	s1 =	sshrl.u32 s18, $0x3;
	[sflag:s17] =	ssyncset.done $0x0  }
0x49: {  	s19 =	simm.s32 $0x4480;
	s1 =	sadd.s32 s3, s1;
	[sflag:s17] =	ssyncadd.s32 $0xFFFFFF80  }
0x4a: {  	[tilespmem:s19], [sflag:$0x2] =	stream.strided.gather [hbm4b:s1+s15], $0x100, s16, s15, $0x38;
	[tilespmem:$0x1CE00] =	vst v63  }
0x4b: {  	_ =	swait.ge [sflag:s17], $0x100  }
0x4c: {  	[sflag:s17] =	ssyncset.done $0x0  }
0x4d: {  	[sflag:s17] =	ssyncadd.s32 $0xFFFFFF00  }
0x4e: {  	v30 =	vld [tilespmem:$0x0]  }
0x4f: {  	v31 =	vld [tilespmem:$0x10]  }
0x50: {  	v10 =	vld [tilespmem:$0x20]  }
0x51: {  	v11 =	vld [tilespmem:$0x30]  }
0x52: {  	v40 =	vld [tilespmem:$0x40]  }
0x53: {  	v41 =	vld [tilespmem:$0x50]  }
0x54: {  	v43 =	vld [tilespmem:$0x60];
	v42 =	vmin.f32 v30, v31  }
0x55: {  	v44 =	vld [tilespmem:$0x70];
	v42 =	vmin.f32 v42, v10  }
0x56: {  	v45 =	vld [tilespmem:$0x80];
	v42 =	vmin.f32 v42, v11  }
0x57: {  	v39 =	vld [tilespmem:$0x90];
	v42 =	vmin.f32 v42, v40  }
0x58: {  	v47 =	vld [tilespmem:$0xA0];
	v42 =	vmin.f32 v42, v41  }
0x59: {  	v48 =	vld [tilespmem:$0xB0];
	v42 =	vmin.f32 v42, v43  }
0x5a: {  	v49 =	vld [tilespmem:$0xC0];
	v42 =	vmin.f32 v42, v44  }
0x5b: {  	v50 =	vld [tilespmem:$0xD0];
	v42 =	vmin.f32 v42, v45  }
0x5c: {  	v51 =	vld [tilespmem:$0xE0];
	v42 =	vmin.f32 v42, v39  }
0x5d: {  	v52 =	vld [tilespmem:$0xF0];
	v42 =	vmin.f32 v42, v47  }
0x5e: {  	v53 =	vld [tilespmem:$0x100];
	v42 =	vmin.f32 v42, v48  }
0x5f: {  	v54 =	vld [tilespmem:$0x110];
	v42 =	vmin.f32 v42, v49  }
0x60: {  	v55 =	vld [tilespmem:$0x120];
	v42 =	vmin.f32 v42, v50  }
0x61: {  	v56 =	vld [tilespmem:$0x130];
	v42 =	vmin.f32 v42, v51  }
0x62: {  	v57 =	vld [tilespmem:$0x140];
	v42 =	vmin.f32 v42, v52  }
0x63: {  	v58 =	vld [tilespmem:$0x150];
	v42 =	vmin.f32 v42, v53  }
0x64: {  	v59 =	vld [tilespmem:$0x160];
	v42 =	vmin.f32 v42, v54  }
0x65: {  	v60 =	vld [tilespmem:$0x170];
	v42 =	vmin.f32 v42, v55  }
0x66: {  	v61 =	vld [tilespmem:$0x180];
	v42 =	vmin.f32 v42, v56  }
0x67: {  	v62 =	vld [tilespmem:$0x190];
	v42 =	vmin.f32 v42, v57  }
0x68: {  	v63 =	vld [tilespmem:$0x1A0];
	v42 =	vmin.f32 v42, v58  }
0x69: {  	v38 =	vld [tilespmem:$0x1B0];
	v42 =	vmin.f32 v42, v59  }
0x6a: {  	v37 =	vld [tilespmem:$0x1C0];
	v42 =	vmin.f32 v42, v60  }
0x6b: {  	v35 =	vld [tilespmem:$0x1D0];
	v42 =	vmin.f32 v42, v61  }
0x6c: {  	v1 =	vld [tilespmem:$0x1E0];
	v42 =	vmin.f32 v42, v62  }
0x6d: {  	v46 =	vld [tilespmem:$0x1F0];
	v42 =	vmin.f32 v42, v63  }
0x6e: {  	v42 =	vmin.f32 v42, v38  }
0x6f: {  	v42 =	vmin.f32 v42, v37  }
0x70: {  	v42 =	vmin.f32 v42, v35  }
0x71: {  	v42 =	vmin.f32 v42, v1  }
0x72: {  	v42 =	vmin.f32 v42, v46  }
0x73: {  	(xrf0) =	vmin.scan.msk.f32 $0xffff, v42;
	_ =	sdelay $0x5  }
0x74: {  	v42, _, _ =	vpop (xrf0)  }
0x75: {  	v42 =	vbroadcast v42, $0xF;
	_ =	sdelay $0x1  }
0x76: {  	vm0 =	veq.f32 v46, v42  }
0x77: {  	vm1 =	veq.f32 v1, v42;
	v1 =	vnsel vm0, $0xC0000000, v2  }
0x78: {  	vm7 =	veq.f32 v35, v42;
	v1 =	vsel vm1, v3, v1  }
0x79: {  	vm8 =	veq.f32 v37, v42;
	v1 =	vsel vm7, v4, v1  }
0x7a: {  	vm9 =	veq.f32 v38, v42;
	v2 =	vld [tilespmem:$0x1FD90];
	v1 =	vsel vm8, v5, v1  }
0x7b: {  	vm10 =	veq.f32 v63, v42;
	vm12 =	veq.f32 v61, v42;
	v61 =	vld [tilespmem:$0x1FDA0];
	v1 =	vsel vm9, v6, v1  }
0x7c: {  	vm11 =	veq.f32 v62, v42;
	v1 =	vsel vm10, v7, v1  }
0x7d: {  	v1 =	vsel vm11, v8, v1  }
0x7e: {  	vm13 =	veq.f32 v60, v42;
	v1 =	vsel vm12, v33, v1  }
0x7f: {  	vm14 =	veq.f32 v59, v42;
	v1 =	vsel vm13, v2, v1  }
0x80: {  	vm15 =	veq.f32 v58, v42;
	v1 =	vsel vm14, v61, v1  }
0x81: {  	vm4 =	veq.f32 v57, v42;
	v1 =	vsel vm15, v12, v1  }
0x82: {  	vm5 =	veq.f32 v56, v42;
	v1 =	vsel vm4, v13, v1  }
0x83: {  	vm6 =	veq.f32 v55, v42;
	v1 =	vsel vm5, v14, v1  }
0x84: {  	vm7 =	veq.f32 v54, v42;
	v1 =	vsel vm6, v15, v1  }
0x85: {  	vm8 =	veq.f32 v53, v42;
	v1 =	vsel vm7, v32, v1  }
0x86: {  	vm9 =	veq.f32 v52, v42;
	v1 =	vsel vm8, v17, v1  }
0x87: {  	vm10 =	veq.f32 v51, v42;
	v1 =	vsel vm9, v18, v1  }
0x88: {  	vm11 =	veq.f32 v50, v42;
	v1 =	vsel vm10, v19, v1  }
0x89: {  	vm12 =	veq.f32 v49, v42;
	v1 =	vsel vm11, v36, v1  }
0x8a: {  	vm13 =	veq.f32 v48, v42;
	v1 =	vsel vm12, v34, v1  }
0x8b: {  	vm14 =	veq.f32 v47, v42;
	v1 =	vsel vm13, v22, v1  }
0x8c: {  	vm15 =	veq.f32 v39, v42;
	v1 =	vsel vm14, v29, v1  }
0x8d: {  	vm4 =	veq.f32 v45, v42;
	v1 =	vsel vm15, v24, v1  }
0x8e: {  	vm5 =	veq.f32 v44, v42;
	v1 =	vsel vm4, v25, v1  }
0x8f: {  	vm6 =	veq.f32 v43, v42;
	v1 =	vsel vm5, v26, v1  }
0x90: {  	vm7 =	veq.f32 v41, v42;
	v1 =	vsel vm6, v27, v1  }
0x91: {  	vm8 =	veq.f32 v40, v42;
	v1 =	vsel vm7, v28, v1  }
0x92: {  	vm9 =	veq.f32 v11, v42;
	v1 =	vsel vm8, v21, v1  }
0x93: {  	vm10 =	veq.f32 v10, v42;
	v1 =	vsel vm9, v20, v1  }
0x94: {  	vm11 =	veq.f32 v31, v42;
	v1 =	vsel vm10, v9, v1  }
0x95: {  	vm12 =	veq.f32 v30, v42;
	v1 =	vsel vm11, v16, v1  }
0x96: {  	v1 =	vsel vm12, v23, v1  }
0x97: {  	(xrf0) =	vmin.scan.msk.u32 $0xffff, v1;
	_ =	sdelay $0x5  }
0x98: {  	v1, _, _ =	vpop (xrf0)  }
0x99: {  	(v2sf) =	vpush v1, $0xF;
	_ =	sdelay $0xe  }
0x9a: {  	s25 =	sand.u32 $0x380, s29;
	s1 =	spop (v2sf)  }
0x9b: {  	s9 =	sadd.s32 s0, s12;
	s14 =	simm.s32 $0x0;
	s28 =	sshll.u32 s1, $0xB  }
0x9c: {  	p0 =	por $0x0, $0x0;
	s19 =	sand.u32 $0x3800, s29;
	v62 =	vmov s14;
	v63 =	vimm.f32 $+Inf;
	s28 =	sadd.s32 s9, s28  }
0x9d: {  	s18 =	sand.u32 $0xF, s29;
	s25 =	sor.u32 s25, s19;
	vm2 =	veq.s32 v62, $0x1;
	vm3 =	veq.s32 v62, $0x2;
	v52 =	vpsel p0, v42, v63;
	s26 =	sshrl.u32 s28, $0x3  }
0x9e: {  	s19 =	sadd.s32 $0x280, s25;
	v33 =	vmovc v27;
	v32 =	vmovc v26;
	v11 =	vmov v61;
	vm13 =	veq.s32 v62, $0x0;
	v1 =	vmov s18;
	s18 =	sadd.s32 s3, s26  }
0x9f: {  	v10 =	vmovc v3;
	v31 =	vmovc v25;
	vm15 =	veq.s32 v62, $0x3;
	vm14 =	veq.s32 v1, v0;
	v1 =	vimm.s32 $0x40000000;
	[tilespmem:s19], [sflag:$0x1] =	stream.linear.gather [hbm4b:s18+s2], $0x80, $0x38;
	[tilespmem:$0x1CE00] =	vst v63  }
0xa0: {  	s14 =	sadd.s32 $0x680, s25;
	v30 =	vmovc v24;
	v24 =	vmovc v2;
	vm0 =	vmand vm14, vm13;
	vm2 =	vmand vm14, vm2;
	vm3 =	vmand vm14, vm3;
	s1 =	sxor.u32 $0x80000000, s1;
	s18 =	sadd.s32 $0x80, s18  }
0xa1: {  	v25 =	vmovc v4;
	v26 =	vmovc v36;
	v35 =	vsel vm0, s1, v1;
	vm0 =	vmand vm14, vm15;
	v37 =	vmov s1;
	[tilespmem:s14], [sflag:$0x1] =	stream.linear.gather [hbm4b:s18+s2], $0x80, $0x38;
	[tilespmem:$0x1CE00] =	vst v63  }
0xa2: {  	v27 =	vmovc v34;
	v0 =	vmovc v5;
	v54 =	vsel vm2, s1, v1;
	v53 =	vsel vm3, s1, v1;
	v55 =	vsel vm0, s1, v1;
	s28 =	simm.s32 $0x0;
	s1 =	simm.s32 $0x0;
	s14 =	simm.s32 $0x1  }
.LBB2_5:
0xa3: {  	_ =	sdelay $0x1  }
0xa4: {  	v1 =	vimm.f32 $+Inf  }
0xa5: {  	[tilespmem:v37+s2+$0x0] =	vst.idx.msk $0x1, v1  }
0xa6: {  	v37 =	vld [tilespmem:$0x0]  }
0xa7: {  	v38 =	vld [tilespmem:$0x10]  }
0xa8: {  	v39 =	vld [tilespmem:$0x20]  }
0xa9: {  	v40 =	vld [tilespmem:$0x30]  }
0xaa: {  	v41 =	vld [tilespmem:$0x40]  }
0xab: {  	v42 =	vld [tilespmem:$0x50]  }
0xac: {  	v43 =	vld [tilespmem:$0x60];
	v1 =	vmin.f32 v37, v38  }
0xad: {  	v45 =	vld [tilespmem:$0x70];
	v1 =	vmin.f32 v1, v39  }
0xae: {  	v46 =	vld [tilespmem:$0x80];
	v1 =	vmin.f32 v1, v40  }
0xaf: {  	v47 =	vld [tilespmem:$0x90];
	v1 =	vmin.f32 v1, v41  }
0xb0: {  	v48 =	vld [tilespmem:$0xA0];
	v1 =	vmin.f32 v1, v42  }
0xb1: {  	v49 =	vld [tilespmem:$0xB0];
	v1 =	vmin.f32 v1, v43  }
0xb2: {  	v50 =	vld [tilespmem:$0xC0];
	v1 =	vmin.f32 v1, v45  }
0xb3: {  	v51 =	vld [tilespmem:$0xD0];
	v1 =	vmin.f32 v1, v46  }
0xb4: {  	v56 =	vld [tilespmem:$0xE0];
	v1 =	vmin.f32 v1, v47  }
0xb5: {  	v57 =	vld [tilespmem:$0xF0];
	v1 =	vmin.f32 v1, v48  }
0xb6: {  	v44 =	vld [tilespmem:$0x100];
	v1 =	vmin.f32 v1, v49  }
0xb7: {  	v58 =	vld [tilespmem:$0x110];
	v1 =	vmin.f32 v1, v50  }
0xb8: {  	v59 =	vld [tilespmem:$0x120];
	v1 =	vmin.f32 v1, v51  }
0xb9: {  	v60 =	vld [tilespmem:$0x130];
	v1 =	vmin.f32 v1, v56  }
0xba: {  	v61 =	vld [tilespmem:$0x140];
	v1 =	vmin.f32 v1, v57  }
0xbb: {  	v62 =	vld [tilespmem:$0x150];
	v1 =	vmin.f32 v1, v44  }
0xbc: {  	v63 =	vld [tilespmem:$0x160];
	v1 =	vmin.f32 v1, v58  }
0xbd: {  	v34 =	vld [tilespmem:$0x170];
	v1 =	vmin.f32 v1, v59  }
0xbe: {  	v36 =	vld [tilespmem:$0x180];
	v1 =	vmin.f32 v1, v60  }
0xbf: {  	v2 =	vld [tilespmem:$0x190];
	v1 =	vmin.f32 v1, v61  }
0xc0: {  	v3 =	vld [tilespmem:$0x1A0];
	v1 =	vmin.f32 v1, v62  }
0xc1: {  	v4 =	vld [tilespmem:$0x1B0];
	v1 =	vmin.f32 v1, v63  }
0xc2: {  	v5 =	vld [tilespmem:$0x1C0];
	v1 =	vmin.f32 v1, v34  }
0xc3: {  	v6 =	vld [tilespmem:$0x1D0];
	v1 =	vmin.f32 v1, v36  }
0xc4: {  	v7 =	vld [tilespmem:$0x1E0];
	v1 =	vmin.f32 v1, v2  }
0xc5: {  	v8 =	vld [tilespmem:$0x1F0];
	v1 =	vmin.f32 v1, v3  }
0xc6: {  	v1 =	vmin.f32 v1, v4  }
0xc7: {  	v1 =	vmin.f32 v1, v5  }
0xc8: {  	v1 =	vmin.f32 v1, v6  }
0xc9: {  	v1 =	vmin.f32 v1, v7  }
0xca: {  	v1 =	vmin.f32 v1, v8  }
0xcb: {  	(xrf0) =	vmin.scan.msk.f32 $0xffff, v1;
	_ =	sdelay $0x5  }
0xcc: {  	v1, _, _ =	vpop (xrf0)  }
0xcd: {  	v1 =	vbroadcast v1, $0xF;
	_ =	sdelay $0x1  }
0xce: {  	vm0 =	veq.f32 v56, v1;
	v56 =	vimm.s32 $0x0  }
0xcf: {  	v56 =	vsel vm0, $0xFFFFFFFF, v56  }
0xd0: {  	[tilespmem:$0x1FD70] =	vst v56;
	v56 =	vld [tilespmem:$0x1FEA0];
	_ =	sdelay $0x3  }
0xd1: {  	vm3 =	veq.f32 v8, v1  }
0xd2: {  	vm2 =	veq.f32 v57, v1;
	vm4 =	veq.f32 v7, v1;
	v7 =	vnsel vm3, $0xC0000000, v56;
	v56 =	vld [tilespmem:$0x1FF80]  }
0xd3: {  	vm9 =	veq.f32 v51, v1;
	v57 =	vimm.s32 $0x0;
	vm3 =	veq.f32 v50, v1;
	v50 =	vld [tilespmem:$0x1FFA0]  }
0xd4: {  	vm5 =	veq.f32 v6, v1;
	v51 =	vsel vm9, $0xFFFFFFFF, v57;
	v57 =	vsel vm4, v10, v7  }
0xd5: {  	vm6 =	veq.f32 v5, v1;
	[tilespmem:$0x1FD80] =	vst v51;
	v51 =	vsel vm5, v25, v57  }
0xd6: {  	vm7 =	veq.f32 v4, v1;
	v57 =	vsel vm6, v0, v51  }
0xd7: {  	v8 =	vld [tilespmem:$0x1FFC0];
	vm8 =	veq.f32 v3, v1;
	v3 =	vsel vm7, v56, v57  }
0xd8: {  	vm9 =	veq.f32 v2, v1;
	v2 =	vsel vm8, v50, v3;
	v3 =	vld [tilespmem:$0x1FEE0];
	_ =	sdelay $0x2  }
0xd9: {  	vm10 =	veq.f32 v36, v1;
	vm11 =	veq.f32 v34, v1  }
0xda: {  	s18 =	smov.u32 s14;
	vm12 =	veq.f32 v63, v1;
	vm13 =	veq.f32 v62, v1;
	v2 =	vsel vm9, v8, v2  }
0xdb: {  	p1 =	seq.s32 s18, $0x31;
	vm14 =	veq.f32 v61, v1;
	vm15 =	veq.f32 v60, v1;
	v2 =	vsel vm10, v3, v2  }
0xdc: {  	vm1 =	veq.f32 v58, v1;
	v52 =	vpsel p1, v1, v52;
	v2 =	vsel vm11, v24, v2  }
0xdd: {  	vm0 =	veq.f32 v59, v1;
	vm4 =	veq.f32 v49, v1;
	v3 =	vld [tilespmem:$0x1FF30];
	v2 =	vsel vm12, v11, v2  }
0xde: {  	vm5 =	veq.f32 v48, v1;
	vm6 =	veq.f32 v47, v1;
	v2 =	vsel vm13, v12, v2  }
0xdf: {  	vm7 =	veq.f32 v46, v1;
	vm8 =	veq.f32 v45, v1;
	v2 =	vsel vm14, v13, v2  }
0xe0: {  	vm9 =	veq.f32 v43, v1;
	vm10 =	veq.f32 v42, v1;
	v2 =	vsel vm15, v14, v2  }
0xe1: {  	vm11 =	veq.f32 v41, v1;
	vm12 =	veq.f32 v40, v1;
	v2 =	vsel vm0, v15, v2  }
0xe2: {  	vm13 =	veq.f32 v39, v1;
	vm0 =	veq.f32 v44, v1;
	v2 =	vsel vm1, v3, v2  }
0xe3: {  	vm14 =	veq.f32 v38, v1;
	vm15 =	veq.f32 v37, v1;
	v1 =	vsel vm0, v17, v2;
	v2 =	vld [tilespmem:$0x1FD70];
	_ =	sdelay $0x4  }
0xe4: {  	vm0 =	vnez.u8 v2;
	v2 =	vld [tilespmem:$0x1FD80];
	_ =	sdelay $0x3  }
0xe5: {  	v1 =	vsel vm2, v18, v1  }
0xe6: {  	v1 =	vsel vm0, v19, v1;
	vm0 =	vnez.u8 v2  }
0xe7: {  	v1 =	vsel vm0, v26, v1  }
0xe8: {  	v1 =	vsel vm3, v27, v1  }
0xe9: {  	v1 =	vsel vm4, v22, v1  }
0xea: {  	v1 =	vsel vm5, v29, v1  }
0xeb: {  	v1 =	vsel vm6, v30, v1  }
0xec: {  	v1 =	vsel vm7, v31, v1  }
0xed: {  	v1 =	vsel vm8, v32, v1  }
0xee: {  	v1 =	vsel vm9, v33, v1  }
0xef: {  	v1 =	vsel vm10, v28, v1  }
0xf0: {  	v1 =	vsel vm11, v21, v1  }
0xf1: {  	v1 =	vsel vm12, v20, v1  }
0xf2: {  	v1 =	vsel vm13, v9, v1  }
0xf3: {  	v1 =	vsel vm14, v16, v1  }
0xf4: {  	v1 =	vsel vm15, v23, v1  }
0xf5: {  	(xrf0) =	vmin.scan.msk.u32 $0xffff, v1;
	_ =	sdelay $0x5  }
0xf6: {  	v1, _, _ =	vpop (xrf0)  }
0xf7: {  	(v2sf) =	vpush v1, $0xF;
	_ =	sdelay $0xd  }
0xf8: {  	p0 =	sne.s32 s14, $0x3F;
	s28 =	sadd.s32 $0x80, s28  }
0xf9: {  	s1 =	sadd.s32 $0x100, s1;
	s19 =	sshrl.u32 s18, $0x4;
	s26 =	spop (v2sf)  }
0xfa: {  	s18 =	sand.u32 $0xF, s18;
	s25 =	sand.u32 $0x3800, s1;
	v2 =	vmov s19;
	s19 =	sshll.u32 s26, $0xB  }
0xfb: {  	v1 =	vmov s18;
	s18 =	sxor.u32 $0x80000000, s26;
	s26 =	sand.u32 $0x380, s28;
	s19 =	sadd.s32 s9, s19  }
.Ltmp1:
0xfc: {  	v3 =	vlaneseq.u32;
	vm10 =	veq.s32 v2, $0x0;
	vm11 =	veq.s32 v2, $0x1;
	s25 =	sor.u32 s26, s25;
	s19 =	sshrl.u32 s19, $0x3;
	(pc) =	sbr.rel @p0 .LBB2_5-.Ltmp1, $4  }
0xfd: {  	vm12 =	veq.s32 v2, $0x2;
	vm14 =	veq.s32 v2, $0x3;
	vm13 =	veq.s32 v1, v3;
	s26 =	sadd.s32 $0x280, s25;
	s19 =	sadd.s32 s3, s19  }
0xfe: {  	vm0 =	vmand vm13, vm10;
	vm1 =	vmand vm13, vm11;
	vm2 =	vmand vm13, vm12;
	[tilespmem:s26], [sflag:$0x1] =	stream.linear.gather [hbm4b:s19+s2], $0x80, $0x38;
	[tilespmem:$0x1CE00] =	vst v63  }
0xff: {  	s14 =	sadd.s32 $0x1, s14;
	vm15 =	vmand vm13, vm14;
	v37 =	vmov s18;
	v35 =	vsel vm0, s18, v35;
	s19 =	sadd.s32 $0x80, s19;
	s26 =	sadd.s32 $0x680, s25  }
0x100: {  	v54 =	vsel vm1, s18, v54;
	v53 =	vsel vm2, s18, v53;
	v55 =	vsel vm15, s18, v55;
	[tilespmem:s26], [sflag:$0x1] =	stream.linear.gather [hbm4b:s19+s2], $0x80, $0x38;
	[tilespmem:$0x1CE00] =	vst v63  }
0x101: {  	_ =	sdelay $0x2  }
0x102: {  	v2 =	vimm.f32 $+Inf  }
0x103: {  	v1 =	vshll.u32 v35, $0x8;
	[tilespmem:v37+s2+$0x0] =	vst.idx.msk $0x1, v2  }
0x104: {  	[tilespmem:$0x200] =	vst v1;
	v1 =	vshll.u32 v54, $0x8  }
0x105: {  	[tilespmem:$0x210] =	vst v1;
	v1 =	vshll.u32 v53, $0x8  }
0x106: {  	[tilespmem:$0x220] =	vst v1;
	v1 =	vshll.u32 v55, $0x8  }
0x107: {  	[tilespmem:$0x230] =	vst v1  }
0x108: {  	_ =	swait.ge [sflag:s20], $0x4000  }
0x109: {  	[sflag:s20] =	ssyncset.done $0x0  }
0x10a: {  	[sflag:s20] =	ssyncadd.s32 $0xFFFFC000  }
0x10b: {  	v0 =	vimm.s32 $0x40000000;
	[tilespmem:$0x4280] =	vst v2  }
0x10c: {  	[tilespmem:$0x4380] =	vst v0  }
0x10d: {  	[tilespmem:$0x4290] =	vst v2  }
0x10e: {  	[tilespmem:$0x4390] =	vst v0  }
0x10f: {  	[tilespmem:$0x42A0] =	vst v2  }
0x110: {  	[tilespmem:$0x43A0] =	vst v0  }
0x111: {  	[tilespmem:$0x42B0] =	vst v2  }
0x112: {  	[tilespmem:$0x43B0] =	vst v0  }
0x113: {  	[tilespmem:$0x42C0] =	vst v2  }
0x114: {  	[tilespmem:$0x43C0] =	vst v0  }
0x115: {  	[tilespmem:$0x42D0] =	vst v2  }
0x116: {  	[tilespmem:$0x43D0] =	vst v0  }
0x117: {  	[tilespmem:$0x42E0] =	vst v2  }
0x118: {  	[tilespmem:$0x43E0] =	vst v0  }
0x119: {  	[tilespmem:$0x42F0] =	vst v2  }
0x11a: {  	[tilespmem:$0x43F0] =	vst v0  }
0x11b: {  	[tilespmem:$0x4300] =	vst v2  }
0x11c: {  	v7 =	vld [tilespmem:$0x1FDB0];
	[tilespmem:$0x4400] =	vst v0  }
0x11d: {  	v8 =	vld [tilespmem:$0x1FDC0];
	[tilespmem:$0x4310] =	vst v2  }
0x11e: {  	v10 =	vld [tilespmem:$0x1FDD0];
	[tilespmem:$0x4410] =	vst v0  }
0x11f: {  	v11 =	vld [tilespmem:$0x1FDE0];
	[tilespmem:$0x4320] =	vst v2  }
0x120: {  	v12 =	vld [tilespmem:$0x1FDF0];
	[tilespmem:$0x4420] =	vst v0  }
0x121: {  	v13 =	vld [tilespmem:$0x1FE00];
	[tilespmem:$0x4330] =	vst v2  }
0x122: {  	v14 =	vld [tilespmem:$0x1FE10];
	[tilespmem:$0x4430] =	vst v0  }
0x123: {  	v15 =	vld [tilespmem:$0x1FE20];
	[tilespmem:$0x4340] =	vst v2  }
0x124: {  	v17 =	vld [tilespmem:$0x1FE30];
	[tilespmem:$0x4440] =	vst v0  }
0x125: {  	v18 =	vld [tilespmem:$0x1FE40];
	[tilespmem:$0x4350] =	vst v2  }
0x126: {  	v19 =	vld [tilespmem:$0x1FE50];
	[tilespmem:$0x4450] =	vst v0  }
0x127: {  	v20 =	vld [tilespmem:$0x1FE60];
	[tilespmem:$0x4360] =	vst v2  }
0x128: {  	v21 =	vld [tilespmem:$0x1FE70];
	[tilespmem:$0x4460] =	vst v0  }
0x129: {  	v28 =	vmov v22;
	s9 =	simm.s32 $0x0;
	v22 =	vld [tilespmem:$0x1FE80];
	[tilespmem:$0x4370] =	vst v2  }
0x12a: {  	v9 =	vmovc v33;
	v16 =	vmovc v32;
	s1 =	simm.s32 $0x0;
	s14 =	simm.s32 $0x0;
	s28 =	simm.s32 $0x0;
	v6 =	vimm.s32 $0x0;
	v37 =	vimm.s32 $0x0;
	v23 =	vld [tilespmem:$0x1FE90];
	[tilespmem:$0x4470] =	vst v0;
	v0 =	vlaneseq.u32  }
.LBB2_7:
0x12b: {  	s18 =	sand.u32 $0x3800, s1;
	s19 =	sand.u32 $0x380, s14  }
0x12c: {  	s18 =	sor.u32 s19, s18  }
0x12d: {  	v1 =	vld [tilespmem:s18+$0x280];
	_ =	sdelay $0x4  }
0x12e: {  	vm0 =	vle.f32 v1, v52  }
0x12f: {  	v2 =	vsel vm0, $0x1, v6  }
0x130: {  	(xrf0) =	vadd.scan.msk.s32 $0xffff, v2;
	_ =	sdelay $0x4  }
0x131: {  	v3 =	vsel vm0, $0xFFFFFFFF, v6;
	v2 =	vmov s28  }
0x132: {  	v3 =	vadd.s32 v3, v37;
	v4, _, _ =	vpop (xrf0)  }
0x133: {  	v3 =	vadd.s32 v4, v3  }
0x134: {  	vm1 =	vlt.s32 v3, $0x100  }
0x135: {  	vm1 =	vmand vm0, vm1  }
0x136: {  	v35 =	vld.idx.msk [tilespmem:v2+s21+$0x0], $0xffff;
	_ =	sdelay $0x4  }
0x137: {  	v2 =	vadd.s32 v0, v35;
	[tilespmem:v3+s22+$0x0] =	vst.idx.msk vm1, v1  }
0x138: {  	[tilespmem:v3+s23+$0x0] =	vst.idx.msk vm1, v2  }
0x139: {  	v1 =	vld [tilespmem:s18+$0x290];
	_ =	sdelay $0x4  }
0x13a: {  	vm10 =	vle.f32 v1, v52  }
0x13b: {  	v2 =	vsel vm10, $0x1, v6  }
0x13c: {  	(xrf0) =	vadd.scan.msk.s32 $0xffff, v2;
	_ =	sdelay $0x2  }
0x13d: {  	v2 =	vmpcnt.ones.xlane vm0;
	_ =	sdelay $0x1  }
0x13e: {  	v3 =	vsel vm10, $0xFFFFFFFF, v6;
	v2 =	vadd.s32 v37, v2  }
0x13f: {  	v3 =	vadd.s32 v3, v2;
	v4, _, _ =	vpop (xrf0)  }
0x140: {  	v3 =	vadd.s32 v4, v3  }
0x141: {  	vm11 =	vlt.s32 v3, $0x100  }
0x142: {  	vm0 =	vmand vm10, vm11;
	_ =	sdelay $0x5  }
0x143: {  	v4 =	vadd.s32 v7, v35;
	[tilespmem:v3+s22+$0x0] =	vst.idx.msk vm0, v1  }
0x144: {  	[tilespmem:v3+s23+$0x0] =	vst.idx.msk vm0, v4  }
0x145: {  	v1 =	vld [tilespmem:s18+$0x2A0];
	_ =	sdelay $0x4  }
0x146: {  	vm12 =	vle.f32 v1, v52  }
0x147: {  	v3 =	vsel vm12, $0x1, v6  }
0x148: {  	(xrf0) =	vadd.scan.msk.s32 $0xffff, v3;
	_ =	sdelay $0x2  }
0x149: {  	v3 =	vmpcnt.ones.xlane vm10;
	_ =	sdelay $0x1  }
0x14a: {  	v2 =	vadd.s32 v2, v3;
	v3 =	vsel vm12, $0xFFFFFFFF, v6  }
0x14b: {  	v3 =	vadd.s32 v3, v2;
	v4, _, _ =	vpop (xrf0)  }
0x14c: {  	v3 =	vadd.s32 v4, v3  }
0x14d: {  	vm13 =	vlt.s32 v3, $0x100  }
0x14e: {  	vm1 =	vmand vm12, vm13;
	_ =	sdelay $0x5  }
0x14f: {  	v4 =	vadd.s32 v8, v35;
	[tilespmem:v3+s22+$0x0] =	vst.idx.msk vm1, v1  }
0x150: {  	[tilespmem:v3+s23+$0x0] =	vst.idx.msk vm1, v4  }
0x151: {  	v1 =	vld [tilespmem:s18+$0x2B0];
	_ =	sdelay $0x4  }
0x152: {  	vm14 =	vle.f32 v1, v52  }
0x153: {  	v3 =	vsel vm14, $0x1, v6  }
0x154: {  	(xrf0) =	vadd.scan.msk.s32 $0xffff, v3;
	_ =	sdelay $0x2  }
0x155: {  	v3 =	vmpcnt.ones.xlane vm12;
	_ =	sdelay $0x1  }
0x156: {  	v2 =	vadd.s32 v2, v3;
	v3 =	vsel vm14, $0xFFFFFFFF, v6  }
0x157: {  	v3 =	vadd.s32 v3, v2;
	v4, _, _ =	vpop (xrf0)  }
0x158: {  	v3 =	vadd.s32 v4, v3  }
0x159: {  	vm15 =	vlt.s32 v3, $0x100  }
0x15a: {  	vm0 =	vmand vm14, vm15;
	_ =	sdelay $0x5  }
0x15b: {  	v4 =	vadd.s32 v10, v35;
	[tilespmem:v3+s22+$0x0] =	vst.idx.msk vm0, v1  }
0x15c: {  	[tilespmem:v3+s23+$0x0] =	vst.idx.msk vm0, v4  }
0x15d: {  	v1 =	vld [tilespmem:s18+$0x2C0];
	_ =	sdelay $0x4  }
0x15e: {  	vm4 =	vle.f32 v1, v52  }
0x15f: {  	v3 =	vsel vm4, $0x1, v6  }
0x160: {  	(xrf0) =	vadd.scan.msk.s32 $0xffff, v3;
	_ =	sdelay $0x2  }
0x161: {  	v3 =	vmpcnt.ones.xlane vm14;
	_ =	sdelay $0x1  }
0x162: {  	v2 =	vadd.s32 v2, v3;
	v3 =	vsel vm4, $0xFFFFFFFF, v6  }
0x163: {  	v3 =	vadd.s32 v3, v2;
	v4, _, _ =	vpop (xrf0)  }
0x164: {  	v3 =	vadd.s32 v4, v3  }
0x165: {  	vm5 =	vlt.s32 v3, $0x100  }
0x166: {  	vm1 =	vmand vm4, vm5;
	_ =	sdelay $0x5  }
0x167: {  	v4 =	vadd.s32 v11, v35;
	[tilespmem:v3+s22+$0x0] =	vst.idx.msk vm1, v1  }
0x168: {  	[tilespmem:v3+s23+$0x0] =	vst.idx.msk vm1, v4  }
0x169: {  	v1 =	vld [tilespmem:s18+$0x2D0];
	_ =	sdelay $0x4  }
0x16a: {  	vm6 =	vle.f32 v1, v52  }
0x16b: {  	v3 =	vsel vm6, $0x1, v6  }
0x16c: {  	(xrf0) =	vadd.scan.msk.s32 $0xffff, v3;
	_ =	sdelay $0x2  }
0x16d: {  	v3 =	vmpcnt.ones.xlane vm4;
	_ =	sdelay $0x1  }
0x16e: {  	v2 =	vadd.s32 v2, v3;
	v3 =	vsel vm6, $0xFFFFFFFF, v6  }
0x16f: {  	v3 =	vadd.s32 v3, v2;
	v4, _, _ =	vpop (xrf0)  }
0x170: {  	v3 =	vadd.s32 v4, v3  }
0x171: {  	vm7 =	vlt.s32 v3, $0x100  }
0x172: {  	vm0 =	vmand vm6, vm7;
	_ =	sdelay $0x5  }
0x173: {  	v4 =	vadd.s32 v12, v35;
	[tilespmem:v3+s22+$0x0] =	vst.idx.msk vm0, v1  }
0x174: {  	[tilespmem:v3+s23+$0x0] =	vst.idx.msk vm0, v4  }
0x175: {  	v1 =	vld [tilespmem:s18+$0x2E0];
	_ =	sdelay $0x4  }
0x176: {  	vm8 =	vle.f32 v1, v52  }
0x177: {  	v3 =	vsel vm8, $0x1, v6  }
0x178: {  	(xrf0) =	vadd.scan.msk.s32 $0xffff, v3;
	_ =	sdelay $0x2  }
0x179: {  	v3 =	vmpcnt.ones.xlane vm6;
	_ =	sdelay $0x1  }
0x17a: {  	v2 =	vadd.s32 v2, v3;
	v3 =	vsel vm8, $0xFFFFFFFF, v6  }
0x17b: {  	v3 =	vadd.s32 v3, v2;
	v4, _, _ =	vpop (xrf0)  }
0x17c: {  	v3 =	vadd.s32 v4, v3  }
0x17d: {  	vm9 =	vlt.s32 v3, $0x100  }
0x17e: {  	vm1 =	vmand vm8, vm9;
	_ =	sdelay $0x5  }
0x17f: {  	v4 =	vadd.s32 v13, v35;
	[tilespmem:v3+s22+$0x0] =	vst.idx.msk vm1, v1  }
0x180: {  	[tilespmem:v3+s23+$0x0] =	vst.idx.msk vm1, v4  }
0x181: {  	v1 =	vld [tilespmem:s18+$0x2F0];
	_ =	sdelay $0x4  }
0x182: {  	vm10 =	vle.f32 v1, v52  }
0x183: {  	v3 =	vsel vm10, $0x1, v6  }
0x184: {  	(xrf0) =	vadd.scan.msk.s32 $0xffff, v3;
	_ =	sdelay $0x2  }
0x185: {  	v3 =	vmpcnt.ones.xlane vm8;
	_ =	sdelay $0x1  }
0x186: {  	v2 =	vadd.s32 v2, v3;
	v3 =	vsel vm10, $0xFFFFFFFF, v6  }
0x187: {  	v3 =	vadd.s32 v3, v2;
	v4, _, _ =	vpop (xrf0)  }
0x188: {  	v3 =	vadd.s32 v4, v3  }
0x189: {  	vm11 =	vlt.s32 v3, $0x100  }
0x18a: {  	vm0 =	vmand vm10, vm11;
	_ =	sdelay $0x5  }
0x18b: {  	v4 =	vadd.s32 v14, v35;
	[tilespmem:v3+s22+$0x0] =	vst.idx.msk vm0, v1  }
0x18c: {  	[tilespmem:v3+s23+$0x0] =	vst.idx.msk vm0, v4  }
0x18d: {  	v1 =	vld [tilespmem:s18+$0x680];
	_ =	sdelay $0x4  }
0x18e: {  	vm12 =	vle.f32 v1, v52  }
0x18f: {  	v3 =	vsel vm12, $0x1, v6  }
0x190: {  	(xrf0) =	vadd.scan.msk.s32 $0xffff, v3;
	_ =	sdelay $0x2  }
0x191: {  	v3 =	vmpcnt.ones.xlane vm10;
	_ =	sdelay $0x1  }
0x192: {  	v2 =	vadd.s32 v2, v3;
	v3 =	vsel vm12, $0xFFFFFFFF, v6  }
0x193: {  	v3 =	vadd.s32 v3, v2;
	v4, _, _ =	vpop (xrf0)  }
0x194: {  	v3 =	vadd.s32 v4, v3  }
0x195: {  	vm13 =	vlt.s32 v3, $0x100  }
0x196: {  	vm1 =	vmand vm12, vm13;
	_ =	sdelay $0x5  }
0x197: {  	v4 =	vadd.s32 v15, v35;
	[tilespmem:v3+s22+$0x0] =	vst.idx.msk vm1, v1  }
0x198: {  	[tilespmem:v3+s23+$0x0] =	vst.idx.msk vm1, v4  }
0x199: {  	v1 =	vld [tilespmem:s18+$0x690];
	_ =	sdelay $0x4  }
0x19a: {  	vm14 =	vle.f32 v1, v52  }
0x19b: {  	v3 =	vsel vm14, $0x1, v6  }
0x19c: {  	(xrf0) =	vadd.scan.msk.s32 $0xffff, v3;
	_ =	sdelay $0x2  }
0x19d: {  	v3 =	vmpcnt.ones.xlane vm12;
	_ =	sdelay $0x1  }
0x19e: {  	v2 =	vadd.s32 v2, v3;
	v3 =	vsel vm14, $0xFFFFFFFF, v6  }
0x19f: {  	v3 =	vadd.s32 v3, v2;
	v4, _, _ =	vpop (xrf0)  }
0x1a0: {  	v3 =	vadd.s32 v4, v3  }
0x1a1: {  	vm15 =	vlt.s32 v3, $0x100  }
0x1a2: {  	vm0 =	vmand vm14, vm15;
	_ =	sdelay $0x5  }
0x1a3: {  	v4 =	vadd.s32 v17, v35;
	[tilespmem:v3+s22+$0x0] =	vst.idx.msk vm0, v1  }
0x1a4: {  	[tilespmem:v3+s23+$0x0] =	vst.idx.msk vm0, v4  }
0x1a5: {  	v1 =	vld [tilespmem:s18+$0x6A0];
	_ =	sdelay $0x4  }
0x1a6: {  	vm4 =	vle.f32 v1, v52  }
0x1a7: {  	v3 =	vsel vm4, $0x1, v6  }
0x1a8: {  	(xrf0) =	vadd.scan.msk.s32 $0xffff, v3;
	_ =	sdelay $0x2  }
0x1a9: {  	v3 =	vmpcnt.ones.xlane vm14;
	_ =	sdelay $0x1  }
0x1aa: {  	v2 =	vadd.s32 v2, v3;
	v3 =	vsel vm4, $0xFFFFFFFF, v6  }
0x1ab: {  	v3 =	vadd.s32 v3, v2;
	v4, _, _ =	vpop (xrf0)  }
0x1ac: {  	v3 =	vadd.s32 v4, v3  }
0x1ad: {  	vm5 =	vlt.s32 v3, $0x100  }
0x1ae: {  	vm1 =	vmand vm4, vm5;
	_ =	sdelay $0x5  }
0x1af: {  	v4 =	vadd.s32 v18, v35;
	[tilespmem:v3+s22+$0x0] =	vst.idx.msk vm1, v1  }
0x1b0: {  	[tilespmem:v3+s23+$0x0] =	vst.idx.msk vm1, v4  }
0x1b1: {  	v1 =	vld [tilespmem:s18+$0x6B0];
	_ =	sdelay $0x4  }
0x1b2: {  	vm6 =	vle.f32 v1, v52  }
0x1b3: {  	v3 =	vsel vm6, $0x1, v6  }
0x1b4: {  	(xrf0) =	vadd.scan.msk.s32 $0xffff, v3;
	_ =	sdelay $0x2  }
0x1b5: {  	v3 =	vmpcnt.ones.xlane vm4;
	_ =	sdelay $0x1  }
0x1b6: {  	v2 =	vadd.s32 v2, v3;
	v3 =	vsel vm6, $0xFFFFFFFF, v6  }
0x1b7: {  	v3 =	vadd.s32 v3, v2;
	v4, _, _ =	vpop (xrf0)  }
0x1b8: {  	v3 =	vadd.s32 v4, v3  }
0x1b9: {  	vm7 =	vlt.s32 v3, $0x100  }
0x1ba: {  	vm0 =	vmand vm6, vm7;
	_ =	sdelay $0x5  }
0x1bb: {  	v4 =	vadd.s32 v19, v35;
	[tilespmem:v3+s22+$0x0] =	vst.idx.msk vm0, v1  }
0x1bc: {  	[tilespmem:v3+s23+$0x0] =	vst.idx.msk vm0, v4  }
0x1bd: {  	v1 =	vld [tilespmem:s18+$0x6C0];
	_ =	sdelay $0x4  }
0x1be: {  	vm8 =	vle.f32 v1, v52  }
0x1bf: {  	v3 =	vsel vm8, $0x1, v6  }
0x1c0: {  	(xrf0) =	vadd.scan.msk.s32 $0xffff, v3;
	_ =	sdelay $0x2  }
0x1c1: {  	v3 =	vmpcnt.ones.xlane vm6;
	_ =	sdelay $0x1  }
0x1c2: {  	v2 =	vadd.s32 v2, v3;
	v3 =	vsel vm8, $0xFFFFFFFF, v6  }
0x1c3: {  	v3 =	vadd.s32 v3, v2;
	v4, _, _ =	vpop (xrf0)  }
0x1c4: {  	v3 =	vadd.s32 v4, v3  }
0x1c5: {  	vm9 =	vlt.s32 v3, $0x100  }
0x1c6: {  	vm1 =	vmand vm8, vm9;
	_ =	sdelay $0x5  }
0x1c7: {  	v4 =	vadd.s32 v20, v35;
	[tilespmem:v3+s22+$0x0] =	vst.idx.msk vm1, v1  }
0x1c8: {  	[tilespmem:v3+s23+$0x0] =	vst.idx.msk vm1, v4  }
0x1c9: {  	v1 =	vld [tilespmem:s18+$0x6D0];
	_ =	sdelay $0x4  }
0x1ca: {  	vm10 =	vle.f32 v1, v52  }
0x1cb: {  	v3 =	vsel vm10, $0x1, v6  }
0x1cc: {  	(xrf0) =	vadd.scan.msk.s32 $0xffff, v3;
	_ =	sdelay $0x2  }
0x1cd: {  	v3 =	vmpcnt.ones.xlane vm8;
	_ =	sdelay $0x1  }
0x1ce: {  	v2 =	vadd.s32 v2, v3;
	v3 =	vsel vm10, $0xFFFFFFFF, v6  }
0x1cf: {  	v3 =	vadd.s32 v3, v2;
	v4, _, _ =	vpop (xrf0)  }
0x1d0: {  	v3 =	vadd.s32 v4, v3  }
0x1d1: {  	vm11 =	vlt.s32 v3, $0x100  }
0x1d2: {  	vm0 =	vmand vm10, vm11;
	_ =	sdelay $0x5  }
0x1d3: {  	v4 =	vadd.s32 v21, v35;
	[tilespmem:v3+s22+$0x0] =	vst.idx.msk vm0, v1  }
0x1d4: {  	[tilespmem:v3+s23+$0x0] =	vst.idx.msk vm0, v4  }
0x1d5: {  	v1 =	vld [tilespmem:s18+$0x6E0];
	_ =	sdelay $0x4  }
0x1d6: {  	vm12 =	vle.f32 v1, v52  }
0x1d7: {  	v3 =	vsel vm12, $0x1, v6  }
0x1d8: {  	(xrf0) =	vadd.scan.msk.s32 $0xffff, v3;
	_ =	sdelay $0x2  }
0x1d9: {  	v3 =	vmpcnt.ones.xlane vm10;
	_ =	sdelay $0x1  }
0x1da: {  	v2 =	vadd.s32 v2, v3;
	v3 =	vsel vm12, $0xFFFFFFFF, v6  }
0x1db: {  	v3 =	vadd.s32 v3, v2;
	v4, _, _ =	vpop (xrf0)  }
0x1dc: {  	v3 =	vadd.s32 v4, v3  }
0x1dd: {  	vm13 =	vlt.s32 v3, $0x100  }
0x1de: {  	vm1 =	vmand vm12, vm13;
	_ =	sdelay $0x5  }
0x1df: {  	v4 =	vadd.s32 v22, v35;
	[tilespmem:v3+s22+$0x0] =	vst.idx.msk vm1, v1  }
0x1e0: {  	[tilespmem:v3+s23+$0x0] =	vst.idx.msk vm1, v4  }
0x1e1: {  	v1 =	vld [tilespmem:s18+$0x6F0];
	_ =	sdelay $0x4  }
0x1e2: {  	vm14 =	vle.f32 v1, v52  }
0x1e3: {  	v3 =	vsel vm14, $0x1, v6  }
0x1e4: {  	(xrf0) =	vadd.scan.msk.s32 $0xffff, v3;
	_ =	sdelay $0x2  }
0x1e5: {  	v3 =	vmpcnt.ones.xlane vm12;
	_ =	sdelay $0x1  }
0x1e6: {  	v2 =	vadd.s32 v2, v3;
	v3 =	vsel vm14, $0xFFFFFFFF, v6  }
0x1e7: {  	v3 =	vadd.s32 v3, v2;
	v4, _, _ =	vpop (xrf0)  }
0x1e8: {  	v3 =	vadd.s32 v4, v3  }
0x1e9: {  	vm15 =	vlt.s32 v3, $0x100  }
0x1ea: {  	vm0 =	vmand vm14, vm15;
	_ =	sdelay $0x1  }
0x1eb: {  	p0 =	sne.s32 s28, $0x3F  }
.Ltmp2:
0x1ec: {  	_ = 	snop;
	(pc) =	sbr.rel @p0 .LBB2_7-.Ltmp2, $4  }
0x1ed: {  	_ = 	snop  }
0x1ee: {  	v4 =	vmpcnt.ones.xlane vm14  }
0x1ef: {  	v5 =	vadd.s32 v23, v35;
	[tilespmem:v3+s22+$0x0] =	vst.idx.msk vm0, v1  }
0x1f0: {  	s14 =	sadd.s32 $0x80, s14;
	s1 =	sadd.s32 $0x100, s1;
	s28 =	sadd.s32 $0x1, s28;
	v37 =	vadd.s32 v2, v4;
	[tilespmem:v3+s23+$0x0] =	vst.idx.msk vm0, v5  }
0x1f1: {  	v42 =	vld [tilespmem:$0x4290]  }
0x1f2: {  	v44 =	vld [tilespmem:$0x4280]  }
0x1f3: {  	v43 =	vld [tilespmem:$0x42A0]  }
0x1f4: {  	v39 =	vld [tilespmem:$0x42B0]  }
0x1f5: {  	v40 =	vld [tilespmem:$0x42C0]  }
0x1f6: {  	v41 =	vld [tilespmem:$0x42D0]  }
0x1f7: {  	v35 =	vld [tilespmem:$0x42E0];
	v1 =	vmin.f32 v44, v42  }
0x1f8: {  	v2 =	vmin.f32 v1, v43;
	v1 =	vld [tilespmem:$0x42F0]  }
0x1f9: {  	v38 =	vld [tilespmem:$0x4300];
	v2 =	vmin.f32 v2, v39  }
0x1fa: {  	v61 =	vld [tilespmem:$0x4310];
	v2 =	vmin.f32 v2, v40  }
0x1fb: {  	v62 =	vld [tilespmem:$0x4320];
	v2 =	vmin.f32 v2, v41  }
0x1fc: {  	v63 =	vld [tilespmem:$0x4330];
	v2 =	vmin.f32 v2, v35  }
0x1fd: {  	v57 =	vld [tilespmem:$0x4340];
	v2 =	vmin.f32 v2, v1  }
0x1fe: {  	v58 =	vld [tilespmem:$0x4350];
	v2 =	vmin.f32 v2, v38  }
0x1ff: {  	v60 =	vld [tilespmem:$0x4360];
	v2 =	vmin.f32 v2, v61  }
0x200: {  	v56 =	vld [tilespmem:$0x4370];
	v2 =	vmin.f32 v2, v62  }
0x201: {  	v2 =	vmin.f32 v2, v63  }
0x202: {  	v2 =	vmin.f32 v2, v57  }
0x203: {  	v2 =	vmin.f32 v2, v58  }
0x204: {  	v2 =	vmin.f32 v2, v60  }
0x205: {  	v2 =	vmin.f32 v2, v56  }
0x206: {  	(xrf0) =	vmin.scan.msk.f32 $0xffff, v2;
	_ =	sdelay $0x2  }
0x207: {  	v2 =	vld [tilespmem:$0x4380];
	_ =	sdelay $0x2  }
0x208: {  	v3 =	vld [tilespmem:$0x4390];
	v4, _, _ =	vpop (xrf0)  }
0x209: {  	v4 =	vbroadcast v4, $0xF  }
0x20a: {  	v5 =	vld [tilespmem:$0x43A0];
	vm0 =	vlt.s32 v2, $0x40000000  }
0x20b: {  	v6 =	vnsel vm0, $0x40000000, v2;
	vm1 =	veq.f32 v44, v4  }
0x20c: {  	v7 =	vld [tilespmem:$0x43B0];
	v6 =	vnsel vm1, $0x40000000, v6  }
0x20d: {  	vm0 =	vlt.s32 v6, v3  }
0x20e: {  	v8 =	vld [tilespmem:$0x43C0];
	vm1 =	veq.f32 v42, v4;
	v3 =	vsel vm0, v6, v3;
	vm0 =	veq.f32 v43, v4  }
0x20f: {  	v3 =	vsel vm1, v3, v6;
	v5 =	vnsel vm0, $0x40000000, v5  }
0x210: {  	v21 =	vld [tilespmem:$0x43D0];
	vm1 =	veq.f32 v39, v4;
	vm0 =	vlt.s32 v3, v5  }
0x211: {  	v22 =	vnsel vm1, $0x40000000, v7;
	v3 =	vsel vm0, v3, v5  }
0x212: {  	v23 =	vld [tilespmem:$0x43E0];
	vm1 =	veq.f32 v40, v4;
	vm0 =	vlt.s32 v3, v22  }
0x213: {  	v32 =	vnsel vm1, $0x40000000, v8;
	v3 =	vsel vm0, v3, v22  }
0x214: {  	vm1 =	veq.f32 v41, v4;
	v8 =	vld [tilespmem:$0x43F0];
	vm0 =	vlt.s32 v3, v32  }
0x215: {  	v33 =	vnsel vm1, $0x40000000, v21;
	v3 =	vsel vm0, v3, v32  }
0x216: {  	v34 =	vld [tilespmem:$0x4400];
	vm1 =	veq.f32 v35, v4;
	vm0 =	vlt.s32 v3, v33  }
0x217: {  	v36 =	vnsel vm1, $0x40000000, v23;
	v3 =	vsel vm0, v3, v33  }
0x218: {  	v37 =	vld [tilespmem:$0x4410];
	vm1 =	veq.f32 v1, v4;
	vm0 =	vlt.s32 v3, v36  }
0x219: {  	v45 =	vnsel vm1, $0x40000000, v8;
	v3 =	vsel vm0, v3, v36  }
0x21a: {  	vm1 =	veq.f32 v38, v4;
	v8 =	vld [tilespmem:$0x4420];
	vm0 =	vlt.s32 v3, v45  }
0x21b: {  	v46 =	vnsel vm1, $0x40000000, v34;
	v3 =	vsel vm0, v3, v45  }
0x21c: {  	v47 =	vld [tilespmem:$0x4430];
	vm1 =	veq.f32 v61, v4;
	vm0 =	vlt.s32 v3, v46  }
0x21d: {  	v48 =	vnsel vm1, $0x40000000, v37;
	v3 =	vsel vm0, v3, v46  }
0x21e: {  	v49 =	vld [tilespmem:$0x4440];
	vm1 =	veq.f32 v62, v4;
	vm0 =	vlt.s32 v3, v48  }
0x21f: {  	v50 =	vnsel vm1, $0x40000000, v8;
	v3 =	vsel vm0, v3, v48  }
0x220: {  	vm1 =	veq.f32 v63, v4;
	v8 =	vld [tilespmem:$0x4450];
	vm0 =	vlt.s32 v3, v50  }
0x221: {  	v51 =	vnsel vm1, $0x40000000, v47;
	v3 =	vsel vm0, v3, v50  }
0x222: {  	v52 =	vld [tilespmem:$0x4460];
	vm1 =	veq.f32 v57, v4;
	vm0 =	vlt.s32 v3, v51  }
0x223: {  	v53 =	vnsel vm1, $0x40000000, v49;
	v3 =	vsel vm0, v3, v51  }
0x224: {  	v54 =	vld [tilespmem:$0x4470];
	vm1 =	veq.f32 v58, v4;
	vm0 =	vlt.s32 v3, v53  }
0x225: {  	v55 =	vnsel vm1, $0x40000000, v8;
	v3 =	vsel vm0, v3, v53  }
0x226: {  	vm1 =	veq.f32 v60, v4;
	vm0 =	vlt.s32 v3, v55  }
0x227: {  	v59 =	vnsel vm1, $0x40000000, v52;
	v3 =	vsel vm0, v3, v55  }
0x228: {  	vm1 =	veq.f32 v56, v4;
	vm0 =	vlt.s32 v3, v59  }
0x229: {  	v4 =	vnsel vm1, $0x40000000, v54;
	v3 =	vsel vm0, v3, v59  }
0x22a: {  	vm0 =	vlt.s32 v3, v4  }
0x22b: {  	v3 =	vsel vm0, v3, v4  }
0x22c: {  	v3 =	vxor.u32 $0x80000000, v3  }
0x22d: {  	(xrf0) =	vmin.scan.msk.u32 $0xffff, v3;
	_ =	sdelay $0x5  }
0x22e: {  	v3, _, _ =	vpop (xrf0)  }
0x22f: {  	v12 =	vld [tilespmem:$0x1FEF0];
	(v2sf) =	vpush v3, $0xF  }
0x230: {  	v17 =	vld [tilespmem:$0x1FF40]  }
0x231: {  	v18 =	vld [tilespmem:$0x1FF50]  }
0x232: {  	v19 =	vld [tilespmem:$0x1FF60]  }
0x233: {  	v21 =	vld [tilespmem:$0x43A0]  }
0x234: {  	v22 =	vld [tilespmem:$0x43B0]  }
0x235: {  	v23 =	vld [tilespmem:$0x43C0]  }
0x236: {  	v32 =	vld [tilespmem:$0x1FF30]  }
0x237: {  	v34 =	vld [tilespmem:$0x43F0]  }
0x238: {  	v33 =	vld [tilespmem:$0x1FEE0]  }
0x239: {  	s1 =	simm.s32 $0x0;
	v45 =	vld [tilespmem:$0x4460]  }
0x23a: {  	s9 =	sand.u32 $0xF, s9;
	v37 =	vmov s1;
	v46 =	vld [tilespmem:$0x4400]  }
0x23b: {  	v36 =	vmov s9;
	vm2 =	veq.s32 v37, $0x1;
	v3 =	vld [tilespmem:$0x4390]  }
0x23c: {  	vm4 =	veq.s32 v37, $0x3;
	v52 =	vimm.s32 $0x40000000;
	vm1 =	veq.s32 v37, $0x0;
	v59 =	vld [tilespmem:$0x43D0]  }
0x23d: {  	v47 =	vld [tilespmem:$0x4410];
	v54 =	vimm.s32 $0x40000000;
	v53 =	vimm.s32 $0x40000000;
	vm0 =	veq.s32 v36, v0  }
0x23e: {  	v49 =	vld [tilespmem:$0x4440];
	v55 =	vimm.s32 $0x40000000;
	vm3 =	vmand vm0, vm1;
	vm1 =	veq.s32 v37, $0x2;
	s26 =	spop (v2sf)  }
0x23f: {  	v8 =	vld [tilespmem:$0x43E0];
	vm2 =	vmand vm0, vm2;
	vm1 =	vmand vm0, vm1;
	vm0 =	vmand vm0, vm4;
	s14 =	sxor.u32 $0x80000000, s26  }
0x240: {  	v48 =	vld [tilespmem:$0x4420];
	vm4 =	veq.s32 v2, s14;
	vm5 =	veq.s32 v3, s14;
	vm6 =	veq.s32 v21, s14  }
0x241: {  	v50 =	vld [tilespmem:$0x4430];
	vm14 =	veq.s32 v59, s14;
	vm15 =	veq.s32 v46, s14;
	v2 =	vsel vm4, $0x7F800000, v44  }
0x242: {  	v51 =	vld [tilespmem:$0x4450];
	v3 =	vsel vm5, $0x7F800000, v42;
	v4 =	vsel vm6, $0x7F800000, v43;
	vm4 =	veq.s32 v22, s14;
	[tilespmem:$0x4280] =	vst v2  }
0x243: {  	vm5 =	veq.s32 v23, s14;
	v44 =	vld [tilespmem:$0x4470];
	v42 =	vsel vm15, $0x7F800000, v38;
	v2 =	vsel vm4, $0x7F800000, v39;
	[tilespmem:$0x4290] =	vst v3  }
0x244: {  	v37 =	vsel vm5, $0x7F800000, v40;
	vm4 =	veq.s32 v8, s14;
	vm5 =	veq.s32 v34, s14;
	[tilespmem:$0x42A0] =	vst v4;
	v59 =	vld [tilespmem:$0x4290]  }
0x245: {  	s28 =	simm.s32 $0x2;
	v24 =	vmovc v30;
	v25 =	vmovc v31;
	s9 =	simm.s32 $0x1;
	v39 =	vsel vm14, $0x7F800000, v41;
	v41 =	vsel vm4, $0x7F800000, v35;
	v40 =	vsel vm5, $0x7F800000, v1;
	v35 =	vld [tilespmem:$0x4280];
	[tilespmem:$0x42B0] =	vst v2  }
.LBB2_9:
0x246: {  	p0 =	sne.s32 s28, $0x31;
	v38 =	vld [tilespmem:$0x42A0];
	[tilespmem:$0x42C0] =	vst v37;
	vm4 =	veq.s32 v47, s14;
	vm5 =	veq.s32 v48, s14;
	vm6 =	veq.s32 v50, s14  }
0x247: {  	v37 =	vld [tilespmem:$0x42B0];
	[tilespmem:$0x42D0] =	vst v39;
	v1 =	vsel vm4, $0x7F800000, v61;
	v2 =	vsel vm5, $0x7F800000, v62;
	v3 =	vsel vm6, $0x7F800000, v63  }
0x248: {  	vm4 =	veq.s32 v49, s14;
	vm5 =	veq.s32 v51, s14;
	vm6 =	veq.s32 v45, s14;
	v39 =	vld [tilespmem:$0x42C0];
	[tilespmem:$0x42E0] =	vst v41  }
0x249: {  	v4 =	vsel vm4, $0x7F800000, v57;
	v5 =	vsel vm5, $0x7F800000, v58;
	v6 =	vsel vm6, $0x7F800000, v60;
	v41 =	vld [tilespmem:$0x42D0];
	[tilespmem:$0x42F0] =	vst v40  }
0x24a: {  	v52 =	vsel vm3, s14, v52;
	vm4 =	veq.s32 v44, s14;
	v7 =	vmin.f32 v35, v59;
	v40 =	vld [tilespmem:$0x42E0];
	[tilespmem:$0x4300] =	vst v42  }
0x24b: {  	v55 =	vsel vm2, s14, v55;
	v7 =	vmin.f32 v7, v38;
	v42 =	vld [tilespmem:$0x42F0];
	[tilespmem:$0x4310] =	vst v1;
	v1 =	vsel vm4, $0x7F800000, v56  }
0x24c: {  	v54 =	vsel vm1, s14, v54;
	v53 =	vsel vm0, s14, v53;
	v7 =	vmin.f32 v7, v37;
	v43 =	vld [tilespmem:$0x4300];
	[tilespmem:$0x4320] =	vst v2  }
0x24d: {  	v2 =	vmin.f32 v7, v39;
	v61 =	vld [tilespmem:$0x4310];
	[tilespmem:$0x4330] =	vst v3  }
0x24e: {  	v2 =	vmin.f32 v2, v41;
	v62 =	vld [tilespmem:$0x4320];
	[tilespmem:$0x4340] =	vst v4  }
0x24f: {  	v2 =	vmin.f32 v2, v40;
	v63 =	vld [tilespmem:$0x4330];
	[tilespmem:$0x4350] =	vst v5  }
0x250: {  	v2 =	vmin.f32 v2, v42;
	v57 =	vld [tilespmem:$0x4340];
	[tilespmem:$0x4360] =	vst v6  }
0x251: {  	v2 =	vmin.f32 v2, v43;
	v58 =	vld [tilespmem:$0x4350];
	[tilespmem:$0x4370] =	vst v1  }
0x252: {  	v1 =	vmin.f32 v2, v61;
	v60 =	vld [tilespmem:$0x4360]  }
0x253: {  	v1 =	vmin.f32 v1, v62;
	v56 =	vld [tilespmem:$0x4370]  }
0x254: {  	v1 =	vmin.f32 v1, v63  }
0x255: {  	v1 =	vmin.f32 v1, v57  }
0x256: {  	v1 =	vmin.f32 v1, v58  }
0x257: {  	v1 =	vmin.f32 v1, v60  }
0x258: {  	v1 =	vmin.f32 v1, v56  }
0x259: {  	(xrf0) =	vmin.scan.msk.f32 $0xffff, v1;
	_ =	sdelay $0x2  }
0x25a: {  	v44 =	vld [tilespmem:$0x4380];
	_ =	sdelay $0x2  }
0x25b: {  	v1 =	vld [tilespmem:$0x4390];
	v2, _, _ =	vpop (xrf0)  }
0x25c: {  	v2 =	vbroadcast v2, $0xF  }
0x25d: {  	vm0 =	vlt.s32 v44, $0x40000000;
	v3 =	vld [tilespmem:$0x43A0]  }
0x25e: {  	vm1 =	veq.f32 v35, v2;
	v4 =	vnsel vm0, $0x40000000, v44  }
0x25f: {  	v4 =	vnsel vm1, $0x40000000, v4;
	v5 =	vld [tilespmem:$0x43B0]  }
0x260: {  	vm0 =	vlt.s32 v4, v1  }
0x261: {  	vm1 =	veq.f32 v59, v2;
	v1 =	vsel vm0, v4, v1;
	vm0 =	veq.f32 v38, v2;
	v6 =	vld [tilespmem:$0x43C0]  }
0x262: {  	v1 =	vsel vm1, v1, v4;
	v3 =	vnsel vm0, $0x40000000, v3  }
0x263: {  	vm1 =	veq.f32 v37, v2;
	vm0 =	vlt.s32 v1, v3;
	v4 =	vld [tilespmem:$0x43D0]  }
0x264: {  	v1 =	vsel vm0, v1, v3;
	v3 =	vnsel vm1, $0x40000000, v5  }
0x265: {  	vm1 =	veq.f32 v39, v2;
	vm0 =	vlt.s32 v1, v3;
	v5 =	vld [tilespmem:$0x43E0]  }
0x266: {  	v1 =	vsel vm0, v1, v3;
	v3 =	vnsel vm1, $0x40000000, v6  }
0x267: {  	vm1 =	veq.f32 v41, v2;
	vm0 =	vlt.s32 v1, v3;
	v6 =	vld [tilespmem:$0x43F0]  }
0x268: {  	v1 =	vsel vm0, v1, v3;
	v3 =	vnsel vm1, $0x40000000, v4  }
0x269: {  	vm1 =	veq.f32 v40, v2;
	vm0 =	vlt.s32 v1, v3;
	v4 =	vld [tilespmem:$0x4400]  }
0x26a: {  	v1 =	vsel vm0, v1, v3;
	v3 =	vnsel vm1, $0x40000000, v5  }
0x26b: {  	vm1 =	veq.f32 v42, v2;
	vm0 =	vlt.s32 v1, v3;
	v5 =	vld [tilespmem:$0x4410]  }
0x26c: {  	v1 =	vsel vm0, v1, v3;
	v3 =	vnsel vm1, $0x40000000, v6  }
0x26d: {  	vm1 =	veq.f32 v43, v2;
	vm0 =	vlt.s32 v1, v3;
	v6 =	vld [tilespmem:$0x4420]  }
0x26e: {  	v1 =	vsel vm0, v1, v3;
	v3 =	vnsel vm1, $0x40000000, v4  }
0x26f: {  	vm1 =	veq.f32 v61, v2;
	vm0 =	vlt.s32 v1, v3;
	v4 =	vld [tilespmem:$0x4430]  }
0x270: {  	v1 =	vsel vm0, v1, v3;
	v3 =	vnsel vm1, $0x40000000, v5  }
0x271: {  	vm1 =	veq.f32 v62, v2;
	vm0 =	vlt.s32 v1, v3;
	v5 =	vld [tilespmem:$0x4440]  }
0x272: {  	v1 =	vsel vm0, v1, v3;
	v3 =	vnsel vm1, $0x40000000, v6  }
0x273: {  	vm1 =	veq.f32 v63, v2;
	vm0 =	vlt.s32 v1, v3;
	v6 =	vld [tilespmem:$0x4450]  }
0x274: {  	v1 =	vsel vm0, v1, v3;
	v3 =	vnsel vm1, $0x40000000, v4  }
0x275: {  	vm1 =	veq.f32 v57, v2;
	vm0 =	vlt.s32 v1, v3;
	v4 =	vld [tilespmem:$0x4460]  }
0x276: {  	v1 =	vsel vm0, v1, v3;
	v3 =	vnsel vm1, $0x40000000, v5  }
0x277: {  	vm1 =	veq.f32 v58, v2;
	vm0 =	vlt.s32 v1, v3;
	v5 =	vld [tilespmem:$0x4470]  }
0x278: {  	v1 =	vsel vm0, v1, v3;
	v3 =	vnsel vm1, $0x40000000, v6  }
0x279: {  	vm1 =	veq.f32 v60, v2;
	vm0 =	vlt.s32 v1, v3  }
0x27a: {  	v1 =	vsel vm0, v1, v3;
	v3 =	vnsel vm1, $0x40000000, v4  }
0x27b: {  	vm1 =	veq.f32 v56, v2;
	vm0 =	vlt.s32 v1, v3  }
0x27c: {  	v1 =	vsel vm0, v1, v3;
	v2 =	vnsel vm1, $0x40000000, v5  }
0x27d: {  	vm0 =	vlt.s32 v1, v2  }
0x27e: {  	v1 =	vsel vm0, v1, v2  }
0x27f: {  	v1 =	vxor.u32 $0x80000000, v1  }
0x280: {  	(xrf0) =	vmin.scan.msk.u32 $0xffff, v1;
	_ =	sdelay $0x5  }
0x281: {  	v1, _, _ =	vpop (xrf0)  }
0x282: {  	(v2sf) =	vpush v1, $0xF;
	_ =	sdelay $0x5  }
0x283: {  	v1 =	vld [tilespmem:$0x4390]  }
0x284: {  	v2 =	vld [tilespmem:$0x43A0]  }
0x285: {  	v3 =	vld [tilespmem:$0x43B0]  }
0x286: {  	v4 =	vld [tilespmem:$0x43C0]  }
0x287: {  	v5 =	vld [tilespmem:$0x43D0]  }
0x288: {  	v6 =	vld [tilespmem:$0x43E0]  }
0x289: {  	s1 =	sshrl.u32 s9, $0x4;
	s14 =	sand.u32 $0xF, s9;
	s9 =	smov.u32 s28;
	v7 =	vld [tilespmem:$0x43F0]  }
0x28a: {  	v36 =	vmov s1;
	v34 =	vmov s14;
	v8 =	vld [tilespmem:$0x4400]  }
0x28b: {  	vm2 =	veq.s32 v36, $0x1;
	vm1 =	veq.s32 v36, $0x0;
	vm0 =	veq.s32 v34, v0;
	v47 =	vld [tilespmem:$0x4410]  }
0x28c: {  	vm4 =	veq.s32 v36, $0x3;
	vm3 =	vmand vm0, vm1;
	vm1 =	veq.s32 v36, $0x2;
	v48 =	vld [tilespmem:$0x4420];
	s1 =	spop (v2sf)  }
0x28d: {  	vm2 =	vmand vm0, vm2;
	vm1 =	vmand vm0, vm1;
	vm0 =	vmand vm0, vm4;
	s14 =	sxor.u32 $0x80000000, s1;
	v50 =	vld [tilespmem:$0x4430]  }
0x28e: {  	vm4 =	veq.s32 v44, s14;
	vm5 =	veq.s32 v1, s14;
	vm6 =	veq.s32 v2, s14;
	v49 =	vld [tilespmem:$0x4440]  }
.Ltmp3:
0x28f: {  	v1 =	vsel vm4, $0x7F800000, v35;
	v2 =	vsel vm5, $0x7F800000, v59;
	v34 =	vsel vm6, $0x7F800000, v38;
	v51 =	vld [tilespmem:$0x4450];
	(pc) =	sbr.rel @p0 .LBB2_9-.Ltmp3, $4  }
0x290: {  	vm4 =	veq.s32 v3, s14;
	vm5 =	veq.s32 v4, s14;
	vm6 =	veq.s32 v5, s14;
	[tilespmem:$0x4280] =	vst v1;
	v45 =	vld [tilespmem:$0x4460]  }
0x291: {  	v1 =	vsel vm4, $0x7F800000, v37;
	v37 =	vsel vm5, $0x7F800000, v39;
	v39 =	vsel vm6, $0x7F800000, v41;
	[tilespmem:$0x4290] =	vst v2;
	v44 =	vld [tilespmem:$0x4470]  }
0x292: {  	vm4 =	veq.s32 v6, s14;
	vm5 =	veq.s32 v7, s14;
	vm6 =	veq.s32 v8, s14;
	v59 =	vld [tilespmem:$0x4290];
	[tilespmem:$0x42A0] =	vst v34  }
0x293: {  	s28 =	sadd.s32 $0x1, s28;
	v41 =	vsel vm4, $0x7F800000, v40;
	v40 =	vsel vm5, $0x7F800000, v42;
	v42 =	vsel vm6, $0x7F800000, v43;
	v35 =	vld [tilespmem:$0x4280];
	[tilespmem:$0x42B0] =	vst v1  }
0x294: {  	v1 =	vld [tilespmem:$0x42A0]  }
0x295: {  	[tilespmem:$0x42C0] =	vst v37;
	v37 =	vld [tilespmem:$0x42B0]  }
0x296: {  	[tilespmem:$0x42D0] =	vst v39;
	v39 =	vld [tilespmem:$0x42C0]  }
0x297: {  	[tilespmem:$0x42E0] =	vst v41;
	v38 =	vld [tilespmem:$0x42D0]  }
0x298: {  	vm4 =	veq.s32 v47, s14;
	[tilespmem:$0x42F0] =	vst v40;
	v36 =	vld [tilespmem:$0x42E0];
	v2 =	vmin.f32 v35, v59  }
0x299: {  	vm5 =	veq.s32 v48, s14;
	[tilespmem:$0x4300] =	vst v42;
	v3 =	vsel vm4, $0x7F800000, v61;
	v48 =	vld [tilespmem:$0x42F0];
	v2 =	vmin.f32 v2, v1  }
0x29a: {  	vm14 =	veq.s32 v50, s14;
	v4 =	vsel vm5, $0x7F800000, v62;
	v42 =	vld [tilespmem:$0x4300];
	[tilespmem:$0x4310] =	vst v3;
	v2 =	vmin.f32 v2, v37  }
0x29b: {  	vm15 =	veq.s32 v49, s14;
	v3 =	vsel vm14, $0x7F800000, v63;
	[tilespmem:$0x4320] =	vst v4;
	v43 =	vld [tilespmem:$0x4310];
	v2 =	vmin.f32 v2, v39  }
0x29c: {  	vm8 =	veq.s32 v51, s14;
	v4 =	vsel vm15, $0x7F800000, v57;
	[tilespmem:$0x4330] =	vst v3;
	v49 =	vld [tilespmem:$0x4320];
	v2 =	vmin.f32 v2, v38  }
0x29d: {  	vm9 =	veq.s32 v45, s14;
	v3 =	vsel vm8, $0x7F800000, v58;
	[tilespmem:$0x4340] =	vst v4;
	v50 =	vld [tilespmem:$0x4330];
	v2 =	vmin.f32 v2, v36  }
0x29e: {  	vm10 =	veq.s32 v44, s14;
	v4 =	vsel vm9, $0x7F800000, v60;
	[tilespmem:$0x4350] =	vst v3;
	v51 =	vld [tilespmem:$0x4340];
	v2 =	vmin.f32 v2, v48  }
0x29f: {  	v3 =	vsel vm10, $0x7F800000, v56;
	[tilespmem:$0x4360] =	vst v4;
	v60 =	vld [tilespmem:$0x4350];
	v2 =	vmin.f32 v2, v42  }
0x2a0: {  	[tilespmem:$0x4370] =	vst v3;
	v62 =	vld [tilespmem:$0x4360];
	v2 =	vmin.f32 v2, v43  }
0x2a1: {  	v63 =	vld [tilespmem:$0x4370];
	v2 =	vmin.f32 v2, v49  }
0x2a2: {  	v2 =	vmin.f32 v2, v50  }
0x2a3: {  	v2 =	vmin.f32 v2, v51  }
0x2a4: {  	v2 =	vmin.f32 v2, v60  }
0x2a5: {  	v2 =	vmin.f32 v2, v62  }
0x2a6: {  	v2 =	vmin.f32 v2, v63  }
0x2a7: {  	(xrf0) =	vmin.scan.msk.f32 $0xffff, v2;
	_ =	sdelay $0x2  }
0x2a8: {  	v2 =	vld [tilespmem:$0x4380];
	_ =	sdelay $0x2  }
0x2a9: {  	v3 =	vld [tilespmem:$0x4390];
	v4, _, _ =	vpop (xrf0)  }
0x2aa: {  	v4 =	vbroadcast v4, $0xF  }
0x2ab: {  	v5 =	vld [tilespmem:$0x43A0];
	vm11 =	vlt.s32 v2, $0x40000000  }
0x2ac: {  	v6 =	vnsel vm11, $0x40000000, v2;
	vm12 =	veq.f32 v35, v4  }
0x2ad: {  	v7 =	vld [tilespmem:$0x43B0];
	v6 =	vnsel vm12, $0x40000000, v6  }
0x2ae: {  	vm13 =	vlt.s32 v6, v3  }
0x2af: {  	v8 =	vld [tilespmem:$0x43C0];
	vm14 =	veq.f32 v59, v4;
	vm15 =	veq.f32 v1, v4;
	v3 =	vsel vm13, v6, v3  }
0x2b0: {  	v5 =	vnsel vm15, $0x40000000, v5;
	v3 =	vsel vm14, v3, v6  }
0x2b1: {  	vm8 =	veq.f32 v37, v4;
	v6 =	vld [tilespmem:$0x43D0];
	vm4 =	vlt.s32 v3, v5  }
0x2b2: {  	v3 =	vsel vm4, v3, v5;
	v5 =	vnsel vm8, $0x40000000, v7  }
0x2b3: {  	vm9 =	veq.f32 v39, v4;
	v7 =	vld [tilespmem:$0x43E0];
	vm4 =	vlt.s32 v3, v5  }
0x2b4: {  	v3 =	vsel vm4, v3, v5;
	v5 =	vnsel vm9, $0x40000000, v8  }
0x2b5: {  	vm10 =	veq.f32 v38, v4;
	v8 =	vld [tilespmem:$0x43F0];
	vm4 =	vlt.s32 v3, v5  }
0x2b6: {  	v3 =	vsel vm4, v3, v5;
	v5 =	vnsel vm10, $0x40000000, v6  }
0x2b7: {  	vm11 =	veq.f32 v36, v4;
	v6 =	vld [tilespmem:$0x4400];
	vm4 =	vlt.s32 v3, v5  }
0x2b8: {  	v3 =	vsel vm4, v3, v5;
	v5 =	vnsel vm11, $0x40000000, v7  }
0x2b9: {  	vm12 =	veq.f32 v48, v4;
	v7 =	vld [tilespmem:$0x4410];
	vm4 =	vlt.s32 v3, v5  }
0x2ba: {  	v3 =	vsel vm4, v3, v5;
	v5 =	vnsel vm12, $0x40000000, v8  }
0x2bb: {  	vm13 =	veq.f32 v42, v4;
	v8 =	vld [tilespmem:$0x4420];
	vm4 =	vlt.s32 v3, v5  }
0x2bc: {  	v3 =	vsel vm4, v3, v5;
	v5 =	vnsel vm13, $0x40000000, v6  }
0x2bd: {  	vm14 =	veq.f32 v43, v4;
	v6 =	vld [tilespmem:$0x4430];
	vm4 =	vlt.s32 v3, v5  }
0x2be: {  	v3 =	vsel vm4, v3, v5;
	v5 =	vnsel vm14, $0x40000000, v7  }
0x2bf: {  	vm15 =	veq.f32 v49, v4;
	v7 =	vld [tilespmem:$0x4440];
	vm4 =	vlt.s32 v3, v5  }
0x2c0: {  	v3 =	vsel vm4, v3, v5;
	v5 =	vnsel vm15, $0x40000000, v8  }
0x2c1: {  	vm8 =	veq.f32 v50, v4;
	v8 =	vld [tilespmem:$0x4450];
	vm4 =	vlt.s32 v3, v5  }
0x2c2: {  	v3 =	vsel vm4, v3, v5;
	v5 =	vnsel vm8, $0x40000000, v6  }
0x2c3: {  	vm9 =	veq.f32 v51, v4;
	v6 =	vld [tilespmem:$0x4460];
	vm4 =	vlt.s32 v3, v5  }
0x2c4: {  	v3 =	vsel vm4, v3, v5;
	v5 =	vnsel vm9, $0x40000000, v7  }
0x2c5: {  	vm10 =	veq.f32 v60, v4;
	v7 =	vld [tilespmem:$0x4470];
	vm4 =	vlt.s32 v3, v5  }
0x2c6: {  	v3 =	vsel vm4, v3, v5;
	v5 =	vnsel vm10, $0x40000000, v8  }
0x2c7: {  	vm11 =	veq.f32 v62, v4;
	vm4 =	vlt.s32 v3, v5  }
0x2c8: {  	v3 =	vsel vm4, v3, v5;
	v5 =	vnsel vm11, $0x40000000, v6  }
0x2c9: {  	vm12 =	veq.f32 v63, v4;
	vm4 =	vlt.s32 v3, v5  }
0x2ca: {  	v4 =	vnsel vm12, $0x40000000, v7;
	v3 =	vsel vm4, v3, v5  }
0x2cb: {  	vm4 =	vlt.s32 v3, v4  }
0x2cc: {  	v3 =	vsel vm4, v3, v4  }
0x2cd: {  	v3 =	vxor.u32 $0x80000000, v3  }
0x2ce: {  	(xrf0) =	vmin.scan.msk.u32 $0xffff, v3;
	_ =	sdelay $0x5  }
0x2cf: {  	v3, _, _ =	vpop (xrf0)  }
0x2d0: {  	(v2sf) =	vpush v3, $0xF;
	_ =	sdelay $0xa  }
0x2d1: {  	v34 =	vld [tilespmem:$0x4400]  }
0x2d2: {  	v8 =	vld [tilespmem:$0x43E0]  }
0x2d3: {  	v3 =	vld [tilespmem:$0x4390]  }
0x2d4: {  	v4 =	vld [tilespmem:$0x43A0]  }
0x2d5: {  	v5 =	vld [tilespmem:$0x43B0];
	s1 =	spop (v2sf)  }
0x2d6: {  	v6 =	vld [tilespmem:$0x43C0];
	s1 =	sxor.u32 $0x80000000, s1  }
0x2d7: {  	v7 =	vld [tilespmem:$0x43D0];
	vm13 =	veq.s32 v2, s1  }
0x2d8: {  	v2 =	vld [tilespmem:$0x43F0];
	vm14 =	veq.s32 v3, s1;
	v3 =	vsel vm13, $0x7F800000, v35  }
0x2d9: {  	vm15 =	veq.s32 v4, s1;
	v4 =	vsel vm14, $0x7F800000, v59;
	[tilespmem:$0x4280] =	vst v3;
	v3 =	vld [tilespmem:$0x4580]  }
0x2da: {  	vm8 =	veq.s32 v5, s1;
	v1 =	vsel vm15, $0x7F800000, v1;
	[tilespmem:$0x4290] =	vst v4;
	v4 =	vld [tilespmem:$0x4410]  }
0x2db: {  	vm9 =	veq.s32 v6, s1;
	v5 =	vsel vm8, $0x7F800000, v37;
	[tilespmem:$0x42A0] =	vst v1;
	v1 =	vld [tilespmem:$0x4420]  }
0x2dc: {  	vm11 =	veq.s32 v8, s1;
	v6 =	vsel vm9, $0x7F800000, v39;
	[tilespmem:$0x42B0] =	vst v5;
	v5 =	vld [tilespmem:$0x4430]  }
0x2dd: {  	[tilespmem:$0x42C0] =	vst v6;
	v6 =	vld [tilespmem:$0x4440];
	vm12 =	veq.s32 v2, s1;
	v2 =	vsel vm11, $0x7F800000, v36  }
0x2de: {  	vm10 =	veq.s32 v7, s1;
	[tilespmem:$0x42E0] =	vst v2;
	v2 =	vld [tilespmem:$0x4460]  }
0x2df: {  	v7 =	vsel vm10, $0x7F800000, v38;
	vm13 =	veq.s32 v34, s1;
	(erf) = vrcp.f32 v3;
	v3 =	vld [tilespmem:$0x4450]  }
0x2e0: {  	[tilespmem:$0x42D0] =	vst v7;
	v8 =	vsel vm13, $0x7F800000, v42  }
0x2e1: {  	[tilespmem:$0x4300] =	vst v8;
	v7 =	vsel vm12, $0x7F800000, v48;
	vm14 =	veq.s32 v4, s1  }
0x2e2: {  	[tilespmem:$0x42F0] =	vst v7;
	v4 =	vld [tilespmem:$0x4470];
	vm15 =	veq.s32 v1, s1;
	v1 =	vsel vm14, $0x7F800000, v43  }
0x2e3: {  	vm8 =	veq.s32 v5, s1;
	vm9 =	veq.s32 v6, s1;
	v5 =	vsel vm15, $0x7F800000, v49;
	[tilespmem:$0x4310] =	vst v1  }
0x2e4: {  	s18 =	sand.u32 $0xF, s9;
	[tilespmem:$0x4320] =	vst v5;
	v5 =	vld [tilespmem:$0x4480];
	vm6 =	veq.s32 v2, s1;
	vm10 =	veq.s32 v3, s1;
	v3 =	vsel vm9, $0x7F800000, v51  }
0x2e5: {  	s19 =	sshrl.u32 s9, $0x4;
	v7 =	vsel vm8, $0x7F800000, v50;
	v1 =	vmov s18;
	[tilespmem:$0x4340] =	vst v3;
	v3 =	vsel vm6, $0x7F800000, v62  }
0x2e6: {  	v6 =	vmov s19;
	[tilespmem:$0x4330] =	vst v7;
	vm11 =	veq.s32 v1, v0;
	v2 =	vld [tilespmem:$0x4490];
	v1 =	vsel vm10, $0x7F800000, v60  }
0x2e7: {  	vm12 =	veq.s32 v6, $0x0;
	vm13 =	veq.s32 v4, s1;
	[tilespmem:$0x4350] =	vst v1  }
0x2e8: {  	v7 =	vld [tilespmem:$0x44A0];
	vm14 =	vmand vm11, vm12;
	v4 =	vsel vm13, $0x7F800000, v63;
	v1 =	vsel vm3, s14, v52;
	[tilespmem:$0x4360] =	vst v3;
	v3 =	vpop (erf)  }
0x2e9: {  	vm15 =	veq.s32 v6, $0x1;
	[tilespmem:$0x4370] =	vst v4;
	v1 =	vsel vm14, s1, v1;
	v4 =	vmul.f32 v5, v3  }
0x2ea: {  	v8 =	vld [tilespmem:$0x44B0];
	vm6 =	vmand vm11, vm15;
	[tilespmem:$0x1CD00] =	vst v1;
	v5 =	vsel vm2, s14, v55  }
0x2eb: {  	vm7 =	veq.s32 v6, $0x2;
	v2 =	vmul.f32 v2, v3;
	v5 =	vsel vm6, s1, v5;
	[tilespmem:$0x1CD80] =	vst v4  }
0x2ec: {  	vm8 =	vmand vm11, vm7;
	vm9 =	vlt.s32 v1, $0x186A0;
	v4 =	vsel vm1, s14, v54;
	[tilespmem:$0x1CD10] =	vst v5  }
0x2ed: {  	vm10 =	veq.s32 v6, $0x3;
	[tilespmem:$0x1CD90] =	vst v2;
	v2 =	vmul.f32 v7, v3;
	v4 =	vsel vm8, s1, v4;
	v6 =	vld [tilespmem:$0x1CD80]  }
0x2ee: {  	vm11 =	vmand vm11, vm10;
	v7 =	vsel vm0, s14, v53;
	[tilespmem:$0x1CD20] =	vst v4  }
0x2ef: {  	v7 =	vsel vm11, s1, v7;
	[tilespmem:$0x1CDA0] =	vst v2;
	v2 =	vmul.f32 v8, v3  }
0x2f0: {  	[tilespmem:$0x1CD30] =	vst v7  }
0x2f1: {  	[tilespmem:$0x1CDB0] =	vst v2  }
0x2f2: {  	vm12 =	vlt.s32 v5, $0x186A0;
	[tilespmem:v1+s24+$0x0] =	vst.idx.msk vm9, v6  }
0x2f3: {  	v2 =	vld [tilespmem:$0x1CD90];
	_ =	sdelay $0x4  }
0x2f4: {  	vm2 =	vlt.s32 v4, $0x186A0;
	[tilespmem:v5+s24+$0x0] =	vst.idx.msk vm12, v2  }
0x2f5: {  	v2 =	vld [tilespmem:$0x1CDA0];
	_ =	sdelay $0x3  }
0x2f6: {  	vm14 =	vmmov $0x3;
	vm13 =	vlt.s32 v7, $0x186A0  }
0x2f7: {  	vm3 =	vmand vm13, vm14;
	[tilespmem:v4+s24+$0x0] =	vst.idx.msk vm2, v2  }
0x2f8: {  	v2 =	vld [tilespmem:$0x1CDB0];
	_ =	sdelay $0x4  }
0x2f9: {  	[tilespmem:v7+s24+$0x0] =	vst.idx.msk vm3, v2  }
0x2fa: {  	v2 =	vld [tilespmem:$0x4600];
	_ =	sdelay $0x3  }
0x2fb: {  	s0 =	sadd.s32 s13, s0;
	vm15 =	veq.s32 v0, $0x0  }
0x2fc: {  	s0 =	sshrl.u32 s0, $0x3;
	v2 =	vsel vm15, $0x0, v2  }
0x2fd: {  	s0 =	sadd.s32 s5, s0;
	[tilespmem:$0x4600] =	vst v2  }
0x2fe: {  	[hbm4b:s0+s15] =	stream.strided.scatter [tilespmem:s24], [sflag:$0x2], $0x18700, s16, s15, $0x38;
	[tilespmem:$0x1CE00] =	vst v63  }
0x2ff: {  	_ =	swait.ge [sflag:s17], $0x18700  }
0x300: {  	[sflag:s17] =	ssyncset.done $0x0  }
0x301: {  	v2 =	vimm.f32 $0.0e+00;
	[sflag:s17] =	ssyncadd.s32 $0xFFFE7900  }
0x302: {  	[tilespmem:v1+s24+$0x0] =	vst.idx.msk vm9, v2;
	v1 =	vimm.f32 $0.0e+00  }
0x303: {  	[tilespmem:v5+s24+$0x0] =	vst.idx.msk vm12, v1  }
0x304: {  	[tilespmem:v4+s24+$0x0] =	vst.idx.msk vm2, v1  }
0x305: {  	s25 =	sadd.s32 s6, s31;
	s26 =	simm.s32 $0x1CD00;
	[tilespmem:v7+s24+$0x0] =	vst.idx.msk vm3, v1  }
0x306: {  	[hbm4b:s25+s2] =	stream.linear.scatter [tilespmem:s26], [sflag:$0x2], $0x80, $0x38;
	[tilespmem:$0x1CE00] =	vst v63  }
0x307: {  	_ =	swait.ge [sflag:s17], $0x80  }
0x308: {  	[sflag:s17] =	ssyncset.done $0x0  }
0x309: {  	s28 =	sadd.s32 s7, s31;
	s31 =	simm.s32 $0x1CD80;
	[sflag:s17] =	ssyncadd.s32 $0xFFFFFF80  }
0x30a: {  	[hbm4b:s28+s2] =	stream.linear.scatter [tilespmem:s31], [sflag:$0x2], $0x80, $0x38;
	[tilespmem:$0x1CE00] =	vst v63  }
0x30b: {  	_ =	swait.ge [sflag:s17], $0x80  }
0x30c: {  	v2 =	vld [tilespmem:$0x1FEA0]  }
0x30d: {  	v3 =	vld [tilespmem:$0x1FEB0]  }
0x30e: {  	v4 =	vld [tilespmem:$0x1FEC0]  }
0x30f: {  	v5 =	vld [tilespmem:$0x1FED0]  }
0x310: {  	v6 =	vld [tilespmem:$0x1FF80]  }
0x311: {  	v7 =	vld [tilespmem:$0x1FFA0]  }
0x312: {  	v8 =	vld [tilespmem:$0x1FFC0]  }
0x313: {  	v13 =	vld [tilespmem:$0x1FF00]  }
0x314: {  	v14 =	vld [tilespmem:$0x1FF10]  }
0x315: {  	s30 =	sadd.s32 $0x1, s30;
	v15 =	vld [tilespmem:$0x1FF20]  }
0x316: {  	v22 =	vmov v28;
	p0 =	sne.s32 s30, $0x4;
	v28 =	vld [tilespmem:$0x1FF70]  }
.Ltmp4:
0x317: {  	v21 =	vld [tilespmem:$0x1FF90];
	(pc) =	sbr.rel @p0 .LBB2_4-.Ltmp4, $4  }
0x318: {  	v20 =	vld [tilespmem:$0x1FFB0]  }
0x319: {  	v34 =	vmov v27;
	v27 =	vmov v9;
	v9 =	vld [tilespmem:$0x1FFD0]  }
0x31a: {  	v36 =	vmov v26;
	v26 =	vmov v16;
	[sflag:s17] =	ssyncset.done $0x0;
	v16 =	vld [tilespmem:$0x1FFE0]  }
0x31b: {  	v23 =	vld [tilespmem:$0x1FFF0];
	[sflag:s17] =	ssyncadd.s32 $0xFFFFFF80  }
0x31c: {  	s1 =	rddreg [dreg:$0x4]  }
0x31d: {  	s0 =	rddreg [dreg:$0x3];
	s1 =	sadd.s32 $0x1, s1  }
0x31e: {  	p0 =	sne.s32 s1, s0  }
.Ltmp5:
0x31f: {  	_ = 	snop;
	(pc) =	sbr.rel @p0 .LBB2_1-.Ltmp5, $1  }
0x320: {  	_ =	sdelay $0x3  }
0x321: {  	_ =	sfence.sel $0x180000  }
0x322: {  	[bflag:$0x0] =	sbarrier.arrive $0xFFFF  }
0x323: {  	_ =	strace $0x90000047  }
0x324: {  	s0 =	stileid.u32;
	[bflag:$0x2] =	sbarrier.arrive $0xFFFF  }
0x325: {  	p0 =	sne.s32 s0, $0x0;
	s0 =	rddreg [dreg:$0x2]  }
0x326: {  	s0 =	sadd.s32 @!p0 $0x100000, s0  }
0x327: {  	[sflag:s0] =	ssyncadd.tile.s32 @!p0 $0x1;
	_ =	shalt  }
.Lfunc_end2:
_tile_overlayer_lowered:
.L_overlay_start_2:
0x328: {  	(tag) =	ssettag $0x2  }
0x329: {  	s0 =	rddreg [dreg:$0x0];
	s2 =	stileid.u32  }
0x32a: {  	s1 =	rddreg [dreg:$0x1];
	p0 =	sne.s32 s2, $0x0  }
0x32b: {  	s3 =	rddreg [dreg:$0x2];
	[bflag:$0x3] =	sbarrier.arrive $0xFFFF;
	s2 =	simm.s32 @!p0 $0x1C02  }
0x32c: {  	[timem:s3], [sflag:s2] =	dma.local @!p0 [hbm:s0], s1  }
0x32d: {  	s0 =	simm.s32 @!p0 $0x2  }
0x32e: {  	_ =	swait.ge @!p0 [sflag:s0], s1  }
0x32f: {  	s1 =	ssub.s32 @!p0 $0x0, s1;
	[sflag:s0] =	ssyncset.done @!p0 $0x0  }
0x330: {  	[sflag:s0] =	ssyncadd.s32 @!p0 s1  }
0x331: {  	[bflag:$0x3] =	sbarrier.arrive $0xFFFF  }
0x332: {  	_ =	shalt  }

</sc_bundles>
